<compile_context>
chip_gen: v7x
topology: tpu7x:2x2x1
jax: 0.10.2.dev20260603
libtpu: 0.0.44.dev20260713+nightly
codegen_flags: <defaults>
</compile_context>

<pallas_src>
import functools

import jax
import jax.numpy as jnp
from jax import lax
from jax.experimental import pallas as pl
from jax.experimental.pallas import tpu as pltpu
import jax.experimental.pallas.tpu_sc as plsc

N = 10000
E = 160000
B = 64
NODE_IN = 16
EDGE_IN = 19
GLOB_IN = 16
NODE_OUT = 16
NUM_MP = 3
EPS = 1e-5

NW = 32
CHUNK = 128
CHUNKS_PER_W = 40
EP = NW * CHUNK * CHUNKS_PER_W
NP = 10016
ROWS_PER_TILE = NP // 16
BE = 2000
BN = 2000

_f32 = jnp.float32



def _stats_call(t):
    m, f = t.shape
    bm = BE if m == E else m
    grid = m // bm

    def body(t_ref, s_ref, q_ref):
        i = pl.program_id(0)

        @pl.when(i == 0)
        def _():
            s_ref[...] = jnp.zeros_like(s_ref)
            q_ref[...] = jnp.zeros_like(q_ref)

        x = t_ref[...]
        s_ref[...] += jnp.broadcast_to(jnp.sum(x, 0, keepdims=True), (8, f))
        q_ref[...] += jnp.broadcast_to(jnp.sum(x * x, 0, keepdims=True), (8, f))

    s, q = pl.pallas_call(
        body,
        grid=(grid,),
        in_specs=[pl.BlockSpec((bm, f), lambda i: (i, 0))],
        out_specs=[pl.BlockSpec((8, f), lambda i: (0, 0)),
                   pl.BlockSpec((8, f), lambda i: (0, 0))],
        out_shape=[jax.ShapeDtypeStruct((8, f), _f32),
                   jax.ShapeDtypeStruct((8, f), _f32)],
    )(t)
    return s[0], q[0]


def _cstats_call(t, mrow):
    m, f = t.shape
    bm = BE if m % BE == 0 else m
    grid = m // bm
    m8 = jnp.broadcast_to(mrow.reshape(1, f), (8, f))

    def body(t_ref, m_ref, q_ref):
        i = pl.program_id(0)

        @pl.when(i == 0)
        def _():
            q_ref[...] = jnp.zeros_like(q_ref)

        d = t_ref[...] - m_ref[0:1, :]
        q_ref[...] += jnp.broadcast_to(jnp.sum(d * d, 0, keepdims=True), (8, f))

    q = pl.pallas_call(
        body,
        grid=(grid,),
        in_specs=[pl.BlockSpec((bm, f), lambda i: (i, 0)),
                  pl.BlockSpec((8, f), lambda i: (0, 0))],
        out_specs=pl.BlockSpec((8, f), lambda i: (0, 0)),
        out_shape=jax.ShapeDtypeStruct((8, f), _f32),
    )(t, m8)
    return q[0]


def _mm_call(t, bnp, wt, b, relu, with_stats):
    m, fin = t.shape
    fout = wt.shape[1]
    bm = BE if m % BE == 0 else m
    grid = m // bm
    b8 = jnp.broadcast_to(b.reshape(1, fout), (8, fout))
    p8 = jnp.concatenate([bnp, jnp.zeros((4, fin), _f32)], 0)
    wb = wt.astype(jnp.bfloat16)

    def body(t_ref, p_ref, w_ref, b_ref, o_ref, *stats):
        p = p_ref[...]
        tn = (t_ref[...] - p[0:1, :]) / p[1:2, :] * p[2:3, :] + p[3:4, :]
        o = jnp.dot(tn.astype(jnp.bfloat16), w_ref[...],
                    preferred_element_type=_f32)
        o = o + b_ref[0:1, :]
        if relu:
            o = jnp.maximum(o, 0.0)
        o_ref[...] = o
        if with_stats:
            sm_ref, q_ref = stats
            i = pl.program_id(0)

            @pl.when(i == 0)
            def _():
                sm_ref[...] = jnp.zeros_like(sm_ref)
                q_ref[...] = jnp.zeros_like(q_ref)

            sm_ref[...] += jnp.broadcast_to(jnp.sum(o, 0, keepdims=True), (8, fout))
            q_ref[...] += jnp.broadcast_to(jnp.sum(o * o, 0, keepdims=True), (8, fout))

    out_specs = [pl.BlockSpec((bm, fout), lambda i: (i, 0))]
    out_shape = [jax.ShapeDtypeStruct((m, fout), _f32)]
    if with_stats:
        out_specs += [pl.BlockSpec((8, fout), lambda i: (0, 0))] * 2
        out_shape += [jax.ShapeDtypeStruct((8, fout), _f32)] * 2

    res = pl.pallas_call(
        body,
        grid=(grid,),
        in_specs=[pl.BlockSpec((bm, fin), lambda i: (i, 0)),
                  pl.BlockSpec((8, fin), lambda i: (0, 0)),
                  pl.BlockSpec((fin, fout), lambda i: (0, 0)),
                  pl.BlockSpec((8, fout), lambda i: (0, 0))],
        out_specs=out_specs,
        out_shape=out_shape,
    )(t, p8, wb, b8)
    if with_stats:
        return res[0], res[1][0], res[2][0]
    return res[0]


def _mm3_call(a, b2, c3, affs, wa, wb, wc, bias, relu):
    m = a.shape[0]
    fout = wa.shape[1]
    grid = m // BE
    b8 = jnp.broadcast_to(bias.reshape(1, fout), (8, fout))
    pa, pb, pc = affs
    pd8 = lambda p: jnp.concatenate([p, jnp.zeros((4, p.shape[1]), _f32)], 0)
    wab, wbb, wcb = (w.astype(jnp.bfloat16) for w in (wa, wb, wc))

    def _bnz(t, p):
        return (t - p[0:1, :]) / p[1:2, :] * p[2:3, :] + p[3:4, :]

    def body(a_ref, b_ref, c3_ref, pa_r, pb_r, pc_r,
             wa_ref, wb_ref, wc_ref, bias_ref, o_ref, s_ref, q_ref):
        an = _bnz(a_ref[...], pa_r[...]).astype(jnp.bfloat16)
        bn_ = _bnz(b_ref[...], pb_r[...]).astype(jnp.bfloat16)
        cn = _bnz(c3_ref[...], pc_r[...]).astype(jnp.bfloat16)
        o = jnp.dot(an, wa_ref[...], preferred_element_type=_f32)
        o += jnp.dot(bn_, wb_ref[...], preferred_element_type=_f32)
        o += jnp.dot(cn, wc_ref[...], preferred_element_type=_f32)
        o = o + bias_ref[0:1, :]
        if relu:
            o = jnp.maximum(o, 0.0)
        o_ref[...] = o
        i = pl.program_id(0)

        @pl.when(i == 0)
        def _():
            s_ref[...] = jnp.zeros_like(s_ref)
            q_ref[...] = jnp.zeros_like(q_ref)

        s_ref[...] += jnp.broadcast_to(jnp.sum(o, 0, keepdims=True), (8, fout))
        q_ref[...] += jnp.broadcast_to(jnp.sum(o * o, 0, keepdims=True), (8, fout))

    o, s, q = pl.pallas_call(
        body,
        grid=(grid,),
        in_specs=[pl.BlockSpec((BE, a.shape[1]), lambda i: (i, 0)),
                  pl.BlockSpec((BE, b2.shape[1]), lambda i: (i, 0)),
                  pl.BlockSpec((BE, c3.shape[1]), lambda i: (i, 0))]
                 + [pl.BlockSpec((8, d), lambda i: (0, 0))
                    for d in (a.shape[1], b2.shape[1], c3.shape[1])]
                 + [pl.BlockSpec((wa.shape[0], fout), lambda i: (0, 0)),
                    pl.BlockSpec((wb.shape[0], fout), lambda i: (0, 0)),
                    pl.BlockSpec((wc.shape[0], fout), lambda i: (0, 0)),
                    pl.BlockSpec((8, fout), lambda i: (0, 0))],
        out_specs=[pl.BlockSpec((BE, fout), lambda i: (i, 0)),
                   pl.BlockSpec((8, fout), lambda i: (0, 0)),
                   pl.BlockSpec((8, fout), lambda i: (0, 0))],
        out_shape=[jax.ShapeDtypeStruct((m, fout), _f32),
                   jax.ShapeDtypeStruct((8, fout), _f32),
                   jax.ShapeDtypeStruct((8, fout), _f32)],
    )(a, b2, c3, pd8(pa), pd8(pb), pd8(pc), wab, wbb, wcb, b8)
    return o, s[0], q[0]


def _msg_call(h1, bnph, w2t, b2, xr, bnpx):
    grid = E // BE
    b8 = jnp.broadcast_to(b2.reshape(1, 256), (8, 256))
    ph8 = jnp.concatenate([bnph, jnp.zeros((4, 16), _f32)], 0)
    px8 = jnp.concatenate([bnpx, jnp.zeros((4, 16), _f32)], 0)
    wb = w2t.astype(jnp.bfloat16)

    def body(h_ref, ph_r, w_ref, b_ref, x_ref, px_r, o_ref):
        ph = ph_r[...]
        hn = ((h_ref[...] - ph[0:1, :]) / ph[1:2, :] * ph[2:3, :]
              + ph[3:4, :]).astype(jnp.bfloat16)
        w = jnp.dot(hn, w_ref[...], preferred_element_type=_f32)
        w = w + b_ref[0:1, :]
        px = px_r[...]
        xg = (x_ref[...] - px[0:1, :]) / px[1:2, :] * px[2:3, :] + px[3:4, :]
        acc = jnp.zeros((BE, 16), _f32)
        for i in range(16):
            acc += xg[:, i:i + 1] * w[:, i * 16:(i + 1) * 16]
        o_ref[...] = acc

    return pl.pallas_call(
        body,
        grid=(grid,),
        in_specs=[pl.BlockSpec((BE, 16), lambda i: (i, 0)),
                  pl.BlockSpec((8, 16), lambda i: (0, 0)),
                  pl.BlockSpec((16, 256), lambda i: (0, 0)),
                  pl.BlockSpec((8, 256), lambda i: (0, 0)),
                  pl.BlockSpec((BE, 16), lambda i: (i, 0)),
                  pl.BlockSpec((8, 16), lambda i: (0, 0))],
        out_specs=pl.BlockSpec((BE, 16), lambda i: (i, 0)),
        out_shape=jax.ShapeDtypeStruct((E, 16), _f32),
    )(h1, ph8, wb, b8, xr, px8)


def _nodeupd_call(agg0, agg1, x, bnpx, root, bias, xb3):
    grid = N // BN
    b8 = jnp.broadcast_to(bias.reshape(1, 16), (8, 16))
    p8 = jnp.concatenate([bnpx, jnp.zeros((4, 16), _f32)], 0)
    rootb = root.astype(jnp.bfloat16)

    def body(a0_ref, a1_ref, x_ref, px_r, r_ref, b_ref, xb_ref,
             o_ref, s_ref, q_ref, g_ref):
        px = px_r[...]
        xn = ((x_ref[...] - px[0:1, :]) / px[1:2, :] * px[2:3, :]
              + px[3:4, :]).astype(jnp.bfloat16)
        o = a0_ref[...] + a1_ref[...]
        o += jnp.dot(xn, r_ref[...], preferred_element_type=_f32)
        o = o + b_ref[0:1, :]
        o = jnp.maximum(o, 0.0)
        o_ref[...] = o
        i = pl.program_id(0)

        @pl.when(i == 0)
        def _():
            s_ref[...] = jnp.zeros_like(s_ref)
            q_ref[...] = jnp.zeros_like(q_ref)
            g_ref[...] = jnp.zeros_like(g_ref)

        s_ref[...] += jnp.broadcast_to(jnp.sum(o, 0, keepdims=True), (8, 16))
        q_ref[...] += jnp.broadcast_to(jnp.sum(o * o, 0, keepdims=True), (8, 16))
        xb = xb_ref[0]
        oh = (lax.broadcasted_iota(jnp.int32, (B, BN), 0)
              == jnp.broadcast_to(xb, (B, BN))).astype(_f32)
        gsum = jnp.dot(oh, o, preferred_element_type=_f32, precision=lax.Precision.HIGHEST)
        cnt = jnp.sum(oh, 1, keepdims=True)
        g_ref[...] += jnp.concatenate(
            [gsum, cnt, jnp.zeros((B, 15), _f32)], axis=1)

    o, s, q, g = pl.pallas_call(
        body,
        grid=(grid,),
        in_specs=[pl.BlockSpec((BN, 16), lambda i: (i, 0)),
                  pl.BlockSpec((BN, 16), lambda i: (i, 0)),
                  pl.BlockSpec((BN, 16), lambda i: (i, 0)),
                  pl.BlockSpec((8, 16), lambda i: (0, 0)),
                  pl.BlockSpec((16, 16), lambda i: (0, 0)),
                  pl.BlockSpec((8, 16), lambda i: (0, 0)),
                  pl.BlockSpec((1, 1, BN), lambda i: (i, 0, 0))],
        out_specs=[pl.BlockSpec((BN, 16), lambda i: (i, 0)),
                   pl.BlockSpec((8, 16), lambda i: (0, 0)),
                   pl.BlockSpec((8, 16), lambda i: (0, 0)),
                   pl.BlockSpec((B, 32), lambda i: (0, 0))],
        out_shape=[jax.ShapeDtypeStruct((N, 16), _f32),
                   jax.ShapeDtypeStruct((8, 16), _f32),
                   jax.ShapeDtypeStruct((8, 16), _f32),
                   jax.ShapeDtypeStruct((B, 32), _f32)],
    )(agg0, agg1, x, p8, rootb, b8, xb3)
    return o, s[0], q[0], g


def _glob_call(u, gstat, p):
    gu = u.shape[1]
    a = gu + GLOB_IN
    bdim = p['W0'].shape[0]
    cdim = p['W1'].shape[0]
    ddim = p['W2'].shape[0]
    r1 = lambda v: v.reshape(1, -1)
    args = [u, gstat,
            r1(p['g0']), r1(p['be0']), p['W0'].T, r1(p['b0']),
            r1(p['g1']), r1(p['be1']), p['W1'].T, r1(p['b1']),
            r1(p['g2']), r1(p['be2']), p['W2'].T, r1(p['b2'])]

    def bn(z, g, be):
        mm = jnp.mean(z, 0, keepdims=True)
        v = jnp.mean((z - mm) ** 2, 0, keepdims=True)
        return (z - mm) / jnp.sqrt(v + EPS) * g + be

    def body(u_ref, gs_ref, g0, be0, w0, b0, g1, be1, w1, b1,
             g2, be2, w2, b2, o_ref):
        gs = gs_ref[...]
        mean = gs[:, 0:GLOB_IN] / jnp.maximum(gs[:, GLOB_IN:GLOB_IN + 1], 1.0)
        z = jnp.concatenate([u_ref[...], mean], axis=1)
        bd = lambda z, w: jnp.dot(z.astype(jnp.bfloat16),
                                  w.astype(jnp.bfloat16),
                                  preferred_element_type=_f32)
        z = bn(z, g0[...], be0[...])
        z = jnp.maximum(bd(z, w0[...]) + b0[...], 0.0)
        z = bn(z, g1[...], be1[...])
        z = jnp.maximum(bd(z, w1[...]) + b1[...], 0.0)
        z = bn(z, g2[...], be2[...])
        o_ref[...] = bd(z, w2[...]) + b2[...]

    specs = [pl.BlockSpec((B, gu), lambda: (0, 0)),
             pl.BlockSpec((B, 32), lambda: (0, 0)),
             pl.BlockSpec((1, a), lambda: (0, 0)),
             pl.BlockSpec((1, a), lambda: (0, 0)),
             pl.BlockSpec((a, bdim), lambda: (0, 0)),
             pl.BlockSpec((1, bdim), lambda: (0, 0)),
             pl.BlockSpec((1, bdim), lambda: (0, 0)),
             pl.BlockSpec((1, bdim), lambda: (0, 0)),
             pl.BlockSpec((bdim, cdim), lambda: (0, 0)),
             pl.BlockSpec((1, cdim), lambda: (0, 0)),
             pl.BlockSpec((1, cdim), lambda: (0, 0)),
             pl.BlockSpec((1, cdim), lambda: (0, 0)),
             pl.BlockSpec((cdim, ddim), lambda: (0, 0)),
             pl.BlockSpec((1, ddim), lambda: (0, 0))]
    return pl.pallas_call(
        body,
        in_specs=specs,
        out_specs=pl.BlockSpec((B, ddim), lambda: (0, 0)),
        out_shape=jax.ShapeDtypeStruct((B, ddim), _f32),
    )(*args)



@functools.lru_cache(maxsize=None)
def _sc_kernels():
    mesh = plsc.VectorSubcoreMesh(core_axis_name="c", subcore_axis_name="s")
    cp = pltpu.CompilerParams(use_tc_tiling_on_sc=False)

    @functools.partial(
        pl.kernel,
        out_type=jax.ShapeDtypeStruct((EP, 16), _f32),
        mesh=mesh,
        compiler_params=cp,
        scratch_types=[pltpu.VMEM((CHUNK,), jnp.int32),
                       pltpu.VMEM((CHUNK, 16), _f32),
                       pltpu.SemaphoreType.DMA],
    )
    def gather(table, idxp, out, idx_v, rows_v, sem):
        wid = lax.axis_index("s") * 2 + lax.axis_index("c")
        base = wid * (CHUNK * CHUNKS_PER_W)

        def chunk(j, carry):
            off = base + j * CHUNK
            pltpu.sync_copy(idxp.at[pl.ds(off, CHUNK)], idx_v)
            pltpu.async_copy(table.at[idx_v], rows_v, sem).wait()
            pltpu.sync_copy(rows_v, out.at[pl.ds(off, CHUNK)])
            return carry

        lax.fori_loop(0, CHUNKS_PER_W, chunk, 0)

    @functools.partial(
        pl.kernel,
        out_type=jax.ShapeDtypeStruct((2, NP, 16), _f32),
        mesh=mesh,
        compiler_params=cp,
        scratch_types=[pltpu.VMEM((CHUNK,), jnp.int32),
                       pltpu.VMEM((CHUNK, 16), _f32),
                       pltpu.VMEM((ROWS_PER_TILE, 16), _f32),
                       pltpu.VMEM_SHARED((NP, 16), _f32),
                       pltpu.SemaphoreType.DMA],
    )
    def scatter_add(msgp, colsp, zro, out, idx_v, msg_v, buf_v, shared, sem):
        cid = lax.axis_index("c")
        sid = lax.axis_index("s")
        wid = sid * 2 + cid
        rows = pl.ds(sid * ROWS_PER_TILE, ROWS_PER_TILE)
        pltpu.sync_copy(zro.at[rows], buf_v)
        pltpu.sync_copy(buf_v, shared.at[rows])
        plsc.subcore_barrier()
        base = wid * (CHUNK * CHUNKS_PER_W)

        def chunk(j, carry):
            off = base + j * CHUNK
            pltpu.sync_copy(colsp.at[pl.ds(off, CHUNK)], idx_v)
            pltpu.sync_copy(msgp.at[pl.ds(off, CHUNK)], msg_v)
            pltpu.sync_copy(msg_v, shared.at[idx_v], add=True)
            return carry

        lax.fori_loop(0, CHUNKS_PER_W, chunk, 0)
        plsc.subcore_barrier()
        pltpu.sync_copy(shared.at[rows], buf_v)
        pltpu.sync_copy(buf_v, out.at[cid].at[rows])

    return gather, scatter_add


def _sc_gather(table, idxp):
    return _sc_kernels()[0](table, idxp)


def _sc_scatter_add(msgp, colsp, zro):
    return _sc_kernels()[1](msgp, colsp, zro)



def _moments(s, q, cnt):
    m = s / cnt
    v = q / cnt - m * m
    return m, v


def _mv(t, s, cnt):
    m = s / cnt
    v = _cstats_call(t, m) / cnt
    return m, v


def _bnp(g, be, m, v):
    return jnp.stack([m, jnp.sqrt(v + EPS), g, be])



def kernel(node_features, edge_indices, edge_features, global_features,
           xbatch, params):
    x = node_features.astype(_f32)
    e = edge_features.astype(_f32)
    u = global_features.astype(_f32)
    row = edge_indices[0].astype(jnp.int32)
    col = edge_indices[1].astype(jnp.int32)

    pad = EP - E
    rowg = jnp.concatenate([row, jnp.zeros((pad,), jnp.int32)])
    colg = jnp.concatenate([col, jnp.zeros((pad,), jnp.int32)])
    cols = jnp.concatenate([col, jnp.full((pad,), N, jnp.int32)])
    xb3 = xbatch.astype(jnp.int32).reshape(N // BN, 1, BN)
    zro = jnp.zeros((NP, 16), _f32)

    xs, _ = _stats_call(x)
    es, _ = _stats_call(e)
    xm, xv = _mv(x, xs, float(N))

    for i in range(NUM_MP):
        lay = params['mp%d' % i]
        em, ev = _mv(e, es, float(E))

        mlp = lay['edge_mlp']
        p0 = _bnp(mlp['g0'], mlp['be0'], em, ev)
        h0, h0s, h0q = _mm_call(e, p0, mlp['W0'].T, mlp['b0'], True, True)
        h0m, h0v = _mv(h0, h0s, float(E))
        p1 = _bnp(mlp['g1'], mlp['be1'], h0m, h0v)
        h1, h1s, h1q = _mm_call(h0, p1, mlp['W1'].T, mlp['b1'], True, True)
        h1m, h1v = _mv(h1, h1s, float(E))
        p2 = _bnp(mlp['g2'], mlp['be2'], h1m, h1v)

        px = _bnp(lay['bn_g'], lay['bn_b'], xm, xv)
        xr = _sc_gather(x, rowg)[:E]
        msg = _msg_call(h1, p2, mlp['W2'].T, mlp['b2'], xr, px)

        msgp = jnp.concatenate([msg, jnp.zeros((pad, 16), _f32)])
        partials = _sc_scatter_add(msgp, cols, zro)
        agg0 = partials[0, :N]
        agg1 = partials[1, :N]

        x, nss, nsq, gstat = _nodeupd_call(agg0, agg1, x, px,
                                           lay['root'], lay['bias'], xb3)
        xm, xv = _mv(x, nss, float(N))

        xr2 = _sc_gather(x, rowg)[:E]
        xc2 = _sc_gather(x, colg)[:E]
        rs, _ = _stats_call(xr2)
        cs, _ = _stats_call(xc2)
        rm, rv = _mv(xr2, rs, float(E))
        cm, cv = _mv(xc2, cs, float(E))
        el = lay['edge_layer']
        affs = (_bnp(el['g0'][0:16], el['be0'][0:16], rm, rv),
                _bnp(el['g0'][16:32], el['be0'][16:32], cm, cv),
                _bnp(el['g0'][32:51], el['be0'][32:51], em, ev))
        z0, z0s, z0q = _mm3_call(xr2, xc2, e, affs,
                                 el['W0'][:, 0:16].T, el['W0'][:, 16:32].T,
                                 el['W0'][:, 32:51].T, el['b0'], True)
        z0m, z0v = _mv(z0, z0s, float(E))
        p1e = _bnp(el['g1'], el['be1'], z0m, z0v)
        z1, z1s, z1q = _mm_call(z0, p1e, el['W1'].T, el['b1'], True, True)
        z1m, z1v = _mv(z1, z1s, float(E))
        p2e = _bnp(el['g2'], el['be2'], z1m, z1v)
        e, es, eq = _mm_call(z1, p2e, el['W2'].T, el['b2'], False, True)

        u = _glob_call(u, gstat, lay['global'])

    def _ident(f):
        return jnp.stack([jnp.zeros((f,), _f32), jnp.ones((f,), _f32),
                          jnp.ones((f,), _f32), jnp.zeros((f,), _f32)])

    node_pred = _mm_call(x, _ident(16), params['node_W'].T,
                         params['node_b'], False, False)
    edge_pred = _mm_call(e, _ident(19), params['edge_W'].T,
                         params['edge_b'], False, False)
    glob_pred = _mm_call(u, _ident(u.shape[1]), params['glob_W'].T,
                         params['glob_b'], False, False)
    return (node_pred, edge_pred, glob_pred)

# --- scband reference (transcript-rebuilt; emitter-appended) ---
"""Pipeline reference for scband-nnconv-model-6975026889346 (READ-ONLY COPY).

The authoritative reference and input builder live on the scoring server;
editing this copy changes nothing except your own understanding.
"""

import jax, jax.numpy as jnp
import numpy as np

N = 10000
E = 160000
B = 64
NODE_IN = 16
EDGE_IN = 19
GLOB_IN = 16
NODE_OUT = 16
NUM_MP = 3
LEAK = 0.0
EPS = 1e-5


def _seq_params(key, a, b, c, d):
    k0, k1, k2 = jax.random.split(key, 3)
    rn = lambda k, shp: jax.random.normal(k, shp, dtype=jnp.float32) * 0.1
    return {
        'g0': jnp.ones((a,), jnp.float32), 'be0': jnp.zeros((a,), jnp.float32),
        'W0': rn(k0, (b, a)), 'b0': jnp.zeros((b,), jnp.float32),
        'g1': jnp.ones((b,), jnp.float32), 'be1': jnp.zeros((b,), jnp.float32),
        'W1': rn(k1, (c, b)), 'b1': jnp.zeros((c,), jnp.float32),
        'g2': jnp.ones((c,), jnp.float32), 'be2': jnp.zeros((c,), jnp.float32),
        'W2': rn(k2, (d, c)), 'b2': jnp.zeros((d,), jnp.float32),
    }


def _make_params(key):
    params = {}
    nIn = NODE_IN
    for i in range(NUM_MP):
        kk = jax.random.fold_in(key, 100 + i)
        k1, k2, k3, k4 = jax.random.split(kk, 4)
        gin = NODE_OUT + (i + 1) * GLOB_IN
        gout = (i + 2) * GLOB_IN
        params['mp%d' % i] = {
            'bn_g': jnp.ones((nIn,), jnp.float32),
            'bn_b': jnp.zeros((nIn,), jnp.float32),
            'edge_mlp': _seq_params(k1, EDGE_IN, nIn, nIn, nIn * NODE_OUT),
            'root': jax.random.normal(k2, (nIn, NODE_OUT), dtype=jnp.float32) * 0.1,
            'bias': jnp.zeros((NODE_OUT,), jnp.float32),
            'edge_layer': _seq_params(k3, 2 * NODE_OUT + EDGE_IN, EDGE_IN, EDGE_IN, EDGE_IN),
            'global': _seq_params(k4, gin, gout, gout, gout),
        }
        nIn = NODE_OUT
    kp1, kp2, kp3 = jax.random.split(jax.random.fold_in(key, 999), 3)
    params['node_W'] = jax.random.normal(kp1, (5, NODE_OUT), dtype=jnp.float32) * 0.1
    params['node_b'] = jnp.zeros((5,), jnp.float32)
    params['edge_W'] = jax.random.normal(kp2, (2, EDGE_IN), dtype=jnp.float32) * 0.1
    params['edge_b'] = jnp.zeros((2,), jnp.float32)
    params['glob_W'] = jax.random.normal(kp3, (2, (NUM_MP + 1) * GLOB_IN), dtype=jnp.float32) * 0.1
    params['glob_b'] = jnp.zeros((2,), jnp.float32)
    return params


def setup_inputs(seed: int = 0):
    key = jax.random.key(seed)
    k = jax.random.split(key, 6)
    return {
        'node_features': jax.random.normal(k[0], (N, NODE_IN), dtype=jnp.float32),
        'edge_indices': jax.random.randint(k[1], (2, E), 0, N),
        'edge_features': jax.random.normal(k[2], (E, EDGE_IN), dtype=jnp.float32),
        'global_features': jax.random.normal(k[3], (B, GLOB_IN), dtype=jnp.float32),
        'xbatch': jnp.sort(jax.random.randint(k[4], (N,), 0, B)),
        'params': _make_params(k[5]),
    }


def _bn(x, g, b):
    m = jnp.mean(x, axis=0)
    v = jnp.mean((x - m) ** 2, axis=0)
    return (x - m) / jnp.sqrt(v + EPS) * g + b


def _lrelu(x):
    return jnp.where(x >= 0, x, LEAK * x)


def _seq(p, x):
    x = _bn(x, p['g0'], p['be0'])
    x = x @ p['W0'].T + p['b0']
    x = _lrelu(x)
    x = _bn(x, p['g1'], p['be1'])
    x = x @ p['W1'].T + p['b1']
    x = _lrelu(x)
    x = _bn(x, p['g2'], p['be2'])
    x = x @ p['W2'].T + p['b2']
    return x


def _forward(node_features, edge_features, global_features, params, edge_indices, xbatch):
    x = node_features.reshape(-1, NODE_IN)
    e = edge_features.reshape(-1, EDGE_IN)
    u = global_features.reshape(-1, GLOB_IN)
    row = edge_indices[0]
    col = edge_indices[1]
    n_nodes = x.shape[0]
    n_graphs = u.shape[0]
    for i in range(NUM_MP):
        lay = params['mp%d' % i]
        x = _bn(x, lay['bn_g'], lay['bn_b'])
        nIn = x.shape[1]
        w = _seq(lay['edge_mlp'], e).reshape(-1, nIn, NODE_OUT)
        msg = jnp.einsum('ei,eio->eo', x[row], w)
        agg = jax.ops.segment_sum(msg, col, num_segments=n_nodes)
        x = agg + x @ lay['root'] + lay['bias']
        x = _lrelu(x)
        e = _seq(lay['edge_layer'], jnp.concatenate([x[row], x[col], e], axis=1))
        sums = jax.ops.segment_sum(x, xbatch, num_segments=n_graphs)
        cnt = jax.ops.segment_sum(jnp.ones((n_nodes, 1), jnp.float32), xbatch, num_segments=n_graphs)
        mean = sums / jnp.maximum(cnt, 1.0)
        u = _seq(lay['global'], jnp.concatenate([u, mean], axis=1))
    node_pred = x @ params['node_W'].T + params['node_b']
    edge_pred = e @ params['edge_W'].T + params['edge_b']
    glob_pred = u @ params['glob_W'].T + params['glob_b']
    return (node_pred, edge_pred, glob_pred)


def reference(node_features, edge_indices, edge_features, global_features, xbatch, params):
    return _forward(node_features, edge_features, global_features, params, edge_indices, xbatch)

if __name__ == "__main__":
    import jax
    _d = setup_inputs()
    print(jax.jit(kernel)(*tuple(_d.values())))

</pallas_src>

<mosaic_0001>
#map = affine_map<(d0, d1) -> (0, 0)>
#map1 = affine_map<(d0, d1) -> (0)>
module attributes {stable_mosaic.version = 14 : i64} {
  func.func @gather(%arg0: i32, %arg1: i32, %arg2: memref<10000x16xf32, #tpu.memory_space<hbm>>, %arg3: memref<163840xi32, #tpu.memory_space<hbm>>, %arg4: memref<163840x16xf32, #tpu.memory_space<hbm>>, %arg5: memref<128xi32, #tpu.memory_space<vmem>>, %arg6: memref<128x16xf32, #tpu.memory_space<vmem>>, %arg7: memref<!tpu.dma_semaphore, #tpu.memory_space<semaphore_mem>>) attributes {dimension_semantics = [#tpu.dimension_semantics<core_parallel>, #tpu.dimension_semantics<subcore_parallel>], iteration_bounds = array<i64: 2, 16>, scalar_prefetch = 0 : i64, scratch_operands = 3 : i64, tpu.core_type = #tpu.core_type<sc_vector_subcore>, window_params = [{transform_indices = #map}, {transform_indices = #map1}, {transform_indices = #map}]} {
    %mul3A = arith.constant 2 : i32
    %mul3A_0 = arith.muli %arg1, %mul3A : i32
    %add3A = arith.addi %mul3A_0, %arg0 : i32
    %mul3A_1 = arith.constant 5120 : i32
    %mul3A_2 = arith.muli %add3A, %mul3A_1 : i32
    %scan3A = arith.constant 0 : i32
    %scan3A_3 = arith.constant 0 : i32
    %scan3A_4 = arith.constant 40 : i32
    %scan3A_5 = arith.addi %scan3A_3, %scan3A_4 : i32
    %scan3A_6 = arith.constant 1 : i32
    scf.for %scan3A_8 = %scan3A_3 to %scan3A_5 step %scan3A_6  : i32 {
      %mul3A_9 = arith.constant 128 : i32
      %mul3A_10 = arith.muli %scan3A_8, %mul3A_9 : i32
      %add3A_11 = arith.addi %mul3A_2, %mul3A_10 : i32
      "tpu.region"() ({
        %run_scoped3A = tpu.sem_alloc : memref<!tpu.dma_semaphore, #tpu.memory_space<semaphore_mem>>
        %dma_start3A_16 = tpu.memref_slice %arg3[%add3A_11] : memref<163840xi32, #tpu.memory_space<hbm>> -> memref<128xi32, #tpu.memory_space<hbm>>
        %dma_start3A_17 = tpu.memref_slice %arg3[%add3A_11] : memref<163840xi32, #tpu.memory_space<hbm>> -> memref<128xi32, #tpu.memory_space<hbm>>
        tpu.enqueue_dma source(%dma_start3A_17 : memref<128xi32, #tpu.memory_space<hbm>>) target(%arg5 : memref<128xi32, #tpu.memory_space<vmem>>) target_semaphore(%run_scoped3A : memref<!tpu.dma_semaphore, #tpu.memory_space<semaphore_mem>>)
        %dma_wait3A_18 = tpu.memref_slice %arg3[%add3A_11] : memref<163840xi32, #tpu.memory_space<hbm>> -> memref<128xi32, #tpu.memory_space<hbm>>
        %dma_wait3A_19 = tpu.memref_slice %arg3[%add3A_11] : memref<163840xi32, #tpu.memory_space<hbm>> -> memref<128xi32, #tpu.memory_space<hbm>>
        tpu.wait_dma2 semaphore(%run_scoped3A : memref<!tpu.dma_semaphore, #tpu.memory_space<semaphore_mem>>) src(%dma_wait3A_19 : memref<128xi32, #tpu.memory_space<hbm>>) dst(%arg5 : memref<128xi32, #tpu.memory_space<vmem>>)
        tpu.yield
      }) : () -> ()
      %dma_start3A = arith.constant 0 : i32
      %dma_start3A_12 = arith.constant 0 : i32
      %dma_start3A_13 = tpu.memref_slice %arg2[%dma_start3A, %dma_start3A_12] : memref<10000x16xf32, #tpu.memory_space<hbm>> -> memref<10000x16xf32, #tpu.memory_space<hbm>>
      tpu.enqueue_indirect_dma source(%dma_start3A_13 : memref<10000x16xf32, #tpu.memory_space<hbm>>) target(%arg6 : memref<128x16xf32, #tpu.memory_space<vmem>>) offsets(%arg5 : memref<128xi32, #tpu.memory_space<vmem>>) semaphore(%arg7 : memref<!tpu.dma_semaphore, #tpu.memory_space<semaphore_mem>>)
      %dma_wait3A = arith.constant 0 : i32
      %dma_wait3A_14 = arith.constant 0 : i32
      %dma_wait3A_15 = tpu.memref_slice %arg2[%dma_wait3A, %dma_wait3A_14] : memref<10000x16xf32, #tpu.memory_space<hbm>> -> memref<10000x16xf32, #tpu.memory_space<hbm>>
      tpu.wait_indirect_dma semaphore(%arg7 : memref<!tpu.dma_semaphore, #tpu.memory_space<semaphore_mem>>) src(%dma_wait3A_15 : memref<10000x16xf32, #tpu.memory_space<hbm>>) dst(%arg6 : memref<128x16xf32, #tpu.memory_space<vmem>>)
      "tpu.region"() ({
        %run_scoped3A = tpu.sem_alloc : memref<!tpu.dma_semaphore, #tpu.memory_space<semaphore_mem>>
        %dma_start3A_16 = arith.constant 0 : i32
        %dma_start3A_17 = tpu.memref_slice %arg4[%add3A_11, %dma_start3A_16] : memref<163840x16xf32, #tpu.memory_space<hbm>> -> memref<128x16xf32, #tpu.memory_space<hbm>>
        %dma_start3A_18 = arith.constant 0 : i32
        %dma_start3A_19 = tpu.memref_slice %arg4[%add3A_11, %dma_start3A_18] : memref<163840x16xf32, #tpu.memory_space<hbm>> -> memref<128x16xf32, #tpu.memory_space<hbm>>
        tpu.enqueue_dma source(%arg6 : memref<128x16xf32, #tpu.memory_space<vmem>>) target(%dma_start3A_19 : memref<128x16xf32, #tpu.memory_space<hbm>>) target_semaphore(%run_scoped3A : memref<!tpu.dma_semaphore, #tpu.memory_space<semaphore_mem>>)
        %dma_wait3A_20 = arith.constant 0 : i32
        %dma_wait3A_21 = tpu.memref_slice %arg4[%add3A_11, %dma_wait3A_20] : memref<163840x16xf32, #tpu.memory_space<hbm>> -> memref<128x16xf32, #tpu.memory_space<hbm>>
        %dma_wait3A_22 = arith.constant 0 : i32
        %dma_wait3A_23 = tpu.memref_slice %arg4[%add3A_11, %dma_wait3A_22] : memref<163840x16xf32, #tpu.memory_space<hbm>> -> memref<128x16xf32, #tpu.memory_space<hbm>>
        tpu.wait_dma2 semaphore(%run_scoped3A : memref<!tpu.dma_semaphore, #tpu.memory_space<semaphore_mem>>) src(%arg6 : memref<128x16xf32, #tpu.memory_space<vmem>>) dst(%dma_wait3A_23 : memref<128x16xf32, #tpu.memory_space<hbm>>)
        tpu.yield
      }) : () -> ()
    }
    %scan3A_7 = arith.constant 40 : i32
    return
  }
}

#map = affine_map<(d0, d1) -> (0, 0)>
#map1 = affine_map<(d0, d1) -> (0)>
module attributes {stable_mosaic.version = 14 : i64} {
  func.func @gather(%arg0: i32, %arg1: i32, %arg2: memref<10000x16xf32, #tpu.memory_space<hbm>>, %arg3: memref<163840xi32, #tpu.memory_space<hbm>>, %arg4: memref<163840x16xf32, #tpu.memory_space<hbm>>, %arg5: memref<128xi32, #tpu.memory_space<vmem>>, %arg6: memref<128x16xf32, #tpu.memory_space<vmem>>, %arg7: memref<!tpu.dma_semaphore, #tpu.memory_space<semaphore_mem>>) attributes {dimension_semantics = [#tpu.dimension_semantics<core_parallel>, #tpu.dimension_semantics<subcore_parallel>], iteration_bounds = array<i64: 2, 16>, scalar_prefetch = 0 : i64, scratch_operands = 3 : i64, tpu.core_type = #tpu.core_type<sc_vector_subcore>, window_params = [{transform_indices = #map}, {transform_indices = #map1}, {transform_indices = #map}]} {
    %mul3A = arith.constant 2 : i32
    %mul3A_0 = arith.muli %arg1, %mul3A : i32
    %add3A = arith.addi %mul3A_0, %arg0 : i32
    %mul3A_1 = arith.constant 5120 : i32
    %mul3A_2 = arith.muli %add3A, %mul3A_1 : i32
    %scan3A = arith.constant 0 : i32
    %scan3A_3 = arith.constant 0 : i32
    %scan3A_4 = arith.constant 40 : i32
    %scan3A_5 = arith.addi %scan3A_3, %scan3A_4 : i32
    %scan3A_6 = arith.constant 1 : i32
    scf.for %scan3A_8 = %scan3A_3 to %scan3A_5 step %scan3A_6  : i32 {
      %mul3A_9 = arith.constant 128 : i32
      %mul3A_10 = arith.muli %scan3A_8, %mul3A_9 : i32
      %add3A_11 = arith.addi %mul3A_2, %mul3A_10 : i32
      "tpu.region"() ({
        %run_scoped3A = tpu.sem_alloc : memref<!tpu.dma_semaphore, #tpu.memory_space<semaphore_mem>>
        %dma_start3A_16 = tpu.memref_slice %arg3[%add3A_11] : memref<163840xi32, #tpu.memory_space<hbm>> -> memref<128xi32, #tpu.memory_space<hbm>>
        %dma_start3A_17 = tpu.memref_slice %arg3[%add3A_11] : memref<163840xi32, #tpu.memory_space<hbm>> -> memref<128xi32, #tpu.memory_space<hbm>>
        tpu.enqueue_dma source(%dma_start3A_17 : memref<128xi32, #tpu.memory_space<hbm>>) target(%arg5 : memref<128xi32, #tpu.memory_space<vmem>>) target_semaphore(%run_scoped3A : memref<!tpu.dma_semaphore, #tpu.memory_space<semaphore_mem>>)
        %dma_wait3A_18 = tpu.memref_slice %arg3[%add3A_11] : memref<163840xi32, #tpu.memory_space<hbm>> -> memref<128xi32, #tpu.memory_space<hbm>>
        %dma_wait3A_19 = tpu.memref_slice %arg3[%add3A_11] : memref<163840xi32, #tpu.memory_space<hbm>> -> memref<128xi32, #tpu.memory_space<hbm>>
        tpu.wait_dma2 semaphore(%run_scoped3A : memref<!tpu.dma_semaphore, #tpu.memory_space<semaphore_mem>>) src(%dma_wait3A_19 : memref<128xi32, #tpu.memory_space<hbm>>) dst(%arg5 : memref<128xi32, #tpu.memory_space<vmem>>)
        tpu.yield
      }) : () -> ()
      %dma_start3A = arith.constant 0 : i32
      %dma_start3A_12 = arith.constant 0 : i32
      %dma_start3A_13 = tpu.memref_slice %arg2[%dma_start3A, %dma_start3A_12] : memref<10000x16xf32, #tpu.memory_space<hbm>> -> memref<10000x16xf32, #tpu.memory_space<hbm>>
      tpu.enqueue_indirect_dma source(%dma_start3A_13 : memref<10000x16xf32, #tpu.memory_space<hbm>>) target(%arg6 : memref<128x16xf32, #tpu.memory_space<vmem>>) offsets(%arg5 : memref<128xi32, #tpu.memory_space<vmem>>) semaphore(%arg7 : memref<!tpu.dma_semaphore, #tpu.memory_space<semaphore_mem>>)
      %dma_wait3A = arith.constant 0 : i32
      %dma_wait3A_14 = arith.constant 0 : i32
      %dma_wait3A_15 = tpu.memref_slice %arg2[%dma_wait3A, %dma_wait3A_14] : memref<10000x16xf32, #tpu.memory_space<hbm>> -> memref<10000x16xf32, #tpu.memory_space<hbm>>
      tpu.wait_indirect_dma semaphore(%arg7 : memref<!tpu.dma_semaphore, #tpu.memory_space<semaphore_mem>>) src(%dma_wait3A_15 : memref<10000x16xf32, #tpu.memory_space<hbm>>) dst(%arg6 : memref<128x16xf32, #tpu.memory_space<vmem>>)
      "tpu.region"() ({
        %run_scoped3A = tpu.sem_alloc : memref<!tpu.dma_semaphore, #tpu.memory_space<semaphore_mem>>
        %dma_start3A_16 = arith.constant 0 : i32
        %dma_start3A_17 = tpu.memref_slice %arg4[%add3A_11, %dma_start3A_16] : memref<163840x16xf32, #tpu.memory_space<hbm>> -> memref<128x16xf32, #tpu.memory_space<hbm>>
        %dma_start3A_18 = arith.constant 0 : i32
        %dma_start3A_19 = tpu.memref_slice %arg4[%add3A_11, %dma_start3A_18] : memref<163840x16xf32, #tpu.memory_space<hbm>> -> memref<128x16xf32, #tpu.memory_space<hbm>>
        tpu.enqueue_dma source(%arg6 : memref<128x16xf32, #tpu.memory_space<vmem>>) target(%dma_start3A_19 : memref<128x16xf32, #tpu.memory_space<hbm>>) target_semaphore(%run_scoped3A : memref<!tpu.dma_semaphore, #tpu.memory_space<semaphore_mem>>)
        %dma_wait3A_20 = arith.constant 0 : i32
        %dma_wait3A_21 = tpu.memref_slice %arg4[%add3A_11, %dma_wait3A_20] : memref<163840x16xf32, #tpu.memory_space<hbm>> -> memref<128x16xf32, #tpu.memory_space<hbm>>
        %dma_wait3A_22 = arith.constant 0 : i32
        %dma_wait3A_23 = tpu.memref_slice %arg4[%add3A_11, %dma_wait3A_22] : memref<163840x16xf32, #tpu.memory_space<hbm>> -> memref<128x16xf32, #tpu.memory_space<hbm>>
        tpu.wait_dma2 semaphore(%run_scoped3A : memref<!tpu.dma_semaphore, #tpu.memory_space<semaphore_mem>>) src(%arg6 : memref<128x16xf32, #tpu.memory_space<vmem>>) dst(%dma_wait3A_23 : memref<128x16xf32, #tpu.memory_space<hbm>>)
        tpu.yield
      }) : () -> ()
    }
    %scan3A_7 = arith.constant 40 : i32
    return
  }
}

#map = affine_map<(d0, d1) -> (0, 0)>
#map1 = affine_map<(d0, d1) -> (0)>
module attributes {stable_mosaic.version = 14 : i64} {
  func.func @gather(%arg0: i32, %arg1: i32, %arg2: memref<10000x16xf32, #tpu.memory_space<hbm>>, %arg3: memref<163840xi32, #tpu.memory_space<hbm>>, %arg4: memref<163840x16xf32, #tpu.memory_space<hbm>>, %arg5: memref<128xi32, #tpu.memory_space<vmem>>, %arg6: memref<128x16xf32, #tpu.memory_space<vmem>>, %arg7: memref<!tpu.dma_semaphore, #tpu.memory_space<semaphore_mem>>) attributes {dimension_semantics = [#tpu.dimension_semantics<core_parallel>, #tpu.dimension_semantics<subcore_parallel>], iteration_bounds = array<i64: 2, 16>, scalar_prefetch = 0 : i64, scratch_operands = 3 : i64, tpu.core_type = #tpu.core_type<sc_vector_subcore>, window_params = [{transform_indices = #map}, {transform_indices = #map1}, {transform_indices = #map}]} {
    %mul3A = arith.constant 2 : i32
    %mul3A_0 = arith.muli %arg1, %mul3A : i32
    %add3A = arith.addi %mul3A_0, %arg0 : i32
    %mul3A_1 = arith.constant 5120 : i32
    %mul3A_2 = arith.muli %add3A, %mul3A_1 : i32
    %scan3A = arith.constant 0 : i32
    %scan3A_3 = arith.constant 0 : i32
    %scan3A_4 = arith.constant 40 : i32
    %scan3A_5 = arith.addi %scan3A_3, %scan3A_4 : i32
    %scan3A_6 = arith.constant 1 : i32
    scf.for %scan3A_8 = %scan3A_3 to %scan3A_5 step %scan3A_6  : i32 {
      %mul3A_9 = arith.constant 128 : i32
      %mul3A_10 = arith.muli %scan3A_8, %mul3A_9 : i32
      %add3A_11 = arith.addi %mul3A_2, %mul3A_10 : i32
      "tpu.region"() ({
        %run_scoped3A = tpu.sem_alloc : memref<!tpu.dma_semaphore, #tpu.memory_space<semaphore_mem>>
        %dma_start3A_16 = tpu.memref_slice %arg3[%add3A_11] : memref<163840xi32, #tpu.memory_space<hbm>> -> memref<128xi32, #tpu.memory_space<hbm>>
        %dma_start3A_17 = tpu.memref_slice %arg3[%add3A_11] : memref<163840xi32, #tpu.memory_space<hbm>> -> memref<128xi32, #tpu.memory_space<hbm>>
        tpu.enqueue_dma source(%dma_start3A_17 : memref<128xi32, #tpu.memory_space<hbm>>) target(%arg5 : memref<128xi32, #tpu.memory_space<vmem>>) target_semaphore(%run_scoped3A : memref<!tpu.dma_semaphore, #tpu.memory_space<semaphore_mem>>)
        %dma_wait3A_18 = tpu.memref_slice %arg3[%add3A_11] : memref<163840xi32, #tpu.memory_space<hbm>> -> memref<128xi32, #tpu.memory_space<hbm>>
        %dma_wait3A_19 = tpu.memref_slice %arg3[%add3A_11] : memref<163840xi32, #tpu.memory_space<hbm>> -> memref<128xi32, #tpu.memory_space<hbm>>
        tpu.wait_dma2 semaphore(%run_scoped3A : memref<!tpu.dma_semaphore, #tpu.memory_space<semaphore_mem>>) src(%dma_wait3A_19 : memref<128xi32, #tpu.memory_space<hbm>>) dst(%arg5 : memref<128xi32, #tpu.memory_space<vmem>>)
        tpu.yield
      }) : () -> ()
      %dma_start3A = arith.constant 0 : i32
      %dma_start3A_12 = arith.constant 0 : i32
      %dma_start3A_13 = tpu.memref_slice %arg2[%dma_start3A, %dma_start3A_12] : memref<10000x16xf32, #tpu.memory_space<hbm>> -> memref<10000x16xf32, #tpu.memory_space<hbm>>
      tpu.enqueue_indirect_dma source(%dma_start3A_13 : memref<10000x16xf32, #tpu.memory_space<hbm>>) target(%arg6 : memref<128x16xf32, #tpu.memory_space<vmem>>) offsets(%arg5 : memref<128xi32, #tpu.memory_space<vmem>>) semaphore(%arg7 : memref<!tpu.dma_semaphore, #tpu.memory_space<semaphore_mem>>)
      %dma_wait3A = arith.constant 0 : i32
      %dma_wait3A_14 = arith.constant 0 : i32
      %dma_wait3A_15 = tpu.memref_slice %arg2[%dma_wait3A, %dma_wait3A_14] : memref<10000x16xf32, #tpu.memory_space<hbm>> -> memref<10000x16xf32, #tpu.memory_space<hbm>>
      tpu.wait_indirect_dma semaphore(%arg7 : memref<!tpu.dma_semaphore, #tpu.memory_space<semaphore_mem>>) src(%dma_wait3A_15 : memref<10000x16xf32, #tpu.memory_space<hbm>>) dst(%arg6 : memref<128x16xf32, #tpu.memory_space<vmem>>)
      "tpu.region"() ({
        %run_scoped3A = tpu.sem_alloc : memref<!tpu.dma_semaphore, #tpu.memory_space<semaphore_mem>>
        %dma_start3A_16 = arith.constant 0 : i32
        %dma_start3A_17 = tpu.memref_slice %arg4[%add3A_11, %dma_start3A_16] : memref<163840x16xf32, #tpu.memory_space<hbm>> -> memref<128x16xf32, #tpu.memory_space<hbm>>
        %dma_start3A_18 = arith.constant 0 : i32
        %dma_start3A_19 = tpu.memref_slice %arg4[%add3A_11, %dma_start3A_18] : memref<163840x16xf32, #tpu.memory_space<hbm>> -> memref<128x16xf32, #tpu.memory_space<hbm>>
        tpu.enqueue_dma source(%arg6 : memref<128x16xf32, #tpu.memory_space<vmem>>) target(%dma_start3A_19 : memref<128x16xf32, #tpu.memory_space<hbm>>) target_semaphore(%run_scoped3A : memref<!tpu.dma_semaphore, #tpu.memory_space<semaphore_mem>>)
        %dma_wait3A_20 = arith.constant 0 : i32
        %dma_wait3A_21 = tpu.memref_slice %arg4[%add3A_11, %dma_wait3A_20] : memref<163840x16xf32, #tpu.memory_space<hbm>> -> memref<128x16xf32, #tpu.memory_space<hbm>>
        %dma_wait3A_22 = arith.constant 0 : i32
        %dma_wait3A_23 = tpu.memref_slice %arg4[%add3A_11, %dma_wait3A_22] : memref<163840x16xf32, #tpu.memory_space<hbm>> -> memref<128x16xf32, #tpu.memory_space<hbm>>
        tpu.wait_dma2 semaphore(%run_scoped3A : memref<!tpu.dma_semaphore, #tpu.memory_space<semaphore_mem>>) src(%arg6 : memref<128x16xf32, #tpu.memory_space<vmem>>) dst(%dma_wait3A_23 : memref<128x16xf32, #tpu.memory_space<hbm>>)
        tpu.yield
      }) : () -> ()
    }
    %scan3A_7 = arith.constant 40 : i32
    return
  }
}

#map = affine_map<(d0, d1) -> (0, 0)>
#map1 = affine_map<(d0, d1) -> (0)>
#map2 = affine_map<(d0, d1) -> (0, 0, 0)>
module attributes {stable_mosaic.version = 14 : i64} {
  func.func @scatter_add(%arg0: i32, %arg1: i32, %arg2: memref<163840x16xf32, #tpu.memory_space<hbm>>, %arg3: memref<163840xi32, #tpu.memory_space<hbm>>, %arg4: memref<10016x16xf32, #tpu.memory_space<hbm>>, %arg5: memref<2x10016x16xf32, #tpu.memory_space<hbm>>, %arg6: memref<128xi32, #tpu.memory_space<vmem>>, %arg7: memref<128x16xf32, #tpu.memory_space<vmem>>, %arg8: memref<626x16xf32, #tpu.memory_space<vmem>>, %arg9: memref<10016x16xf32, #tpu.memory_space<vmem_shared>>, %arg10: memref<!tpu.dma_semaphore, #tpu.memory_space<semaphore_mem>>) attributes {dimension_semantics = [#tpu.dimension_semantics<core_parallel>, #tpu.dimension_semantics<subcore_parallel>], iteration_bounds = array<i64: 2, 16>, scalar_prefetch = 0 : i64, scratch_operands = 5 : i64, tpu.core_type = #tpu.core_type<sc_vector_subcore>, window_params = [{transform_indices = #map}, {transform_indices = #map1}, {transform_indices = #map}, {transform_indices = #map2}]} {
    %mul3A = arith.constant 2 : i32
    %mul3A_0 = arith.muli %arg1, %mul3A : i32
    %add3A = arith.addi %mul3A_0, %arg0 : i32
    %mul3A_1 = arith.constant 626 : i32
    %mul3A_2 = arith.muli %arg1, %mul3A_1 : i32
    "tpu.region"() ({
      %run_scoped3A = tpu.sem_alloc : memref<!tpu.dma_semaphore, #tpu.memory_space<semaphore_mem>>
      %dma_start3A = arith.constant 0 : i32
      %dma_start3A_11 = tpu.memref_slice %arg4[%mul3A_2, %dma_start3A] : memref<10016x16xf32, #tpu.memory_space<hbm>> -> memref<626x16xf32, #tpu.memory_space<hbm>>
      %dma_start3A_12 = arith.constant 0 : i32
      %dma_start3A_13 = tpu.memref_slice %arg4[%mul3A_2, %dma_start3A_12] : memref<10016x16xf32, #tpu.memory_space<hbm>> -> memref<626x16xf32, #tpu.memory_space<hbm>>
      tpu.enqueue_dma source(%dma_start3A_13 : memref<626x16xf32, #tpu.memory_space<hbm>>) target(%arg8 : memref<626x16xf32, #tpu.memory_space<vmem>>) target_semaphore(%run_scoped3A : memref<!tpu.dma_semaphore, #tpu.memory_space<semaphore_mem>>)
      %dma_wait3A = arith.constant 0 : i32
      %dma_wait3A_14 = tpu.memref_slice %arg4[%mul3A_2, %dma_wait3A] : memref<10016x16xf32, #tpu.memory_space<hbm>> -> memref<626x16xf32, #tpu.memory_space<hbm>>
      %dma_wait3A_15 = arith.constant 0 : i32
      %dma_wait3A_16 = tpu.memref_slice %arg4[%mul3A_2, %dma_wait3A_15] : memref<10016x16xf32, #tpu.memory_space<hbm>> -> memref<626x16xf32, #tpu.memory_space<hbm>>
      tpu.wait_dma2 semaphore(%run_scoped3A : memref<!tpu.dma_semaphore, #tpu.memory_space<semaphore_mem>>) src(%dma_wait3A_16 : memref<626x16xf32, #tpu.memory_space<hbm>>) dst(%arg8 : memref<626x16xf32, #tpu.memory_space<vmem>>)
      tpu.yield
    }) : () -> ()
    "tpu.region"() ({
      %run_scoped3A = tpu.sem_alloc : memref<!tpu.dma_semaphore, #tpu.memory_space<semaphore_mem>>
      %dma_start3A = arith.constant 0 : i32
      %dma_start3A_11 = tpu.memref_slice %arg9[%mul3A_2, %dma_start3A] : memref<10016x16xf32, #tpu.memory_space<vmem_shared>> -> memref<626x16xf32, #tpu.memory_space<vmem_shared>>
      %dma_start3A_12 = arith.constant 0 : i32
      %dma_start3A_13 = tpu.memref_slice %arg9[%mul3A_2, %dma_start3A_12] : memref<10016x16xf32, #tpu.memory_space<vmem_shared>> -> memref<626x16xf32, #tpu.memory_space<vmem_shared>>
      tpu.enqueue_dma source(%arg8 : memref<626x16xf32, #tpu.memory_space<vmem>>) target(%dma_start3A_13 : memref<626x16xf32, #tpu.memory_space<vmem_shared>>) target_semaphore(%run_scoped3A : memref<!tpu.dma_semaphore, #tpu.memory_space<semaphore_mem>>)
      %dma_wait3A = arith.constant 0 : i32
      %dma_wait3A_14 = tpu.memref_slice %arg9[%mul3A_2, %dma_wait3A] : memref<10016x16xf32, #tpu.memory_space<vmem_shared>> -> memref<626x16xf32, #tpu.memory_space<vmem_shared>>
      %dma_wait3A_15 = arith.constant 0 : i32
      %dma_wait3A_16 = tpu.memref_slice %arg9[%mul3A_2, %dma_wait3A_15] : memref<10016x16xf32, #tpu.memory_space<vmem_shared>> -> memref<626x16xf32, #tpu.memory_space<vmem_shared>>
      tpu.wait_dma2 semaphore(%run_scoped3A : memref<!tpu.dma_semaphore, #tpu.memory_space<semaphore_mem>>) src(%arg8 : memref<626x16xf32, #tpu.memory_space<vmem>>) dst(%dma_wait3A_16 : memref<626x16xf32, #tpu.memory_space<vmem_shared>>)
      tpu.yield
    }) : () -> ()
    %barrier3A = arith.constant 0 : index
    tpu.barrier barrier_id(%barrier3A)
    %mul3A_3 = arith.constant 5120 : i32
    %mul3A_4 = arith.muli %add3A, %mul3A_3 : i32
    %scan3A = arith.constant 0 : i32
    %scan3A_5 = arith.constant 0 : i32
    %scan3A_6 = arith.constant 40 : i32
    %scan3A_7 = arith.addi %scan3A_5, %scan3A_6 : i32
    %scan3A_8 = arith.constant 1 : i32
    scf.for %scan3A_11 = %scan3A_5 to %scan3A_7 step %scan3A_8  : i32 {
      %mul3A_12 = arith.constant 128 : i32
      %mul3A_13 = arith.muli %scan3A_11, %mul3A_12 : i32
      %add3A_14 = arith.addi %mul3A_4, %mul3A_13 : i32
      "tpu.region"() ({
        %run_scoped3A = tpu.sem_alloc : memref<!tpu.dma_semaphore, #tpu.memory_space<semaphore_mem>>
        %dma_start3A = tpu.memref_slice %arg3[%add3A_14] : memref<163840xi32, #tpu.memory_space<hbm>> -> memref<128xi32, #tpu.memory_space<hbm>>
        %dma_start3A_15 = tpu.memref_slice %arg3[%add3A_14] : memref<163840xi32, #tpu.memory_space<hbm>> -> memref<128xi32, #tpu.memory_space<hbm>>
        tpu.enqueue_dma source(%dma_start3A_15 : memref<128xi32, #tpu.memory_space<hbm>>) target(%arg6 : memref<128xi32, #tpu.memory_space<vmem>>) target_semaphore(%run_scoped3A : memref<!tpu.dma_semaphore, #tpu.memory_space<semaphore_mem>>)
        %dma_wait3A = tpu.memref_slice %arg3[%add3A_14] : memref<163840xi32, #tpu.memory_space<hbm>> -> memref<128xi32, #tpu.memory_space<hbm>>
        %dma_wait3A_16 = tpu.memref_slice %arg3[%add3A_14] : memref<163840xi32, #tpu.memory_space<hbm>> -> memref<128xi32, #tpu.memory_space<hbm>>
        tpu.wait_dma2 semaphore(%run_scoped3A : memref<!tpu.dma_semaphore, #tpu.memory_space<semaphore_mem>>) src(%dma_wait3A_16 : memref<128xi32, #tpu.memory_space<hbm>>) dst(%arg6 : memref<128xi32, #tpu.memory_space<vmem>>)
        tpu.yield
      }) : () -> ()
      "tpu.region"() ({
        %run_scoped3A = tpu.sem_alloc : memref<!tpu.dma_semaphore, #tpu.memory_space<semaphore_mem>>
        %dma_start3A = arith.constant 0 : i32
        %dma_start3A_15 = tpu.memref_slice %arg2[%add3A_14, %dma_start3A] : memref<163840x16xf32, #tpu.memory_space<hbm>> -> memref<128x16xf32, #tpu.memory_space<hbm>>
        %dma_start3A_16 = arith.constant 0 : i32
        %dma_start3A_17 = tpu.memref_slice %arg2[%add3A_14, %dma_start3A_16] : memref<163840x16xf32, #tpu.memory_space<hbm>> -> memref<128x16xf32, #tpu.memory_space<hbm>>
        tpu.enqueue_dma source(%dma_start3A_17 : memref<128x16xf32, #tpu.memory_space<hbm>>) target(%arg7 : memref<128x16xf32, #tpu.memory_space<vmem>>) target_semaphore(%run_scoped3A : memref<!tpu.dma_semaphore, #tpu.memory_space<semaphore_mem>>)
        %dma_wait3A = arith.constant 0 : i32
        %dma_wait3A_18 = tpu.memref_slice %arg2[%add3A_14, %dma_wait3A] : memref<163840x16xf32, #tpu.memory_space<hbm>> -> memref<128x16xf32, #tpu.memory_space<hbm>>
        %dma_wait3A_19 = arith.constant 0 : i32
        %dma_wait3A_20 = tpu.memref_slice %arg2[%add3A_14, %dma_wait3A_19] : memref<163840x16xf32, #tpu.memory_space<hbm>> -> memref<128x16xf32, #tpu.memory_space<hbm>>
        tpu.wait_dma2 semaphore(%run_scoped3A : memref<!tpu.dma_semaphore, #tpu.memory_space<semaphore_mem>>) src(%dma_wait3A_20 : memref<128x16xf32, #tpu.memory_space<hbm>>) dst(%arg7 : memref<128x16xf32, #tpu.memory_space<vmem>>)
        tpu.yield
      }) : () -> ()
      "tpu.region"() ({
        %run_scoped3A = tpu.sem_alloc : memref<!tpu.dma_semaphore, #tpu.memory_space<semaphore_mem>>
        %dma_start3A = arith.constant 0 : i32
        %dma_start3A_15 = arith.constant 0 : i32
        %dma_start3A_16 = tpu.memref_slice %arg9[%dma_start3A, %dma_start3A_15] : memref<10016x16xf32, #tpu.memory_space<vmem_shared>> -> memref<10016x16xf32, #tpu.memory_space<vmem_shared>>
        tpu.enqueue_indirect_dma source(%arg7 : memref<128x16xf32, #tpu.memory_space<vmem>>) target(%dma_start3A_16 : memref<10016x16xf32, #tpu.memory_space<vmem_shared>>) offsets(%arg6 : memref<128xi32, #tpu.memory_space<vmem>>) semaphore(%run_scoped3A : memref<!tpu.dma_semaphore, #tpu.memory_space<semaphore_mem>>) {add = true}
        %dma_wait3A = arith.constant 0 : i32
        %dma_wait3A_17 = arith.constant 0 : i32
        %dma_wait3A_18 = tpu.memref_slice %arg9[%dma_wait3A, %dma_wait3A_17] : memref<10016x16xf32, #tpu.memory_space<vmem_shared>> -> memref<10016x16xf32, #tpu.memory_space<vmem_shared>>
        tpu.wait_indirect_dma semaphore(%run_scoped3A : memref<!tpu.dma_semaphore, #tpu.memory_space<semaphore_mem>>) src(%arg7 : memref<128x16xf32, #tpu.memory_space<vmem>>) dst(%dma_wait3A_18 : memref<10016x16xf32, #tpu.memory_space<vmem_shared>>)
        tpu.yield
      }) : () -> ()
    }
    %scan3A_9 = arith.constant 40 : i32
    %barrier3A_10 = arith.constant 0 : index
    tpu.barrier barrier_id(%barrier3A_10)
    "tpu.region"() ({
      %run_scoped3A = tpu.sem_alloc : memref<!tpu.dma_semaphore, #tpu.memory_space<semaphore_mem>>
      %dma_start3A = arith.constant 0 : i32
      %dma_start3A_11 = tpu.memref_slice %arg9[%mul3A_2, %dma_start3A] : memref<10016x16xf32, #tpu.memory_space<vmem_shared>> -> memref<626x16xf32, #tpu.memory_space<vmem_shared>>
      %dma_start3A_12 = arith.constant 0 : i32
      %dma_start3A_13 = tpu.memref_slice %arg9[%mul3A_2, %dma_start3A_12] : memref<10016x16xf32, #tpu.memory_space<vmem_shared>> -> memref<626x16xf32, #tpu.memory_space<vmem_shared>>
      tpu.enqueue_dma source(%dma_start3A_13 : memref<626x16xf32, #tpu.memory_space<vmem_shared>>) target(%arg8 : memref<626x16xf32, #tpu.memory_space<vmem>>) target_semaphore(%run_scoped3A : memref<!tpu.dma_semaphore, #tpu.memory_space<semaphore_mem>>)
      %dma_wait3A = arith.constant 0 : i32
      %dma_wait3A_14 = tpu.memref_slice %arg9[%mul3A_2, %dma_wait3A] : memref<10016x16xf32, #tpu.memory_space<vmem_shared>> -> memref<626x16xf32, #tpu.memory_space<vmem_shared>>
      %dma_wait3A_15 = arith.constant 0 : i32
      %dma_wait3A_16 = tpu.memref_slice %arg9[%mul3A_2, %dma_wait3A_15] : memref<10016x16xf32, #tpu.memory_space<vmem_shared>> -> memref<626x16xf32, #tpu.memory_space<vmem_shared>>
      tpu.wait_dma2 semaphore(%run_scoped3A : memref<!tpu.dma_semaphore, #tpu.memory_space<semaphore_mem>>) src(%dma_wait3A_16 : memref<626x16xf32, #tpu.memory_space<vmem_shared>>) dst(%arg8 : memref<626x16xf32, #tpu.memory_space<vmem>>)
      tpu.yield
    }) : () -> ()
    "tpu.region"() ({
      %run_scoped3A = tpu.sem_alloc : memref<!tpu.dma_semaphore, #tpu.memory_space<semaphore_mem>>
      %dma_start3A = arith.constant 0 : i32
      %dma_start3A_11 = arith.constant 0 : i32
      %dma_start3A_12 = tpu.memref_slice %arg5[%arg0, %dma_start3A, %dma_start3A_11] : memref<2x10016x16xf32, #tpu.memory_space<hbm>> -> memref<1x10016x16xf32, #tpu.memory_space<hbm>>
      %dma_start3A_13 = tpu.memref_squeeze %dma_start3A_12 : memref<1x10016x16xf32, #tpu.memory_space<hbm>> -> memref<10016x16xf32, #tpu.memory_space<hbm>>
      %dma_start3A_14 = arith.constant 0 : i32
      %dma_start3A_15 = tpu.memref_slice %dma_start3A_13[%mul3A_2, %dma_start3A_14] : memref<10016x16xf32, #tpu.memory_space<hbm>> -> memref<626x16xf32, #tpu.memory_space<hbm>>
      %dma_start3A_16 = arith.constant 0 : i32
      %dma_start3A_17 = arith.constant 0 : i32
      %dma_start3A_18 = tpu.memref_slice %arg5[%arg0, %dma_start3A_16, %dma_start3A_17] : memref<2x10016x16xf32, #tpu.memory_space<hbm>> -> memref<1x10016x16xf32, #tpu.memory_space<hbm>>
      %dma_start3A_19 = tpu.memref_squeeze %dma_start3A_18 : memref<1x10016x16xf32, #tpu.memory_space<hbm>> -> memref<10016x16xf32, #tpu.memory_space<hbm>>
      %dma_start3A_20 = arith.constant 0 : i32
      %dma_start3A_21 = tpu.memref_slice %dma_start3A_19[%mul3A_2, %dma_start3A_20] : memref<10016x16xf32, #tpu.memory_space<hbm>> -> memref<626x16xf32, #tpu.memory_space<hbm>>
      tpu.enqueue_dma source(%arg8 : memref<626x16xf32, #tpu.memory_space<vmem>>) target(%dma_start3A_21 : memref<626x16xf32, #tpu.memory_space<hbm>>) target_semaphore(%run_scoped3A : memref<!tpu.dma_semaphore, #tpu.memory_space<semaphore_mem>>)
      %dma_wait3A = arith.constant 0 : i32
      %dma_wait3A_22 = arith.constant 0 : i32
      %dma_wait3A_23 = tpu.memref_slice %arg5[%arg0, %dma_wait3A, %dma_wait3A_22] : memref<2x10016x16xf32, #tpu.memory_space<hbm>> -> memref<1x10016x16xf32, #tpu.memory_space<hbm>>
      %dma_wait3A_24 = tpu.memref_squeeze %dma_wait3A_23 : memref<1x10016x16xf32, #tpu.memory_space<hbm>> -> memref<10016x16xf32, #tpu.memory_space<hbm>>
      %dma_wait3A_25 = arith.constant 0 : i32
      %dma_wait3A_26 = tpu.memref_slice %dma_wait3A_24[%mul3A_2, %dma_wait3A_25] : memref<10016x16xf32, #tpu.memory_space<hbm>> -> memref<626x16xf32, #tpu.memory_space<hbm>>
      %dma_wait3A_27 = arith.constant 0 : i32
      %dma_wait3A_28 = arith.constant 0 : i32
      %dma_wait3A_29 = tpu.memref_slice %arg5[%arg0, %dma_wait3A_27, %dma_wait3A_28] : memref<2x10016x16xf32, #tpu.memory_space<hbm>> -> memref<1x10016x16xf32, #tpu.memory_space<hbm>>
      %dma_wait3A_30 = tpu.memref_squeeze %dma_wait3A_29 : memref<1x10016x16xf32, #tpu.memory_space<hbm>> -> memref<10016x16xf32, #tpu.memory_space<hbm>>
      %dma_wait3A_31 = arith.constant 0 : i32
      %dma_wait3A_32 = tpu.memref_slice %dma_wait3A_30[%mul3A_2, %dma_wait3A_31] : memref<10016x16xf32, #tpu.memory_space<hbm>> -> memref<626x16xf32, #tpu.memory_space<hbm>>
      tpu.wait_dma2 semaphore(%run_scoped3A : memref<!tpu.dma_semaphore, #tpu.memory_space<semaphore_mem>>) src(%arg8 : memref<626x16xf32, #tpu.memory_space<vmem>>) dst(%dma_wait3A_32 : memref<626x16xf32, #tpu.memory_space<hbm>>)
      tpu.yield
    }) : () -> ()
    return
  }
}

#map = affine_map<(d0, d1) -> (0, 0)>
#map1 = affine_map<(d0, d1) -> (0)>
#map2 = affine_map<(d0, d1) -> (0, 0, 0)>
module attributes {stable_mosaic.version = 14 : i64} {
  func.func @scatter_add(%arg0: i32, %arg1: i32, %arg2: memref<163840x16xf32, #tpu.memory_space<hbm>>, %arg3: memref<163840xi32, #tpu.memory_space<hbm>>, %arg4: memref<10016x16xf32, #tpu.memory_space<hbm>>, %arg5: memref<2x10016x16xf32, #tpu.memory_space<hbm>>, %arg6: memref<128xi32, #tpu.memory_space<vmem>>, %arg7: memref<128x16xf32, #tpu.memory_space<vmem>>, %arg8: memref<626x16xf32, #tpu.memory_space<vmem>>, %arg9: memref<10016x16xf32, #tpu.memory_space<vmem_shared>>, %arg10: memref<!tpu.dma_semaphore, #tpu.memory_space<semaphore_mem>>) attributes {dimension_semantics = [#tpu.dimension_semantics<core_parallel>, #tpu.dimension_semantics<subcore_parallel>], iteration_bounds = array<i64: 2, 16>, scalar_prefetch = 0 : i64, scratch_operands = 5 : i64, tpu.core_type = #tpu.core_type<sc_vector_subcore>, window_params = [{transform_indices = #map}, {transform_indices = #map1}, {transform_indices = #map}, {transform_indices = #map2}]} {
    %mul3A = arith.constant 2 : i32
    %mul3A_0 = arith.muli %arg1, %mul3A : i32
    %add3A = arith.addi %mul3A_0, %arg0 : i32
    %mul3A_1 = arith.constant 626 : i32
    %mul3A_2 = arith.muli %arg1, %mul3A_1 : i32
    "tpu.region"() ({
      %run_scoped3A = tpu.sem_alloc : memref<!tpu.dma_semaphore, #tpu.memory_space<semaphore_mem>>
      %dma_start3A = arith.constant 0 : i32
      %dma_start3A_11 = tpu.memref_slice %arg4[%mul3A_2, %dma_start3A] : memref<10016x16xf32, #tpu.memory_space<hbm>> -> memref<626x16xf32, #tpu.memory_space<hbm>>
      %dma_start3A_12 = arith.constant 0 : i32
      %dma_start3A_13 = tpu.memref_slice %arg4[%mul3A_2, %dma_start3A_12] : memref<10016x16xf32, #tpu.memory_space<hbm>> -> memref<626x16xf32, #tpu.memory_space<hbm>>
      tpu.enqueue_dma source(%dma_start3A_13 : memref<626x16xf32, #tpu.memory_space<hbm>>) target(%arg8 : memref<626x16xf32, #tpu.memory_space<vmem>>) target_semaphore(%run_scoped3A : memref<!tpu.dma_semaphore, #tpu.memory_space<semaphore_mem>>)
      %dma_wait3A = arith.constant 0 : i32
      %dma_wait3A_14 = tpu.memref_slice %arg4[%mul3A_2, %dma_wait3A] : memref<10016x16xf32, #tpu.memory_space<hbm>> -> memref<626x16xf32, #tpu.memory_space<hbm>>
      %dma_wait3A_15 = arith.constant 0 : i32
      %dma_wait3A_16 = tpu.memref_slice %arg4[%mul3A_2, %dma_wait3A_15] : memref<10016x16xf32, #tpu.memory_space<hbm>> -> memref<626x16xf32, #tpu.memory_space<hbm>>
      tpu.wait_dma2 semaphore(%run_scoped3A : memref<!tpu.dma_semaphore, #tpu.memory_space<semaphore_mem>>) src(%dma_wait3A_16 : memref<626x16xf32, #tpu.memory_space<hbm>>) dst(%arg8 : memref<626x16xf32, #tpu.memory_space<vmem>>)
      tpu.yield
    }) : () -> ()
    "tpu.region"() ({
      %run_scoped3A = tpu.sem_alloc : memref<!tpu.dma_semaphore, #tpu.memory_space<semaphore_mem>>
      %dma_start3A = arith.constant 0 : i32
      %dma_start3A_11 = tpu.memref_slice %arg9[%mul3A_2, %dma_start3A] : memref<10016x16xf32, #tpu.memory_space<vmem_shared>> -> memref<626x16xf32, #tpu.memory_space<vmem_shared>>
      %dma_start3A_12 = arith.constant 0 : i32
      %dma_start3A_13 = tpu.memref_slice %arg9[%mul3A_2, %dma_start3A_12] : memref<10016x16xf32, #tpu.memory_space<vmem_shared>> -> memref<626x16xf32, #tpu.memory_space<vmem_shared>>
      tpu.enqueue_dma source(%arg8 : memref<626x16xf32, #tpu.memory_space<vmem>>) target(%dma_start3A_13 : memref<626x16xf32, #tpu.memory_space<vmem_shared>>) target_semaphore(%run_scoped3A : memref<!tpu.dma_semaphore, #tpu.memory_space<semaphore_mem>>)
      %dma_wait3A = arith.constant 0 : i32
      %dma_wait3A_14 = tpu.memref_slice %arg9[%mul3A_2, %dma_wait3A] : memref<10016x16xf32, #tpu.memory_space<vmem_shared>> -> memref<626x16xf32, #tpu.memory_space<vmem_shared>>
      %dma_wait3A_15 = arith.constant 0 : i32
      %dma_wait3A_16 = tpu.memref_slice %arg9[%mul3A_2, %dma_wait3A_15] : memref<10016x16xf32, #tpu.memory_space<vmem_shared>> -> memref<626x16xf32, #tpu.memory_space<vmem_shared>>
      tpu.wait_dma2 semaphore(%run_scoped3A : memref<!tpu.dma_semaphore, #tpu.memory_space<semaphore_mem>>) src(%arg8 : memref<626x16xf32, #tpu.memory_space<vmem>>) dst(%dma_wait3A_16 : memref<626x16xf32, #tpu.memory_space<vmem_shared>>)
      tpu.yield
    }) : () -> ()
    %barrier3A = arith.constant 0 : index
    tpu.barrier barrier_id(%barrier3A)
    %mul3A_3 = arith.constant 5120 : i32
    %mul3A_4 = arith.muli %add3A, %mul3A_3 : i32
    %scan3A = arith.constant 0 : i32
    %scan3A_5 = arith.constant 0 : i32
    %scan3A_6 = arith.constant 40 : i32
    %scan3A_7 = arith.addi %scan3A_5, %scan3A_6 : i32
    %scan3A_8 = arith.constant 1 : i32
    scf.for %scan3A_11 = %scan3A_5 to %scan3A_7 step %scan3A_8  : i32 {
      %mul3A_12 = arith.constant 128 : i32
      %mul3A_13 = arith.muli %scan3A_11, %mul3A_12 : i32
      %add3A_14 = arith.addi %mul3A_4, %mul3A_13 : i32
      "tpu.region"() ({
        %run_scoped3A = tpu.sem_alloc : memref<!tpu.dma_semaphore, #tpu.memory_space<semaphore_mem>>
        %dma_start3A = tpu.memref_slice %arg3[%add3A_14] : memref<163840xi32, #tpu.memory_space<hbm>> -> memref<128xi32, #tpu.memory_space<hbm>>
        %dma_start3A_15 = tpu.memref_slice %arg3[%add3A_14] : memref<163840xi32, #tpu.memory_space<hbm>> -> memref<128xi32, #tpu.memory_space<hbm>>
        tpu.enqueue_dma source(%dma_start3A_15 : memref<128xi32, #tpu.memory_space<hbm>>) target(%arg6 : memref<128xi32, #tpu.memory_space<vmem>>) target_semaphore(%run_scoped3A : memref<!tpu.dma_semaphore, #tpu.memory_space<semaphore_mem>>)
        %dma_wait3A = tpu.memref_slice %arg3[%add3A_14] : memref<163840xi32, #tpu.memory_space<hbm>> -> memref<128xi32, #tpu.memory_space<hbm>>
        %dma_wait3A_16 = tpu.memref_slice %arg3[%add3A_14] : memref<163840xi32, #tpu.memory_space<hbm>> -> memref<128xi32, #tpu.memory_space<hbm>>
        tpu.wait_dma2 semaphore(%run_scoped3A : memref<!tpu.dma_semaphore, #tpu.memory_space<semaphore_mem>>) src(%dma_wait3A_16 : memref<128xi32, #tpu.memory_space<hbm>>) dst(%arg6 : memref<128xi32, #tpu.memory_space<vmem>>)
        tpu.yield
      }) : () -> ()
      "tpu.region"() ({
        %run_scoped3A = tpu.sem_alloc : memref<!tpu.dma_semaphore, #tpu.memory_space<semaphore_mem>>
        %dma_start3A = arith.constant 0 : i32
        %dma_start3A_15 = tpu.memref_slice %arg2[%add3A_14, %dma_start3A] : memref<163840x16xf32, #tpu.memory_space<hbm>> -> memref<128x16xf32, #tpu.memory_space<hbm>>
        %dma_start3A_16 = arith.constant 0 : i32
        %dma_start3A_17 = tpu.memref_slice %arg2[%add3A_14, %dma_start3A_16] : memref<163840x16xf32, #tpu.memory_space<hbm>> -> memref<128x16xf32, #tpu.memory_space<hbm>>
        tpu.enqueue_dma source(%dma_start3A_17 : memref<128x16xf32, #tpu.memory_space<hbm>>) target(%arg7 : memref<128x16xf32, #tpu.memory_space<vmem>>) target_semaphore(%run_scoped3A : memref<!tpu.dma_semaphore, #tpu.memory_space<semaphore_mem>>)
        %dma_wait3A = arith.constant 0 : i32
        %dma_wait3A_18 = tpu.memref_slice %arg2[%add3A_14, %dma_wait3A] : memref<163840x16xf32, #tpu.memory_space<hbm>> -> memref<128x16xf32, #tpu.memory_space<hbm>>
        %dma_wait3A_19 = arith.constant 0 : i32
        %dma_wait3A_20 = tpu.memref_slice %arg2[%add3A_14, %dma_wait3A_19] : memref<163840x16xf32, #tpu.memory_space<hbm>> -> memref<128x16xf32, #tpu.memory_space<hbm>>
        tpu.wait_dma2 semaphore(%run_scoped3A : memref<!tpu.dma_semaphore, #tpu.memory_space<semaphore_mem>>) src(%dma_wait3A_20 : memref<128x16xf32, #tpu.memory_space<hbm>>) dst(%arg7 : memref<128x16xf32, #tpu.memory_space<vmem>>)
        tpu.yield
      }) : () -> ()
      "tpu.region"() ({
        %run_scoped3A = tpu.sem_alloc : memref<!tpu.dma_semaphore, #tpu.memory_space<semaphore_mem>>
        %dma_start3A = arith.constant 0 : i32
        %dma_start3A_15 = arith.constant 0 : i32
        %dma_start3A_16 = tpu.memref_slice %arg9[%dma_start3A, %dma_start3A_15] : memref<10016x16xf32, #tpu.memory_space<vmem_shared>> -> memref<10016x16xf32, #tpu.memory_space<vmem_shared>>
        tpu.enqueue_indirect_dma source(%arg7 : memref<128x16xf32, #tpu.memory_space<vmem>>) target(%dma_start3A_16 : memref<10016x16xf32, #tpu.memory_space<vmem_shared>>) offsets(%arg6 : memref<128xi32, #tpu.memory_space<vmem>>) semaphore(%run_scoped3A : memref<!tpu.dma_semaphore, #tpu.memory_space<semaphore_mem>>) {add = true}
        %dma_wait3A = arith.constant 0 : i32
        %dma_wait3A_17 = arith.constant 0 : i32
        %dma_wait3A_18 = tpu.memref_slice %arg9[%dma_wait3A, %dma_wait3A_17] : memref<10016x16xf32, #tpu.memory_space<vmem_shared>> -> memref<10016x16xf32, #tpu.memory_space<vmem_shared>>
        tpu.wait_indirect_dma semaphore(%run_scoped3A : memref<!tpu.dma_semaphore, #tpu.memory_space<semaphore_mem>>) src(%arg7 : memref<128x16xf32, #tpu.memory_space<vmem>>) dst(%dma_wait3A_18 : memref<10016x16xf32, #tpu.memory_space<vmem_shared>>)
        tpu.yield
      }) : () -> ()
    }
    %scan3A_9 = arith.constant 40 : i32
    %barrier3A_10 = arith.constant 0 : index
    tpu.barrier barrier_id(%barrier3A_10)
    "tpu.region"() ({
      %run_scoped3A = tpu.sem_alloc : memref<!tpu.dma_semaphore, #tpu.memory_space<semaphore_mem>>
      %dma_start3A = arith.constant 0 : i32
      %dma_start3A_11 = tpu.memref_slice %arg9[%mul3A_2, %dma_start3A] : memref<10016x16xf32, #tpu.memory_space<vmem_shared>> -> memref<626x16xf32, #tpu.memory_space<vmem_shared>>
      %dma_start3A_12 = arith.constant 0 : i32
      %dma_start3A_13 = tpu.memref_slice %arg9[%mul3A_2, %dma_start3A_12] : memref<10016x16xf32, #tpu.memory_space<vmem_shared>> -> memref<626x16xf32, #tpu.memory_space<vmem_shared>>
      tpu.enqueue_dma source(%dma_start3A_13 : memref<626x16xf32, #tpu.memory_space<vmem_shared>>) target(%arg8 : memref<626x16xf32, #tpu.memory_space<vmem>>) target_semaphore(%run_scoped3A : memref<!tpu.dma_semaphore, #tpu.memory_space<semaphore_mem>>)
      %dma_wait3A = arith.constant 0 : i32
      %dma_wait3A_14 = tpu.memref_slice %arg9[%mul3A_2, %dma_wait3A] : memref<10016x16xf32, #tpu.memory_space<vmem_shared>> -> memref<626x16xf32, #tpu.memory_space<vmem_shared>>
      %dma_wait3A_15 = arith.constant 0 : i32
      %dma_wait3A_16 = tpu.memref_slice %arg9[%mul3A_2, %dma_wait3A_15] : memref<10016x16xf32, #tpu.memory_space<vmem_shared>> -> memref<626x16xf32, #tpu.memory_space<vmem_shared>>
      tpu.wait_dma2 semaphore(%run_scoped3A : memref<!tpu.dma_semaphore, #tpu.memory_space<semaphore_mem>>) src(%dma_wait3A_16 : memref<626x16xf32, #tpu.memory_space<vmem_shared>>) dst(%arg8 : memref<626x16xf32, #tpu.memory_space<vmem>>)
      tpu.yield
    }) : () -> ()
    "tpu.region"() ({
      %run_scoped3A = tpu.sem_alloc : memref<!tpu.dma_semaphore, #tpu.memory_space<semaphore_mem>>
      %dma_start3A = arith.constant 0 : i32
      %dma_start3A_11 = arith.constant 0 : i32
      %dma_start3A_12 = tpu.memref_slice %arg5[%arg0, %dma_start3A, %dma_start3A_11] : memref<2x10016x16xf32, #tpu.memory_space<hbm>> -> memref<1x10016x16xf32, #tpu.memory_space<hbm>>
      %dma_start3A_13 = tpu.memref_squeeze %dma_start3A_12 : memref<1x10016x16xf32, #tpu.memory_space<hbm>> -> memref<10016x16xf32, #tpu.memory_space<hbm>>
      %dma_start3A_14 = arith.constant 0 : i32
      %dma_start3A_15 = tpu.memref_slice %dma_start3A_13[%mul3A_2, %dma_start3A_14] : memref<10016x16xf32, #tpu.memory_space<hbm>> -> memref<626x16xf32, #tpu.memory_space<hbm>>
      %dma_start3A_16 = arith.constant 0 : i32
      %dma_start3A_17 = arith.constant 0 : i32
      %dma_start3A_18 = tpu.memref_slice %arg5[%arg0, %dma_start3A_16, %dma_start3A_17] : memref<2x10016x16xf32, #tpu.memory_space<hbm>> -> memref<1x10016x16xf32, #tpu.memory_space<hbm>>
      %dma_start3A_19 = tpu.memref_squeeze %dma_start3A_18 : memref<1x10016x16xf32, #tpu.memory_space<hbm>> -> memref<10016x16xf32, #tpu.memory_space<hbm>>
      %dma_start3A_20 = arith.constant 0 : i32
      %dma_start3A_21 = tpu.memref_slice %dma_start3A_19[%mul3A_2, %dma_start3A_20] : memref<10016x16xf32, #tpu.memory_space<hbm>> -> memref<626x16xf32, #tpu.memory_space<hbm>>
      tpu.enqueue_dma source(%arg8 : memref<626x16xf32, #tpu.memory_space<vmem>>) target(%dma_start3A_21 : memref<626x16xf32, #tpu.memory_space<hbm>>) target_semaphore(%run_scoped3A : memref<!tpu.dma_semaphore, #tpu.memory_space<semaphore_mem>>)
      %dma_wait3A = arith.constant 0 : i32
      %dma_wait3A_22 = arith.constant 0 : i32
      %dma_wait3A_23 = tpu.memref_slice %arg5[%arg0, %dma_wait3A, %dma_wait3A_22] : memref<2x10016x16xf32, #tpu.memory_space<hbm>> -> memref<1x10016x16xf32, #tpu.memory_space<hbm>>
      %dma_wait3A_24 = tpu.memref_squeeze %dma_wait3A_23 : memref<1x10016x16xf32, #tpu.memory_space<hbm>> -> memref<10016x16xf32, #tpu.memory_space<hbm>>
      %dma_wait3A_25 = arith.constant 0 : i32
      %dma_wait3A_26 = tpu.memref_slice %dma_wait3A_24[%mul3A_2, %dma_wait3A_25] : memref<10016x16xf32, #tpu.memory_space<hbm>> -> memref<626x16xf32, #tpu.memory_space<hbm>>
      %dma_wait3A_27 = arith.constant 0 : i32
      %dma_wait3A_28 = arith.constant 0 : i32
      %dma_wait3A_29 = tpu.memref_slice %arg5[%arg0, %dma_wait3A_27, %dma_wait3A_28] : memref<2x10016x16xf32, #tpu.memory_space<hbm>> -> memref<1x10016x16xf32, #tpu.memory_space<hbm>>
      %dma_wait3A_30 = tpu.memref_squeeze %dma_wait3A_29 : memref<1x10016x16xf32, #tpu.memory_space<hbm>> -> memref<10016x16xf32, #tpu.memory_space<hbm>>
      %dma_wait3A_31 = arith.constant 0 : i32
      %dma_wait3A_32 = tpu.memref_slice %dma_wait3A_30[%mul3A_2, %dma_wait3A_31] : memref<10016x16xf32, #tpu.memory_space<hbm>> -> memref<626x16xf32, #tpu.memory_space<hbm>>
      tpu.wait_dma2 semaphore(%run_scoped3A : memref<!tpu.dma_semaphore, #tpu.memory_space<semaphore_mem>>) src(%arg8 : memref<626x16xf32, #tpu.memory_space<vmem>>) dst(%dma_wait3A_32 : memref<626x16xf32, #tpu.memory_space<hbm>>)
      tpu.yield
    }) : () -> ()
    return
  }
}

#map = affine_map<(d0, d1) -> (0, 0)>
#map1 = affine_map<(d0, d1) -> (0)>
module attributes {stable_mosaic.version = 14 : i64} {
  func.func @gather(%arg0: i32, %arg1: i32, %arg2: memref<10000x16xf32, #tpu.memory_space<hbm>>, %arg3: memref<163840xi32, #tpu.memory_space<hbm>>, %arg4: memref<163840x16xf32, #tpu.memory_space<hbm>>, %arg5: memref<128xi32, #tpu.memory_space<vmem>>, %arg6: memref<128x16xf32, #tpu.memory_space<vmem>>, %arg7: memref<!tpu.dma_semaphore, #tpu.memory_space<semaphore_mem>>) attributes {dimension_semantics = [#tpu.dimension_semantics<core_parallel>, #tpu.dimension_semantics<subcore_parallel>], iteration_bounds = array<i64: 2, 16>, scalar_prefetch = 0 : i64, scratch_operands = 3 : i64, tpu.core_type = #tpu.core_type<sc_vector_subcore>, window_params = [{transform_indices = #map}, {transform_indices = #map1}, {transform_indices = #map}]} {
    %mul3A = arith.constant 2 : i32
    %mul3A_0 = arith.muli %arg1, %mul3A : i32
    %add3A = arith.addi %mul3A_0, %arg0 : i32
    %mul3A_1 = arith.constant 5120 : i32
    %mul3A_2 = arith.muli %add3A, %mul3A_1 : i32
    %scan3A = arith.constant 0 : i32
    %scan3A_3 = arith.constant 0 : i32
    %scan3A_4 = arith.constant 40 : i32
    %scan3A_5 = arith.addi %scan3A_3, %scan3A_4 : i32
    %scan3A_6 = arith.constant 1 : i32
    scf.for %scan3A_8 = %scan3A_3 to %scan3A_5 step %scan3A_6  : i32 {
      %mul3A_9 = arith.constant 128 : i32
      %mul3A_10 = arith.muli %scan3A_8, %mul3A_9 : i32
      %add3A_11 = arith.addi %mul3A_2, %mul3A_10 : i32
      "tpu.region"() ({
        %run_scoped3A = tpu.sem_alloc : memref<!tpu.dma_semaphore, #tpu.memory_space<semaphore_mem>>
        %dma_start3A_16 = tpu.memref_slice %arg3[%add3A_11] : memref<163840xi32, #tpu.memory_space<hbm>> -> memref<128xi32, #tpu.memory_space<hbm>>
        %dma_start3A_17 = tpu.memref_slice %arg3[%add3A_11] : memref<163840xi32, #tpu.memory_space<hbm>> -> memref<128xi32, #tpu.memory_space<hbm>>
        tpu.enqueue_dma source(%dma_start3A_17 : memref<128xi32, #tpu.memory_space<hbm>>) target(%arg5 : memref<128xi32, #tpu.memory_space<vmem>>) target_semaphore(%run_scoped3A : memref<!tpu.dma_semaphore, #tpu.memory_space<semaphore_mem>>)
        %dma_wait3A_18 = tpu.memref_slice %arg3[%add3A_11] : memref<163840xi32, #tpu.memory_space<hbm>> -> memref<128xi32, #tpu.memory_space<hbm>>
        %dma_wait3A_19 = tpu.memref_slice %arg3[%add3A_11] : memref<163840xi32, #tpu.memory_space<hbm>> -> memref<128xi32, #tpu.memory_space<hbm>>
        tpu.wait_dma2 semaphore(%run_scoped3A : memref<!tpu.dma_semaphore, #tpu.memory_space<semaphore_mem>>) src(%dma_wait3A_19 : memref<128xi32, #tpu.memory_space<hbm>>) dst(%arg5 : memref<128xi32, #tpu.memory_space<vmem>>)
        tpu.yield
      }) : () -> ()
      %dma_start3A = arith.constant 0 : i32
      %dma_start3A_12 = arith.constant 0 : i32
      %dma_start3A_13 = tpu.memref_slice %arg2[%dma_start3A, %dma_start3A_12] : memref<10000x16xf32, #tpu.memory_space<hbm>> -> memref<10000x16xf32, #tpu.memory_space<hbm>>
      tpu.enqueue_indirect_dma source(%dma_start3A_13 : memref<10000x16xf32, #tpu.memory_space<hbm>>) target(%arg6 : memref<128x16xf32, #tpu.memory_space<vmem>>) offsets(%arg5 : memref<128xi32, #tpu.memory_space<vmem>>) semaphore(%arg7 : memref<!tpu.dma_semaphore, #tpu.memory_space<semaphore_mem>>)
      %dma_wait3A = arith.constant 0 : i32
      %dma_wait3A_14 = arith.constant 0 : i32
      %dma_wait3A_15 = tpu.memref_slice %arg2[%dma_wait3A, %dma_wait3A_14] : memref<10000x16xf32, #tpu.memory_space<hbm>> -> memref<10000x16xf32, #tpu.memory_space<hbm>>
      tpu.wait_indirect_dma semaphore(%arg7 : memref<!tpu.dma_semaphore, #tpu.memory_space<semaphore_mem>>) src(%dma_wait3A_15 : memref<10000x16xf32, #tpu.memory_space<hbm>>) dst(%arg6 : memref<128x16xf32, #tpu.memory_space<vmem>>)
      "tpu.region"() ({
        %run_scoped3A = tpu.sem_alloc : memref<!tpu.dma_semaphore, #tpu.memory_space<semaphore_mem>>
        %dma_start3A_16 = arith.constant 0 : i32
        %dma_start3A_17 = tpu.memref_slice %arg4[%add3A_11, %dma_start3A_16] : memref<163840x16xf32, #tpu.memory_space<hbm>> -> memref<128x16xf32, #tpu.memory_space<hbm>>
        %dma_start3A_18 = arith.constant 0 : i32
        %dma_start3A_19 = tpu.memref_slice %arg4[%add3A_11, %dma_start3A_18] : memref<163840x16xf32, #tpu.memory_space<hbm>> -> memref<128x16xf32, #tpu.memory_space<hbm>>
        tpu.enqueue_dma source(%arg6 : memref<128x16xf32, #tpu.memory_space<vmem>>) target(%dma_start3A_19 : memref<128x16xf32, #tpu.memory_space<hbm>>) target_semaphore(%run_scoped3A : memref<!tpu.dma_semaphore, #tpu.memory_space<semaphore_mem>>)
        %dma_wait3A_20 = arith.constant 0 : i32
        %dma_wait3A_21 = tpu.memref_slice %arg4[%add3A_11, %dma_wait3A_20] : memref<163840x16xf32, #tpu.memory_space<hbm>> -> memref<128x16xf32, #tpu.memory_space<hbm>>
        %dma_wait3A_22 = arith.constant 0 : i32
        %dma_wait3A_23 = tpu.memref_slice %arg4[%add3A_11, %dma_wait3A_22] : memref<163840x16xf32, #tpu.memory_space<hbm>> -> memref<128x16xf32, #tpu.memory_space<hbm>>
        tpu.wait_dma2 semaphore(%run_scoped3A : memref<!tpu.dma_semaphore, #tpu.memory_space<semaphore_mem>>) src(%arg6 : memref<128x16xf32, #tpu.memory_space<vmem>>) dst(%dma_wait3A_23 : memref<128x16xf32, #tpu.memory_space<hbm>>)
        tpu.yield
      }) : () -> ()
    }
    %scan3A_7 = arith.constant 40 : i32
    return
  }
}

#map = affine_map<(d0, d1) -> (0, 0)>
#map1 = affine_map<(d0, d1) -> (0)>
module attributes {stable_mosaic.version = 14 : i64} {
  func.func @gather(%arg0: i32, %arg1: i32, %arg2: memref<10000x16xf32, #tpu.memory_space<hbm>>, %arg3: memref<163840xi32, #tpu.memory_space<hbm>>, %arg4: memref<163840x16xf32, #tpu.memory_space<hbm>>, %arg5: memref<128xi32, #tpu.memory_space<vmem>>, %arg6: memref<128x16xf32, #tpu.memory_space<vmem>>, %arg7: memref<!tpu.dma_semaphore, #tpu.memory_space<semaphore_mem>>) attributes {dimension_semantics = [#tpu.dimension_semantics<core_parallel>, #tpu.dimension_semantics<subcore_parallel>], iteration_bounds = array<i64: 2, 16>, scalar_prefetch = 0 : i64, scratch_operands = 3 : i64, tpu.core_type = #tpu.core_type<sc_vector_subcore>, window_params = [{transform_indices = #map}, {transform_indices = #map1}, {transform_indices = #map}]} {
    %mul3A = arith.constant 2 : i32
    %mul3A_0 = arith.muli %arg1, %mul3A : i32
    %add3A = arith.addi %mul3A_0, %arg0 : i32
    %mul3A_1 = arith.constant 5120 : i32
    %mul3A_2 = arith.muli %add3A, %mul3A_1 : i32
    %scan3A = arith.constant 0 : i32
    %scan3A_3 = arith.constant 0 : i32
    %scan3A_4 = arith.constant 40 : i32
    %scan3A_5 = arith.addi %scan3A_3, %scan3A_4 : i32
    %scan3A_6 = arith.constant 1 : i32
    scf.for %scan3A_8 = %scan3A_3 to %scan3A_5 step %scan3A_6  : i32 {
      %mul3A_9 = arith.constant 128 : i32
      %mul3A_10 = arith.muli %scan3A_8, %mul3A_9 : i32
      %add3A_11 = arith.addi %mul3A_2, %mul3A_10 : i32
      "tpu.region"() ({
        %run_scoped3A = tpu.sem_alloc : memref<!tpu.dma_semaphore, #tpu.memory_space<semaphore_mem>>
        %dma_start3A_16 = tpu.memref_slice %arg3[%add3A_11] : memref<163840xi32, #tpu.memory_space<hbm>> -> memref<128xi32, #tpu.memory_space<hbm>>
        %dma_start3A_17 = tpu.memref_slice %arg3[%add3A_11] : memref<163840xi32, #tpu.memory_space<hbm>> -> memref<128xi32, #tpu.memory_space<hbm>>
        tpu.enqueue_dma source(%dma_start3A_17 : memref<128xi32, #tpu.memory_space<hbm>>) target(%arg5 : memref<128xi32, #tpu.memory_space<vmem>>) target_semaphore(%run_scoped3A : memref<!tpu.dma_semaphore, #tpu.memory_space<semaphore_mem>>)
        %dma_wait3A_18 = tpu.memref_slice %arg3[%add3A_11] : memref<163840xi32, #tpu.memory_space<hbm>> -> memref<128xi32, #tpu.memory_space<hbm>>
        %dma_wait3A_19 = tpu.memref_slice %arg3[%add3A_11] : memref<163840xi32, #tpu.memory_space<hbm>> -> memref<128xi32, #tpu.memory_space<hbm>>
        tpu.wait_dma2 semaphore(%run_scoped3A : memref<!tpu.dma_semaphore, #tpu.memory_space<semaphore_mem>>) src(%dma_wait3A_19 : memref<128xi32, #tpu.memory_space<hbm>>) dst(%arg5 : memref<128xi32, #tpu.memory_space<vmem>>)
        tpu.yield
      }) : () -> ()
      %dma_start3A = arith.constant 0 : i32
      %dma_start3A_12 = arith.constant 0 : i32
      %dma_start3A_13 = tpu.memref_slice %arg2[%dma_start3A, %dma_start3A_12] : memref<10000x16xf32, #tpu.memory_space<hbm>> -> memref<10000x16xf32, #tpu.memory_space<hbm>>
      tpu.enqueue_indirect_dma source(%dma_start3A_13 : memref<10000x16xf32, #tpu.memory_space<hbm>>) target(%arg6 : memref<128x16xf32, #tpu.memory_space<vmem>>) offsets(%arg5 : memref<128xi32, #tpu.memory_space<vmem>>) semaphore(%arg7 : memref<!tpu.dma_semaphore, #tpu.memory_space<semaphore_mem>>)
      %dma_wait3A = arith.constant 0 : i32
      %dma_wait3A_14 = arith.constant 0 : i32
      %dma_wait3A_15 = tpu.memref_slice %arg2[%dma_wait3A, %dma_wait3A_14] : memref<10000x16xf32, #tpu.memory_space<hbm>> -> memref<10000x16xf32, #tpu.memory_space<hbm>>
      tpu.wait_indirect_dma semaphore(%arg7 : memref<!tpu.dma_semaphore, #tpu.memory_space<semaphore_mem>>) src(%dma_wait3A_15 : memref<10000x16xf32, #tpu.memory_space<hbm>>) dst(%arg6 : memref<128x16xf32, #tpu.memory_space<vmem>>)
      "tpu.region"() ({
        %run_scoped3A = tpu.sem_alloc : memref<!tpu.dma_semaphore, #tpu.memory_space<semaphore_mem>>
        %dma_start3A_16 = arith.constant 0 : i32
        %dma_start3A_17 = tpu.memref_slice %arg4[%add3A_11, %dma_start3A_16] : memref<163840x16xf32, #tpu.memory_space<hbm>> -> memref<128x16xf32, #tpu.memory_space<hbm>>
        %dma_start3A_18 = arith.constant 0 : i32
        %dma_start3A_19 = tpu.memref_slice %arg4[%add3A_11, %dma_start3A_18] : memref<163840x16xf32, #tpu.memory_space<hbm>> -> memref<128x16xf32, #tpu.memory_space<hbm>>
        tpu.enqueue_dma source(%arg6 : memref<128x16xf32, #tpu.memory_space<vmem>>) target(%dma_start3A_19 : memref<128x16xf32, #tpu.memory_space<hbm>>) target_semaphore(%run_scoped3A : memref<!tpu.dma_semaphore, #tpu.memory_space<semaphore_mem>>)
        %dma_wait3A_20 = arith.constant 0 : i32
        %dma_wait3A_21 = tpu.memref_slice %arg4[%add3A_11, %dma_wait3A_20] : memref<163840x16xf32, #tpu.memory_space<hbm>> -> memref<128x16xf32, #tpu.memory_space<hbm>>
        %dma_wait3A_22 = arith.constant 0 : i32
        %dma_wait3A_23 = tpu.memref_slice %arg4[%add3A_11, %dma_wait3A_22] : memref<163840x16xf32, #tpu.memory_space<hbm>> -> memref<128x16xf32, #tpu.memory_space<hbm>>
        tpu.wait_dma2 semaphore(%run_scoped3A : memref<!tpu.dma_semaphore, #tpu.memory_space<semaphore_mem>>) src(%arg6 : memref<128x16xf32, #tpu.memory_space<vmem>>) dst(%dma_wait3A_23 : memref<128x16xf32, #tpu.memory_space<hbm>>)
        tpu.yield
      }) : () -> ()
    }
    %scan3A_7 = arith.constant 40 : i32
    return
  }
}

#map = affine_map<(d0, d1) -> (0, 0)>
#map1 = affine_map<(d0, d1) -> (0)>
#map2 = affine_map<(d0, d1) -> (0, 0, 0)>
module attributes {stable_mosaic.version = 14 : i64} {
  func.func @scatter_add(%arg0: i32, %arg1: i32, %arg2: memref<163840x16xf32, #tpu.memory_space<hbm>>, %arg3: memref<163840xi32, #tpu.memory_space<hbm>>, %arg4: memref<10016x16xf32, #tpu.memory_space<hbm>>, %arg5: memref<2x10016x16xf32, #tpu.memory_space<hbm>>, %arg6: memref<128xi32, #tpu.memory_space<vmem>>, %arg7: memref<128x16xf32, #tpu.memory_space<vmem>>, %arg8: memref<626x16xf32, #tpu.memory_space<vmem>>, %arg9: memref<10016x16xf32, #tpu.memory_space<vmem_shared>>, %arg10: memref<!tpu.dma_semaphore, #tpu.memory_space<semaphore_mem>>) attributes {dimension_semantics = [#tpu.dimension_semantics<core_parallel>, #tpu.dimension_semantics<subcore_parallel>], iteration_bounds = array<i64: 2, 16>, scalar_prefetch = 0 : i64, scratch_operands = 5 : i64, tpu.core_type = #tpu.core_type<sc_vector_subcore>, window_params = [{transform_indices = #map}, {transform_indices = #map1}, {transform_indices = #map}, {transform_indices = #map2}]} {
    %mul3A = arith.constant 2 : i32
    %mul3A_0 = arith.muli %arg1, %mul3A : i32
    %add3A = arith.addi %mul3A_0, %arg0 : i32
    %mul3A_1 = arith.constant 626 : i32
    %mul3A_2 = arith.muli %arg1, %mul3A_1 : i32
    "tpu.region"() ({
      %run_scoped3A = tpu.sem_alloc : memref<!tpu.dma_semaphore, #tpu.memory_space<semaphore_mem>>
      %dma_start3A = arith.constant 0 : i32
      %dma_start3A_11 = tpu.memref_slice %arg4[%mul3A_2, %dma_start3A] : memref<10016x16xf32, #tpu.memory_space<hbm>> -> memref<626x16xf32, #tpu.memory_space<hbm>>
      %dma_start3A_12 = arith.constant 0 : i32
      %dma_start3A_13 = tpu.memref_slice %arg4[%mul3A_2, %dma_start3A_12] : memref<10016x16xf32, #tpu.memory_space<hbm>> -> memref<626x16xf32, #tpu.memory_space<hbm>>
      tpu.enqueue_dma source(%dma_start3A_13 : memref<626x16xf32, #tpu.memory_space<hbm>>) target(%arg8 : memref<626x16xf32, #tpu.memory_space<vmem>>) target_semaphore(%run_scoped3A : memref<!tpu.dma_semaphore, #tpu.memory_space<semaphore_mem>>)
      %dma_wait3A = arith.constant 0 : i32
      %dma_wait3A_14 = tpu.memref_slice %arg4[%mul3A_2, %dma_wait3A] : memref<10016x16xf32, #tpu.memory_space<hbm>> -> memref<626x16xf32, #tpu.memory_space<hbm>>
      %dma_wait3A_15 = arith.constant 0 : i32
      %dma_wait3A_16 = tpu.memref_slice %arg4[%mul3A_2, %dma_wait3A_15] : memref<10016x16xf32, #tpu.memory_space<hbm>> -> memref<626x16xf32, #tpu.memory_space<hbm>>
      tpu.wait_dma2 semaphore(%run_scoped3A : memref<!tpu.dma_semaphore, #tpu.memory_space<semaphore_mem>>) src(%dma_wait3A_16 : memref<626x16xf32, #tpu.memory_space<hbm>>) dst(%arg8 : memref<626x16xf32, #tpu.memory_space<vmem>>)
      tpu.yield
    }) : () -> ()
    "tpu.region"() ({
      %run_scoped3A = tpu.sem_alloc : memref<!tpu.dma_semaphore, #tpu.memory_space<semaphore_mem>>
      %dma_start3A = arith.constant 0 : i32
      %dma_start3A_11 = tpu.memref_slice %arg9[%mul3A_2, %dma_start3A] : memref<10016x16xf32, #tpu.memory_space<vmem_shared>> -> memref<626x16xf32, #tpu.memory_space<vmem_shared>>
      %dma_start3A_12 = arith.constant 0 : i32
      %dma_start3A_13 = tpu.memref_slice %arg9[%mul3A_2, %dma_start3A_12] : memref<10016x16xf32, #tpu.memory_space<vmem_shared>> -> memref<626x16xf32, #tpu.memory_space<vmem_shared>>
      tpu.enqueue_dma source(%arg8 : memref<626x16xf32, #tpu.memory_space<vmem>>) target(%dma_start3A_13 : memref<626x16xf32, #tpu.memory_space<vmem_shared>>) target_semaphore(%run_scoped3A : memref<!tpu.dma_semaphore, #tpu.memory_space<semaphore_mem>>)
      %dma_wait3A = arith.constant 0 : i32
      %dma_wait3A_14 = tpu.memref_slice %arg9[%mul3A_2, %dma_wait3A] : memref<10016x16xf32, #tpu.memory_space<vmem_shared>> -> memref<626x16xf32, #tpu.memory_space<vmem_shared>>
      %dma_wait3A_15 = arith.constant 0 : i32
      %dma_wait3A_16 = tpu.memref_slice %arg9[%mul3A_2, %dma_wait3A_15] : memref<10016x16xf32, #tpu.memory_space<vmem_shared>> -> memref<626x16xf32, #tpu.memory_space<vmem_shared>>
      tpu.wait_dma2 semaphore(%run_scoped3A : memref<!tpu.dma_semaphore, #tpu.memory_space<semaphore_mem>>) src(%arg8 : memref<626x16xf32, #tpu.memory_space<vmem>>) dst(%dma_wait3A_16 : memref<626x16xf32, #tpu.memory_space<vmem_shared>>)
      tpu.yield
    }) : () -> ()
    %barrier3A = arith.constant 0 : index
    tpu.barrier barrier_id(%barrier3A)
    %mul3A_3 = arith.constant 5120 : i32
    %mul3A_4 = arith.muli %add3A, %mul3A_3 : i32
    %scan3A = arith.constant 0 : i32
    %scan3A_5 = arith.constant 0 : i32
    %scan3A_6 = arith.constant 40 : i32
    %scan3A_7 = arith.addi %scan3A_5, %scan3A_6 : i32
    %scan3A_8 = arith.constant 1 : i32
    scf.for %scan3A_11 = %scan3A_5 to %scan3A_7 step %scan3A_8  : i32 {
      %mul3A_12 = arith.constant 128 : i32
      %mul3A_13 = arith.muli %scan3A_11, %mul3A_12 : i32
      %add3A_14 = arith.addi %mul3A_4, %mul3A_13 : i32
      "tpu.region"() ({
        %run_scoped3A = tpu.sem_alloc : memref<!tpu.dma_semaphore, #tpu.memory_space<semaphore_mem>>
        %dma_start3A = tpu.memref_slice %arg3[%add3A_14] : memref<163840xi32, #tpu.memory_space<hbm>> -> memref<128xi32, #tpu.memory_space<hbm>>
        %dma_start3A_15 = tpu.memref_slice %arg3[%add3A_14] : memref<163840xi32, #tpu.memory_space<hbm>> -> memref<128xi32, #tpu.memory_space<hbm>>
        tpu.enqueue_dma source(%dma_start3A_15 : memref<128xi32, #tpu.memory_space<hbm>>) target(%arg6 : memref<128xi32, #tpu.memory_space<vmem>>) target_semaphore(%run_scoped3A : memref<!tpu.dma_semaphore, #tpu.memory_space<semaphore_mem>>)
        %dma_wait3A = tpu.memref_slice %arg3[%add3A_14] : memref<163840xi32, #tpu.memory_space<hbm>> -> memref<128xi32, #tpu.memory_space<hbm>>
        %dma_wait3A_16 = tpu.memref_slice %arg3[%add3A_14] : memref<163840xi32, #tpu.memory_space<hbm>> -> memref<128xi32, #tpu.memory_space<hbm>>
        tpu.wait_dma2 semaphore(%run_scoped3A : memref<!tpu.dma_semaphore, #tpu.memory_space<semaphore_mem>>) src(%dma_wait3A_16 : memref<128xi32, #tpu.memory_space<hbm>>) dst(%arg6 : memref<128xi32, #tpu.memory_space<vmem>>)
        tpu.yield
      }) : () -> ()
      "tpu.region"() ({
        %run_scoped3A = tpu.sem_alloc : memref<!tpu.dma_semaphore, #tpu.memory_space<semaphore_mem>>
        %dma_start3A = arith.constant 0 : i32
        %dma_start3A_15 = tpu.memref_slice %arg2[%add3A_14, %dma_start3A] : memref<163840x16xf32, #tpu.memory_space<hbm>> -> memref<128x16xf32, #tpu.memory_space<hbm>>
        %dma_start3A_16 = arith.constant 0 : i32
        %dma_start3A_17 = tpu.memref_slice %arg2[%add3A_14, %dma_start3A_16] : memref<163840x16xf32, #tpu.memory_space<hbm>> -> memref<128x16xf32, #tpu.memory_space<hbm>>
        tpu.enqueue_dma source(%dma_start3A_17 : memref<128x16xf32, #tpu.memory_space<hbm>>) target(%arg7 : memref<128x16xf32, #tpu.memory_space<vmem>>) target_semaphore(%run_scoped3A : memref<!tpu.dma_semaphore, #tpu.memory_space<semaphore_mem>>)
        %dma_wait3A = arith.constant 0 : i32
        %dma_wait3A_18 = tpu.memref_slice %arg2[%add3A_14, %dma_wait3A] : memref<163840x16xf32, #tpu.memory_space<hbm>> -> memref<128x16xf32, #tpu.memory_space<hbm>>
        %dma_wait3A_19 = arith.constant 0 : i32
        %dma_wait3A_20 = tpu.memref_slice %arg2[%add3A_14, %dma_wait3A_19] : memref<163840x16xf32, #tpu.memory_space<hbm>> -> memref<128x16xf32, #tpu.memory_space<hbm>>
        tpu.wait_dma2 semaphore(%run_scoped3A : memref<!tpu.dma_semaphore, #tpu.memory_space<semaphore_mem>>) src(%dma_wait3A_20 : memref<128x16xf32, #tpu.memory_space<hbm>>) dst(%arg7 : memref<128x16xf32, #tpu.memory_space<vmem>>)
        tpu.yield
      }) : () -> ()
      "tpu.region"() ({
        %run_scoped3A = tpu.sem_alloc : memref<!tpu.dma_semaphore, #tpu.memory_space<semaphore_mem>>
        %dma_start3A = arith.constant 0 : i32
        %dma_start3A_15 = arith.constant 0 : i32
        %dma_start3A_16 = tpu.memref_slice %arg9[%dma_start3A, %dma_start3A_15] : memref<10016x16xf32, #tpu.memory_space<vmem_shared>> -> memref<10016x16xf32, #tpu.memory_space<vmem_shared>>
        tpu.enqueue_indirect_dma source(%arg7 : memref<128x16xf32, #tpu.memory_space<vmem>>) target(%dma_start3A_16 : memref<10016x16xf32, #tpu.memory_space<vmem_shared>>) offsets(%arg6 : memref<128xi32, #tpu.memory_space<vmem>>) semaphore(%run_scoped3A : memref<!tpu.dma_semaphore, #tpu.memory_space<semaphore_mem>>) {add = true}
        %dma_wait3A = arith.constant 0 : i32
        %dma_wait3A_17 = arith.constant 0 : i32
        %dma_wait3A_18 = tpu.memref_slice %arg9[%dma_wait3A, %dma_wait3A_17] : memref<10016x16xf32, #tpu.memory_space<vmem_shared>> -> memref<10016x16xf32, #tpu.memory_space<vmem_shared>>
        tpu.wait_indirect_dma semaphore(%run_scoped3A : memref<!tpu.dma_semaphore, #tpu.memory_space<semaphore_mem>>) src(%arg7 : memref<128x16xf32, #tpu.memory_space<vmem>>) dst(%dma_wait3A_18 : memref<10016x16xf32, #tpu.memory_space<vmem_shared>>)
        tpu.yield
      }) : () -> ()
    }
    %scan3A_9 = arith.constant 40 : i32
    %barrier3A_10 = arith.constant 0 : index
    tpu.barrier barrier_id(%barrier3A_10)
    "tpu.region"() ({
      %run_scoped3A = tpu.sem_alloc : memref<!tpu.dma_semaphore, #tpu.memory_space<semaphore_mem>>
      %dma_start3A = arith.constant 0 : i32
      %dma_start3A_11 = tpu.memref_slice %arg9[%mul3A_2, %dma_start3A] : memref<10016x16xf32, #tpu.memory_space<vmem_shared>> -> memref<626x16xf32, #tpu.memory_space<vmem_shared>>
      %dma_start3A_12 = arith.constant 0 : i32
      %dma_start3A_13 = tpu.memref_slice %arg9[%mul3A_2, %dma_start3A_12] : memref<10016x16xf32, #tpu.memory_space<vmem_shared>> -> memref<626x16xf32, #tpu.memory_space<vmem_shared>>
      tpu.enqueue_dma source(%dma_start3A_13 : memref<626x16xf32, #tpu.memory_space<vmem_shared>>) target(%arg8 : memref<626x16xf32, #tpu.memory_space<vmem>>) target_semaphore(%run_scoped3A : memref<!tpu.dma_semaphore, #tpu.memory_space<semaphore_mem>>)
      %dma_wait3A = arith.constant 0 : i32
      %dma_wait3A_14 = tpu.memref_slice %arg9[%mul3A_2, %dma_wait3A] : memref<10016x16xf32, #tpu.memory_space<vmem_shared>> -> memref<626x16xf32, #tpu.memory_space<vmem_shared>>
      %dma_wait3A_15 = arith.constant 0 : i32
      %dma_wait3A_16 = tpu.memref_slice %arg9[%mul3A_2, %dma_wait3A_15] : memref<10016x16xf32, #tpu.memory_space<vmem_shared>> -> memref<626x16xf32, #tpu.memory_space<vmem_shared>>
      tpu.wait_dma2 semaphore(%run_scoped3A : memref<!tpu.dma_semaphore, #tpu.memory_space<semaphore_mem>>) src(%dma_wait3A_16 : memref<626x16xf32, #tpu.memory_space<vmem_shared>>) dst(%arg8 : memref<626x16xf32, #tpu.memory_space<vmem>>)
      tpu.yield
    }) : () -> ()
    "tpu.region"() ({
      %run_scoped3A = tpu.sem_alloc : memref<!tpu.dma_semaphore, #tpu.memory_space<semaphore_mem>>
      %dma_start3A = arith.constant 0 : i32
      %dma_start3A_11 = arith.constant 0 : i32
      %dma_start3A_12 = tpu.memref_slice %arg5[%arg0, %dma_start3A, %dma_start3A_11] : memref<2x10016x16xf32, #tpu.memory_space<hbm>> -> memref<1x10016x16xf32, #tpu.memory_space<hbm>>
      %dma_start3A_13 = tpu.memref_squeeze %dma_start3A_12 : memref<1x10016x16xf32, #tpu.memory_space<hbm>> -> memref<10016x16xf32, #tpu.memory_space<hbm>>
      %dma_start3A_14 = arith.constant 0 : i32
      %dma_start3A_15 = tpu.memref_slice %dma_start3A_13[%mul3A_2, %dma_start3A_14] : memref<10016x16xf32, #tpu.memory_space<hbm>> -> memref<626x16xf32, #tpu.memory_space<hbm>>
      %dma_start3A_16 = arith.constant 0 : i32
      %dma_start3A_17 = arith.constant 0 : i32
      %dma_start3A_18 = tpu.memref_slice %arg5[%arg0, %dma_start3A_16, %dma_start3A_17] : memref<2x10016x16xf32, #tpu.memory_space<hbm>> -> memref<1x10016x16xf32, #tpu.memory_space<hbm>>
      %dma_start3A_19 = tpu.memref_squeeze %dma_start3A_18 : memref<1x10016x16xf32, #tpu.memory_space<hbm>> -> memref<10016x16xf32, #tpu.memory_space<hbm>>
      %dma_start3A_20 = arith.constant 0 : i32
      %dma_start3A_21 = tpu.memref_slice %dma_start3A_19[%mul3A_2, %dma_start3A_20] : memref<10016x16xf32, #tpu.memory_space<hbm>> -> memref<626x16xf32, #tpu.memory_space<hbm>>
      tpu.enqueue_dma source(%arg8 : memref<626x16xf32, #tpu.memory_space<vmem>>) target(%dma_start3A_21 : memref<626x16xf32, #tpu.memory_space<hbm>>) target_semaphore(%run_scoped3A : memref<!tpu.dma_semaphore, #tpu.memory_space<semaphore_mem>>)
      %dma_wait3A = arith.constant 0 : i32
      %dma_wait3A_22 = arith.constant 0 : i32
      %dma_wait3A_23 = tpu.memref_slice %arg5[%arg0, %dma_wait3A, %dma_wait3A_22] : memref<2x10016x16xf32, #tpu.memory_space<hbm>> -> memref<1x10016x16xf32, #tpu.memory_space<hbm>>
      %dma_wait3A_24 = tpu.memref_squeeze %dma_wait3A_23 : memref<1x10016x16xf32, #tpu.memory_space<hbm>> -> memref<10016x16xf32, #tpu.memory_space<hbm>>
      %dma_wait3A_25 = arith.constant 0 : i32
      %dma_wait3A_26 = tpu.memref_slice %dma_wait3A_24[%mul3A_2, %dma_wait3A_25] : memref<10016x16xf32, #tpu.memory_space<hbm>> -> memref<626x16xf32, #tpu.memory_space<hbm>>
      %dma_wait3A_27 = arith.constant 0 : i32
      %dma_wait3A_28 = arith.constant 0 : i32
      %dma_wait3A_29 = tpu.memref_slice %arg5[%arg0, %dma_wait3A_27, %dma_wait3A_28] : memref<2x10016x16xf32, #tpu.memory_space<hbm>> -> memref<1x10016x16xf32, #tpu.memory_space<hbm>>
      %dma_wait3A_30 = tpu.memref_squeeze %dma_wait3A_29 : memref<1x10016x16xf32, #tpu.memory_space<hbm>> -> memref<10016x16xf32, #tpu.memory_space<hbm>>
      %dma_wait3A_31 = arith.constant 0 : i32
      %dma_wait3A_32 = tpu.memref_slice %dma_wait3A_30[%mul3A_2, %dma_wait3A_31] : memref<10016x16xf32, #tpu.memory_space<hbm>> -> memref<626x16xf32, #tpu.memory_space<hbm>>
      tpu.wait_dma2 semaphore(%run_scoped3A : memref<!tpu.dma_semaphore, #tpu.memory_space<semaphore_mem>>) src(%arg8 : memref<626x16xf32, #tpu.memory_space<vmem>>) dst(%dma_wait3A_32 : memref<626x16xf32, #tpu.memory_space<hbm>>)
      tpu.yield
    }) : () -> ()
    return
  }
}

#map = affine_map<(d0, d1) -> (0, 0)>
#map1 = affine_map<(d0, d1) -> (0)>
module attributes {stable_mosaic.version = 14 : i64} {
  func.func @gather(%arg0: i32, %arg1: i32, %arg2: memref<10000x16xf32, #tpu.memory_space<hbm>>, %arg3: memref<163840xi32, #tpu.memory_space<hbm>>, %arg4: memref<163840x16xf32, #tpu.memory_space<hbm>>, %arg5: memref<128xi32, #tpu.memory_space<vmem>>, %arg6: memref<128x16xf32, #tpu.memory_space<vmem>>, %arg7: memref<!tpu.dma_semaphore, #tpu.memory_space<semaphore_mem>>) attributes {dimension_semantics = [#tpu.dimension_semantics<core_parallel>, #tpu.dimension_semantics<subcore_parallel>], iteration_bounds = array<i64: 2, 16>, scalar_prefetch = 0 : i64, scratch_operands = 3 : i64, tpu.core_type = #tpu.core_type<sc_vector_subcore>, window_params = [{transform_indices = #map}, {transform_indices = #map1}, {transform_indices = #map}]} {
    %mul3A = arith.constant 2 : i32
    %mul3A_0 = arith.muli %arg1, %mul3A : i32
    %add3A = arith.addi %mul3A_0, %arg0 : i32
    %mul3A_1 = arith.constant 5120 : i32
    %mul3A_2 = arith.muli %add3A, %mul3A_1 : i32
    %scan3A = arith.constant 0 : i32
    %scan3A_3 = arith.constant 0 : i32
    %scan3A_4 = arith.constant 40 : i32
    %scan3A_5 = arith.addi %scan3A_3, %scan3A_4 : i32
    %scan3A_6 = arith.constant 1 : i32
    scf.for %scan3A_8 = %scan3A_3 to %scan3A_5 step %scan3A_6  : i32 {
      %mul3A_9 = arith.constant 128 : i32
      %mul3A_10 = arith.muli %scan3A_8, %mul3A_9 : i32
      %add3A_11 = arith.addi %mul3A_2, %mul3A_10 : i32
      "tpu.region"() ({
        %run_scoped3A = tpu.sem_alloc : memref<!tpu.dma_semaphore, #tpu.memory_space<semaphore_mem>>
        %dma_start3A_16 = tpu.memref_slice %arg3[%add3A_11] : memref<163840xi32, #tpu.memory_space<hbm>> -> memref<128xi32, #tpu.memory_space<hbm>>
        %dma_start3A_17 = tpu.memref_slice %arg3[%add3A_11] : memref<163840xi32, #tpu.memory_space<hbm>> -> memref<128xi32, #tpu.memory_space<hbm>>
        tpu.enqueue_dma source(%dma_start3A_17 : memref<128xi32, #tpu.memory_space<hbm>>) target(%arg5 : memref<128xi32, #tpu.memory_space<vmem>>) target_semaphore(%run_scoped3A : memref<!tpu.dma_semaphore, #tpu.memory_space<semaphore_mem>>)
        %dma_wait3A_18 = tpu.memref_slice %arg3[%add3A_11] : memref<163840xi32, #tpu.memory_space<hbm>> -> memref<128xi32, #tpu.memory_space<hbm>>
        %dma_wait3A_19 = tpu.memref_slice %arg3[%add3A_11] : memref<163840xi32, #tpu.memory_space<hbm>> -> memref<128xi32, #tpu.memory_space<hbm>>
        tpu.wait_dma2 semaphore(%run_scoped3A : memref<!tpu.dma_semaphore, #tpu.memory_space<semaphore_mem>>) src(%dma_wait3A_19 : memref<128xi32, #tpu.memory_space<hbm>>) dst(%arg5 : memref<128xi32, #tpu.memory_space<vmem>>)
        tpu.yield
      }) : () -> ()
      %dma_start3A = arith.constant 0 : i32
      %dma_start3A_12 = arith.constant 0 : i32
      %dma_start3A_13 = tpu.memref_slice %arg2[%dma_start3A, %dma_start3A_12] : memref<10000x16xf32, #tpu.memory_space<hbm>> -> memref<10000x16xf32, #tpu.memory_space<hbm>>
      tpu.enqueue_indirect_dma source(%dma_start3A_13 : memref<10000x16xf32, #tpu.memory_space<hbm>>) target(%arg6 : memref<128x16xf32, #tpu.memory_space<vmem>>) offsets(%arg5 : memref<128xi32, #tpu.memory_space<vmem>>) semaphore(%arg7 : memref<!tpu.dma_semaphore, #tpu.memory_space<semaphore_mem>>)
      %dma_wait3A = arith.constant 0 : i32
      %dma_wait3A_14 = arith.constant 0 : i32
      %dma_wait3A_15 = tpu.memref_slice %arg2[%dma_wait3A, %dma_wait3A_14] : memref<10000x16xf32, #tpu.memory_space<hbm>> -> memref<10000x16xf32, #tpu.memory_space<hbm>>
      tpu.wait_indirect_dma semaphore(%arg7 : memref<!tpu.dma_semaphore, #tpu.memory_space<semaphore_mem>>) src(%dma_wait3A_15 : memref<10000x16xf32, #tpu.memory_space<hbm>>) dst(%arg6 : memref<128x16xf32, #tpu.memory_space<vmem>>)
      "tpu.region"() ({
        %run_scoped3A = tpu.sem_alloc : memref<!tpu.dma_semaphore, #tpu.memory_space<semaphore_mem>>
        %dma_start3A_16 = arith.constant 0 : i32
        %dma_start3A_17 = tpu.memref_slice %arg4[%add3A_11, %dma_start3A_16] : memref<163840x16xf32, #tpu.memory_space<hbm>> -> memref<128x16xf32, #tpu.memory_space<hbm>>
        %dma_start3A_18 = arith.constant 0 : i32
        %dma_start3A_19 = tpu.memref_slice %arg4[%add3A_11, %dma_start3A_18] : memref<163840x16xf32, #tpu.memory_space<hbm>> -> memref<128x16xf32, #tpu.memory_space<hbm>>
        tpu.enqueue_dma source(%arg6 : memref<128x16xf32, #tpu.memory_space<vmem>>) target(%dma_start3A_19 : memref<128x16xf32, #tpu.memory_space<hbm>>) target_semaphore(%run_scoped3A : memref<!tpu.dma_semaphore, #tpu.memory_space<semaphore_mem>>)
        %dma_wait3A_20 = arith.constant 0 : i32
        %dma_wait3A_21 = tpu.memref_slice %arg4[%add3A_11, %dma_wait3A_20] : memref<163840x16xf32, #tpu.memory_space<hbm>> -> memref<128x16xf32, #tpu.memory_space<hbm>>
        %dma_wait3A_22 = arith.constant 0 : i32
        %dma_wait3A_23 = tpu.memref_slice %arg4[%add3A_11, %dma_wait3A_22] : memref<163840x16xf32, #tpu.memory_space<hbm>> -> memref<128x16xf32, #tpu.memory_space<hbm>>
        tpu.wait_dma2 semaphore(%run_scoped3A : memref<!tpu.dma_semaphore, #tpu.memory_space<semaphore_mem>>) src(%arg6 : memref<128x16xf32, #tpu.memory_space<vmem>>) dst(%dma_wait3A_23 : memref<128x16xf32, #tpu.memory_space<hbm>>)
        tpu.yield
      }) : () -> ()
    }
    %scan3A_7 = arith.constant 40 : i32
    return
  }
}

#map = affine_map<(d0, d1) -> (0, 0)>
#map1 = affine_map<(d0, d1) -> (0)>
module attributes {stable_mosaic.version = 14 : i64} {
  func.func @gather(%arg0: i32, %arg1: i32, %arg2: memref<10000x16xf32, #tpu.memory_space<hbm>>, %arg3: memref<163840xi32, #tpu.memory_space<hbm>>, %arg4: memref<163840x16xf32, #tpu.memory_space<hbm>>, %arg5: memref<128xi32, #tpu.memory_space<vmem>>, %arg6: memref<128x16xf32, #tpu.memory_space<vmem>>, %arg7: memref<!tpu.dma_semaphore, #tpu.memory_space<semaphore_mem>>) attributes {dimension_semantics = [#tpu.dimension_semantics<core_parallel>, #tpu.dimension_semantics<subcore_parallel>], iteration_bounds = array<i64: 2, 16>, scalar_prefetch = 0 : i64, scratch_operands = 3 : i64, tpu.core_type = #tpu.core_type<sc_vector_subcore>, window_params = [{transform_indices = #map}, {transform_indices = #map1}, {transform_indices = #map}]} {
    %mul3A = arith.constant 2 : i32
    %mul3A_0 = arith.muli %arg1, %mul3A : i32
    %add3A = arith.addi %mul3A_0, %arg0 : i32
    %mul3A_1 = arith.constant 5120 : i32
    %mul3A_2 = arith.muli %add3A, %mul3A_1 : i32
    %scan3A = arith.constant 0 : i32
    %scan3A_3 = arith.constant 0 : i32
    %scan3A_4 = arith.constant 40 : i32
    %scan3A_5 = arith.addi %scan3A_3, %scan3A_4 : i32
    %scan3A_6 = arith.constant 1 : i32
    scf.for %scan3A_8 = %scan3A_3 to %scan3A_5 step %scan3A_6  : i32 {
      %mul3A_9 = arith.constant 128 : i32
      %mul3A_10 = arith.muli %scan3A_8, %mul3A_9 : i32
      %add3A_11 = arith.addi %mul3A_2, %mul3A_10 : i32
      "tpu.region"() ({
        %run_scoped3A = tpu.sem_alloc : memref<!tpu.dma_semaphore, #tpu.memory_space<semaphore_mem>>
        %dma_start3A_16 = tpu.memref_slice %arg3[%add3A_11] : memref<163840xi32, #tpu.memory_space<hbm>> -> memref<128xi32, #tpu.memory_space<hbm>>
        %dma_start3A_17 = tpu.memref_slice %arg3[%add3A_11] : memref<163840xi32, #tpu.memory_space<hbm>> -> memref<128xi32, #tpu.memory_space<hbm>>
        tpu.enqueue_dma source(%dma_start3A_17 : memref<128xi32, #tpu.memory_space<hbm>>) target(%arg5 : memref<128xi32, #tpu.memory_space<vmem>>) target_semaphore(%run_scoped3A : memref<!tpu.dma_semaphore, #tpu.memory_space<semaphore_mem>>)
        %dma_wait3A_18 = tpu.memref_slice %arg3[%add3A_11] : memref<163840xi32, #tpu.memory_space<hbm>> -> memref<128xi32, #tpu.memory_space<hbm>>
        %dma_wait3A_19 = tpu.memref_slice %arg3[%add3A_11] : memref<163840xi32, #tpu.memory_space<hbm>> -> memref<128xi32, #tpu.memory_space<hbm>>
        tpu.wait_dma2 semaphore(%run_scoped3A : memref<!tpu.dma_semaphore, #tpu.memory_space<semaphore_mem>>) src(%dma_wait3A_19 : memref<128xi32, #tpu.memory_space<hbm>>) dst(%arg5 : memref<128xi32, #tpu.memory_space<vmem>>)
        tpu.yield
      }) : () -> ()
      %dma_start3A = arith.constant 0 : i32
      %dma_start3A_12 = arith.constant 0 : i32
      %dma_start3A_13 = tpu.memref_slice %arg2[%dma_start3A, %dma_start3A_12] : memref<10000x16xf32, #tpu.memory_space<hbm>> -> memref<10000x16xf32, #tpu.memory_space<hbm>>
      tpu.enqueue_indirect_dma source(%dma_start3A_13 : memref<10000x16xf32, #tpu.memory_space<hbm>>) target(%arg6 : memref<128x16xf32, #tpu.memory_space<vmem>>) offsets(%arg5 : memref<128xi32, #tpu.memory_space<vmem>>) semaphore(%arg7 : memref<!tpu.dma_semaphore, #tpu.memory_space<semaphore_mem>>)
      %dma_wait3A = arith.constant 0 : i32
      %dma_wait3A_14 = arith.constant 0 : i32
      %dma_wait3A_15 = tpu.memref_slice %arg2[%dma_wait3A, %dma_wait3A_14] : memref<10000x16xf32, #tpu.memory_space<hbm>> -> memref<10000x16xf32, #tpu.memory_space<hbm>>
      tpu.wait_indirect_dma semaphore(%arg7 : memref<!tpu.dma_semaphore, #tpu.memory_space<semaphore_mem>>) src(%dma_wait3A_15 : memref<10000x16xf32, #tpu.memory_space<hbm>>) dst(%arg6 : memref<128x16xf32, #tpu.memory_space<vmem>>)
      "tpu.region"() ({
        %run_scoped3A = tpu.sem_alloc : memref<!tpu.dma_semaphore, #tpu.memory_space<semaphore_mem>>
        %dma_start3A_16 = arith.constant 0 : i32
        %dma_start3A_17 = tpu.memref_slice %arg4[%add3A_11, %dma_start3A_16] : memref<163840x16xf32, #tpu.memory_space<hbm>> -> memref<128x16xf32, #tpu.memory_space<hbm>>
        %dma_start3A_18 = arith.constant 0 : i32
        %dma_start3A_19 = tpu.memref_slice %arg4[%add3A_11, %dma_start3A_18] : memref<163840x16xf32, #tpu.memory_space<hbm>> -> memref<128x16xf32, #tpu.memory_space<hbm>>
        tpu.enqueue_dma source(%arg6 : memref<128x16xf32, #tpu.memory_space<vmem>>) target(%dma_start3A_19 : memref<128x16xf32, #tpu.memory_space<hbm>>) target_semaphore(%run_scoped3A : memref<!tpu.dma_semaphore, #tpu.memory_space<semaphore_mem>>)
        %dma_wait3A_20 = arith.constant 0 : i32
        %dma_wait3A_21 = tpu.memref_slice %arg4[%add3A_11, %dma_wait3A_20] : memref<163840x16xf32, #tpu.memory_space<hbm>> -> memref<128x16xf32, #tpu.memory_space<hbm>>
        %dma_wait3A_22 = arith.constant 0 : i32
        %dma_wait3A_23 = tpu.memref_slice %arg4[%add3A_11, %dma_wait3A_22] : memref<163840x16xf32, #tpu.memory_space<hbm>> -> memref<128x16xf32, #tpu.memory_space<hbm>>
        tpu.wait_dma2 semaphore(%run_scoped3A : memref<!tpu.dma_semaphore, #tpu.memory_space<semaphore_mem>>) src(%arg6 : memref<128x16xf32, #tpu.memory_space<vmem>>) dst(%dma_wait3A_23 : memref<128x16xf32, #tpu.memory_space<hbm>>)
        tpu.yield
      }) : () -> ()
    }
    %scan3A_7 = arith.constant 40 : i32
    return
  }
}

module attributes {stable_mosaic.version = 14 : i64} {
  func.func @body(%arg0: i32, %arg1: memref<10000x16xf32, #tpu.memory_space<vmem>>, %arg2: memref<8x16xf32, #tpu.memory_space<vmem>>, %arg3: memref<8x16xf32, #tpu.memory_space<vmem>>) attributes {dimension_semantics = [#tpu.dimension_semantics<arbitrary>], iteration_bounds = array<i64: 1>, scalar_prefetch = 0 : i64, scratch_operands = 0 : i64, tpu.core_type = #tpu.core_type<tc>, window_params = [{transform_indices = @transform_0, window_bounds = array<i64: 10000, 16>}, {pipeline_mode = #tpu.pipeline_mode<synchronous>, transform_indices = @transform_1, window_bounds = array<i64: 8, 16>}, {pipeline_mode = #tpu.pipeline_mode<synchronous>, transform_indices = @transform_2, window_bounds = array<i64: 8, 16>}]} {
    %eq3A = arith.constant 0 : i32
    %eq3A_0 = arith.cmpi eq, %arg0, %eq3A : i32
    %convert_element_type3A = arith.extui %eq3A_0 : i1 to i32
    %cond3A = arith.constant 0 : i32
    %cond3A_1 = arith.cmpi ne, %convert_element_type3A, %cond3A : i32
    scf.if %cond3A_1 {
      %broadcast_in_dim3A_24 = arith.constant 0.000000e+00 : f32
      %broadcast_in_dim3A_25 = vector.broadcast %broadcast_in_dim3A_24 : f32 to vector<8x16xf32>
      %swap3A_26 = arith.constant 0 : index
      %swap3A_27 = arith.constant 0 : index
      %swap3A_28 = vector.load %arg2[%swap3A_26, %swap3A_27] : memref<8x16xf32, #tpu.memory_space<vmem>>, vector<8x16xf32>
      tpu.vector_store %arg2[%swap3A_26, %swap3A_27], %broadcast_in_dim3A_25 {strides = array<i32>} : memref<8x16xf32, #tpu.memory_space<vmem>>, vector<8x16xf32>,
      %broadcast_in_dim3A_29 = arith.constant 0.000000e+00 : f32
      %broadcast_in_dim3A_30 = vector.broadcast %broadcast_in_dim3A_29 : f32 to vector<8x16xf32>
      %swap3A_31 = arith.constant 0 : index
      %swap3A_32 = arith.constant 0 : index
      %swap3A_33 = vector.load %arg3[%swap3A_31, %swap3A_32] : memref<8x16xf32, #tpu.memory_space<vmem>>, vector<8x16xf32>
      tpu.vector_store %arg3[%swap3A_31, %swap3A_32], %broadcast_in_dim3A_30 {strides = array<i32>} : memref<8x16xf32, #tpu.memory_space<vmem>>, vector<8x16xf32>,
    } else {
    }
    %get3A = arith.constant 0 : index
    %get3A_2 = arith.constant 0 : index
    %get3A_3 = vector.load %arg1[%get3A, %get3A_2] : memref<10000x16xf32, #tpu.memory_space<vmem>>, vector<10000x16xf32>
    %get3A_4 = arith.constant 0 : index
    %get3A_5 = arith.constant 0 : index
    %get3A_6 = vector.load %arg2[%get3A_4, %get3A_5] : memref<8x16xf32, #tpu.memory_space<vmem>>, vector<8x16xf32>
    %reduce_sum3A = arith.constant dense<0.000000e+00> : vector<16xf32>
    %reduce_sum3A_7 = vector.multi_reduction <add>, %get3A_3, %reduce_sum3A [0] : vector<10000x16xf32> to vector<16xf32>
    %broadcast_in_dim3A = vector.shape_cast %reduce_sum3A_7 : vector<16xf32> to vector<1x16xf32>
    %broadcast_in_dim3A_8 = vector.shape_cast %broadcast_in_dim3A : vector<1x16xf32> to vector<1x16xf32>
    %broadcast_in_dim3A_9 = vector.broadcast %broadcast_in_dim3A_8 : vector<1x16xf32> to vector<8x16xf32>
    %add3A = arith.addf %get3A_6, %broadcast_in_dim3A_9 : vector<8x16xf32>
    %swap3A = arith.constant 0 : index
    %swap3A_10 = arith.constant 0 : index
    %swap3A_11 = vector.load %arg2[%swap3A, %swap3A_10] : memref<8x16xf32, #tpu.memory_space<vmem>>, vector<8x16xf32>
    tpu.vector_store %arg2[%swap3A, %swap3A_10], %add3A {strides = array<i32>} : memref<8x16xf32, #tpu.memory_space<vmem>>, vector<8x16xf32>,
    %get3A_12 = arith.constant 0 : index
    %get3A_13 = arith.constant 0 : index
    %get3A_14 = vector.load %arg3[%get3A_12, %get3A_13] : memref<8x16xf32, #tpu.memory_space<vmem>>, vector<8x16xf32>
    %mul3A = arith.mulf %get3A_3, %get3A_3 : vector<10000x16xf32>
    %reduce_sum3A_15 = arith.constant dense<0.000000e+00> : vector<16xf32>
    %reduce_sum3A_16 = vector.multi_reduction <add>, %mul3A, %reduce_sum3A_15 [0] : vector<10000x16xf32> to vector<16xf32>
    %broadcast_in_dim3A_17 = vector.shape_cast %reduce_sum3A_16 : vector<16xf32> to vector<1x16xf32>
    %broadcast_in_dim3A_18 = vector.shape_cast %broadcast_in_dim3A_17 : vector<1x16xf32> to vector<1x16xf32>
    %broadcast_in_dim3A_19 = vector.broadcast %broadcast_in_dim3A_18 : vector<1x16xf32> to vector<8x16xf32>
    %add3A_20 = arith.addf %get3A_14, %broadcast_in_dim3A_19 : vector<8x16xf32>
    %swap3A_21 = arith.constant 0 : index
    %swap3A_22 = arith.constant 0 : index
    %swap3A_23 = vector.load %arg3[%swap3A_21, %swap3A_22] : memref<8x16xf32, #tpu.memory_space<vmem>>, vector<8x16xf32>
    tpu.vector_store %arg3[%swap3A_21, %swap3A_22], %add3A_20 {strides = array<i32>} : memref<8x16xf32, #tpu.memory_space<vmem>>, vector<8x16xf32>,
    return
  }
  func.func @transform_0(%arg0: i32) -> (i32, i32) {
    %c0_i32 = arith.constant 0 : i32
    %c0_i32_0 = arith.constant 0 : i32
    return %arg0, %c0_i32 : i32, i32
  }
  func.func @transform_1(%arg0: i32) -> (i32, i32) {
    %c0_i32 = arith.constant 0 : i32
    %c0_i32_0 = arith.constant 0 : i32
    %c0_i32_1 = arith.constant 0 : i32
    return %c0_i32, %c0_i32_0 : i32, i32
  }
  func.func @transform_2(%arg0: i32) -> (i32, i32) {
    %c0_i32 = arith.constant 0 : i32
    %c0_i32_0 = arith.constant 0 : i32
    %c0_i32_1 = arith.constant 0 : i32
    return %c0_i32, %c0_i32_0 : i32, i32
  }
}

module attributes {stable_mosaic.version = 14 : i64} {
  func.func @body(%arg0: i32, %arg1: memref<2000x19xf32, #tpu.memory_space<vmem>>, %arg2: memref<8x19xf32, #tpu.memory_space<vmem>>, %arg3: memref<8x19xf32, #tpu.memory_space<vmem>>) attributes {dimension_semantics = [#tpu.dimension_semantics<arbitrary>], iteration_bounds = array<i64: 80>, scalar_prefetch = 0 : i64, scratch_operands = 0 : i64, tpu.core_type = #tpu.core_type<tc>, window_params = [{transform_indices = @transform_0, window_bounds = array<i64: 2000, 19>}, {pipeline_mode = #tpu.pipeline_mode<synchronous>, transform_indices = @transform_1, window_bounds = array<i64: 8, 19>}, {pipeline_mode = #tpu.pipeline_mode<synchronous>, transform_indices = @transform_2, window_bounds = array<i64: 8, 19>}]} {
    %eq3A = arith.constant 0 : i32
    %eq3A_0 = arith.cmpi eq, %arg0, %eq3A : i32
    %convert_element_type3A = arith.extui %eq3A_0 : i1 to i32
    %cond3A = arith.constant 0 : i32
    %cond3A_1 = arith.cmpi ne, %convert_element_type3A, %cond3A : i32
    scf.if %cond3A_1 {
      %broadcast_in_dim3A_24 = arith.constant 0.000000e+00 : f32
      %broadcast_in_dim3A_25 = vector.broadcast %broadcast_in_dim3A_24 : f32 to vector<8x19xf32>
      %swap3A_26 = arith.constant 0 : index
      %swap3A_27 = arith.constant 0 : index
      %swap3A_28 = vector.load %arg2[%swap3A_26, %swap3A_27] : memref<8x19xf32, #tpu.memory_space<vmem>>, vector<8x19xf32>
      tpu.vector_store %arg2[%swap3A_26, %swap3A_27], %broadcast_in_dim3A_25 {strides = array<i32>} : memref<8x19xf32, #tpu.memory_space<vmem>>, vector<8x19xf32>,
      %broadcast_in_dim3A_29 = arith.constant 0.000000e+00 : f32
      %broadcast_in_dim3A_30 = vector.broadcast %broadcast_in_dim3A_29 : f32 to vector<8x19xf32>
      %swap3A_31 = arith.constant 0 : index
      %swap3A_32 = arith.constant 0 : index
      %swap3A_33 = vector.load %arg3[%swap3A_31, %swap3A_32] : memref<8x19xf32, #tpu.memory_space<vmem>>, vector<8x19xf32>
      tpu.vector_store %arg3[%swap3A_31, %swap3A_32], %broadcast_in_dim3A_30 {strides = array<i32>} : memref<8x19xf32, #tpu.memory_space<vmem>>, vector<8x19xf32>,
    } else {
    }
    %get3A = arith.constant 0 : index
    %get3A_2 = arith.constant 0 : index
    %get3A_3 = vector.load %arg1[%get3A, %get3A_2] : memref<2000x19xf32, #tpu.memory_space<vmem>>, vector<2000x19xf32>
    %get3A_4 = arith.constant 0 : index
    %get3A_5 = arith.constant 0 : index
    %get3A_6 = vector.load %arg2[%get3A_4, %get3A_5] : memref<8x19xf32, #tpu.memory_space<vmem>>, vector<8x19xf32>
    %reduce_sum3A = arith.constant dense<0.000000e+00> : vector<19xf32>
    %reduce_sum3A_7 = vector.multi_reduction <add>, %get3A_3, %reduce_sum3A [0] : vector<2000x19xf32> to vector<19xf32>
    %broadcast_in_dim3A = vector.shape_cast %reduce_sum3A_7 : vector<19xf32> to vector<1x19xf32>
    %broadcast_in_dim3A_8 = vector.shape_cast %broadcast_in_dim3A : vector<1x19xf32> to vector<1x19xf32>
    %broadcast_in_dim3A_9 = vector.broadcast %broadcast_in_dim3A_8 : vector<1x19xf32> to vector<8x19xf32>
    %add3A = arith.addf %get3A_6, %broadcast_in_dim3A_9 : vector<8x19xf32>
    %swap3A = arith.constant 0 : index
    %swap3A_10 = arith.constant 0 : index
    %swap3A_11 = vector.load %arg2[%swap3A, %swap3A_10] : memref<8x19xf32, #tpu.memory_space<vmem>>, vector<8x19xf32>
    tpu.vector_store %arg2[%swap3A, %swap3A_10], %add3A {strides = array<i32>} : memref<8x19xf32, #tpu.memory_space<vmem>>, vector<8x19xf32>,
    %get3A_12 = arith.constant 0 : index
    %get3A_13 = arith.constant 0 : index
    %get3A_14 = vector.load %arg3[%get3A_12, %get3A_13] : memref<8x19xf32, #tpu.memory_space<vmem>>, vector<8x19xf32>
    %mul3A = arith.mulf %get3A_3, %get3A_3 : vector<2000x19xf32>
    %reduce_sum3A_15 = arith.constant dense<0.000000e+00> : vector<19xf32>
    %reduce_sum3A_16 = vector.multi_reduction <add>, %mul3A, %reduce_sum3A_15 [0] : vector<2000x19xf32> to vector<19xf32>
    %broadcast_in_dim3A_17 = vector.shape_cast %reduce_sum3A_16 : vector<19xf32> to vector<1x19xf32>
    %broadcast_in_dim3A_18 = vector.shape_cast %broadcast_in_dim3A_17 : vector<1x19xf32> to vector<1x19xf32>
    %broadcast_in_dim3A_19 = vector.broadcast %broadcast_in_dim3A_18 : vector<1x19xf32> to vector<8x19xf32>
    %add3A_20 = arith.addf %get3A_14, %broadcast_in_dim3A_19 : vector<8x19xf32>
    %swap3A_21 = arith.constant 0 : index
    %swap3A_22 = arith.constant 0 : index
    %swap3A_23 = vector.load %arg3[%swap3A_21, %swap3A_22] : memref<8x19xf32, #tpu.memory_space<vmem>>, vector<8x19xf32>
    tpu.vector_store %arg3[%swap3A_21, %swap3A_22], %add3A_20 {strides = array<i32>} : memref<8x19xf32, #tpu.memory_space<vmem>>, vector<8x19xf32>,
    return
  }
  func.func @transform_0(%arg0: i32) -> (i32, i32) {
    %c0_i32 = arith.constant 0 : i32
    %c0_i32_0 = arith.constant 0 : i32
    return %arg0, %c0_i32 : i32, i32
  }
  func.func @transform_1(%arg0: i32) -> (i32, i32) {
    %c0_i32 = arith.constant 0 : i32
    %c0_i32_0 = arith.constant 0 : i32
    %c0_i32_1 = arith.constant 0 : i32
    return %c0_i32, %c0_i32_0 : i32, i32
  }
  func.func @transform_2(%arg0: i32) -> (i32, i32) {
    %c0_i32 = arith.constant 0 : i32
    %c0_i32_0 = arith.constant 0 : i32
    %c0_i32_1 = arith.constant 0 : i32
    return %c0_i32, %c0_i32_0 : i32, i32
  }
}

module attributes {stable_mosaic.version = 14 : i64} {
  func.func @body(%arg0: i32, %arg1: memref<2000x19xf32, #tpu.memory_space<vmem>>, %arg2: memref<8x19xf32, #tpu.memory_space<vmem>>, %arg3: memref<8x19xf32, #tpu.memory_space<vmem>>) attributes {dimension_semantics = [#tpu.dimension_semantics<arbitrary>], iteration_bounds = array<i64: 80>, scalar_prefetch = 0 : i64, scratch_operands = 0 : i64, tpu.core_type = #tpu.core_type<tc>, window_params = [{transform_indices = @transform_0, window_bounds = array<i64: 2000, 19>}, {pipeline_mode = #tpu.pipeline_mode<synchronous>, transform_indices = @transform_1, window_bounds = array<i64: 8, 19>}, {pipeline_mode = #tpu.pipeline_mode<synchronous>, transform_indices = @transform_2, window_bounds = array<i64: 8, 19>}]} {
    %eq3A = arith.constant 0 : i32
    %eq3A_0 = arith.cmpi eq, %arg0, %eq3A : i32
    %convert_element_type3A = arith.extui %eq3A_0 : i1 to i32
    %cond3A = arith.constant 0 : i32
    %cond3A_1 = arith.cmpi ne, %convert_element_type3A, %cond3A : i32
    scf.if %cond3A_1 {
      %broadcast_in_dim3A_16 = arith.constant 0.000000e+00 : f32
      %broadcast_in_dim3A_17 = vector.broadcast %broadcast_in_dim3A_16 : f32 to vector<8x19xf32>
      %swap3A_18 = arith.constant 0 : index
      %swap3A_19 = arith.constant 0 : index
      %swap3A_20 = vector.load %arg3[%swap3A_18, %swap3A_19] : memref<8x19xf32, #tpu.memory_space<vmem>>, vector<8x19xf32>
      tpu.vector_store %arg3[%swap3A_18, %swap3A_19], %broadcast_in_dim3A_17 {strides = array<i32>} : memref<8x19xf32, #tpu.memory_space<vmem>>, vector<8x19xf32>,
    } else {
    }
    %get3A = arith.constant 0 : index
    %get3A_2 = arith.constant 0 : index
    %get3A_3 = vector.load %arg1[%get3A, %get3A_2] : memref<2000x19xf32, #tpu.memory_space<vmem>>, vector<2000x19xf32>
    %get3A_4 = arith.constant 0 : index
    %get3A_5 = arith.constant 0 : index
    %get3A_6 = vector.load %arg2[%get3A_4, %get3A_5] : memref<8x19xf32, #tpu.memory_space<vmem>>, vector<1x19xf32>
    %sub3A = vector.broadcast %get3A_6 : vector<1x19xf32> to vector<2000x19xf32>
    %sub3A_7 = arith.subf %get3A_3, %sub3A : vector<2000x19xf32>
    %get3A_8 = arith.constant 0 : index
    %get3A_9 = arith.constant 0 : index
    %get3A_10 = vector.load %arg3[%get3A_8, %get3A_9] : memref<8x19xf32, #tpu.memory_space<vmem>>, vector<8x19xf32>
    %mul3A = arith.mulf %sub3A_7, %sub3A_7 : vector<2000x19xf32>
    %reduce_sum3A = arith.constant dense<0.000000e+00> : vector<19xf32>
    %reduce_sum3A_11 = vector.multi_reduction <add>, %mul3A, %reduce_sum3A [0] : vector<2000x19xf32> to vector<19xf32>
    %broadcast_in_dim3A = vector.shape_cast %reduce_sum3A_11 : vector<19xf32> to vector<1x19xf32>
    %broadcast_in_dim3A_12 = vector.shape_cast %broadcast_in_dim3A : vector<1x19xf32> to vector<1x19xf32>
    %broadcast_in_dim3A_13 = vector.broadcast %broadcast_in_dim3A_12 : vector<1x19xf32> to vector<8x19xf32>
    %add3A = arith.addf %get3A_10, %broadcast_in_dim3A_13 : vector<8x19xf32>
    %swap3A = arith.constant 0 : index
    %swap3A_14 = arith.constant 0 : index
    %swap3A_15 = vector.load %arg3[%swap3A, %swap3A_14] : memref<8x19xf32, #tpu.memory_space<vmem>>, vector<8x19xf32>
    tpu.vector_store %arg3[%swap3A, %swap3A_14], %add3A {strides = array<i32>} : memref<8x19xf32, #tpu.memory_space<vmem>>, vector<8x19xf32>,
    return
  }
  func.func @transform_0(%arg0: i32) -> (i32, i32) {
    %c0_i32 = arith.constant 0 : i32
    %c0_i32_0 = arith.constant 0 : i32
    return %arg0, %c0_i32 : i32, i32
  }
  func.func @transform_1(%arg0: i32) -> (i32, i32) {
    %c0_i32 = arith.constant 0 : i32
    %c0_i32_0 = arith.constant 0 : i32
    %c0_i32_1 = arith.constant 0 : i32
    return %c0_i32, %c0_i32_0 : i32, i32
  }
  func.func @transform_2(%arg0: i32) -> (i32, i32) {
    %c0_i32 = arith.constant 0 : i32
    %c0_i32_0 = arith.constant 0 : i32
    %c0_i32_1 = arith.constant 0 : i32
    return %c0_i32, %c0_i32_0 : i32, i32
  }
}

module attributes {stable_mosaic.version = 14 : i64} {
  func.func @body(%arg0: i32, %arg1: memref<2000x16xf32, #tpu.memory_space<vmem>>, %arg2: memref<8x16xf32, #tpu.memory_space<vmem>>, %arg3: memref<8x16xf32, #tpu.memory_space<vmem>>) attributes {dimension_semantics = [#tpu.dimension_semantics<arbitrary>], iteration_bounds = array<i64: 5>, scalar_prefetch = 0 : i64, scratch_operands = 0 : i64, tpu.core_type = #tpu.core_type<tc>, window_params = [{transform_indices = @transform_0, window_bounds = array<i64: 2000, 16>}, {pipeline_mode = #tpu.pipeline_mode<synchronous>, transform_indices = @transform_1, window_bounds = array<i64: 8, 16>}, {pipeline_mode = #tpu.pipeline_mode<synchronous>, transform_indices = @transform_2, window_bounds = array<i64: 8, 16>}]} {
    %eq3A = arith.constant 0 : i32
    %eq3A_0 = arith.cmpi eq, %arg0, %eq3A : i32
    %convert_element_type3A = arith.extui %eq3A_0 : i1 to i32
    %cond3A = arith.constant 0 : i32
    %cond3A_1 = arith.cmpi ne, %convert_element_type3A, %cond3A : i32
    scf.if %cond3A_1 {
      %broadcast_in_dim3A_16 = arith.constant 0.000000e+00 : f32
      %broadcast_in_dim3A_17 = vector.broadcast %broadcast_in_dim3A_16 : f32 to vector<8x16xf32>
      %swap3A_18 = arith.constant 0 : index
      %swap3A_19 = arith.constant 0 : index
      %swap3A_20 = vector.load %arg3[%swap3A_18, %swap3A_19] : memref<8x16xf32, #tpu.memory_space<vmem>>, vector<8x16xf32>
      tpu.vector_store %arg3[%swap3A_18, %swap3A_19], %broadcast_in_dim3A_17 {strides = array<i32>} : memref<8x16xf32, #tpu.memory_space<vmem>>, vector<8x16xf32>,
    } else {
    }
    %get3A = arith.constant 0 : index
    %get3A_2 = arith.constant 0 : index
    %get3A_3 = vector.load %arg1[%get3A, %get3A_2] : memref<2000x16xf32, #tpu.memory_space<vmem>>, vector<2000x16xf32>
    %get3A_4 = arith.constant 0 : index
    %get3A_5 = arith.constant 0 : index
    %get3A_6 = vector.load %arg2[%get3A_4, %get3A_5] : memref<8x16xf32, #tpu.memory_space<vmem>>, vector<1x16xf32>
    %sub3A = vector.broadcast %get3A_6 : vector<1x16xf32> to vector<2000x16xf32>
    %sub3A_7 = arith.subf %get3A_3, %sub3A : vector<2000x16xf32>
    %get3A_8 = arith.constant 0 : index
    %get3A_9 = arith.constant 0 : index
    %get3A_10 = vector.load %arg3[%get3A_8, %get3A_9] : memref<8x16xf32, #tpu.memory_space<vmem>>, vector<8x16xf32>
    %mul3A = arith.mulf %sub3A_7, %sub3A_7 : vector<2000x16xf32>
    %reduce_sum3A = arith.constant dense<0.000000e+00> : vector<16xf32>
    %reduce_sum3A_11 = vector.multi_reduction <add>, %mul3A, %reduce_sum3A [0] : vector<2000x16xf32> to vector<16xf32>
    %broadcast_in_dim3A = vector.shape_cast %reduce_sum3A_11 : vector<16xf32> to vector<1x16xf32>
    %broadcast_in_dim3A_12 = vector.shape_cast %broadcast_in_dim3A : vector<1x16xf32> to vector<1x16xf32>
    %broadcast_in_dim3A_13 = vector.broadcast %broadcast_in_dim3A_12 : vector<1x16xf32> to vector<8x16xf32>
    %add3A = arith.addf %get3A_10, %broadcast_in_dim3A_13 : vector<8x16xf32>
    %swap3A = arith.constant 0 : index
    %swap3A_14 = arith.constant 0 : index
    %swap3A_15 = vector.load %arg3[%swap3A, %swap3A_14] : memref<8x16xf32, #tpu.memory_space<vmem>>, vector<8x16xf32>
    tpu.vector_store %arg3[%swap3A, %swap3A_14], %add3A {strides = array<i32>} : memref<8x16xf32, #tpu.memory_space<vmem>>, vector<8x16xf32>,
    return
  }
  func.func @transform_0(%arg0: i32) -> (i32, i32) {
    %c0_i32 = arith.constant 0 : i32
    %c0_i32_0 = arith.constant 0 : i32
    return %arg0, %c0_i32 : i32, i32
  }
  func.func @transform_1(%arg0: i32) -> (i32, i32) {
    %c0_i32 = arith.constant 0 : i32
    %c0_i32_0 = arith.constant 0 : i32
    %c0_i32_1 = arith.constant 0 : i32
    return %c0_i32, %c0_i32_0 : i32, i32
  }
  func.func @transform_2(%arg0: i32) -> (i32, i32) {
    %c0_i32 = arith.constant 0 : i32
    %c0_i32_0 = arith.constant 0 : i32
    %c0_i32_1 = arith.constant 0 : i32
    return %c0_i32, %c0_i32_0 : i32, i32
  }
}

module attributes {stable_mosaic.version = 14 : i64} {
  func.func @body(%arg0: i32, %arg1: memref<2000x19xf32, #tpu.memory_space<vmem>>, %arg2: memref<8x19xf32, #tpu.memory_space<vmem>>, %arg3: memref<19x16xbf16, #tpu.memory_space<vmem>>, %arg4: memref<8x16xf32, #tpu.memory_space<vmem>>, %arg5: memref<2000x16xf32, #tpu.memory_space<vmem>>, %arg6: memref<8x16xf32, #tpu.memory_space<vmem>>, %arg7: memref<8x16xf32, #tpu.memory_space<vmem>>) attributes {dimension_semantics = [#tpu.dimension_semantics<arbitrary>], iteration_bounds = array<i64: 80>, scalar_prefetch = 0 : i64, scratch_operands = 0 : i64, tpu.core_type = #tpu.core_type<tc>, window_params = [{transform_indices = @transform_0, window_bounds = array<i64: 2000, 19>}, {pipeline_mode = #tpu.pipeline_mode<synchronous>, transform_indices = @transform_1, window_bounds = array<i64: 8, 19>}, {pipeline_mode = #tpu.pipeline_mode<synchronous>, transform_indices = @transform_2, window_bounds = array<i64: 19, 16>}, {pipeline_mode = #tpu.pipeline_mode<synchronous>, transform_indices = @transform_3, window_bounds = array<i64: 8, 16>}, {transform_indices = @transform_4, window_bounds = array<i64: 2000, 16>}, {pipeline_mode = #tpu.pipeline_mode<synchronous>, transform_indices = @transform_5, window_bounds = array<i64: 8, 16>}, {pipeline_mode = #tpu.pipeline_mode<synchronous>, transform_indices = @transform_6, window_bounds = array<i64: 8, 16>}]} {
    %get3A = arith.constant 0 : index
    %get3A_0 = arith.constant 0 : index
    %get3A_1 = vector.load %arg2[%get3A, %get3A_0] : memref<8x19xf32, #tpu.memory_space<vmem>>, vector<8x19xf32>
    %get3A_2 = arith.constant 0 : index
    %get3A_3 = arith.constant 0 : index
    %get3A_4 = vector.load %arg1[%get3A_2, %get3A_3] : memref<2000x19xf32, #tpu.memory_space<vmem>>, vector<2000x19xf32>
    %slice3A = vector.extract_strided_slice %get3A_1 {offsets = [0, 0], sizes = [1, 19], strides = [1, 1]} : vector<8x19xf32> to vector<1x19xf32>
    %sub3A = vector.broadcast %slice3A : vector<1x19xf32> to vector<2000x19xf32>
    %sub3A_5 = arith.subf %get3A_4, %sub3A : vector<2000x19xf32>
    %slice3A_6 = vector.extract_strided_slice %get3A_1 {offsets = [1, 0], sizes = [1, 19], strides = [1, 1]} : vector<8x19xf32> to vector<1x19xf32>
    %div3A = vector.broadcast %slice3A_6 : vector<1x19xf32> to vector<2000x19xf32>
    %div3A_7 = arith.divf %sub3A_5, %div3A : vector<2000x19xf32>
    %slice3A_8 = vector.extract_strided_slice %get3A_1 {offsets = [2, 0], sizes = [1, 19], strides = [1, 1]} : vector<8x19xf32> to vector<1x19xf32>
    %mul3A = vector.broadcast %slice3A_8 : vector<1x19xf32> to vector<2000x19xf32>
    %mul3A_9 = arith.mulf %div3A_7, %mul3A : vector<2000x19xf32>
    %slice3A_10 = vector.extract_strided_slice %get3A_1 {offsets = [3, 0], sizes = [1, 19], strides = [1, 1]} : vector<8x19xf32> to vector<1x19xf32>
    %add3A = vector.broadcast %slice3A_10 : vector<1x19xf32> to vector<2000x19xf32>
    %add3A_11 = arith.addf %mul3A_9, %add3A : vector<2000x19xf32>
    %convert_element_type3A = arith.truncf %add3A_11 : vector<2000x19xf32> to vector<2000x19xbf16>
    %get3A_12 = arith.constant 0 : index
    %get3A_13 = arith.constant 0 : index
    %get3A_14 = vector.load %arg3[%get3A_12, %get3A_13] : memref<19x16xbf16, #tpu.memory_space<vmem>>, vector<19x16xbf16>
    %dot_general3A = arith.constant dense<0.000000e+00> : vector<2000x16xf32>
    %dot_general3A_15 = tpu.matmul %convert_element_type3A, %get3A_14, %dot_general3A {dimension_numbers = #tpu.dot_dimension_numbers<[1], [0], [0], [1], [0, 0, 1, 1], [], []>, transpose_lhs_hint = false} : vector<2000x19xbf16>, vector<19x16xbf16>, vector<2000x16xf32> -> vector<2000x16xf32>
    %get3A_16 = arith.constant 0 : index
    %get3A_17 = arith.constant 0 : index
    %get3A_18 = vector.load %arg4[%get3A_16, %get3A_17] : memref<8x16xf32, #tpu.memory_space<vmem>>, vector<1x16xf32>
    %add3A_19 = vector.broadcast %get3A_18 : vector<1x16xf32> to vector<2000x16xf32>
    %add3A_20 = arith.addf %dot_general3A_15, %add3A_19 : vector<2000x16xf32>
    %max3A = arith.constant 0.000000e+00 : f32
    %max3A_21 = vector.broadcast %max3A : f32 to vector<2000x16xf32>
    %max3A_22 = arith.maximumf %add3A_20, %max3A_21 : vector<2000x16xf32>
    %swap3A = arith.constant 0 : index
    %swap3A_23 = arith.constant 0 : index
    %swap3A_24 = vector.load %arg5[%swap3A, %swap3A_23] : memref<2000x16xf32, #tpu.memory_space<vmem>>, vector<2000x16xf32>
    tpu.vector_store %arg5[%swap3A, %swap3A_23], %max3A_22 {strides = array<i32>} : memref<2000x16xf32, #tpu.memory_space<vmem>>, vector<2000x16xf32>,
    %eq3A = arith.constant 0 : i32
    %eq3A_25 = arith.cmpi eq, %arg0, %eq3A : i32
    %convert_element_type3A_26 = arith.extui %eq3A_25 : i1 to i32
    %cond3A = arith.constant 0 : i32
    %cond3A_27 = arith.cmpi ne, %convert_element_type3A_26, %cond3A : i32
    scf.if %cond3A_27 {
      %broadcast_in_dim3A_51 = arith.constant 0.000000e+00 : f32
      %broadcast_in_dim3A_52 = vector.broadcast %broadcast_in_dim3A_51 : f32 to vector<8x16xf32>
      %swap3A_53 = arith.constant 0 : index
      %swap3A_54 = arith.constant 0 : index
      %swap3A_55 = vector.load %arg6[%swap3A_53, %swap3A_54] : memref<8x16xf32, #tpu.memory_space<vmem>>, vector<8x16xf32>
      tpu.vector_store %arg6[%swap3A_53, %swap3A_54], %broadcast_in_dim3A_52 {strides = array<i32>} : memref<8x16xf32, #tpu.memory_space<vmem>>, vector<8x16xf32>,
      %broadcast_in_dim3A_56 = arith.constant 0.000000e+00 : f32
      %broadcast_in_dim3A_57 = vector.broadcast %broadcast_in_dim3A_56 : f32 to vector<8x16xf32>
      %swap3A_58 = arith.constant 0 : index
      %swap3A_59 = arith.constant 0 : index
      %swap3A_60 = vector.load %arg7[%swap3A_58, %swap3A_59] : memref<8x16xf32, #tpu.memory_space<vmem>>, vector<8x16xf32>
      tpu.vector_store %arg7[%swap3A_58, %swap3A_59], %broadcast_in_dim3A_57 {strides = array<i32>} : memref<8x16xf32, #tpu.memory_space<vmem>>, vector<8x16xf32>,
    } else {
    }
    %get3A_28 = arith.constant 0 : index
    %get3A_29 = arith.constant 0 : index
    %get3A_30 = vector.load %arg6[%get3A_28, %get3A_29] : memref<8x16xf32, #tpu.memory_space<vmem>>, vector<8x16xf32>
    %reduce_sum3A = arith.constant dense<0.000000e+00> : vector<16xf32>
    %reduce_sum3A_31 = vector.multi_reduction <add>, %max3A_22, %reduce_sum3A [0] : vector<2000x16xf32> to vector<16xf32>
    %broadcast_in_dim3A = vector.shape_cast %reduce_sum3A_31 : vector<16xf32> to vector<1x16xf32>
    %broadcast_in_dim3A_32 = vector.shape_cast %broadcast_in_dim3A : vector<1x16xf32> to vector<1x16xf32>
    %broadcast_in_dim3A_33 = vector.broadcast %broadcast_in_dim3A_32 : vector<1x16xf32> to vector<8x16xf32>
    %add3A_34 = arith.addf %get3A_30, %broadcast_in_dim3A_33 : vector<8x16xf32>
    %swap3A_35 = arith.constant 0 : index
    %swap3A_36 = arith.constant 0 : index
    %swap3A_37 = vector.load %arg6[%swap3A_35, %swap3A_36] : memref<8x16xf32, #tpu.memory_space<vmem>>, vector<8x16xf32>
    tpu.vector_store %arg6[%swap3A_35, %swap3A_36], %add3A_34 {strides = array<i32>} : memref<8x16xf32, #tpu.memory_space<vmem>>, vector<8x16xf32>,
    %get3A_38 = arith.constant 0 : index
    %get3A_39 = arith.constant 0 : index
    %get3A_40 = vector.load %arg7[%get3A_38, %get3A_39] : memref<8x16xf32, #tpu.memory_space<vmem>>, vector<8x16xf32>
    %mul3A_41 = arith.mulf %max3A_22, %max3A_22 : vector<2000x16xf32>
    %reduce_sum3A_42 = arith.constant dense<0.000000e+00> : vector<16xf32>
    %reduce_sum3A_43 = vector.multi_reduction <add>, %mul3A_41, %reduce_sum3A_42 [0] : vector<2000x16xf32> to vector<16xf32>
    %broadcast_in_dim3A_44 = vector.shape_cast %reduce_sum3A_43 : vector<16xf32> to vector<1x16xf32>
    %broadcast_in_dim3A_45 = vector.shape_cast %broadcast_in_dim3A_44 : vector<1x16xf32> to vector<1x16xf32>
    %broadcast_in_dim3A_46 = vector.broadcast %broadcast_in_dim3A_45 : vector<1x16xf32> to vector<8x16xf32>
    %add3A_47 = arith.addf %get3A_40, %broadcast_in_dim3A_46 : vector<8x16xf32>
    %swap3A_48 = arith.constant 0 : index
    %swap3A_49 = arith.constant 0 : index
    %swap3A_50 = vector.load %arg7[%swap3A_48, %swap3A_49] : memref<8x16xf32, #tpu.memory_space<vmem>>, vector<8x16xf32>
    tpu.vector_store %arg7[%swap3A_48, %swap3A_49], %add3A_47 {strides = array<i32>} : memref<8x16xf32, #tpu.memory_space<vmem>>, vector<8x16xf32>,
    return
  }
  func.func @transform_0(%arg0: i32) -> (i32, i32) {
    %c0_i32 = arith.constant 0 : i32
    %c0_i32_0 = arith.constant 0 : i32
    return %arg0, %c0_i32 : i32, i32
  }
  func.func @transform_1(%arg0: i32) -> (i32, i32) {
    %c0_i32 = arith.constant 0 : i32
    %c0_i32_0 = arith.constant 0 : i32
    %c0_i32_1 = arith.constant 0 : i32
    return %c0_i32, %c0_i32_0 : i32, i32
  }
  func.func @transform_2(%arg0: i32) -> (i32, i32) {
    %c0_i32 = arith.constant 0 : i32
    %c0_i32_0 = arith.constant 0 : i32
    %c0_i32_1 = arith.constant 0 : i32
    return %c0_i32, %c0_i32_0 : i32, i32
  }
  func.func @transform_3(%arg0: i32) -> (i32, i32) {
    %c0_i32 = arith.constant 0 : i32
    %c0_i32_0 = arith.constant 0 : i32
    %c0_i32_1 = arith.constant 0 : i32
    return %c0_i32, %c0_i32_0 : i32, i32
  }
  func.func @transform_4(%arg0: i32) -> (i32, i32) {
    %c0_i32 = arith.constant 0 : i32
    %c0_i32_0 = arith.constant 0 : i32
    return %arg0, %c0_i32 : i32, i32
  }
  func.func @transform_5(%arg0: i32) -> (i32, i32) {
    %c0_i32 = arith.constant 0 : i32
    %c0_i32_0 = arith.constant 0 : i32
    %c0_i32_1 = arith.constant 0 : i32
    return %c0_i32, %c0_i32_0 : i32, i32
  }
  func.func @transform_6(%arg0: i32) -> (i32, i32) {
    %c0_i32 = arith.constant 0 : i32
    %c0_i32_0 = arith.constant 0 : i32
    %c0_i32_1 = arith.constant 0 : i32
    return %c0_i32, %c0_i32_0 : i32, i32
  }
}

module attributes {stable_mosaic.version = 14 : i64} {
  func.func @body(%arg0: i32, %arg1: memref<2000x16xf32, #tpu.memory_space<vmem>>, %arg2: memref<8x16xf32, #tpu.memory_space<vmem>>, %arg3: memref<8x16xf32, #tpu.memory_space<vmem>>) attributes {dimension_semantics = [#tpu.dimension_semantics<arbitrary>], iteration_bounds = array<i64: 80>, scalar_prefetch = 0 : i64, scratch_operands = 0 : i64, tpu.core_type = #tpu.core_type<tc>, window_params = [{transform_indices = @transform_0, window_bounds = array<i64: 2000, 16>}, {pipeline_mode = #tpu.pipeline_mode<synchronous>, transform_indices = @transform_1, window_bounds = array<i64: 8, 16>}, {pipeline_mode = #tpu.pipeline_mode<synchronous>, transform_indices = @transform_2, window_bounds = array<i64: 8, 16>}]} {
    %eq3A = arith.constant 0 : i32
    %eq3A_0 = arith.cmpi eq, %arg0, %eq3A : i32
    %convert_element_type3A = arith.extui %eq3A_0 : i1 to i32
    %cond3A = arith.constant 0 : i32
    %cond3A_1 = arith.cmpi ne, %convert_element_type3A, %cond3A : i32
    scf.if %cond3A_1 {
      %broadcast_in_dim3A_16 = arith.constant 0.000000e+00 : f32
      %broadcast_in_dim3A_17 = vector.broadcast %broadcast_in_dim3A_16 : f32 to vector<8x16xf32>
      %swap3A_18 = arith.constant 0 : index
      %swap3A_19 = arith.constant 0 : index
      %swap3A_20 = vector.load %arg3[%swap3A_18, %swap3A_19] : memref<8x16xf32, #tpu.memory_space<vmem>>, vector<8x16xf32>
      tpu.vector_store %arg3[%swap3A_18, %swap3A_19], %broadcast_in_dim3A_17 {strides = array<i32>} : memref<8x16xf32, #tpu.memory_space<vmem>>, vector<8x16xf32>,
    } else {
    }
    %get3A = arith.constant 0 : index
    %get3A_2 = arith.constant 0 : index
    %get3A_3 = vector.load %arg1[%get3A, %get3A_2] : memref<2000x16xf32, #tpu.memory_space<vmem>>, vector<2000x16xf32>
    %get3A_4 = arith.constant 0 : index
    %get3A_5 = arith.constant 0 : index
    %get3A_6 = vector.load %arg2[%get3A_4, %get3A_5] : memref<8x16xf32, #tpu.memory_space<vmem>>, vector<1x16xf32>
    %sub3A = vector.broadcast %get3A_6 : vector<1x16xf32> to vector<2000x16xf32>
    %sub3A_7 = arith.subf %get3A_3, %sub3A : vector<2000x16xf32>
    %get3A_8 = arith.constant 0 : index
    %get3A_9 = arith.constant 0 : index
    %get3A_10 = vector.load %arg3[%get3A_8, %get3A_9] : memref<8x16xf32, #tpu.memory_space<vmem>>, vector<8x16xf32>
    %mul3A = arith.mulf %sub3A_7, %sub3A_7 : vector<2000x16xf32>
    %reduce_sum3A = arith.constant dense<0.000000e+00> : vector<16xf32>
    %reduce_sum3A_11 = vector.multi_reduction <add>, %mul3A, %reduce_sum3A [0] : vector<2000x16xf32> to vector<16xf32>
    %broadcast_in_dim3A = vector.shape_cast %reduce_sum3A_11 : vector<16xf32> to vector<1x16xf32>
    %broadcast_in_dim3A_12 = vector.shape_cast %broadcast_in_dim3A : vector<1x16xf32> to vector<1x16xf32>
    %broadcast_in_dim3A_13 = vector.broadcast %broadcast_in_dim3A_12 : vector<1x16xf32> to vector<8x16xf32>
    %add3A = arith.addf %get3A_10, %broadcast_in_dim3A_13 : vector<8x16xf32>
    %swap3A = arith.constant 0 : index
    %swap3A_14 = arith.constant 0 : index
    %swap3A_15 = vector.load %arg3[%swap3A, %swap3A_14] : memref<8x16xf32, #tpu.memory_space<vmem>>, vector<8x16xf32>
    tpu.vector_store %arg3[%swap3A, %swap3A_14], %add3A {strides = array<i32>} : memref<8x16xf32, #tpu.memory_space<vmem>>, vector<8x16xf32>,
    return
  }
  func.func @transform_0(%arg0: i32) -> (i32, i32) {
    %c0_i32 = arith.constant 0 : i32
    %c0_i32_0 = arith.constant 0 : i32
    return %arg0, %c0_i32 : i32, i32
  }
  func.func @transform_1(%arg0: i32) -> (i32, i32) {
    %c0_i32 = arith.constant 0 : i32
    %c0_i32_0 = arith.constant 0 : i32
    %c0_i32_1 = arith.constant 0 : i32
    return %c0_i32, %c0_i32_0 : i32, i32
  }
  func.func @transform_2(%arg0: i32) -> (i32, i32) {
    %c0_i32 = arith.constant 0 : i32
    %c0_i32_0 = arith.constant 0 : i32
    %c0_i32_1 = arith.constant 0 : i32
    return %c0_i32, %c0_i32_0 : i32, i32
  }
}

module attributes {stable_mosaic.version = 14 : i64} {
  func.func @body(%arg0: i32, %arg1: memref<2000x16xf32, #tpu.memory_space<vmem>>, %arg2: memref<8x16xf32, #tpu.memory_space<vmem>>, %arg3: memref<16x16xbf16, #tpu.memory_space<vmem>>, %arg4: memref<8x16xf32, #tpu.memory_space<vmem>>, %arg5: memref<2000x16xf32, #tpu.memory_space<vmem>>, %arg6: memref<8x16xf32, #tpu.memory_space<vmem>>, %arg7: memref<8x16xf32, #tpu.memory_space<vmem>>) attributes {dimension_semantics = [#tpu.dimension_semantics<arbitrary>], iteration_bounds = array<i64: 80>, scalar_prefetch = 0 : i64, scratch_operands = 0 : i64, tpu.core_type = #tpu.core_type<tc>, window_params = [{transform_indices = @transform_0, window_bounds = array<i64: 2000, 16>}, {pipeline_mode = #tpu.pipeline_mode<synchronous>, transform_indices = @transform_1, window_bounds = array<i64: 8, 16>}, {pipeline_mode = #tpu.pipeline_mode<synchronous>, transform_indices = @transform_2, window_bounds = array<i64: 16, 16>}, {pipeline_mode = #tpu.pipeline_mode<synchronous>, transform_indices = @transform_3, window_bounds = array<i64: 8, 16>}, {transform_indices = @transform_4, window_bounds = array<i64: 2000, 16>}, {pipeline_mode = #tpu.pipeline_mode<synchronous>, transform_indices = @transform_5, window_bounds = array<i64: 8, 16>}, {pipeline_mode = #tpu.pipeline_mode<synchronous>, transform_indices = @transform_6, window_bounds = array<i64: 8, 16>}]} {
    %get3A = arith.constant 0 : index
    %get3A_0 = arith.constant 0 : index
    %get3A_1 = vector.load %arg2[%get3A, %get3A_0] : memref<8x16xf32, #tpu.memory_space<vmem>>, vector<8x16xf32>
    %get3A_2 = arith.constant 0 : index
    %get3A_3 = arith.constant 0 : index
    %get3A_4 = vector.load %arg1[%get3A_2, %get3A_3] : memref<2000x16xf32, #tpu.memory_space<vmem>>, vector<2000x16xf32>
    %slice3A = vector.extract_strided_slice %get3A_1 {offsets = [0, 0], sizes = [1, 16], strides = [1, 1]} : vector<8x16xf32> to vector<1x16xf32>
    %sub3A = vector.broadcast %slice3A : vector<1x16xf32> to vector<2000x16xf32>
    %sub3A_5 = arith.subf %get3A_4, %sub3A : vector<2000x16xf32>
    %slice3A_6 = vector.extract_strided_slice %get3A_1 {offsets = [1, 0], sizes = [1, 16], strides = [1, 1]} : vector<8x16xf32> to vector<1x16xf32>
    %div3A = vector.broadcast %slice3A_6 : vector<1x16xf32> to vector<2000x16xf32>
    %div3A_7 = arith.divf %sub3A_5, %div3A : vector<2000x16xf32>
    %slice3A_8 = vector.extract_strided_slice %get3A_1 {offsets = [2, 0], sizes = [1, 16], strides = [1, 1]} : vector<8x16xf32> to vector<1x16xf32>
    %mul3A = vector.broadcast %slice3A_8 : vector<1x16xf32> to vector<2000x16xf32>
    %mul3A_9 = arith.mulf %div3A_7, %mul3A : vector<2000x16xf32>
    %slice3A_10 = vector.extract_strided_slice %get3A_1 {offsets = [3, 0], sizes = [1, 16], strides = [1, 1]} : vector<8x16xf32> to vector<1x16xf32>
    %add3A = vector.broadcast %slice3A_10 : vector<1x16xf32> to vector<2000x16xf32>
    %add3A_11 = arith.addf %mul3A_9, %add3A : vector<2000x16xf32>
    %convert_element_type3A = arith.truncf %add3A_11 : vector<2000x16xf32> to vector<2000x16xbf16>
    %get3A_12 = arith.constant 0 : index
    %get3A_13 = arith.constant 0 : index
    %get3A_14 = vector.load %arg3[%get3A_12, %get3A_13] : memref<16x16xbf16, #tpu.memory_space<vmem>>, vector<16x16xbf16>
    %dot_general3A = arith.constant dense<0.000000e+00> : vector<2000x16xf32>
    %dot_general3A_15 = tpu.matmul %convert_element_type3A, %get3A_14, %dot_general3A {dimension_numbers = #tpu.dot_dimension_numbers<[1], [0], [0], [1], [0, 0, 1, 1], [], []>, transpose_lhs_hint = false} : vector<2000x16xbf16>, vector<16x16xbf16>, vector<2000x16xf32> -> vector<2000x16xf32>
    %get3A_16 = arith.constant 0 : index
    %get3A_17 = arith.constant 0 : index
    %get3A_18 = vector.load %arg4[%get3A_16, %get3A_17] : memref<8x16xf32, #tpu.memory_space<vmem>>, vector<1x16xf32>
    %add3A_19 = vector.broadcast %get3A_18 : vector<1x16xf32> to vector<2000x16xf32>
    %add3A_20 = arith.addf %dot_general3A_15, %add3A_19 : vector<2000x16xf32>
    %max3A = arith.constant 0.000000e+00 : f32
    %max3A_21 = vector.broadcast %max3A : f32 to vector<2000x16xf32>
    %max3A_22 = arith.maximumf %add3A_20, %max3A_21 : vector<2000x16xf32>
    %swap3A = arith.constant 0 : index
    %swap3A_23 = arith.constant 0 : index
    %swap3A_24 = vector.load %arg5[%swap3A, %swap3A_23] : memref<2000x16xf32, #tpu.memory_space<vmem>>, vector<2000x16xf32>
    tpu.vector_store %arg5[%swap3A, %swap3A_23], %max3A_22 {strides = array<i32>} : memref<2000x16xf32, #tpu.memory_space<vmem>>, vector<2000x16xf32>,
    %eq3A = arith.constant 0 : i32
    %eq3A_25 = arith.cmpi eq, %arg0, %eq3A : i32
    %convert_element_type3A_26 = arith.extui %eq3A_25 : i1 to i32
    %cond3A = arith.constant 0 : i32
    %cond3A_27 = arith.cmpi ne, %convert_element_type3A_26, %cond3A : i32
    scf.if %cond3A_27 {
      %broadcast_in_dim3A_51 = arith.constant 0.000000e+00 : f32
      %broadcast_in_dim3A_52 = vector.broadcast %broadcast_in_dim3A_51 : f32 to vector<8x16xf32>
      %swap3A_53 = arith.constant 0 : index
      %swap3A_54 = arith.constant 0 : index
      %swap3A_55 = vector.load %arg6[%swap3A_53, %swap3A_54] : memref<8x16xf32, #tpu.memory_space<vmem>>, vector<8x16xf32>
      tpu.vector_store %arg6[%swap3A_53, %swap3A_54], %broadcast_in_dim3A_52 {strides = array<i32>} : memref<8x16xf32, #tpu.memory_space<vmem>>, vector<8x16xf32>,
      %broadcast_in_dim3A_56 = arith.constant 0.000000e+00 : f32
      %broadcast_in_dim3A_57 = vector.broadcast %broadcast_in_dim3A_56 : f32 to vector<8x16xf32>
      %swap3A_58 = arith.constant 0 : index
      %swap3A_59 = arith.constant 0 : index
      %swap3A_60 = vector.load %arg7[%swap3A_58, %swap3A_59] : memref<8x16xf32, #tpu.memory_space<vmem>>, vector<8x16xf32>
      tpu.vector_store %arg7[%swap3A_58, %swap3A_59], %broadcast_in_dim3A_57 {strides = array<i32>} : memref<8x16xf32, #tpu.memory_space<vmem>>, vector<8x16xf32>,
    } else {
    }
    %get3A_28 = arith.constant 0 : index
    %get3A_29 = arith.constant 0 : index
    %get3A_30 = vector.load %arg6[%get3A_28, %get3A_29] : memref<8x16xf32, #tpu.memory_space<vmem>>, vector<8x16xf32>
    %reduce_sum3A = arith.constant dense<0.000000e+00> : vector<16xf32>
    %reduce_sum3A_31 = vector.multi_reduction <add>, %max3A_22, %reduce_sum3A [0] : vector<2000x16xf32> to vector<16xf32>
    %broadcast_in_dim3A = vector.shape_cast %reduce_sum3A_31 : vector<16xf32> to vector<1x16xf32>
    %broadcast_in_dim3A_32 = vector.shape_cast %broadcast_in_dim3A : vector<1x16xf32> to vector<1x16xf32>
    %broadcast_in_dim3A_33 = vector.broadcast %broadcast_in_dim3A_32 : vector<1x16xf32> to vector<8x16xf32>
    %add3A_34 = arith.addf %get3A_30, %broadcast_in_dim3A_33 : vector<8x16xf32>
    %swap3A_35 = arith.constant 0 : index
    %swap3A_36 = arith.constant 0 : index
    %swap3A_37 = vector.load %arg6[%swap3A_35, %swap3A_36] : memref<8x16xf32, #tpu.memory_space<vmem>>, vector<8x16xf32>
    tpu.vector_store %arg6[%swap3A_35, %swap3A_36], %add3A_34 {strides = array<i32>} : memref<8x16xf32, #tpu.memory_space<vmem>>, vector<8x16xf32>,
    %get3A_38 = arith.constant 0 : index
    %get3A_39 = arith.constant 0 : index
    %get3A_40 = vector.load %arg7[%get3A_38, %get3A_39] : memref<8x16xf32, #tpu.memory_space<vmem>>, vector<8x16xf32>
    %mul3A_41 = arith.mulf %max3A_22, %max3A_22 : vector<2000x16xf32>
    %reduce_sum3A_42 = arith.constant dense<0.000000e+00> : vector<16xf32>
    %reduce_sum3A_43 = vector.multi_reduction <add>, %mul3A_41, %reduce_sum3A_42 [0] : vector<2000x16xf32> to vector<16xf32>
    %broadcast_in_dim3A_44 = vector.shape_cast %reduce_sum3A_43 : vector<16xf32> to vector<1x16xf32>
    %broadcast_in_dim3A_45 = vector.shape_cast %broadcast_in_dim3A_44 : vector<1x16xf32> to vector<1x16xf32>
    %broadcast_in_dim3A_46 = vector.broadcast %broadcast_in_dim3A_45 : vector<1x16xf32> to vector<8x16xf32>
    %add3A_47 = arith.addf %get3A_40, %broadcast_in_dim3A_46 : vector<8x16xf32>
    %swap3A_48 = arith.constant 0 : index
    %swap3A_49 = arith.constant 0 : index
    %swap3A_50 = vector.load %arg7[%swap3A_48, %swap3A_49] : memref<8x16xf32, #tpu.memory_space<vmem>>, vector<8x16xf32>
    tpu.vector_store %arg7[%swap3A_48, %swap3A_49], %add3A_47 {strides = array<i32>} : memref<8x16xf32, #tpu.memory_space<vmem>>, vector<8x16xf32>,
    return
  }
  func.func @transform_0(%arg0: i32) -> (i32, i32) {
    %c0_i32 = arith.constant 0 : i32
    %c0_i32_0 = arith.constant 0 : i32
    return %arg0, %c0_i32 : i32, i32
  }
  func.func @transform_1(%arg0: i32) -> (i32, i32) {
    %c0_i32 = arith.constant 0 : i32
    %c0_i32_0 = arith.constant 0 : i32
    %c0_i32_1 = arith.constant 0 : i32
    return %c0_i32, %c0_i32_0 : i32, i32
  }
  func.func @transform_2(%arg0: i32) -> (i32, i32) {
    %c0_i32 = arith.constant 0 : i32
    %c0_i32_0 = arith.constant 0 : i32
    %c0_i32_1 = arith.constant 0 : i32
    return %c0_i32, %c0_i32_0 : i32, i32
  }
  func.func @transform_3(%arg0: i32) -> (i32, i32) {
    %c0_i32 = arith.constant 0 : i32
    %c0_i32_0 = arith.constant 0 : i32
    %c0_i32_1 = arith.constant 0 : i32
    return %c0_i32, %c0_i32_0 : i32, i32
  }
  func.func @transform_4(%arg0: i32) -> (i32, i32) {
    %c0_i32 = arith.constant 0 : i32
    %c0_i32_0 = arith.constant 0 : i32
    return %arg0, %c0_i32 : i32, i32
  }
  func.func @transform_5(%arg0: i32) -> (i32, i32) {
    %c0_i32 = arith.constant 0 : i32
    %c0_i32_0 = arith.constant 0 : i32
    %c0_i32_1 = arith.constant 0 : i32
    return %c0_i32, %c0_i32_0 : i32, i32
  }
  func.func @transform_6(%arg0: i32) -> (i32, i32) {
    %c0_i32 = arith.constant 0 : i32
    %c0_i32_0 = arith.constant 0 : i32
    %c0_i32_1 = arith.constant 0 : i32
    return %c0_i32, %c0_i32_0 : i32, i32
  }
}

module attributes {stable_mosaic.version = 14 : i64} {
  func.func @body(%arg0: i32, %arg1: memref<2000x16xf32, #tpu.memory_space<vmem>>, %arg2: memref<8x16xf32, #tpu.memory_space<vmem>>, %arg3: memref<16x256xbf16, #tpu.memory_space<vmem>>, %arg4: memref<8x256xf32, #tpu.memory_space<vmem>>, %arg5: memref<2000x16xf32, #tpu.memory_space<vmem>>, %arg6: memref<8x16xf32, #tpu.memory_space<vmem>>, %arg7: memref<2000x16xf32, #tpu.memory_space<vmem>>) attributes {dimension_semantics = [#tpu.dimension_semantics<arbitrary>], iteration_bounds = array<i64: 80>, scalar_prefetch = 0 : i64, scratch_operands = 0 : i64, tpu.core_type = #tpu.core_type<tc>, window_params = [{transform_indices = @transform_0, window_bounds = array<i64: 2000, 16>}, {pipeline_mode = #tpu.pipeline_mode<synchronous>, transform_indices = @transform_1, window_bounds = array<i64: 8, 16>}, {pipeline_mode = #tpu.pipeline_mode<synchronous>, transform_indices = @transform_2, window_bounds = array<i64: 16, 256>}, {pipeline_mode = #tpu.pipeline_mode<synchronous>, transform_indices = @transform_3, window_bounds = array<i64: 8, 256>}, {transform_indices = @transform_4, window_bounds = array<i64: 2000, 16>}, {pipeline_mode = #tpu.pipeline_mode<synchronous>, transform_indices = @transform_5, window_bounds = array<i64: 8, 16>}, {transform_indices = @transform_6, window_bounds = array<i64: 2000, 16>}]} {
    %get3A = arith.constant 0 : index
    %get3A_0 = arith.constant 0 : index
    %get3A_1 = vector.load %arg2[%get3A, %get3A_0] : memref<8x16xf32, #tpu.memory_space<vmem>>, vector<8x16xf32>
    %get3A_2 = arith.constant 0 : index
    %get3A_3 = arith.constant 0 : index
    %get3A_4 = vector.load %arg1[%get3A_2, %get3A_3] : memref<2000x16xf32, #tpu.memory_space<vmem>>, vector<2000x16xf32>
    %slice3A = vector.extract_strided_slice %get3A_1 {offsets = [0, 0], sizes = [1, 16], strides = [1, 1]} : vector<8x16xf32> to vector<1x16xf32>
    %sub3A = vector.broadcast %slice3A : vector<1x16xf32> to vector<2000x16xf32>
    %sub3A_5 = arith.subf %get3A_4, %sub3A : vector<2000x16xf32>
    %slice3A_6 = vector.extract_strided_slice %get3A_1 {offsets = [1, 0], sizes = [1, 16], strides = [1, 1]} : vector<8x16xf32> to vector<1x16xf32>
    %div3A = vector.broadcast %slice3A_6 : vector<1x16xf32> to vector<2000x16xf32>
    %div3A_7 = arith.divf %sub3A_5, %div3A : vector<2000x16xf32>
    %slice3A_8 = vector.extract_strided_slice %get3A_1 {offsets = [2, 0], sizes = [1, 16], strides = [1, 1]} : vector<8x16xf32> to vector<1x16xf32>
    %mul3A = vector.broadcast %slice3A_8 : vector<1x16xf32> to vector<2000x16xf32>
    %mul3A_9 = arith.mulf %div3A_7, %mul3A : vector<2000x16xf32>
    %slice3A_10 = vector.extract_strided_slice %get3A_1 {offsets = [3, 0], sizes = [1, 16], strides = [1, 1]} : vector<8x16xf32> to vector<1x16xf32>
    %add3A = vector.broadcast %slice3A_10 : vector<1x16xf32> to vector<2000x16xf32>
    %add3A_11 = arith.addf %mul3A_9, %add3A : vector<2000x16xf32>
    %convert_element_type3A = arith.truncf %add3A_11 : vector<2000x16xf32> to vector<2000x16xbf16>
    %get3A_12 = arith.constant 0 : index
    %get3A_13 = arith.constant 0 : index
    %get3A_14 = vector.load %arg3[%get3A_12, %get3A_13] : memref<16x256xbf16, #tpu.memory_space<vmem>>, vector<16x256xbf16>
    %dot_general3A = arith.constant dense<0.000000e+00> : vector<2000x256xf32>
    %dot_general3A_15 = tpu.matmul %convert_element_type3A, %get3A_14, %dot_general3A {dimension_numbers = #tpu.dot_dimension_numbers<[1], [0], [0], [1], [0, 0, 1, 1], [], []>, transpose_lhs_hint = false} : vector<2000x16xbf16>, vector<16x256xbf16>, vector<2000x256xf32> -> vector<2000x256xf32>
    %get3A_16 = arith.constant 0 : index
    %get3A_17 = arith.constant 0 : index
    %get3A_18 = vector.load %arg4[%get3A_16, %get3A_17] : memref<8x256xf32, #tpu.memory_space<vmem>>, vector<1x256xf32>
    %add3A_19 = vector.broadcast %get3A_18 : vector<1x256xf32> to vector<2000x256xf32>
    %add3A_20 = arith.addf %dot_general3A_15, %add3A_19 : vector<2000x256xf32>
    %get3A_21 = arith.constant 0 : index
    %get3A_22 = arith.constant 0 : index
    %get3A_23 = vector.load %arg6[%get3A_21, %get3A_22] : memref<8x16xf32, #tpu.memory_space<vmem>>, vector<8x16xf32>
    %get3A_24 = arith.constant 0 : index
    %get3A_25 = arith.constant 0 : index
    %get3A_26 = vector.load %arg5[%get3A_24, %get3A_25] : memref<2000x16xf32, #tpu.memory_space<vmem>>, vector<2000x16xf32>
    %slice3A_27 = vector.extract_strided_slice %get3A_23 {offsets = [0, 0], sizes = [1, 16], strides = [1, 1]} : vector<8x16xf32> to vector<1x16xf32>
    %sub3A_28 = vector.broadcast %slice3A_27 : vector<1x16xf32> to vector<2000x16xf32>
    %sub3A_29 = arith.subf %get3A_26, %sub3A_28 : vector<2000x16xf32>
    %slice3A_30 = vector.extract_strided_slice %get3A_23 {offsets = [1, 0], sizes = [1, 16], strides = [1, 1]} : vector<8x16xf32> to vector<1x16xf32>
    %div3A_31 = vector.broadcast %slice3A_30 : vector<1x16xf32> to vector<2000x16xf32>
    %div3A_32 = arith.divf %sub3A_29, %div3A_31 : vector<2000x16xf32>
    %slice3A_33 = vector.extract_strided_slice %get3A_23 {offsets = [2, 0], sizes = [1, 16], strides = [1, 1]} : vector<8x16xf32> to vector<1x16xf32>
    %mul3A_34 = vector.broadcast %slice3A_33 : vector<1x16xf32> to vector<2000x16xf32>
    %mul3A_35 = arith.mulf %div3A_32, %mul3A_34 : vector<2000x16xf32>
    %slice3A_36 = vector.extract_strided_slice %get3A_23 {offsets = [3, 0], sizes = [1, 16], strides = [1, 1]} : vector<8x16xf32> to vector<1x16xf32>
    %add3A_37 = vector.broadcast %slice3A_36 : vector<1x16xf32> to vector<2000x16xf32>
    %add3A_38 = arith.addf %mul3A_35, %add3A_37 : vector<2000x16xf32>
    %broadcast_in_dim3A = arith.constant 0.000000e+00 : f32
    %broadcast_in_dim3A_39 = vector.broadcast %broadcast_in_dim3A : f32 to vector<2000x16xf32>
    %slice3A_40 = vector.extract_strided_slice %add3A_38 {offsets = [0, 0], sizes = [2000, 1], strides = [1, 1]} : vector<2000x16xf32> to vector<2000x1xf32>
    %slice3A_41 = vector.extract_strided_slice %add3A_20 {offsets = [0, 0], sizes = [2000, 16], strides = [1, 1]} : vector<2000x256xf32> to vector<2000x16xf32>
    %mul3A_42 = vector.broadcast %slice3A_40 : vector<2000x1xf32> to vector<2000x16xf32>
    %mul3A_43 = arith.mulf %mul3A_42, %slice3A_41 : vector<2000x16xf32>
    %add3A_44 = arith.addf %broadcast_in_dim3A_39, %mul3A_43 : vector<2000x16xf32>
    %slice3A_45 = vector.extract_strided_slice %add3A_38 {offsets = [0, 1], sizes = [2000, 1], strides = [1, 1]} : vector<2000x16xf32> to vector<2000x1xf32>
    %slice3A_46 = vector.extract_strided_slice %add3A_20 {offsets = [0, 16], sizes = [2000, 16], strides = [1, 1]} : vector<2000x256xf32> to vector<2000x16xf32>
    %mul3A_47 = vector.broadcast %slice3A_45 : vector<2000x1xf32> to vector<2000x16xf32>
    %mul3A_48 = arith.mulf %mul3A_47, %slice3A_46 : vector<2000x16xf32>
    %add3A_49 = arith.addf %add3A_44, %mul3A_48 : vector<2000x16xf32>
    %slice3A_50 = vector.extract_strided_slice %add3A_38 {offsets = [0, 2], sizes = [2000, 1], strides = [1, 1]} : vector<2000x16xf32> to vector<2000x1xf32>
    %slice3A_51 = vector.extract_strided_slice %add3A_20 {offsets = [0, 32], sizes = [2000, 16], strides = [1, 1]} : vector<2000x256xf32> to vector<2000x16xf32>
    %mul3A_52 = vector.broadcast %slice3A_50 : vector<2000x1xf32> to vector<2000x16xf32>
    %mul3A_53 = arith.mulf %mul3A_52, %slice3A_51 : vector<2000x16xf32>
    %add3A_54 = arith.addf %add3A_49, %mul3A_53 : vector<2000x16xf32>
    %slice3A_55 = vector.extract_strided_slice %add3A_38 {offsets = [0, 3], sizes = [2000, 1], strides = [1, 1]} : vector<2000x16xf32> to vector<2000x1xf32>
    %slice3A_56 = vector.extract_strided_slice %add3A_20 {offsets = [0, 48], sizes = [2000, 16], strides = [1, 1]} : vector<2000x256xf32> to vector<2000x16xf32>
    %mul3A_57 = vector.broadcast %slice3A_55 : vector<2000x1xf32> to vector<2000x16xf32>
    %mul3A_58 = arith.mulf %mul3A_57, %slice3A_56 : vector<2000x16xf32>
    %add3A_59 = arith.addf %add3A_54, %mul3A_58 : vector<2000x16xf32>
    %slice3A_60 = vector.extract_strided_slice %add3A_38 {offsets = [0, 4], sizes = [2000, 1], strides = [1, 1]} : vector<2000x16xf32> to vector<2000x1xf32>
    %slice3A_61 = vector.extract_strided_slice %add3A_20 {offsets = [0, 64], sizes = [2000, 16], strides = [1, 1]} : vector<2000x256xf32> to vector<2000x16xf32>
    %mul3A_62 = vector.broadcast %slice3A_60 : vector<2000x1xf32> to vector<2000x16xf32>
    %mul3A_63 = arith.mulf %mul3A_62, %slice3A_61 : vector<2000x16xf32>
    %add3A_64 = arith.addf %add3A_59, %mul3A_63 : vector<2000x16xf32>
    %slice3A_65 = vector.extract_strided_slice %add3A_38 {offsets = [0, 5], sizes = [2000, 1], strides = [1, 1]} : vector<2000x16xf32> to vector<2000x1xf32>
    %slice3A_66 = vector.extract_strided_slice %add3A_20 {offsets = [0, 80], sizes = [2000, 16], strides = [1, 1]} : vector<2000x256xf32> to vector<2000x16xf32>
    %mul3A_67 = vector.broadcast %slice3A_65 : vector<2000x1xf32> to vector<2000x16xf32>
    %mul3A_68 = arith.mulf %mul3A_67, %slice3A_66 : vector<2000x16xf32>
    %add3A_69 = arith.addf %add3A_64, %mul3A_68 : vector<2000x16xf32>
    %slice3A_70 = vector.extract_strided_slice %add3A_38 {offsets = [0, 6], sizes = [2000, 1], strides = [1, 1]} : vector<2000x16xf32> to vector<2000x1xf32>
    %slice3A_71 = vector.extract_strided_slice %add3A_20 {offsets = [0, 96], sizes = [2000, 16], strides = [1, 1]} : vector<2000x256xf32> to vector<2000x16xf32>
    %mul3A_72 = vector.broadcast %slice3A_70 : vector<2000x1xf32> to vector<2000x16xf32>
    %mul3A_73 = arith.mulf %mul3A_72, %slice3A_71 : vector<2000x16xf32>
    %add3A_74 = arith.addf %add3A_69, %mul3A_73 : vector<2000x16xf32>
    %slice3A_75 = vector.extract_strided_slice %add3A_38 {offsets = [0, 7], sizes = [2000, 1], strides = [1, 1]} : vector<2000x16xf32> to vector<2000x1xf32>
    %slice3A_76 = vector.extract_strided_slice %add3A_20 {offsets = [0, 112], sizes = [2000, 16], strides = [1, 1]} : vector<2000x256xf32> to vector<2000x16xf32>
    %mul3A_77 = vector.broadcast %slice3A_75 : vector<2000x1xf32> to vector<2000x16xf32>
    %mul3A_78 = arith.mulf %mul3A_77, %slice3A_76 : vector<2000x16xf32>
    %add3A_79 = arith.addf %add3A_74, %mul3A_78 : vector<2000x16xf32>
    %slice3A_80 = vector.extract_strided_slice %add3A_38 {offsets = [0, 8], sizes = [2000, 1], strides = [1, 1]} : vector<2000x16xf32> to vector<2000x1xf32>
    %slice3A_81 = vector.extract_strided_slice %add3A_20 {offsets = [0, 128], sizes = [2000, 16], strides = [1, 1]} : vector<2000x256xf32> to vector<2000x16xf32>
    %mul3A_82 = vector.broadcast %slice3A_80 : vector<2000x1xf32> to vector<2000x16xf32>
    %mul3A_83 = arith.mulf %mul3A_82, %slice3A_81 : vector<2000x16xf32>
    %add3A_84 = arith.addf %add3A_79, %mul3A_83 : vector<2000x16xf32>
    %slice3A_85 = vector.extract_strided_slice %add3A_38 {offsets = [0, 9], sizes = [2000, 1], strides = [1, 1]} : vector<2000x16xf32> to vector<2000x1xf32>
    %slice3A_86 = vector.extract_strided_slice %add3A_20 {offsets = [0, 144], sizes = [2000, 16], strides = [1, 1]} : vector<2000x256xf32> to vector<2000x16xf32>
    %mul3A_87 = vector.broadcast %slice3A_85 : vector<2000x1xf32> to vector<2000x16xf32>
    %mul3A_88 = arith.mulf %mul3A_87, %slice3A_86 : vector<2000x16xf32>
    %add3A_89 = arith.addf %add3A_84, %mul3A_88 : vector<2000x16xf32>
    %slice3A_90 = vector.extract_strided_slice %add3A_38 {offsets = [0, 10], sizes = [2000, 1], strides = [1, 1]} : vector<2000x16xf32> to vector<2000x1xf32>
    %slice3A_91 = vector.extract_strided_slice %add3A_20 {offsets = [0, 160], sizes = [2000, 16], strides = [1, 1]} : vector<2000x256xf32> to vector<2000x16xf32>
    %mul3A_92 = vector.broadcast %slice3A_90 : vector<2000x1xf32> to vector<2000x16xf32>
    %mul3A_93 = arith.mulf %mul3A_92, %slice3A_91 : vector<2000x16xf32>
    %add3A_94 = arith.addf %add3A_89, %mul3A_93 : vector<2000x16xf32>
    %slice3A_95 = vector.extract_strided_slice %add3A_38 {offsets = [0, 11], sizes = [2000, 1], strides = [1, 1]} : vector<2000x16xf32> to vector<2000x1xf32>
    %slice3A_96 = vector.extract_strided_slice %add3A_20 {offsets = [0, 176], sizes = [2000, 16], strides = [1, 1]} : vector<2000x256xf32> to vector<2000x16xf32>
    %mul3A_97 = vector.broadcast %slice3A_95 : vector<2000x1xf32> to vector<2000x16xf32>
    %mul3A_98 = arith.mulf %mul3A_97, %slice3A_96 : vector<2000x16xf32>
    %add3A_99 = arith.addf %add3A_94, %mul3A_98 : vector<2000x16xf32>
    %slice3A_100 = vector.extract_strided_slice %add3A_38 {offsets = [0, 12], sizes = [2000, 1], strides = [1, 1]} : vector<2000x16xf32> to vector<2000x1xf32>
    %slice3A_101 = vector.extract_strided_slice %add3A_20 {offsets = [0, 192], sizes = [2000, 16], strides = [1, 1]} : vector<2000x256xf32> to vector<2000x16xf32>
    %mul3A_102 = vector.broadcast %slice3A_100 : vector<2000x1xf32> to vector<2000x16xf32>
    %mul3A_103 = arith.mulf %mul3A_102, %slice3A_101 : vector<2000x16xf32>
    %add3A_104 = arith.addf %add3A_99, %mul3A_103 : vector<2000x16xf32>
    %slice3A_105 = vector.extract_strided_slice %add3A_38 {offsets = [0, 13], sizes = [2000, 1], strides = [1, 1]} : vector<2000x16xf32> to vector<2000x1xf32>
    %slice3A_106 = vector.extract_strided_slice %add3A_20 {offsets = [0, 208], sizes = [2000, 16], strides = [1, 1]} : vector<2000x256xf32> to vector<2000x16xf32>
    %mul3A_107 = vector.broadcast %slice3A_105 : vector<2000x1xf32> to vector<2000x16xf32>
    %mul3A_108 = arith.mulf %mul3A_107, %slice3A_106 : vector<2000x16xf32>
    %add3A_109 = arith.addf %add3A_104, %mul3A_108 : vector<2000x16xf32>
    %slice3A_110 = vector.extract_strided_slice %add3A_38 {offsets = [0, 14], sizes = [2000, 1], strides = [1, 1]} : vector<2000x16xf32> to vector<2000x1xf32>
    %slice3A_111 = vector.extract_strided_slice %add3A_20 {offsets = [0, 224], sizes = [2000, 16], strides = [1, 1]} : vector<2000x256xf32> to vector<2000x16xf32>
    %mul3A_112 = vector.broadcast %slice3A_110 : vector<2000x1xf32> to vector<2000x16xf32>
    %mul3A_113 = arith.mulf %mul3A_112, %slice3A_111 : vector<2000x16xf32>
    %add3A_114 = arith.addf %add3A_109, %mul3A_113 : vector<2000x16xf32>
    %slice3A_115 = vector.extract_strided_slice %add3A_38 {offsets = [0, 15], sizes = [2000, 1], strides = [1, 1]} : vector<2000x16xf32> to vector<2000x1xf32>
    %slice3A_116 = vector.extract_strided_slice %add3A_20 {offsets = [0, 240], sizes = [2000, 16], strides = [1, 1]} : vector<2000x256xf32> to vector<2000x16xf32>
    %mul3A_117 = vector.broadcast %slice3A_115 : vector<2000x1xf32> to vector<2000x16xf32>
    %mul3A_118 = arith.mulf %mul3A_117, %slice3A_116 : vector<2000x16xf32>
    %add3A_119 = arith.addf %add3A_114, %mul3A_118 : vector<2000x16xf32>
    %swap3A = arith.constant 0 : index
    %swap3A_120 = arith.constant 0 : index
    %swap3A_121 = vector.load %arg7[%swap3A, %swap3A_120] : memref<2000x16xf32, #tpu.memory_space<vmem>>, vector<2000x16xf32>
    tpu.vector_store %arg7[%swap3A, %swap3A_120], %add3A_119 {strides = array<i32>} : memref<2000x16xf32, #tpu.memory_space<vmem>>, vector<2000x16xf32>,
    return
  }
  func.func @transform_0(%arg0: i32) -> (i32, i32) {
    %c0_i32 = arith.constant 0 : i32
    %c0_i32_0 = arith.constant 0 : i32
    return %arg0, %c0_i32 : i32, i32
  }
  func.func @transform_1(%arg0: i32) -> (i32, i32) {
    %c0_i32 = arith.constant 0 : i32
    %c0_i32_0 = arith.constant 0 : i32
    %c0_i32_1 = arith.constant 0 : i32
    return %c0_i32, %c0_i32_0 : i32, i32
  }
  func.func @transform_2(%arg0: i32) -> (i32, i32) {
    %c0_i32 = arith.constant 0 : i32
    %c0_i32_0 = arith.constant 0 : i32
    %c0_i32_1 = arith.constant 0 : i32
    return %c0_i32, %c0_i32_0 : i32, i32
  }
  func.func @transform_3(%arg0: i32) -> (i32, i32) {
    %c0_i32 = arith.constant 0 : i32
    %c0_i32_0 = arith.constant 0 : i32
    %c0_i32_1 = arith.constant 0 : i32
    return %c0_i32, %c0_i32_0 : i32, i32
  }
  func.func @transform_4(%arg0: i32) -> (i32, i32) {
    %c0_i32 = arith.constant 0 : i32
    %c0_i32_0 = arith.constant 0 : i32
    return %arg0, %c0_i32 : i32, i32
  }
  func.func @transform_5(%arg0: i32) -> (i32, i32) {
    %c0_i32 = arith.constant 0 : i32
    %c0_i32_0 = arith.constant 0 : i32
    %c0_i32_1 = arith.constant 0 : i32
    return %c0_i32, %c0_i32_0 : i32, i32
  }
  func.func @transform_6(%arg0: i32) -> (i32, i32) {
    %c0_i32 = arith.constant 0 : i32
    %c0_i32_0 = arith.constant 0 : i32
    return %arg0, %c0_i32 : i32, i32
  }
}

module attributes {stable_mosaic.version = 14 : i64} {
  func.func @body(%arg0: i32, %arg1: memref<2000x16xf32, #tpu.memory_space<vmem>>, %arg2: memref<2000x16xf32, #tpu.memory_space<vmem>>, %arg3: memref<2000x16xf32, #tpu.memory_space<vmem>>, %arg4: memref<8x16xf32, #tpu.memory_space<vmem>>, %arg5: memref<16x16xbf16, #tpu.memory_space<vmem>>, %arg6: memref<8x16xf32, #tpu.memory_space<vmem>>, %arg7: memref<1x1x2000xi32, #tpu.memory_space<vmem>>, %arg8: memref<2000x16xf32, #tpu.memory_space<vmem>>, %arg9: memref<8x16xf32, #tpu.memory_space<vmem>>, %arg10: memref<8x16xf32, #tpu.memory_space<vmem>>, %arg11: memref<64x32xf32, #tpu.memory_space<vmem>>) attributes {dimension_semantics = [#tpu.dimension_semantics<arbitrary>], iteration_bounds = array<i64: 5>, scalar_prefetch = 0 : i64, scratch_operands = 0 : i64, tpu.core_type = #tpu.core_type<tc>, window_params = [{transform_indices = @transform_0, window_bounds = array<i64: 2000, 16>}, {transform_indices = @transform_1, window_bounds = array<i64: 2000, 16>}, {transform_indices = @transform_2, window_bounds = array<i64: 2000, 16>}, {pipeline_mode = #tpu.pipeline_mode<synchronous>, transform_indices = @transform_3, window_bounds = array<i64: 8, 16>}, {pipeline_mode = #tpu.pipeline_mode<synchronous>, transform_indices = @transform_4, window_bounds = array<i64: 16, 16>}, {pipeline_mode = #tpu.pipeline_mode<synchronous>, transform_indices = @transform_5, window_bounds = array<i64: 8, 16>}, {transform_indices = @transform_6, window_bounds = array<i64: 1, 1, 2000>}, {transform_indices = @transform_7, window_bounds = array<i64: 2000, 16>}, {pipeline_mode = #tpu.pipeline_mode<synchronous>, transform_indices = @transform_8, window_bounds = array<i64: 8, 16>}, {pipeline_mode = #tpu.pipeline_mode<synchronous>, transform_indices = @transform_9, window_bounds = array<i64: 8, 16>}, {pipeline_mode = #tpu.pipeline_mode<synchronous>, transform_indices = @transform_10, window_bounds = array<i64: 64, 32>}]} {
    %get3A = arith.constant 0 : index
    %get3A_0 = arith.constant 0 : index
    %get3A_1 = vector.load %arg4[%get3A, %get3A_0] : memref<8x16xf32, #tpu.memory_space<vmem>>, vector<8x16xf32>
    %get3A_2 = arith.constant 0 : index
    %get3A_3 = arith.constant 0 : index
    %get3A_4 = vector.load %arg3[%get3A_2, %get3A_3] : memref<2000x16xf32, #tpu.memory_space<vmem>>, vector<2000x16xf32>
    %slice3A = vector.extract_strided_slice %get3A_1 {offsets = [0, 0], sizes = [1, 16], strides = [1, 1]} : vector<8x16xf32> to vector<1x16xf32>
    %sub3A = vector.broadcast %slice3A : vector<1x16xf32> to vector<2000x16xf32>
    %sub3A_5 = arith.subf %get3A_4, %sub3A : vector<2000x16xf32>
    %slice3A_6 = vector.extract_strided_slice %get3A_1 {offsets = [1, 0], sizes = [1, 16], strides = [1, 1]} : vector<8x16xf32> to vector<1x16xf32>
    %div3A = vector.broadcast %slice3A_6 : vector<1x16xf32> to vector<2000x16xf32>
    %div3A_7 = arith.divf %sub3A_5, %div3A : vector<2000x16xf32>
    %slice3A_8 = vector.extract_strided_slice %get3A_1 {offsets = [2, 0], sizes = [1, 16], strides = [1, 1]} : vector<8x16xf32> to vector<1x16xf32>
    %mul3A = vector.broadcast %slice3A_8 : vector<1x16xf32> to vector<2000x16xf32>
    %mul3A_9 = arith.mulf %div3A_7, %mul3A : vector<2000x16xf32>
    %slice3A_10 = vector.extract_strided_slice %get3A_1 {offsets = [3, 0], sizes = [1, 16], strides = [1, 1]} : vector<8x16xf32> to vector<1x16xf32>
    %add3A = vector.broadcast %slice3A_10 : vector<1x16xf32> to vector<2000x16xf32>
    %add3A_11 = arith.addf %mul3A_9, %add3A : vector<2000x16xf32>
    %convert_element_type3A = arith.truncf %add3A_11 : vector<2000x16xf32> to vector<2000x16xbf16>
    %get3A_12 = arith.constant 0 : index
    %get3A_13 = arith.constant 0 : index
    %get3A_14 = vector.load %arg1[%get3A_12, %get3A_13] : memref<2000x16xf32, #tpu.memory_space<vmem>>, vector<2000x16xf32>
    %get3A_15 = arith.constant 0 : index
    %get3A_16 = arith.constant 0 : index
    %get3A_17 = vector.load %arg2[%get3A_15, %get3A_16] : memref<2000x16xf32, #tpu.memory_space<vmem>>, vector<2000x16xf32>
    %add3A_18 = arith.addf %get3A_14, %get3A_17 : vector<2000x16xf32>
    %get3A_19 = arith.constant 0 : index
    %get3A_20 = arith.constant 0 : index
    %get3A_21 = vector.load %arg5[%get3A_19, %get3A_20] : memref<16x16xbf16, #tpu.memory_space<vmem>>, vector<16x16xbf16>
    %dot_general3A = arith.constant dense<0.000000e+00> : vector<2000x16xf32>
    %dot_general3A_22 = tpu.matmul %convert_element_type3A, %get3A_21, %dot_general3A {dimension_numbers = #tpu.dot_dimension_numbers<[1], [0], [0], [1], [0, 0, 1, 1], [], []>, transpose_lhs_hint = false} : vector<2000x16xbf16>, vector<16x16xbf16>, vector<2000x16xf32> -> vector<2000x16xf32>
    %add3A_23 = arith.addf %add3A_18, %dot_general3A_22 : vector<2000x16xf32>
    %get3A_24 = arith.constant 0 : index
    %get3A_25 = arith.constant 0 : index
    %get3A_26 = vector.load %arg6[%get3A_24, %get3A_25] : memref<8x16xf32, #tpu.memory_space<vmem>>, vector<1x16xf32>
    %add3A_27 = vector.broadcast %get3A_26 : vector<1x16xf32> to vector<2000x16xf32>
    %add3A_28 = arith.addf %add3A_23, %add3A_27 : vector<2000x16xf32>
    %max3A = arith.constant 0.000000e+00 : f32
    %max3A_29 = vector.broadcast %max3A : f32 to vector<2000x16xf32>
    %max3A_30 = arith.maximumf %add3A_28, %max3A_29 : vector<2000x16xf32>
    %swap3A = arith.constant 0 : index
    %swap3A_31 = arith.constant 0 : index
    %swap3A_32 = vector.load %arg8[%swap3A, %swap3A_31] : memref<2000x16xf32, #tpu.memory_space<vmem>>, vector<2000x16xf32>
    tpu.vector_store %arg8[%swap3A, %swap3A_31], %max3A_30 {strides = array<i32>} : memref<2000x16xf32, #tpu.memory_space<vmem>>, vector<2000x16xf32>,
    %eq3A = arith.constant 0 : i32
    %eq3A_33 = arith.cmpi eq, %arg0, %eq3A : i32
    %convert_element_type3A_34 = arith.extui %eq3A_33 : i1 to i32
    %cond3A = arith.constant 0 : i32
    %cond3A_35 = arith.cmpi ne, %convert_element_type3A_34, %cond3A : i32
    scf.if %cond3A_35 {
      %broadcast_in_dim3A_83 = arith.constant 0.000000e+00 : f32
      %broadcast_in_dim3A_84 = vector.broadcast %broadcast_in_dim3A_83 : f32 to vector<8x16xf32>
      %swap3A_85 = arith.constant 0 : index
      %swap3A_86 = arith.constant 0 : index
      %swap3A_87 = vector.load %arg9[%swap3A_85, %swap3A_86] : memref<8x16xf32, #tpu.memory_space<vmem>>, vector<8x16xf32>
      tpu.vector_store %arg9[%swap3A_85, %swap3A_86], %broadcast_in_dim3A_84 {strides = array<i32>} : memref<8x16xf32, #tpu.memory_space<vmem>>, vector<8x16xf32>,
      %broadcast_in_dim3A_88 = arith.constant 0.000000e+00 : f32
      %broadcast_in_dim3A_89 = vector.broadcast %broadcast_in_dim3A_88 : f32 to vector<8x16xf32>
      %swap3A_90 = arith.constant 0 : index
      %swap3A_91 = arith.constant 0 : index
      %swap3A_92 = vector.load %arg10[%swap3A_90, %swap3A_91] : memref<8x16xf32, #tpu.memory_space<vmem>>, vector<8x16xf32>
      tpu.vector_store %arg10[%swap3A_90, %swap3A_91], %broadcast_in_dim3A_89 {strides = array<i32>} : memref<8x16xf32, #tpu.memory_space<vmem>>, vector<8x16xf32>,
      %broadcast_in_dim3A_93 = arith.constant 0.000000e+00 : f32
      %broadcast_in_dim3A_94 = vector.broadcast %broadcast_in_dim3A_93 : f32 to vector<64x32xf32>
      %swap3A_95 = arith.constant 0 : index
      %swap3A_96 = arith.constant 0 : index
      %swap3A_97 = vector.load %arg11[%swap3A_95, %swap3A_96] : memref<64x32xf32, #tpu.memory_space<vmem>>, vector<64x32xf32>
      tpu.vector_store %arg11[%swap3A_95, %swap3A_96], %broadcast_in_dim3A_94 {strides = array<i32>} : memref<64x32xf32, #tpu.memory_space<vmem>>, vector<64x32xf32>,
    } else {
    }
    %get3A_36 = arith.constant 0 : index
    %get3A_37 = arith.constant 0 : index
    %get3A_38 = vector.load %arg9[%get3A_36, %get3A_37] : memref<8x16xf32, #tpu.memory_space<vmem>>, vector<8x16xf32>
    %reduce_sum3A = arith.constant dense<0.000000e+00> : vector<16xf32>
    %reduce_sum3A_39 = vector.multi_reduction <add>, %max3A_30, %reduce_sum3A [0] : vector<2000x16xf32> to vector<16xf32>
    %broadcast_in_dim3A = vector.shape_cast %reduce_sum3A_39 : vector<16xf32> to vector<1x16xf32>
    %broadcast_in_dim3A_40 = vector.shape_cast %broadcast_in_dim3A : vector<1x16xf32> to vector<1x16xf32>
    %broadcast_in_dim3A_41 = vector.broadcast %broadcast_in_dim3A_40 : vector<1x16xf32> to vector<8x16xf32>
    %add3A_42 = arith.addf %get3A_38, %broadcast_in_dim3A_41 : vector<8x16xf32>
    %swap3A_43 = arith.constant 0 : index
    %swap3A_44 = arith.constant 0 : index
    %swap3A_45 = vector.load %arg9[%swap3A_43, %swap3A_44] : memref<8x16xf32, #tpu.memory_space<vmem>>, vector<8x16xf32>
    tpu.vector_store %arg9[%swap3A_43, %swap3A_44], %add3A_42 {strides = array<i32>} : memref<8x16xf32, #tpu.memory_space<vmem>>, vector<8x16xf32>,
    %get3A_46 = arith.constant 0 : index
    %get3A_47 = arith.constant 0 : index
    %get3A_48 = vector.load %arg10[%get3A_46, %get3A_47] : memref<8x16xf32, #tpu.memory_space<vmem>>, vector<8x16xf32>
    %mul3A_49 = arith.mulf %max3A_30, %max3A_30 : vector<2000x16xf32>
    %reduce_sum3A_50 = arith.constant dense<0.000000e+00> : vector<16xf32>
    %reduce_sum3A_51 = vector.multi_reduction <add>, %mul3A_49, %reduce_sum3A_50 [0] : vector<2000x16xf32> to vector<16xf32>
    %broadcast_in_dim3A_52 = vector.shape_cast %reduce_sum3A_51 : vector<16xf32> to vector<1x16xf32>
    %broadcast_in_dim3A_53 = vector.shape_cast %broadcast_in_dim3A_52 : vector<1x16xf32> to vector<1x16xf32>
    %broadcast_in_dim3A_54 = vector.broadcast %broadcast_in_dim3A_53 : vector<1x16xf32> to vector<8x16xf32>
    %add3A_55 = arith.addf %get3A_48, %broadcast_in_dim3A_54 : vector<8x16xf32>
    %swap3A_56 = arith.constant 0 : index
    %swap3A_57 = arith.constant 0 : index
    %swap3A_58 = vector.load %arg10[%swap3A_56, %swap3A_57] : memref<8x16xf32, #tpu.memory_space<vmem>>, vector<8x16xf32>
    tpu.vector_store %arg10[%swap3A_56, %swap3A_57], %add3A_55 {strides = array<i32>} : memref<8x16xf32, #tpu.memory_space<vmem>>, vector<8x16xf32>,
    %get3A_59 = arith.constant 0 : index
    %get3A_60 = arith.constant 0 : index
    %get3A_61 = arith.constant 0 : index
    %get3A_62 = vector.load %arg7[%get3A_59, %get3A_60, %get3A_61] : memref<1x1x2000xi32, #tpu.memory_space<vmem>>, vector<1x1x2000xi32>
    %get3A_63 = vector.shape_cast %get3A_62 : vector<1x1x2000xi32> to vector<1x2000xi32>
    %iota3A = tpu.iota {dimensions = array<i32: 0>} : vector<64x2000xi32>
    %broadcast_in_dim3A_64 = vector.shape_cast %get3A_63 : vector<1x2000xi32> to vector<1x2000xi32>
    %broadcast_in_dim3A_65 = vector.broadcast %broadcast_in_dim3A_64 : vector<1x2000xi32> to vector<64x2000xi32>
    %eq3A_66 = arith.cmpi eq, %iota3A, %broadcast_in_dim3A_65 : vector<64x2000xi32>
    %convert_element_type3A_67 = arith.extui %eq3A_66 : vector<64x2000xi1> to vector<64x2000xi32>
    %convert_element_type3A_68 = arith.sitofp %convert_element_type3A_67 : vector<64x2000xi32> to vector<64x2000xf32>
    %dot_general3A_69 = arith.constant dense<0.000000e+00> : vector<64x16xf32>
    %dot_general3A_70 = tpu.matmul %convert_element_type3A_68, %max3A_30, %dot_general3A_69 {dimension_numbers = #tpu.dot_dimension_numbers<[1], [0], [0], [1], [0, 0, 1, 1], [], []>, precision = #tpu.contract_precision<fp32>, transpose_lhs_hint = false} : vector<64x2000xf32>, vector<2000x16xf32>, vector<64x16xf32> -> vector<64x16xf32>
    %reduce_sum3A_71 = arith.constant dense<0.000000e+00> : vector<64xf32>
    %reduce_sum3A_72 = vector.multi_reduction <add>, %convert_element_type3A_68, %reduce_sum3A_71 [1] : vector<64x2000xf32> to vector<64xf32>
    %broadcast_in_dim3A_73 = vector.shape_cast %reduce_sum3A_72 : vector<64xf32> to vector<64x1xf32>
    %get3A_74 = arith.constant 0 : index
    %get3A_75 = arith.constant 0 : index
    %get3A_76 = vector.load %arg11[%get3A_74, %get3A_75] : memref<64x32xf32, #tpu.memory_space<vmem>>, vector<64x32xf32>
    %broadcast_in_dim3A_77 = arith.constant 0.000000e+00 : f32
    %broadcast_in_dim3A_78 = vector.broadcast %broadcast_in_dim3A_77 : f32 to vector<64x15xf32>
    %concatenate3A = tpu.concatenate %dot_general3A_70, %broadcast_in_dim3A_73, %broadcast_in_dim3A_78 in 1 : vector<64x16xf32>, vector<64x1xf32>, vector<64x15xf32> -> vector<64x32xf32>
    %add3A_79 = arith.addf %get3A_76, %concatenate3A : vector<64x32xf32>
    %swap3A_80 = arith.constant 0 : index
    %swap3A_81 = arith.constant 0 : index
    %swap3A_82 = vector.load %arg11[%swap3A_80, %swap3A_81] : memref<64x32xf32, #tpu.memory_space<vmem>>, vector<64x32xf32>
    tpu.vector_store %arg11[%swap3A_80, %swap3A_81], %add3A_79 {strides = array<i32>} : memref<64x32xf32, #tpu.memory_space<vmem>>, vector<64x32xf32>,
    return
  }
  func.func @transform_0(%arg0: i32) -> (i32, i32) {
    %c0_i32 = arith.constant 0 : i32
    %c0_i32_0 = arith.constant 0 : i32
    return %arg0, %c0_i32 : i32, i32
  }
  func.func @transform_1(%arg0: i32) -> (i32, i32) {
    %c0_i32 = arith.constant 0 : i32
    %c0_i32_0 = arith.constant 0 : i32
    return %arg0, %c0_i32 : i32, i32
  }
  func.func @transform_2(%arg0: i32) -> (i32, i32) {
    %c0_i32 = arith.constant 0 : i32
    %c0_i32_0 = arith.constant 0 : i32
    return %arg0, %c0_i32 : i32, i32
  }
  func.func @transform_3(%arg0: i32) -> (i32, i32) {
    %c0_i32 = arith.constant 0 : i32
    %c0_i32_0 = arith.constant 0 : i32
    %c0_i32_1 = arith.constant 0 : i32
    return %c0_i32, %c0_i32_0 : i32, i32
  }
  func.func @transform_4(%arg0: i32) -> (i32, i32) {
    %c0_i32 = arith.constant 0 : i32
    %c0_i32_0 = arith.constant 0 : i32
    %c0_i32_1 = arith.constant 0 : i32
    return %c0_i32, %c0_i32_0 : i32, i32
  }
  func.func @transform_5(%arg0: i32) -> (i32, i32) {
    %c0_i32 = arith.constant 0 : i32
    %c0_i32_0 = arith.constant 0 : i32
    %c0_i32_1 = arith.constant 0 : i32
    return %c0_i32, %c0_i32_0 : i32, i32
  }
  func.func @transform_6(%arg0: i32) -> (i32, i32, i32) {
    %c0_i32 = arith.constant 0 : i32
    %c0_i32_0 = arith.constant 0 : i32
    %c0_i32_1 = arith.constant 0 : i32
    return %arg0, %c0_i32, %c0_i32_0 : i32, i32, i32
  }
  func.func @transform_7(%arg0: i32) -> (i32, i32) {
    %c0_i32 = arith.constant 0 : i32
    %c0_i32_0 = arith.constant 0 : i32
    return %arg0, %c0_i32 : i32, i32
  }
  func.func @transform_8(%arg0: i32) -> (i32, i32) {
    %c0_i32 = arith.constant 0 : i32
    %c0_i32_0 = arith.constant 0 : i32
    %c0_i32_1 = arith.constant 0 : i32
    return %c0_i32, %c0_i32_0 : i32, i32
  }
  func.func @transform_9(%arg0: i32) -> (i32, i32) {
    %c0_i32 = arith.constant 0 : i32
    %c0_i32_0 = arith.constant 0 : i32
    %c0_i32_1 = arith.constant 0 : i32
    return %c0_i32, %c0_i32_0 : i32, i32
  }
  func.func @transform_10(%arg0: i32) -> (i32, i32) {
    %c0_i32 = arith.constant 0 : i32
    %c0_i32_0 = arith.constant 0 : i32
    %c0_i32_1 = arith.constant 0 : i32
    return %c0_i32, %c0_i32_0 : i32, i32
  }
}

module attributes {stable_mosaic.version = 14 : i64} {
  func.func @body(%arg0: i32, %arg1: memref<2000x16xf32, #tpu.memory_space<vmem>>, %arg2: memref<8x16xf32, #tpu.memory_space<vmem>>, %arg3: memref<8x16xf32, #tpu.memory_space<vmem>>) attributes {dimension_semantics = [#tpu.dimension_semantics<arbitrary>], iteration_bounds = array<i64: 80>, scalar_prefetch = 0 : i64, scratch_operands = 0 : i64, tpu.core_type = #tpu.core_type<tc>, window_params = [{transform_indices = @transform_0, window_bounds = array<i64: 2000, 16>}, {pipeline_mode = #tpu.pipeline_mode<synchronous>, transform_indices = @transform_1, window_bounds = array<i64: 8, 16>}, {pipeline_mode = #tpu.pipeline_mode<synchronous>, transform_indices = @transform_2, window_bounds = array<i64: 8, 16>}]} {
    %eq3A = arith.constant 0 : i32
    %eq3A_0 = arith.cmpi eq, %arg0, %eq3A : i32
    %convert_element_type3A = arith.extui %eq3A_0 : i1 to i32
    %cond3A = arith.constant 0 : i32
    %cond3A_1 = arith.cmpi ne, %convert_element_type3A, %cond3A : i32
    scf.if %cond3A_1 {
      %broadcast_in_dim3A_24 = arith.constant 0.000000e+00 : f32
      %broadcast_in_dim3A_25 = vector.broadcast %broadcast_in_dim3A_24 : f32 to vector<8x16xf32>
      %swap3A_26 = arith.constant 0 : index
      %swap3A_27 = arith.constant 0 : index
      %swap3A_28 = vector.load %arg2[%swap3A_26, %swap3A_27] : memref<8x16xf32, #tpu.memory_space<vmem>>, vector<8x16xf32>
      tpu.vector_store %arg2[%swap3A_26, %swap3A_27], %broadcast_in_dim3A_25 {strides = array<i32>} : memref<8x16xf32, #tpu.memory_space<vmem>>, vector<8x16xf32>,
      %broadcast_in_dim3A_29 = arith.constant 0.000000e+00 : f32
      %broadcast_in_dim3A_30 = vector.broadcast %broadcast_in_dim3A_29 : f32 to vector<8x16xf32>
      %swap3A_31 = arith.constant 0 : index
      %swap3A_32 = arith.constant 0 : index
      %swap3A_33 = vector.load %arg3[%swap3A_31, %swap3A_32] : memref<8x16xf32, #tpu.memory_space<vmem>>, vector<8x16xf32>
      tpu.vector_store %arg3[%swap3A_31, %swap3A_32], %broadcast_in_dim3A_30 {strides = array<i32>} : memref<8x16xf32, #tpu.memory_space<vmem>>, vector<8x16xf32>,
    } else {
    }
    %get3A = arith.constant 0 : index
    %get3A_2 = arith.constant 0 : index
    %get3A_3 = vector.load %arg1[%get3A, %get3A_2] : memref<2000x16xf32, #tpu.memory_space<vmem>>, vector<2000x16xf32>
    %get3A_4 = arith.constant 0 : index
    %get3A_5 = arith.constant 0 : index
    %get3A_6 = vector.load %arg2[%get3A_4, %get3A_5] : memref<8x16xf32, #tpu.memory_space<vmem>>, vector<8x16xf32>
    %reduce_sum3A = arith.constant dense<0.000000e+00> : vector<16xf32>
    %reduce_sum3A_7 = vector.multi_reduction <add>, %get3A_3, %reduce_sum3A [0] : vector<2000x16xf32> to vector<16xf32>
    %broadcast_in_dim3A = vector.shape_cast %reduce_sum3A_7 : vector<16xf32> to vector<1x16xf32>
    %broadcast_in_dim3A_8 = vector.shape_cast %broadcast_in_dim3A : vector<1x16xf32> to vector<1x16xf32>
    %broadcast_in_dim3A_9 = vector.broadcast %broadcast_in_dim3A_8 : vector<1x16xf32> to vector<8x16xf32>
    %add3A = arith.addf %get3A_6, %broadcast_in_dim3A_9 : vector<8x16xf32>
    %swap3A = arith.constant 0 : index
    %swap3A_10 = arith.constant 0 : index
    %swap3A_11 = vector.load %arg2[%swap3A, %swap3A_10] : memref<8x16xf32, #tpu.memory_space<vmem>>, vector<8x16xf32>
    tpu.vector_store %arg2[%swap3A, %swap3A_10], %add3A {strides = array<i32>} : memref<8x16xf32, #tpu.memory_space<vmem>>, vector<8x16xf32>,
    %get3A_12 = arith.constant 0 : index
    %get3A_13 = arith.constant 0 : index
    %get3A_14 = vector.load %arg3[%get3A_12, %get3A_13] : memref<8x16xf32, #tpu.memory_space<vmem>>, vector<8x16xf32>
    %mul3A = arith.mulf %get3A_3, %get3A_3 : vector<2000x16xf32>
    %reduce_sum3A_15 = arith.constant dense<0.000000e+00> : vector<16xf32>
    %reduce_sum3A_16 = vector.multi_reduction <add>, %mul3A, %reduce_sum3A_15 [0] : vector<2000x16xf32> to vector<16xf32>
    %broadcast_in_dim3A_17 = vector.shape_cast %reduce_sum3A_16 : vector<16xf32> to vector<1x16xf32>
    %broadcast_in_dim3A_18 = vector.shape_cast %broadcast_in_dim3A_17 : vector<1x16xf32> to vector<1x16xf32>
    %broadcast_in_dim3A_19 = vector.broadcast %broadcast_in_dim3A_18 : vector<1x16xf32> to vector<8x16xf32>
    %add3A_20 = arith.addf %get3A_14, %broadcast_in_dim3A_19 : vector<8x16xf32>
    %swap3A_21 = arith.constant 0 : index
    %swap3A_22 = arith.constant 0 : index
    %swap3A_23 = vector.load %arg3[%swap3A_21, %swap3A_22] : memref<8x16xf32, #tpu.memory_space<vmem>>, vector<8x16xf32>
    tpu.vector_store %arg3[%swap3A_21, %swap3A_22], %add3A_20 {strides = array<i32>} : memref<8x16xf32, #tpu.memory_space<vmem>>, vector<8x16xf32>,
    return
  }
  func.func @transform_0(%arg0: i32) -> (i32, i32) {
    %c0_i32 = arith.constant 0 : i32
    %c0_i32_0 = arith.constant 0 : i32
    return %arg0, %c0_i32 : i32, i32
  }
  func.func @transform_1(%arg0: i32) -> (i32, i32) {
    %c0_i32 = arith.constant 0 : i32
    %c0_i32_0 = arith.constant 0 : i32
    %c0_i32_1 = arith.constant 0 : i32
    return %c0_i32, %c0_i32_0 : i32, i32
  }
  func.func @transform_2(%arg0: i32) -> (i32, i32) {
    %c0_i32 = arith.constant 0 : i32
    %c0_i32_0 = arith.constant 0 : i32
    %c0_i32_1 = arith.constant 0 : i32
    return %c0_i32, %c0_i32_0 : i32, i32
  }
}

module attributes {stable_mosaic.version = 14 : i64} {
  func.func @body(%arg0: i32, %arg1: memref<2000x16xf32, #tpu.memory_space<vmem>>, %arg2: memref<2000x16xf32, #tpu.memory_space<vmem>>, %arg3: memref<2000x19xf32, #tpu.memory_space<vmem>>, %arg4: memref<8x16xf32, #tpu.memory_space<vmem>>, %arg5: memref<8x16xf32, #tpu.memory_space<vmem>>, %arg6: memref<8x19xf32, #tpu.memory_space<vmem>>, %arg7: memref<16x19xbf16, #tpu.memory_space<vmem>>, %arg8: memref<16x19xbf16, #tpu.memory_space<vmem>>, %arg9: memref<19x19xbf16, #tpu.memory_space<vmem>>, %arg10: memref<8x19xf32, #tpu.memory_space<vmem>>, %arg11: memref<2000x19xf32, #tpu.memory_space<vmem>>, %arg12: memref<8x19xf32, #tpu.memory_space<vmem>>, %arg13: memref<8x19xf32, #tpu.memory_space<vmem>>) attributes {dimension_semantics = [#tpu.dimension_semantics<arbitrary>], iteration_bounds = array<i64: 80>, scalar_prefetch = 0 : i64, scratch_operands = 0 : i64, tpu.core_type = #tpu.core_type<tc>, window_params = [{transform_indices = @transform_0, window_bounds = array<i64: 2000, 16>}, {transform_indices = @transform_1, window_bounds = array<i64: 2000, 16>}, {transform_indices = @transform_2, window_bounds = array<i64: 2000, 19>}, {pipeline_mode = #tpu.pipeline_mode<synchronous>, transform_indices = @transform_3, window_bounds = array<i64: 8, 16>}, {pipeline_mode = #tpu.pipeline_mode<synchronous>, transform_indices = @transform_4, window_bounds = array<i64: 8, 16>}, {pipeline_mode = #tpu.pipeline_mode<synchronous>, transform_indices = @transform_5, window_bounds = array<i64: 8, 19>}, {pipeline_mode = #tpu.pipeline_mode<synchronous>, transform_indices = @transform_6, window_bounds = array<i64: 16, 19>}, {pipeline_mode = #tpu.pipeline_mode<synchronous>, transform_indices = @transform_7, window_bounds = array<i64: 16, 19>}, {pipeline_mode = #tpu.pipeline_mode<synchronous>, transform_indices = @transform_8, window_bounds = array<i64: 19, 19>}, {pipeline_mode = #tpu.pipeline_mode<synchronous>, transform_indices = @transform_9, window_bounds = array<i64: 8, 19>}, {transform_indices = @transform_10, window_bounds = array<i64: 2000, 19>}, {pipeline_mode = #tpu.pipeline_mode<synchronous>, transform_indices = @transform_11, window_bounds = array<i64: 8, 19>}, {pipeline_mode = #tpu.pipeline_mode<synchronous>, transform_indices = @transform_12, window_bounds = array<i64: 8, 19>}]} {
    %get3A = arith.constant 0 : index
    %get3A_0 = arith.constant 0 : index
    %get3A_1 = vector.load %arg1[%get3A, %get3A_0] : memref<2000x16xf32, #tpu.memory_space<vmem>>, vector<2000x16xf32>
    %get3A_2 = arith.constant 0 : index
    %get3A_3 = arith.constant 0 : index
    %get3A_4 = vector.load %arg4[%get3A_2, %get3A_3] : memref<8x16xf32, #tpu.memory_space<vmem>>, vector<8x16xf32>
    %slice3A = vector.extract_strided_slice %get3A_4 {offsets = [0, 0], sizes = [1, 16], strides = [1, 1]} : vector<8x16xf32> to vector<1x16xf32>
    %sub3A = vector.broadcast %slice3A : vector<1x16xf32> to vector<2000x16xf32>
    %sub3A_5 = arith.subf %get3A_1, %sub3A : vector<2000x16xf32>
    %slice3A_6 = vector.extract_strided_slice %get3A_4 {offsets = [1, 0], sizes = [1, 16], strides = [1, 1]} : vector<8x16xf32> to vector<1x16xf32>
    %div3A = vector.broadcast %slice3A_6 : vector<1x16xf32> to vector<2000x16xf32>
    %div3A_7 = arith.divf %sub3A_5, %div3A : vector<2000x16xf32>
    %slice3A_8 = vector.extract_strided_slice %get3A_4 {offsets = [2, 0], sizes = [1, 16], strides = [1, 1]} : vector<8x16xf32> to vector<1x16xf32>
    %mul3A = vector.broadcast %slice3A_8 : vector<1x16xf32> to vector<2000x16xf32>
    %mul3A_9 = arith.mulf %div3A_7, %mul3A : vector<2000x16xf32>
    %slice3A_10 = vector.extract_strided_slice %get3A_4 {offsets = [3, 0], sizes = [1, 16], strides = [1, 1]} : vector<8x16xf32> to vector<1x16xf32>
    %add3A = vector.broadcast %slice3A_10 : vector<1x16xf32> to vector<2000x16xf32>
    %add3A_11 = arith.addf %mul3A_9, %add3A : vector<2000x16xf32>
    %convert_element_type3A = arith.truncf %add3A_11 : vector<2000x16xf32> to vector<2000x16xbf16>
    %get3A_12 = arith.constant 0 : index
    %get3A_13 = arith.constant 0 : index
    %get3A_14 = vector.load %arg2[%get3A_12, %get3A_13] : memref<2000x16xf32, #tpu.memory_space<vmem>>, vector<2000x16xf32>
    %get3A_15 = arith.constant 0 : index
    %get3A_16 = arith.constant 0 : index
    %get3A_17 = vector.load %arg5[%get3A_15, %get3A_16] : memref<8x16xf32, #tpu.memory_space<vmem>>, vector<8x16xf32>
    %slice3A_18 = vector.extract_strided_slice %get3A_17 {offsets = [0, 0], sizes = [1, 16], strides = [1, 1]} : vector<8x16xf32> to vector<1x16xf32>
    %sub3A_19 = vector.broadcast %slice3A_18 : vector<1x16xf32> to vector<2000x16xf32>
    %sub3A_20 = arith.subf %get3A_14, %sub3A_19 : vector<2000x16xf32>
    %slice3A_21 = vector.extract_strided_slice %get3A_17 {offsets = [1, 0], sizes = [1, 16], strides = [1, 1]} : vector<8x16xf32> to vector<1x16xf32>
    %div3A_22 = vector.broadcast %slice3A_21 : vector<1x16xf32> to vector<2000x16xf32>
    %div3A_23 = arith.divf %sub3A_20, %div3A_22 : vector<2000x16xf32>
    %slice3A_24 = vector.extract_strided_slice %get3A_17 {offsets = [2, 0], sizes = [1, 16], strides = [1, 1]} : vector<8x16xf32> to vector<1x16xf32>
    %mul3A_25 = vector.broadcast %slice3A_24 : vector<1x16xf32> to vector<2000x16xf32>
    %mul3A_26 = arith.mulf %div3A_23, %mul3A_25 : vector<2000x16xf32>
    %slice3A_27 = vector.extract_strided_slice %get3A_17 {offsets = [3, 0], sizes = [1, 16], strides = [1, 1]} : vector<8x16xf32> to vector<1x16xf32>
    %add3A_28 = vector.broadcast %slice3A_27 : vector<1x16xf32> to vector<2000x16xf32>
    %add3A_29 = arith.addf %mul3A_26, %add3A_28 : vector<2000x16xf32>
    %convert_element_type3A_30 = arith.truncf %add3A_29 : vector<2000x16xf32> to vector<2000x16xbf16>
    %get3A_31 = arith.constant 0 : index
    %get3A_32 = arith.constant 0 : index
    %get3A_33 = vector.load %arg3[%get3A_31, %get3A_32] : memref<2000x19xf32, #tpu.memory_space<vmem>>, vector<2000x19xf32>
    %get3A_34 = arith.constant 0 : index
    %get3A_35 = arith.constant 0 : index
    %get3A_36 = vector.load %arg6[%get3A_34, %get3A_35] : memref<8x19xf32, #tpu.memory_space<vmem>>, vector<8x19xf32>
    %slice3A_37 = vector.extract_strided_slice %get3A_36 {offsets = [0, 0], sizes = [1, 19], strides = [1, 1]} : vector<8x19xf32> to vector<1x19xf32>
    %sub3A_38 = vector.broadcast %slice3A_37 : vector<1x19xf32> to vector<2000x19xf32>
    %sub3A_39 = arith.subf %get3A_33, %sub3A_38 : vector<2000x19xf32>
    %slice3A_40 = vector.extract_strided_slice %get3A_36 {offsets = [1, 0], sizes = [1, 19], strides = [1, 1]} : vector<8x19xf32> to vector<1x19xf32>
    %div3A_41 = vector.broadcast %slice3A_40 : vector<1x19xf32> to vector<2000x19xf32>
    %div3A_42 = arith.divf %sub3A_39, %div3A_41 : vector<2000x19xf32>
    %slice3A_43 = vector.extract_strided_slice %get3A_36 {offsets = [2, 0], sizes = [1, 19], strides = [1, 1]} : vector<8x19xf32> to vector<1x19xf32>
    %mul3A_44 = vector.broadcast %slice3A_43 : vector<1x19xf32> to vector<2000x19xf32>
    %mul3A_45 = arith.mulf %div3A_42, %mul3A_44 : vector<2000x19xf32>
    %slice3A_46 = vector.extract_strided_slice %get3A_36 {offsets = [3, 0], sizes = [1, 19], strides = [1, 1]} : vector<8x19xf32> to vector<1x19xf32>
    %add3A_47 = vector.broadcast %slice3A_46 : vector<1x19xf32> to vector<2000x19xf32>
    %add3A_48 = arith.addf %mul3A_45, %add3A_47 : vector<2000x19xf32>
    %convert_element_type3A_49 = arith.truncf %add3A_48 : vector<2000x19xf32> to vector<2000x19xbf16>
    %get3A_50 = arith.constant 0 : index
    %get3A_51 = arith.constant 0 : index
    %get3A_52 = vector.load %arg7[%get3A_50, %get3A_51] : memref<16x19xbf16, #tpu.memory_space<vmem>>, vector<16x19xbf16>
    %dot_general3A = arith.constant dense<0.000000e+00> : vector<2000x19xf32>
    %dot_general3A_53 = tpu.matmul %convert_element_type3A, %get3A_52, %dot_general3A {dimension_numbers = #tpu.dot_dimension_numbers<[1], [0], [0], [1], [0, 0, 1, 1], [], []>, transpose_lhs_hint = false} : vector<2000x16xbf16>, vector<16x19xbf16>, vector<2000x19xf32> -> vector<2000x19xf32>
    %get3A_54 = arith.constant 0 : index
    %get3A_55 = arith.constant 0 : index
    %get3A_56 = vector.load %arg8[%get3A_54, %get3A_55] : memref<16x19xbf16, #tpu.memory_space<vmem>>, vector<16x19xbf16>
    %dot_general3A_57 = arith.constant dense<0.000000e+00> : vector<2000x19xf32>
    %dot_general3A_58 = tpu.matmul %convert_element_type3A_30, %get3A_56, %dot_general3A_57 {dimension_numbers = #tpu.dot_dimension_numbers<[1], [0], [0], [1], [0, 0, 1, 1], [], []>, transpose_lhs_hint = false} : vector<2000x16xbf16>, vector<16x19xbf16>, vector<2000x19xf32> -> vector<2000x19xf32>
    %add3A_59 = arith.addf %dot_general3A_53, %dot_general3A_58 : vector<2000x19xf32>
    %get3A_60 = arith.constant 0 : index
    %get3A_61 = arith.constant 0 : index
    %get3A_62 = vector.load %arg9[%get3A_60, %get3A_61] : memref<19x19xbf16, #tpu.memory_space<vmem>>, vector<19x19xbf16>
    %dot_general3A_63 = arith.constant dense<0.000000e+00> : vector<2000x19xf32>
    %dot_general3A_64 = tpu.matmul %convert_element_type3A_49, %get3A_62, %dot_general3A_63 {dimension_numbers = #tpu.dot_dimension_numbers<[1], [0], [0], [1], [0, 0, 1, 1], [], []>, transpose_lhs_hint = false} : vector<2000x19xbf16>, vector<19x19xbf16>, vector<2000x19xf32> -> vector<2000x19xf32>
    %add3A_65 = arith.addf %add3A_59, %dot_general3A_64 : vector<2000x19xf32>
    %get3A_66 = arith.constant 0 : index
    %get3A_67 = arith.constant 0 : index
    %get3A_68 = vector.load %arg10[%get3A_66, %get3A_67] : memref<8x19xf32, #tpu.memory_space<vmem>>, vector<1x19xf32>
    %add3A_69 = vector.broadcast %get3A_68 : vector<1x19xf32> to vector<2000x19xf32>
    %add3A_70 = arith.addf %add3A_65, %add3A_69 : vector<2000x19xf32>
    %max3A = arith.constant 0.000000e+00 : f32
    %max3A_71 = vector.broadcast %max3A : f32 to vector<2000x19xf32>
    %max3A_72 = arith.maximumf %add3A_70, %max3A_71 : vector<2000x19xf32>
    %swap3A = arith.constant 0 : index
    %swap3A_73 = arith.constant 0 : index
    %swap3A_74 = vector.load %arg11[%swap3A, %swap3A_73] : memref<2000x19xf32, #tpu.memory_space<vmem>>, vector<2000x19xf32>
    tpu.vector_store %arg11[%swap3A, %swap3A_73], %max3A_72 {strides = array<i32>} : memref<2000x19xf32, #tpu.memory_space<vmem>>, vector<2000x19xf32>,
    %eq3A = arith.constant 0 : i32
    %eq3A_75 = arith.cmpi eq, %arg0, %eq3A : i32
    %convert_element_type3A_76 = arith.extui %eq3A_75 : i1 to i32
    %cond3A = arith.constant 0 : i32
    %cond3A_77 = arith.cmpi ne, %convert_element_type3A_76, %cond3A : i32
    scf.if %cond3A_77 {
      %broadcast_in_dim3A_101 = arith.constant 0.000000e+00 : f32
      %broadcast_in_dim3A_102 = vector.broadcast %broadcast_in_dim3A_101 : f32 to vector<8x19xf32>
      %swap3A_103 = arith.constant 0 : index
      %swap3A_104 = arith.constant 0 : index
      %swap3A_105 = vector.load %arg12[%swap3A_103, %swap3A_104] : memref<8x19xf32, #tpu.memory_space<vmem>>, vector<8x19xf32>
      tpu.vector_store %arg12[%swap3A_103, %swap3A_104], %broadcast_in_dim3A_102 {strides = array<i32>} : memref<8x19xf32, #tpu.memory_space<vmem>>, vector<8x19xf32>,
      %broadcast_in_dim3A_106 = arith.constant 0.000000e+00 : f32
      %broadcast_in_dim3A_107 = vector.broadcast %broadcast_in_dim3A_106 : f32 to vector<8x19xf32>
      %swap3A_108 = arith.constant 0 : index
      %swap3A_109 = arith.constant 0 : index
      %swap3A_110 = vector.load %arg13[%swap3A_108, %swap3A_109] : memref<8x19xf32, #tpu.memory_space<vmem>>, vector<8x19xf32>
      tpu.vector_store %arg13[%swap3A_108, %swap3A_109], %broadcast_in_dim3A_107 {strides = array<i32>} : memref<8x19xf32, #tpu.memory_space<vmem>>, vector<8x19xf32>,
    } else {
    }
    %get3A_78 = arith.constant 0 : index
    %get3A_79 = arith.constant 0 : index
    %get3A_80 = vector.load %arg12[%get3A_78, %get3A_79] : memref<8x19xf32, #tpu.memory_space<vmem>>, vector<8x19xf32>
    %reduce_sum3A = arith.constant dense<0.000000e+00> : vector<19xf32>
    %reduce_sum3A_81 = vector.multi_reduction <add>, %max3A_72, %reduce_sum3A [0] : vector<2000x19xf32> to vector<19xf32>
    %broadcast_in_dim3A = vector.shape_cast %reduce_sum3A_81 : vector<19xf32> to vector<1x19xf32>
    %broadcast_in_dim3A_82 = vector.shape_cast %broadcast_in_dim3A : vector<1x19xf32> to vector<1x19xf32>
    %broadcast_in_dim3A_83 = vector.broadcast %broadcast_in_dim3A_82 : vector<1x19xf32> to vector<8x19xf32>
    %add3A_84 = arith.addf %get3A_80, %broadcast_in_dim3A_83 : vector<8x19xf32>
    %swap3A_85 = arith.constant 0 : index
    %swap3A_86 = arith.constant 0 : index
    %swap3A_87 = vector.load %arg12[%swap3A_85, %swap3A_86] : memref<8x19xf32, #tpu.memory_space<vmem>>, vector<8x19xf32>
    tpu.vector_store %arg12[%swap3A_85, %swap3A_86], %add3A_84 {strides = array<i32>} : memref<8x19xf32, #tpu.memory_space<vmem>>, vector<8x19xf32>,
    %get3A_88 = arith.constant 0 : index
    %get3A_89 = arith.constant 0 : index
    %get3A_90 = vector.load %arg13[%get3A_88, %get3A_89] : memref<8x19xf32, #tpu.memory_space<vmem>>, vector<8x19xf32>
    %mul3A_91 = arith.mulf %max3A_72, %max3A_72 : vector<2000x19xf32>
    %reduce_sum3A_92 = arith.constant dense<0.000000e+00> : vector<19xf32>
    %reduce_sum3A_93 = vector.multi_reduction <add>, %mul3A_91, %reduce_sum3A_92 [0] : vector<2000x19xf32> to vector<19xf32>
    %broadcast_in_dim3A_94 = vector.shape_cast %reduce_sum3A_93 : vector<19xf32> to vector<1x19xf32>
    %broadcast_in_dim3A_95 = vector.shape_cast %broadcast_in_dim3A_94 : vector<1x19xf32> to vector<1x19xf32>
    %broadcast_in_dim3A_96 = vector.broadcast %broadcast_in_dim3A_95 : vector<1x19xf32> to vector<8x19xf32>
    %add3A_97 = arith.addf %get3A_90, %broadcast_in_dim3A_96 : vector<8x19xf32>
    %swap3A_98 = arith.constant 0 : index
    %swap3A_99 = arith.constant 0 : index
    %swap3A_100 = vector.load %arg13[%swap3A_98, %swap3A_99] : memref<8x19xf32, #tpu.memory_space<vmem>>, vector<8x19xf32>
    tpu.vector_store %arg13[%swap3A_98, %swap3A_99], %add3A_97 {strides = array<i32>} : memref<8x19xf32, #tpu.memory_space<vmem>>, vector<8x19xf32>,
    return
  }
  func.func @transform_0(%arg0: i32) -> (i32, i32) {
    %c0_i32 = arith.constant 0 : i32
    %c0_i32_0 = arith.constant 0 : i32
    return %arg0, %c0_i32 : i32, i32
  }
  func.func @transform_1(%arg0: i32) -> (i32, i32) {
    %c0_i32 = arith.constant 0 : i32
    %c0_i32_0 = arith.constant 0 : i32
    return %arg0, %c0_i32 : i32, i32
  }
  func.func @transform_2(%arg0: i32) -> (i32, i32) {
    %c0_i32 = arith.constant 0 : i32
    %c0_i32_0 = arith.constant 0 : i32
    return %arg0, %c0_i32 : i32, i32
  }
  func.func @transform_3(%arg0: i32) -> (i32, i32) {
    %c0_i32 = arith.constant 0 : i32
    %c0_i32_0 = arith.constant 0 : i32
    %c0_i32_1 = arith.constant 0 : i32
    return %c0_i32, %c0_i32_0 : i32, i32
  }
  func.func @transform_4(%arg0: i32) -> (i32, i32) {
    %c0_i32 = arith.constant 0 : i32
    %c0_i32_0 = arith.constant 0 : i32
    %c0_i32_1 = arith.constant 0 : i32
    return %c0_i32, %c0_i32_0 : i32, i32
  }
  func.func @transform_5(%arg0: i32) -> (i32, i32) {
    %c0_i32 = arith.constant 0 : i32
    %c0_i32_0 = arith.constant 0 : i32
    %c0_i32_1 = arith.constant 0 : i32
    return %c0_i32, %c0_i32_0 : i32, i32
  }
  func.func @transform_6(%arg0: i32) -> (i32, i32) {
    %c0_i32 = arith.constant 0 : i32
    %c0_i32_0 = arith.constant 0 : i32
    %c0_i32_1 = arith.constant 0 : i32
    return %c0_i32, %c0_i32_0 : i32, i32
  }
  func.func @transform_7(%arg0: i32) -> (i32, i32) {
    %c0_i32 = arith.constant 0 : i32
    %c0_i32_0 = arith.constant 0 : i32
    %c0_i32_1 = arith.constant 0 : i32
    return %c0_i32, %c0_i32_0 : i32, i32
  }
  func.func @transform_8(%arg0: i32) -> (i32, i32) {
    %c0_i32 = arith.constant 0 : i32
    %c0_i32_0 = arith.constant 0 : i32
    %c0_i32_1 = arith.constant 0 : i32
    return %c0_i32, %c0_i32_0 : i32, i32
  }
  func.func @transform_9(%arg0: i32) -> (i32, i32) {
    %c0_i32 = arith.constant 0 : i32
    %c0_i32_0 = arith.constant 0 : i32
    %c0_i32_1 = arith.constant 0 : i32
    return %c0_i32, %c0_i32_0 : i32, i32
  }
  func.func @transform_10(%arg0: i32) -> (i32, i32) {
    %c0_i32 = arith.constant 0 : i32
    %c0_i32_0 = arith.constant 0 : i32
    return %arg0, %c0_i32 : i32, i32
  }
  func.func @transform_11(%arg0: i32) -> (i32, i32) {
    %c0_i32 = arith.constant 0 : i32
    %c0_i32_0 = arith.constant 0 : i32
    %c0_i32_1 = arith.constant 0 : i32
    return %c0_i32, %c0_i32_0 : i32, i32
  }
  func.func @transform_12(%arg0: i32) -> (i32, i32) {
    %c0_i32 = arith.constant 0 : i32
    %c0_i32_0 = arith.constant 0 : i32
    %c0_i32_1 = arith.constant 0 : i32
    return %c0_i32, %c0_i32_0 : i32, i32
  }
}

module attributes {stable_mosaic.version = 14 : i64} {
  func.func @body(%arg0: i32, %arg1: memref<2000x19xf32, #tpu.memory_space<vmem>>, %arg2: memref<8x19xf32, #tpu.memory_space<vmem>>, %arg3: memref<19x19xbf16, #tpu.memory_space<vmem>>, %arg4: memref<8x19xf32, #tpu.memory_space<vmem>>, %arg5: memref<2000x19xf32, #tpu.memory_space<vmem>>, %arg6: memref<8x19xf32, #tpu.memory_space<vmem>>, %arg7: memref<8x19xf32, #tpu.memory_space<vmem>>) attributes {dimension_semantics = [#tpu.dimension_semantics<arbitrary>], iteration_bounds = array<i64: 80>, scalar_prefetch = 0 : i64, scratch_operands = 0 : i64, tpu.core_type = #tpu.core_type<tc>, window_params = [{transform_indices = @transform_0, window_bounds = array<i64: 2000, 19>}, {pipeline_mode = #tpu.pipeline_mode<synchronous>, transform_indices = @transform_1, window_bounds = array<i64: 8, 19>}, {pipeline_mode = #tpu.pipeline_mode<synchronous>, transform_indices = @transform_2, window_bounds = array<i64: 19, 19>}, {pipeline_mode = #tpu.pipeline_mode<synchronous>, transform_indices = @transform_3, window_bounds = array<i64: 8, 19>}, {transform_indices = @transform_4, window_bounds = array<i64: 2000, 19>}, {pipeline_mode = #tpu.pipeline_mode<synchronous>, transform_indices = @transform_5, window_bounds = array<i64: 8, 19>}, {pipeline_mode = #tpu.pipeline_mode<synchronous>, transform_indices = @transform_6, window_bounds = array<i64: 8, 19>}]} {
    %get3A = arith.constant 0 : index
    %get3A_0 = arith.constant 0 : index
    %get3A_1 = vector.load %arg2[%get3A, %get3A_0] : memref<8x19xf32, #tpu.memory_space<vmem>>, vector<8x19xf32>
    %get3A_2 = arith.constant 0 : index
    %get3A_3 = arith.constant 0 : index
    %get3A_4 = vector.load %arg1[%get3A_2, %get3A_3] : memref<2000x19xf32, #tpu.memory_space<vmem>>, vector<2000x19xf32>
    %slice3A = vector.extract_strided_slice %get3A_1 {offsets = [0, 0], sizes = [1, 19], strides = [1, 1]} : vector<8x19xf32> to vector<1x19xf32>
    %sub3A = vector.broadcast %slice3A : vector<1x19xf32> to vector<2000x19xf32>
    %sub3A_5 = arith.subf %get3A_4, %sub3A : vector<2000x19xf32>
    %slice3A_6 = vector.extract_strided_slice %get3A_1 {offsets = [1, 0], sizes = [1, 19], strides = [1, 1]} : vector<8x19xf32> to vector<1x19xf32>
    %div3A = vector.broadcast %slice3A_6 : vector<1x19xf32> to vector<2000x19xf32>
    %div3A_7 = arith.divf %sub3A_5, %div3A : vector<2000x19xf32>
    %slice3A_8 = vector.extract_strided_slice %get3A_1 {offsets = [2, 0], sizes = [1, 19], strides = [1, 1]} : vector<8x19xf32> to vector<1x19xf32>
    %mul3A = vector.broadcast %slice3A_8 : vector<1x19xf32> to vector<2000x19xf32>
    %mul3A_9 = arith.mulf %div3A_7, %mul3A : vector<2000x19xf32>
    %slice3A_10 = vector.extract_strided_slice %get3A_1 {offsets = [3, 0], sizes = [1, 19], strides = [1, 1]} : vector<8x19xf32> to vector<1x19xf32>
    %add3A = vector.broadcast %slice3A_10 : vector<1x19xf32> to vector<2000x19xf32>
    %add3A_11 = arith.addf %mul3A_9, %add3A : vector<2000x19xf32>
    %convert_element_type3A = arith.truncf %add3A_11 : vector<2000x19xf32> to vector<2000x19xbf16>
    %get3A_12 = arith.constant 0 : index
    %get3A_13 = arith.constant 0 : index
    %get3A_14 = vector.load %arg3[%get3A_12, %get3A_13] : memref<19x19xbf16, #tpu.memory_space<vmem>>, vector<19x19xbf16>
    %dot_general3A = arith.constant dense<0.000000e+00> : vector<2000x19xf32>
    %dot_general3A_15 = tpu.matmul %convert_element_type3A, %get3A_14, %dot_general3A {dimension_numbers = #tpu.dot_dimension_numbers<[1], [0], [0], [1], [0, 0, 1, 1], [], []>, transpose_lhs_hint = false} : vector<2000x19xbf16>, vector<19x19xbf16>, vector<2000x19xf32> -> vector<2000x19xf32>
    %get3A_16 = arith.constant 0 : index
    %get3A_17 = arith.constant 0 : index
    %get3A_18 = vector.load %arg4[%get3A_16, %get3A_17] : memref<8x19xf32, #tpu.memory_space<vmem>>, vector<1x19xf32>
    %add3A_19 = vector.broadcast %get3A_18 : vector<1x19xf32> to vector<2000x19xf32>
    %add3A_20 = arith.addf %dot_general3A_15, %add3A_19 : vector<2000x19xf32>
    %max3A = arith.constant 0.000000e+00 : f32
    %max3A_21 = vector.broadcast %max3A : f32 to vector<2000x19xf32>
    %max3A_22 = arith.maximumf %add3A_20, %max3A_21 : vector<2000x19xf32>
    %swap3A = arith.constant 0 : index
    %swap3A_23 = arith.constant 0 : index
    %swap3A_24 = vector.load %arg5[%swap3A, %swap3A_23] : memref<2000x19xf32, #tpu.memory_space<vmem>>, vector<2000x19xf32>
    tpu.vector_store %arg5[%swap3A, %swap3A_23], %max3A_22 {strides = array<i32>} : memref<2000x19xf32, #tpu.memory_space<vmem>>, vector<2000x19xf32>,
    %eq3A = arith.constant 0 : i32
    %eq3A_25 = arith.cmpi eq, %arg0, %eq3A : i32
    %convert_element_type3A_26 = arith.extui %eq3A_25 : i1 to i32
    %cond3A = arith.constant 0 : i32
    %cond3A_27 = arith.cmpi ne, %convert_element_type3A_26, %cond3A : i32
    scf.if %cond3A_27 {
      %broadcast_in_dim3A_51 = arith.constant 0.000000e+00 : f32
      %broadcast_in_dim3A_52 = vector.broadcast %broadcast_in_dim3A_51 : f32 to vector<8x19xf32>
      %swap3A_53 = arith.constant 0 : index
      %swap3A_54 = arith.constant 0 : index
      %swap3A_55 = vector.load %arg6[%swap3A_53, %swap3A_54] : memref<8x19xf32, #tpu.memory_space<vmem>>, vector<8x19xf32>
      tpu.vector_store %arg6[%swap3A_53, %swap3A_54], %broadcast_in_dim3A_52 {strides = array<i32>} : memref<8x19xf32, #tpu.memory_space<vmem>>, vector<8x19xf32>,
      %broadcast_in_dim3A_56 = arith.constant 0.000000e+00 : f32
      %broadcast_in_dim3A_57 = vector.broadcast %broadcast_in_dim3A_56 : f32 to vector<8x19xf32>
      %swap3A_58 = arith.constant 0 : index
      %swap3A_59 = arith.constant 0 : index
      %swap3A_60 = vector.load %arg7[%swap3A_58, %swap3A_59] : memref<8x19xf32, #tpu.memory_space<vmem>>, vector<8x19xf32>
      tpu.vector_store %arg7[%swap3A_58, %swap3A_59], %broadcast_in_dim3A_57 {strides = array<i32>} : memref<8x19xf32, #tpu.memory_space<vmem>>, vector<8x19xf32>,
    } else {
    }
    %get3A_28 = arith.constant 0 : index
    %get3A_29 = arith.constant 0 : index
    %get3A_30 = vector.load %arg6[%get3A_28, %get3A_29] : memref<8x19xf32, #tpu.memory_space<vmem>>, vector<8x19xf32>
    %reduce_sum3A = arith.constant dense<0.000000e+00> : vector<19xf32>
    %reduce_sum3A_31 = vector.multi_reduction <add>, %max3A_22, %reduce_sum3A [0] : vector<2000x19xf32> to vector<19xf32>
    %broadcast_in_dim3A = vector.shape_cast %reduce_sum3A_31 : vector<19xf32> to vector<1x19xf32>
    %broadcast_in_dim3A_32 = vector.shape_cast %broadcast_in_dim3A : vector<1x19xf32> to vector<1x19xf32>
    %broadcast_in_dim3A_33 = vector.broadcast %broadcast_in_dim3A_32 : vector<1x19xf32> to vector<8x19xf32>
    %add3A_34 = arith.addf %get3A_30, %broadcast_in_dim3A_33 : vector<8x19xf32>
    %swap3A_35 = arith.constant 0 : index
    %swap3A_36 = arith.constant 0 : index
    %swap3A_37 = vector.load %arg6[%swap3A_35, %swap3A_36] : memref<8x19xf32, #tpu.memory_space<vmem>>, vector<8x19xf32>
    tpu.vector_store %arg6[%swap3A_35, %swap3A_36], %add3A_34 {strides = array<i32>} : memref<8x19xf32, #tpu.memory_space<vmem>>, vector<8x19xf32>,
    %get3A_38 = arith.constant 0 : index
    %get3A_39 = arith.constant 0 : index
    %get3A_40 = vector.load %arg7[%get3A_38, %get3A_39] : memref<8x19xf32, #tpu.memory_space<vmem>>, vector<8x19xf32>
    %mul3A_41 = arith.mulf %max3A_22, %max3A_22 : vector<2000x19xf32>
    %reduce_sum3A_42 = arith.constant dense<0.000000e+00> : vector<19xf32>
    %reduce_sum3A_43 = vector.multi_reduction <add>, %mul3A_41, %reduce_sum3A_42 [0] : vector<2000x19xf32> to vector<19xf32>
    %broadcast_in_dim3A_44 = vector.shape_cast %reduce_sum3A_43 : vector<19xf32> to vector<1x19xf32>
    %broadcast_in_dim3A_45 = vector.shape_cast %broadcast_in_dim3A_44 : vector<1x19xf32> to vector<1x19xf32>
    %broadcast_in_dim3A_46 = vector.broadcast %broadcast_in_dim3A_45 : vector<1x19xf32> to vector<8x19xf32>
    %add3A_47 = arith.addf %get3A_40, %broadcast_in_dim3A_46 : vector<8x19xf32>
    %swap3A_48 = arith.constant 0 : index
    %swap3A_49 = arith.constant 0 : index
    %swap3A_50 = vector.load %arg7[%swap3A_48, %swap3A_49] : memref<8x19xf32, #tpu.memory_space<vmem>>, vector<8x19xf32>
    tpu.vector_store %arg7[%swap3A_48, %swap3A_49], %add3A_47 {strides = array<i32>} : memref<8x19xf32, #tpu.memory_space<vmem>>, vector<8x19xf32>,
    return
  }
  func.func @transform_0(%arg0: i32) -> (i32, i32) {
    %c0_i32 = arith.constant 0 : i32
    %c0_i32_0 = arith.constant 0 : i32
    return %arg0, %c0_i32 : i32, i32
  }
  func.func @transform_1(%arg0: i32) -> (i32, i32) {
    %c0_i32 = arith.constant 0 : i32
    %c0_i32_0 = arith.constant 0 : i32
    %c0_i32_1 = arith.constant 0 : i32
    return %c0_i32, %c0_i32_0 : i32, i32
  }
  func.func @transform_2(%arg0: i32) -> (i32, i32) {
    %c0_i32 = arith.constant 0 : i32
    %c0_i32_0 = arith.constant 0 : i32
    %c0_i32_1 = arith.constant 0 : i32
    return %c0_i32, %c0_i32_0 : i32, i32
  }
  func.func @transform_3(%arg0: i32) -> (i32, i32) {
    %c0_i32 = arith.constant 0 : i32
    %c0_i32_0 = arith.constant 0 : i32
    %c0_i32_1 = arith.constant 0 : i32
    return %c0_i32, %c0_i32_0 : i32, i32
  }
  func.func @transform_4(%arg0: i32) -> (i32, i32) {
    %c0_i32 = arith.constant 0 : i32
    %c0_i32_0 = arith.constant 0 : i32
    return %arg0, %c0_i32 : i32, i32
  }
  func.func @transform_5(%arg0: i32) -> (i32, i32) {
    %c0_i32 = arith.constant 0 : i32
    %c0_i32_0 = arith.constant 0 : i32
    %c0_i32_1 = arith.constant 0 : i32
    return %c0_i32, %c0_i32_0 : i32, i32
  }
  func.func @transform_6(%arg0: i32) -> (i32, i32) {
    %c0_i32 = arith.constant 0 : i32
    %c0_i32_0 = arith.constant 0 : i32
    %c0_i32_1 = arith.constant 0 : i32
    return %c0_i32, %c0_i32_0 : i32, i32
  }
}

module attributes {stable_mosaic.version = 14 : i64} {
  func.func @body(%arg0: i32, %arg1: memref<2000x19xf32, #tpu.memory_space<vmem>>, %arg2: memref<8x19xf32, #tpu.memory_space<vmem>>, %arg3: memref<19x19xbf16, #tpu.memory_space<vmem>>, %arg4: memref<8x19xf32, #tpu.memory_space<vmem>>, %arg5: memref<2000x19xf32, #tpu.memory_space<vmem>>, %arg6: memref<8x19xf32, #tpu.memory_space<vmem>>, %arg7: memref<8x19xf32, #tpu.memory_space<vmem>>) attributes {dimension_semantics = [#tpu.dimension_semantics<arbitrary>], iteration_bounds = array<i64: 80>, scalar_prefetch = 0 : i64, scratch_operands = 0 : i64, tpu.core_type = #tpu.core_type<tc>, window_params = [{transform_indices = @transform_0, window_bounds = array<i64: 2000, 19>}, {pipeline_mode = #tpu.pipeline_mode<synchronous>, transform_indices = @transform_1, window_bounds = array<i64: 8, 19>}, {pipeline_mode = #tpu.pipeline_mode<synchronous>, transform_indices = @transform_2, window_bounds = array<i64: 19, 19>}, {pipeline_mode = #tpu.pipeline_mode<synchronous>, transform_indices = @transform_3, window_bounds = array<i64: 8, 19>}, {transform_indices = @transform_4, window_bounds = array<i64: 2000, 19>}, {pipeline_mode = #tpu.pipeline_mode<synchronous>, transform_indices = @transform_5, window_bounds = array<i64: 8, 19>}, {pipeline_mode = #tpu.pipeline_mode<synchronous>, transform_indices = @transform_6, window_bounds = array<i64: 8, 19>}]} {
    %get3A = arith.constant 0 : index
    %get3A_0 = arith.constant 0 : index
    %get3A_1 = vector.load %arg2[%get3A, %get3A_0] : memref<8x19xf32, #tpu.memory_space<vmem>>, vector<8x19xf32>
    %get3A_2 = arith.constant 0 : index
    %get3A_3 = arith.constant 0 : index
    %get3A_4 = vector.load %arg1[%get3A_2, %get3A_3] : memref<2000x19xf32, #tpu.memory_space<vmem>>, vector<2000x19xf32>
    %slice3A = vector.extract_strided_slice %get3A_1 {offsets = [0, 0], sizes = [1, 19], strides = [1, 1]} : vector<8x19xf32> to vector<1x19xf32>
    %sub3A = vector.broadcast %slice3A : vector<1x19xf32> to vector<2000x19xf32>
    %sub3A_5 = arith.subf %get3A_4, %sub3A : vector<2000x19xf32>
    %slice3A_6 = vector.extract_strided_slice %get3A_1 {offsets = [1, 0], sizes = [1, 19], strides = [1, 1]} : vector<8x19xf32> to vector<1x19xf32>
    %div3A = vector.broadcast %slice3A_6 : vector<1x19xf32> to vector<2000x19xf32>
    %div3A_7 = arith.divf %sub3A_5, %div3A : vector<2000x19xf32>
    %slice3A_8 = vector.extract_strided_slice %get3A_1 {offsets = [2, 0], sizes = [1, 19], strides = [1, 1]} : vector<8x19xf32> to vector<1x19xf32>
    %mul3A = vector.broadcast %slice3A_8 : vector<1x19xf32> to vector<2000x19xf32>
    %mul3A_9 = arith.mulf %div3A_7, %mul3A : vector<2000x19xf32>
    %slice3A_10 = vector.extract_strided_slice %get3A_1 {offsets = [3, 0], sizes = [1, 19], strides = [1, 1]} : vector<8x19xf32> to vector<1x19xf32>
    %add3A = vector.broadcast %slice3A_10 : vector<1x19xf32> to vector<2000x19xf32>
    %add3A_11 = arith.addf %mul3A_9, %add3A : vector<2000x19xf32>
    %convert_element_type3A = arith.truncf %add3A_11 : vector<2000x19xf32> to vector<2000x19xbf16>
    %get3A_12 = arith.constant 0 : index
    %get3A_13 = arith.constant 0 : index
    %get3A_14 = vector.load %arg3[%get3A_12, %get3A_13] : memref<19x19xbf16, #tpu.memory_space<vmem>>, vector<19x19xbf16>
    %dot_general3A = arith.constant dense<0.000000e+00> : vector<2000x19xf32>
    %dot_general3A_15 = tpu.matmul %convert_element_type3A, %get3A_14, %dot_general3A {dimension_numbers = #tpu.dot_dimension_numbers<[1], [0], [0], [1], [0, 0, 1, 1], [], []>, transpose_lhs_hint = false} : vector<2000x19xbf16>, vector<19x19xbf16>, vector<2000x19xf32> -> vector<2000x19xf32>
    %get3A_16 = arith.constant 0 : index
    %get3A_17 = arith.constant 0 : index
    %get3A_18 = vector.load %arg4[%get3A_16, %get3A_17] : memref<8x19xf32, #tpu.memory_space<vmem>>, vector<1x19xf32>
    %add3A_19 = vector.broadcast %get3A_18 : vector<1x19xf32> to vector<2000x19xf32>
    %add3A_20 = arith.addf %dot_general3A_15, %add3A_19 : vector<2000x19xf32>
    %swap3A = arith.constant 0 : index
    %swap3A_21 = arith.constant 0 : index
    %swap3A_22 = vector.load %arg5[%swap3A, %swap3A_21] : memref<2000x19xf32, #tpu.memory_space<vmem>>, vector<2000x19xf32>
    tpu.vector_store %arg5[%swap3A, %swap3A_21], %add3A_20 {strides = array<i32>} : memref<2000x19xf32, #tpu.memory_space<vmem>>, vector<2000x19xf32>,
    %eq3A = arith.constant 0 : i32
    %eq3A_23 = arith.cmpi eq, %arg0, %eq3A : i32
    %convert_element_type3A_24 = arith.extui %eq3A_23 : i1 to i32
    %cond3A = arith.constant 0 : i32
    %cond3A_25 = arith.cmpi ne, %convert_element_type3A_24, %cond3A : i32
    scf.if %cond3A_25 {
      %broadcast_in_dim3A_49 = arith.constant 0.000000e+00 : f32
      %broadcast_in_dim3A_50 = vector.broadcast %broadcast_in_dim3A_49 : f32 to vector<8x19xf32>
      %swap3A_51 = arith.constant 0 : index
      %swap3A_52 = arith.constant 0 : index
      %swap3A_53 = vector.load %arg6[%swap3A_51, %swap3A_52] : memref<8x19xf32, #tpu.memory_space<vmem>>, vector<8x19xf32>
      tpu.vector_store %arg6[%swap3A_51, %swap3A_52], %broadcast_in_dim3A_50 {strides = array<i32>} : memref<8x19xf32, #tpu.memory_space<vmem>>, vector<8x19xf32>,
      %broadcast_in_dim3A_54 = arith.constant 0.000000e+00 : f32
      %broadcast_in_dim3A_55 = vector.broadcast %broadcast_in_dim3A_54 : f32 to vector<8x19xf32>
      %swap3A_56 = arith.constant 0 : index
      %swap3A_57 = arith.constant 0 : index
      %swap3A_58 = vector.load %arg7[%swap3A_56, %swap3A_57] : memref<8x19xf32, #tpu.memory_space<vmem>>, vector<8x19xf32>
      tpu.vector_store %arg7[%swap3A_56, %swap3A_57], %broadcast_in_dim3A_55 {strides = array<i32>} : memref<8x19xf32, #tpu.memory_space<vmem>>, vector<8x19xf32>,
    } else {
    }
    %get3A_26 = arith.constant 0 : index
    %get3A_27 = arith.constant 0 : index
    %get3A_28 = vector.load %arg6[%get3A_26, %get3A_27] : memref<8x19xf32, #tpu.memory_space<vmem>>, vector<8x19xf32>
    %reduce_sum3A = arith.constant dense<0.000000e+00> : vector<19xf32>
    %reduce_sum3A_29 = vector.multi_reduction <add>, %add3A_20, %reduce_sum3A [0] : vector<2000x19xf32> to vector<19xf32>
    %broadcast_in_dim3A = vector.shape_cast %reduce_sum3A_29 : vector<19xf32> to vector<1x19xf32>
    %broadcast_in_dim3A_30 = vector.shape_cast %broadcast_in_dim3A : vector<1x19xf32> to vector<1x19xf32>
    %broadcast_in_dim3A_31 = vector.broadcast %broadcast_in_dim3A_30 : vector<1x19xf32> to vector<8x19xf32>
    %add3A_32 = arith.addf %get3A_28, %broadcast_in_dim3A_31 : vector<8x19xf32>
    %swap3A_33 = arith.constant 0 : index
    %swap3A_34 = arith.constant 0 : index
    %swap3A_35 = vector.load %arg6[%swap3A_33, %swap3A_34] : memref<8x19xf32, #tpu.memory_space<vmem>>, vector<8x19xf32>
    tpu.vector_store %arg6[%swap3A_33, %swap3A_34], %add3A_32 {strides = array<i32>} : memref<8x19xf32, #tpu.memory_space<vmem>>, vector<8x19xf32>,
    %get3A_36 = arith.constant 0 : index
    %get3A_37 = arith.constant 0 : index
    %get3A_38 = vector.load %arg7[%get3A_36, %get3A_37] : memref<8x19xf32, #tpu.memory_space<vmem>>, vector<8x19xf32>
    %mul3A_39 = arith.mulf %add3A_20, %add3A_20 : vector<2000x19xf32>
    %reduce_sum3A_40 = arith.constant dense<0.000000e+00> : vector<19xf32>
    %reduce_sum3A_41 = vector.multi_reduction <add>, %mul3A_39, %reduce_sum3A_40 [0] : vector<2000x19xf32> to vector<19xf32>
    %broadcast_in_dim3A_42 = vector.shape_cast %reduce_sum3A_41 : vector<19xf32> to vector<1x19xf32>
    %broadcast_in_dim3A_43 = vector.shape_cast %broadcast_in_dim3A_42 : vector<1x19xf32> to vector<1x19xf32>
    %broadcast_in_dim3A_44 = vector.broadcast %broadcast_in_dim3A_43 : vector<1x19xf32> to vector<8x19xf32>
    %add3A_45 = arith.addf %get3A_38, %broadcast_in_dim3A_44 : vector<8x19xf32>
    %swap3A_46 = arith.constant 0 : index
    %swap3A_47 = arith.constant 0 : index
    %swap3A_48 = vector.load %arg7[%swap3A_46, %swap3A_47] : memref<8x19xf32, #tpu.memory_space<vmem>>, vector<8x19xf32>
    tpu.vector_store %arg7[%swap3A_46, %swap3A_47], %add3A_45 {strides = array<i32>} : memref<8x19xf32, #tpu.memory_space<vmem>>, vector<8x19xf32>,
    return
  }
  func.func @transform_0(%arg0: i32) -> (i32, i32) {
    %c0_i32 = arith.constant 0 : i32
    %c0_i32_0 = arith.constant 0 : i32
    return %arg0, %c0_i32 : i32, i32
  }
  func.func @transform_1(%arg0: i32) -> (i32, i32) {
    %c0_i32 = arith.constant 0 : i32
    %c0_i32_0 = arith.constant 0 : i32
    %c0_i32_1 = arith.constant 0 : i32
    return %c0_i32, %c0_i32_0 : i32, i32
  }
  func.func @transform_2(%arg0: i32) -> (i32, i32) {
    %c0_i32 = arith.constant 0 : i32
    %c0_i32_0 = arith.constant 0 : i32
    %c0_i32_1 = arith.constant 0 : i32
    return %c0_i32, %c0_i32_0 : i32, i32
  }
  func.func @transform_3(%arg0: i32) -> (i32, i32) {
    %c0_i32 = arith.constant 0 : i32
    %c0_i32_0 = arith.constant 0 : i32
    %c0_i32_1 = arith.constant 0 : i32
    return %c0_i32, %c0_i32_0 : i32, i32
  }
  func.func @transform_4(%arg0: i32) -> (i32, i32) {
    %c0_i32 = arith.constant 0 : i32
    %c0_i32_0 = arith.constant 0 : i32
    return %arg0, %c0_i32 : i32, i32
  }
  func.func @transform_5(%arg0: i32) -> (i32, i32) {
    %c0_i32 = arith.constant 0 : i32
    %c0_i32_0 = arith.constant 0 : i32
    %c0_i32_1 = arith.constant 0 : i32
    return %c0_i32, %c0_i32_0 : i32, i32
  }
  func.func @transform_6(%arg0: i32) -> (i32, i32) {
    %c0_i32 = arith.constant 0 : i32
    %c0_i32_0 = arith.constant 0 : i32
    %c0_i32_1 = arith.constant 0 : i32
    return %c0_i32, %c0_i32_0 : i32, i32
  }
}

module attributes {stable_mosaic.version = 14 : i64} {
  func.func @body(%arg0: i32, %arg1: memref<2000x16xf32, #tpu.memory_space<vmem>>, %arg2: memref<2000x16xf32, #tpu.memory_space<vmem>>, %arg3: memref<2000x16xf32, #tpu.memory_space<vmem>>, %arg4: memref<8x16xf32, #tpu.memory_space<vmem>>, %arg5: memref<16x16xbf16, #tpu.memory_space<vmem>>, %arg6: memref<8x16xf32, #tpu.memory_space<vmem>>, %arg7: memref<1x1x2000xi32, #tpu.memory_space<vmem>>, %arg8: memref<2000x16xf32, #tpu.memory_space<vmem>>, %arg9: memref<8x16xf32, #tpu.memory_space<vmem>>, %arg10: memref<8x16xf32, #tpu.memory_space<vmem>>, %arg11: memref<64x32xf32, #tpu.memory_space<vmem>>) attributes {dimension_semantics = [#tpu.dimension_semantics<arbitrary>], iteration_bounds = array<i64: 5>, scalar_prefetch = 0 : i64, scratch_operands = 0 : i64, tpu.core_type = #tpu.core_type<tc>, window_params = [{transform_indices = @transform_0, window_bounds = array<i64: 2000, 16>}, {transform_indices = @transform_1, window_bounds = array<i64: 2000, 16>}, {transform_indices = @transform_2, window_bounds = array<i64: 2000, 16>}, {pipeline_mode = #tpu.pipeline_mode<synchronous>, transform_indices = @transform_3, window_bounds = array<i64: 8, 16>}, {pipeline_mode = #tpu.pipeline_mode<synchronous>, transform_indices = @transform_4, window_bounds = array<i64: 16, 16>}, {pipeline_mode = #tpu.pipeline_mode<synchronous>, transform_indices = @transform_5, window_bounds = array<i64: 8, 16>}, {transform_indices = @transform_6, window_bounds = array<i64: 1, 1, 2000>}, {transform_indices = @transform_7, window_bounds = array<i64: 2000, 16>}, {pipeline_mode = #tpu.pipeline_mode<synchronous>, transform_indices = @transform_8, window_bounds = array<i64: 8, 16>}, {pipeline_mode = #tpu.pipeline_mode<synchronous>, transform_indices = @transform_9, window_bounds = array<i64: 8, 16>}, {pipeline_mode = #tpu.pipeline_mode<synchronous>, transform_indices = @transform_10, window_bounds = array<i64: 64, 32>}]} {
    %get3A = arith.constant 0 : index
    %get3A_0 = arith.constant 0 : index
    %get3A_1 = vector.load %arg4[%get3A, %get3A_0] : memref<8x16xf32, #tpu.memory_space<vmem>>, vector<8x16xf32>
    %get3A_2 = arith.constant 0 : index
    %get3A_3 = arith.constant 0 : index
    %get3A_4 = vector.load %arg3[%get3A_2, %get3A_3] : memref<2000x16xf32, #tpu.memory_space<vmem>>, vector<2000x16xf32>
    %slice3A = vector.extract_strided_slice %get3A_1 {offsets = [0, 0], sizes = [1, 16], strides = [1, 1]} : vector<8x16xf32> to vector<1x16xf32>
    %sub3A = vector.broadcast %slice3A : vector<1x16xf32> to vector<2000x16xf32>
    %sub3A_5 = arith.subf %get3A_4, %sub3A : vector<2000x16xf32>
    %slice3A_6 = vector.extract_strided_slice %get3A_1 {offsets = [1, 0], sizes = [1, 16], strides = [1, 1]} : vector<8x16xf32> to vector<1x16xf32>
    %div3A = vector.broadcast %slice3A_6 : vector<1x16xf32> to vector<2000x16xf32>
    %div3A_7 = arith.divf %sub3A_5, %div3A : vector<2000x16xf32>
    %slice3A_8 = vector.extract_strided_slice %get3A_1 {offsets = [2, 0], sizes = [1, 16], strides = [1, 1]} : vector<8x16xf32> to vector<1x16xf32>
    %mul3A = vector.broadcast %slice3A_8 : vector<1x16xf32> to vector<2000x16xf32>
    %mul3A_9 = arith.mulf %div3A_7, %mul3A : vector<2000x16xf32>
    %slice3A_10 = vector.extract_strided_slice %get3A_1 {offsets = [3, 0], sizes = [1, 16], strides = [1, 1]} : vector<8x16xf32> to vector<1x16xf32>
    %add3A = vector.broadcast %slice3A_10 : vector<1x16xf32> to vector<2000x16xf32>
    %add3A_11 = arith.addf %mul3A_9, %add3A : vector<2000x16xf32>
    %convert_element_type3A = arith.truncf %add3A_11 : vector<2000x16xf32> to vector<2000x16xbf16>
    %get3A_12 = arith.constant 0 : index
    %get3A_13 = arith.constant 0 : index
    %get3A_14 = vector.load %arg1[%get3A_12, %get3A_13] : memref<2000x16xf32, #tpu.memory_space<vmem>>, vector<2000x16xf32>
    %get3A_15 = arith.constant 0 : index
    %get3A_16 = arith.constant 0 : index
    %get3A_17 = vector.load %arg2[%get3A_15, %get3A_16] : memref<2000x16xf32, #tpu.memory_space<vmem>>, vector<2000x16xf32>
    %add3A_18 = arith.addf %get3A_14, %get3A_17 : vector<2000x16xf32>
    %get3A_19 = arith.constant 0 : index
    %get3A_20 = arith.constant 0 : index
    %get3A_21 = vector.load %arg5[%get3A_19, %get3A_20] : memref<16x16xbf16, #tpu.memory_space<vmem>>, vector<16x16xbf16>
    %dot_general3A = arith.constant dense<0.000000e+00> : vector<2000x16xf32>
    %dot_general3A_22 = tpu.matmul %convert_element_type3A, %get3A_21, %dot_general3A {dimension_numbers = #tpu.dot_dimension_numbers<[1], [0], [0], [1], [0, 0, 1, 1], [], []>, transpose_lhs_hint = false} : vector<2000x16xbf16>, vector<16x16xbf16>, vector<2000x16xf32> -> vector<2000x16xf32>
    %add3A_23 = arith.addf %add3A_18, %dot_general3A_22 : vector<2000x16xf32>
    %get3A_24 = arith.constant 0 : index
    %get3A_25 = arith.constant 0 : index
    %get3A_26 = vector.load %arg6[%get3A_24, %get3A_25] : memref<8x16xf32, #tpu.memory_space<vmem>>, vector<1x16xf32>
    %add3A_27 = vector.broadcast %get3A_26 : vector<1x16xf32> to vector<2000x16xf32>
    %add3A_28 = arith.addf %add3A_23, %add3A_27 : vector<2000x16xf32>
    %max3A = arith.constant 0.000000e+00 : f32
    %max3A_29 = vector.broadcast %max3A : f32 to vector<2000x16xf32>
    %max3A_30 = arith.maximumf %add3A_28, %max3A_29 : vector<2000x16xf32>
    %swap3A = arith.constant 0 : index
    %swap3A_31 = arith.constant 0 : index
    %swap3A_32 = vector.load %arg8[%swap3A, %swap3A_31] : memref<2000x16xf32, #tpu.memory_space<vmem>>, vector<2000x16xf32>
    tpu.vector_store %arg8[%swap3A, %swap3A_31], %max3A_30 {strides = array<i32>} : memref<2000x16xf32, #tpu.memory_space<vmem>>, vector<2000x16xf32>,
    %eq3A = arith.constant 0 : i32
    %eq3A_33 = arith.cmpi eq, %arg0, %eq3A : i32
    %convert_element_type3A_34 = arith.extui %eq3A_33 : i1 to i32
    %cond3A = arith.constant 0 : i32
    %cond3A_35 = arith.cmpi ne, %convert_element_type3A_34, %cond3A : i32
    scf.if %cond3A_35 {
      %broadcast_in_dim3A_83 = arith.constant 0.000000e+00 : f32
      %broadcast_in_dim3A_84 = vector.broadcast %broadcast_in_dim3A_83 : f32 to vector<8x16xf32>
      %swap3A_85 = arith.constant 0 : index
      %swap3A_86 = arith.constant 0 : index
      %swap3A_87 = vector.load %arg9[%swap3A_85, %swap3A_86] : memref<8x16xf32, #tpu.memory_space<vmem>>, vector<8x16xf32>
      tpu.vector_store %arg9[%swap3A_85, %swap3A_86], %broadcast_in_dim3A_84 {strides = array<i32>} : memref<8x16xf32, #tpu.memory_space<vmem>>, vector<8x16xf32>,
      %broadcast_in_dim3A_88 = arith.constant 0.000000e+00 : f32
      %broadcast_in_dim3A_89 = vector.broadcast %broadcast_in_dim3A_88 : f32 to vector<8x16xf32>
      %swap3A_90 = arith.constant 0 : index
      %swap3A_91 = arith.constant 0 : index
      %swap3A_92 = vector.load %arg10[%swap3A_90, %swap3A_91] : memref<8x16xf32, #tpu.memory_space<vmem>>, vector<8x16xf32>
      tpu.vector_store %arg10[%swap3A_90, %swap3A_91], %broadcast_in_dim3A_89 {strides = array<i32>} : memref<8x16xf32, #tpu.memory_space<vmem>>, vector<8x16xf32>,
      %broadcast_in_dim3A_93 = arith.constant 0.000000e+00 : f32
      %broadcast_in_dim3A_94 = vector.broadcast %broadcast_in_dim3A_93 : f32 to vector<64x32xf32>
      %swap3A_95 = arith.constant 0 : index
      %swap3A_96 = arith.constant 0 : index
      %swap3A_97 = vector.load %arg11[%swap3A_95, %swap3A_96] : memref<64x32xf32, #tpu.memory_space<vmem>>, vector<64x32xf32>
      tpu.vector_store %arg11[%swap3A_95, %swap3A_96], %broadcast_in_dim3A_94 {strides = array<i32>} : memref<64x32xf32, #tpu.memory_space<vmem>>, vector<64x32xf32>,
    } else {
    }
    %get3A_36 = arith.constant 0 : index
    %get3A_37 = arith.constant 0 : index
    %get3A_38 = vector.load %arg9[%get3A_36, %get3A_37] : memref<8x16xf32, #tpu.memory_space<vmem>>, vector<8x16xf32>
    %reduce_sum3A = arith.constant dense<0.000000e+00> : vector<16xf32>
    %reduce_sum3A_39 = vector.multi_reduction <add>, %max3A_30, %reduce_sum3A [0] : vector<2000x16xf32> to vector<16xf32>
    %broadcast_in_dim3A = vector.shape_cast %reduce_sum3A_39 : vector<16xf32> to vector<1x16xf32>
    %broadcast_in_dim3A_40 = vector.shape_cast %broadcast_in_dim3A : vector<1x16xf32> to vector<1x16xf32>
    %broadcast_in_dim3A_41 = vector.broadcast %broadcast_in_dim3A_40 : vector<1x16xf32> to vector<8x16xf32>
    %add3A_42 = arith.addf %get3A_38, %broadcast_in_dim3A_41 : vector<8x16xf32>
    %swap3A_43 = arith.constant 0 : index
    %swap3A_44 = arith.constant 0 : index
    %swap3A_45 = vector.load %arg9[%swap3A_43, %swap3A_44] : memref<8x16xf32, #tpu.memory_space<vmem>>, vector<8x16xf32>
    tpu.vector_store %arg9[%swap3A_43, %swap3A_44], %add3A_42 {strides = array<i32>} : memref<8x16xf32, #tpu.memory_space<vmem>>, vector<8x16xf32>,
    %get3A_46 = arith.constant 0 : index
    %get3A_47 = arith.constant 0 : index
    %get3A_48 = vector.load %arg10[%get3A_46, %get3A_47] : memref<8x16xf32, #tpu.memory_space<vmem>>, vector<8x16xf32>
    %mul3A_49 = arith.mulf %max3A_30, %max3A_30 : vector<2000x16xf32>
    %reduce_sum3A_50 = arith.constant dense<0.000000e+00> : vector<16xf32>
    %reduce_sum3A_51 = vector.multi_reduction <add>, %mul3A_49, %reduce_sum3A_50 [0] : vector<2000x16xf32> to vector<16xf32>
    %broadcast_in_dim3A_52 = vector.shape_cast %reduce_sum3A_51 : vector<16xf32> to vector<1x16xf32>
    %broadcast_in_dim3A_53 = vector.shape_cast %broadcast_in_dim3A_52 : vector<1x16xf32> to vector<1x16xf32>
    %broadcast_in_dim3A_54 = vector.broadcast %broadcast_in_dim3A_53 : vector<1x16xf32> to vector<8x16xf32>
    %add3A_55 = arith.addf %get3A_48, %broadcast_in_dim3A_54 : vector<8x16xf32>
    %swap3A_56 = arith.constant 0 : index
    %swap3A_57 = arith.constant 0 : index
    %swap3A_58 = vector.load %arg10[%swap3A_56, %swap3A_57] : memref<8x16xf32, #tpu.memory_space<vmem>>, vector<8x16xf32>
    tpu.vector_store %arg10[%swap3A_56, %swap3A_57], %add3A_55 {strides = array<i32>} : memref<8x16xf32, #tpu.memory_space<vmem>>, vector<8x16xf32>,
    %get3A_59 = arith.constant 0 : index
    %get3A_60 = arith.constant 0 : index
    %get3A_61 = arith.constant 0 : index
    %get3A_62 = vector.load %arg7[%get3A_59, %get3A_60, %get3A_61] : memref<1x1x2000xi32, #tpu.memory_space<vmem>>, vector<1x1x2000xi32>
    %get3A_63 = vector.shape_cast %get3A_62 : vector<1x1x2000xi32> to vector<1x2000xi32>
    %iota3A = tpu.iota {dimensions = array<i32: 0>} : vector<64x2000xi32>
    %broadcast_in_dim3A_64 = vector.shape_cast %get3A_63 : vector<1x2000xi32> to vector<1x2000xi32>
    %broadcast_in_dim3A_65 = vector.broadcast %broadcast_in_dim3A_64 : vector<1x2000xi32> to vector<64x2000xi32>
    %eq3A_66 = arith.cmpi eq, %iota3A, %broadcast_in_dim3A_65 : vector<64x2000xi32>
    %convert_element_type3A_67 = arith.extui %eq3A_66 : vector<64x2000xi1> to vector<64x2000xi32>
    %convert_element_type3A_68 = arith.sitofp %convert_element_type3A_67 : vector<64x2000xi32> to vector<64x2000xf32>
    %dot_general3A_69 = arith.constant dense<0.000000e+00> : vector<64x16xf32>
    %dot_general3A_70 = tpu.matmul %convert_element_type3A_68, %max3A_30, %dot_general3A_69 {dimension_numbers = #tpu.dot_dimension_numbers<[1], [0], [0], [1], [0, 0, 1, 1], [], []>, precision = #tpu.contract_precision<fp32>, transpose_lhs_hint = false} : vector<64x2000xf32>, vector<2000x16xf32>, vector<64x16xf32> -> vector<64x16xf32>
    %reduce_sum3A_71 = arith.constant dense<0.000000e+00> : vector<64xf32>
    %reduce_sum3A_72 = vector.multi_reduction <add>, %convert_element_type3A_68, %reduce_sum3A_71 [1] : vector<64x2000xf32> to vector<64xf32>
    %broadcast_in_dim3A_73 = vector.shape_cast %reduce_sum3A_72 : vector<64xf32> to vector<64x1xf32>
    %get3A_74 = arith.constant 0 : index
    %get3A_75 = arith.constant 0 : index
    %get3A_76 = vector.load %arg11[%get3A_74, %get3A_75] : memref<64x32xf32, #tpu.memory_space<vmem>>, vector<64x32xf32>
    %broadcast_in_dim3A_77 = arith.constant 0.000000e+00 : f32
    %broadcast_in_dim3A_78 = vector.broadcast %broadcast_in_dim3A_77 : f32 to vector<64x15xf32>
    %concatenate3A = tpu.concatenate %dot_general3A_70, %broadcast_in_dim3A_73, %broadcast_in_dim3A_78 in 1 : vector<64x16xf32>, vector<64x1xf32>, vector<64x15xf32> -> vector<64x32xf32>
    %add3A_79 = arith.addf %get3A_76, %concatenate3A : vector<64x32xf32>
    %swap3A_80 = arith.constant 0 : index
    %swap3A_81 = arith.constant 0 : index
    %swap3A_82 = vector.load %arg11[%swap3A_80, %swap3A_81] : memref<64x32xf32, #tpu.memory_space<vmem>>, vector<64x32xf32>
    tpu.vector_store %arg11[%swap3A_80, %swap3A_81], %add3A_79 {strides = array<i32>} : memref<64x32xf32, #tpu.memory_space<vmem>>, vector<64x32xf32>,
    return
  }
  func.func @transform_0(%arg0: i32) -> (i32, i32) {
    %c0_i32 = arith.constant 0 : i32
    %c0_i32_0 = arith.constant 0 : i32
    return %arg0, %c0_i32 : i32, i32
  }
  func.func @transform_1(%arg0: i32) -> (i32, i32) {
    %c0_i32 = arith.constant 0 : i32
    %c0_i32_0 = arith.constant 0 : i32
    return %arg0, %c0_i32 : i32, i32
  }
  func.func @transform_2(%arg0: i32) -> (i32, i32) {
    %c0_i32 = arith.constant 0 : i32
    %c0_i32_0 = arith.constant 0 : i32
    return %arg0, %c0_i32 : i32, i32
  }
  func.func @transform_3(%arg0: i32) -> (i32, i32) {
    %c0_i32 = arith.constant 0 : i32
    %c0_i32_0 = arith.constant 0 : i32
    %c0_i32_1 = arith.constant 0 : i32
    return %c0_i32, %c0_i32_0 : i32, i32
  }
  func.func @transform_4(%arg0: i32) -> (i32, i32) {
    %c0_i32 = arith.constant 0 : i32
    %c0_i32_0 = arith.constant 0 : i32
    %c0_i32_1 = arith.constant 0 : i32
    return %c0_i32, %c0_i32_0 : i32, i32
  }
  func.func @transform_5(%arg0: i32) -> (i32, i32) {
    %c0_i32 = arith.constant 0 : i32
    %c0_i32_0 = arith.constant 0 : i32
    %c0_i32_1 = arith.constant 0 : i32
    return %c0_i32, %c0_i32_0 : i32, i32
  }
  func.func @transform_6(%arg0: i32) -> (i32, i32, i32) {
    %c0_i32 = arith.constant 0 : i32
    %c0_i32_0 = arith.constant 0 : i32
    %c0_i32_1 = arith.constant 0 : i32
    return %arg0, %c0_i32, %c0_i32_0 : i32, i32, i32
  }
  func.func @transform_7(%arg0: i32) -> (i32, i32) {
    %c0_i32 = arith.constant 0 : i32
    %c0_i32_0 = arith.constant 0 : i32
    return %arg0, %c0_i32 : i32, i32
  }
  func.func @transform_8(%arg0: i32) -> (i32, i32) {
    %c0_i32 = arith.constant 0 : i32
    %c0_i32_0 = arith.constant 0 : i32
    %c0_i32_1 = arith.constant 0 : i32
    return %c0_i32, %c0_i32_0 : i32, i32
  }
  func.func @transform_9(%arg0: i32) -> (i32, i32) {
    %c0_i32 = arith.constant 0 : i32
    %c0_i32_0 = arith.constant 0 : i32
    %c0_i32_1 = arith.constant 0 : i32
    return %c0_i32, %c0_i32_0 : i32, i32
  }
  func.func @transform_10(%arg0: i32) -> (i32, i32) {
    %c0_i32 = arith.constant 0 : i32
    %c0_i32_0 = arith.constant 0 : i32
    %c0_i32_1 = arith.constant 0 : i32
    return %c0_i32, %c0_i32_0 : i32, i32
  }
}

module attributes {stable_mosaic.version = 14 : i64} {
  func.func @body(%arg0: memref<64x16xf32, #tpu.memory_space<vmem>>, %arg1: memref<64x32xf32, #tpu.memory_space<vmem>>, %arg2: memref<1x32xf32, #tpu.memory_space<vmem>>, %arg3: memref<1x32xf32, #tpu.memory_space<vmem>>, %arg4: memref<32x32xf32, #tpu.memory_space<vmem>>, %arg5: memref<1x32xf32, #tpu.memory_space<vmem>>, %arg6: memref<1x32xf32, #tpu.memory_space<vmem>>, %arg7: memref<1x32xf32, #tpu.memory_space<vmem>>, %arg8: memref<32x32xf32, #tpu.memory_space<vmem>>, %arg9: memref<1x32xf32, #tpu.memory_space<vmem>>, %arg10: memref<1x32xf32, #tpu.memory_space<vmem>>, %arg11: memref<1x32xf32, #tpu.memory_space<vmem>>, %arg12: memref<32x32xf32, #tpu.memory_space<vmem>>, %arg13: memref<1x32xf32, #tpu.memory_space<vmem>>, %arg14: memref<64x32xf32, #tpu.memory_space<vmem>>) attributes {dimension_semantics = [], scalar_prefetch = 0 : i64, scratch_operands = 0 : i64, tpu.core_type = #tpu.core_type<tc>} {
    %get3A = arith.constant 0 : index
    %get3A_0 = arith.constant 0 : index
    %get3A_1 = vector.load %arg1[%get3A, %get3A_0] : memref<64x32xf32, #tpu.memory_space<vmem>>, vector<64x32xf32>
    %slice3A = vector.extract_strided_slice %get3A_1 {offsets = [0, 0], sizes = [64, 16], strides = [1, 1]} : vector<64x32xf32> to vector<64x16xf32>
    %slice3A_2 = vector.extract_strided_slice %get3A_1 {offsets = [0, 16], sizes = [64, 1], strides = [1, 1]} : vector<64x32xf32> to vector<64x1xf32>
    %max3A = arith.constant 1.000000e+00 : f32
    %max3A_3 = vector.broadcast %max3A : f32 to vector<64x1xf32>
    %max3A_4 = arith.maximumf %slice3A_2, %max3A_3 : vector<64x1xf32>
    %div3A = vector.broadcast %max3A_4 : vector<64x1xf32> to vector<64x16xf32>
    %div3A_5 = arith.divf %slice3A, %div3A : vector<64x16xf32>
    %get3A_6 = arith.constant 0 : index
    %get3A_7 = arith.constant 0 : index
    %get3A_8 = vector.load %arg0[%get3A_6, %get3A_7] : memref<64x16xf32, #tpu.memory_space<vmem>>, vector<64x16xf32>
    %concatenate3A = tpu.concatenate %get3A_8, %div3A_5 in 1 : vector<64x16xf32>, vector<64x16xf32> -> vector<64x32xf32>
    %get3A_9 = arith.constant 0 : index
    %get3A_10 = arith.constant 0 : index
    %get3A_11 = vector.load %arg2[%get3A_9, %get3A_10] : memref<1x32xf32, #tpu.memory_space<vmem>>, vector<1x32xf32>
    %get3A_12 = arith.constant 0 : index
    %get3A_13 = arith.constant 0 : index
    %get3A_14 = vector.load %arg3[%get3A_12, %get3A_13] : memref<1x32xf32, #tpu.memory_space<vmem>>, vector<1x32xf32>
    %reduce_sum3A = arith.constant dense<0.000000e+00> : vector<32xf32>
    %reduce_sum3A_15 = vector.multi_reduction <add>, %concatenate3A, %reduce_sum3A [0] : vector<64x32xf32> to vector<32xf32>
    %broadcast_in_dim3A = vector.shape_cast %reduce_sum3A_15 : vector<32xf32> to vector<1x32xf32>
    %div3A_16 = arith.constant 6.400000e+01 : f32
    %div3A_17 = vector.broadcast %div3A_16 : f32 to vector<1x32xf32>
    %div3A_18 = arith.divf %broadcast_in_dim3A, %div3A_17 : vector<1x32xf32>
    %sub3A = vector.broadcast %div3A_18 : vector<1x32xf32> to vector<64x32xf32>
    %sub3A_19 = arith.subf %concatenate3A, %sub3A : vector<64x32xf32>
    %integer_pow3A = arith.mulf %sub3A_19, %sub3A_19 : vector<64x32xf32>
    %reduce_sum3A_20 = arith.constant dense<0.000000e+00> : vector<32xf32>
    %reduce_sum3A_21 = vector.multi_reduction <add>, %integer_pow3A, %reduce_sum3A_20 [0] : vector<64x32xf32> to vector<32xf32>
    %broadcast_in_dim3A_22 = vector.shape_cast %reduce_sum3A_21 : vector<32xf32> to vector<1x32xf32>
    %div3A_23 = arith.constant 6.400000e+01 : f32
    %div3A_24 = vector.broadcast %div3A_23 : f32 to vector<1x32xf32>
    %div3A_25 = arith.divf %broadcast_in_dim3A_22, %div3A_24 : vector<1x32xf32>
    %sub3A_26 = vector.broadcast %div3A_18 : vector<1x32xf32> to vector<64x32xf32>
    %sub3A_27 = arith.subf %concatenate3A, %sub3A_26 : vector<64x32xf32>
    %add3A = arith.constant 9.99999974E-6 : f32
    %add3A_28 = vector.broadcast %add3A : f32 to vector<1x32xf32>
    %add3A_29 = arith.addf %div3A_25, %add3A_28 : vector<1x32xf32>
    %sqrt3A = math.sqrt %add3A_29 : vector<1x32xf32>
    %div3A_30 = vector.broadcast %sqrt3A : vector<1x32xf32> to vector<64x32xf32>
    %div3A_31 = arith.divf %sub3A_27, %div3A_30 : vector<64x32xf32>
    %mul3A = vector.broadcast %get3A_11 : vector<1x32xf32> to vector<64x32xf32>
    %mul3A_32 = arith.mulf %div3A_31, %mul3A : vector<64x32xf32>
    %add3A_33 = vector.broadcast %get3A_14 : vector<1x32xf32> to vector<64x32xf32>
    %add3A_34 = arith.addf %mul3A_32, %add3A_33 : vector<64x32xf32>
    %get3A_35 = arith.constant 0 : index
    %get3A_36 = arith.constant 0 : index
    %get3A_37 = vector.load %arg4[%get3A_35, %get3A_36] : memref<32x32xf32, #tpu.memory_space<vmem>>, vector<32x32xf32>
    %convert_element_type3A = arith.truncf %add3A_34 : vector<64x32xf32> to vector<64x32xbf16>
    %convert_element_type3A_38 = arith.truncf %get3A_37 : vector<32x32xf32> to vector<32x32xbf16>
    %dot_general3A = arith.constant dense<0.000000e+00> : vector<64x32xf32>
    %dot_general3A_39 = tpu.matmul %convert_element_type3A, %convert_element_type3A_38, %dot_general3A {dimension_numbers = #tpu.dot_dimension_numbers<[1], [0], [0], [1], [0, 0, 1, 1], [], []>, transpose_lhs_hint = false} : vector<64x32xbf16>, vector<32x32xbf16>, vector<64x32xf32> -> vector<64x32xf32>
    %get3A_40 = arith.constant 0 : index
    %get3A_41 = arith.constant 0 : index
    %get3A_42 = vector.load %arg5[%get3A_40, %get3A_41] : memref<1x32xf32, #tpu.memory_space<vmem>>, vector<1x32xf32>
    %add3A_43 = vector.broadcast %get3A_42 : vector<1x32xf32> to vector<64x32xf32>
    %add3A_44 = arith.addf %dot_general3A_39, %add3A_43 : vector<64x32xf32>
    %max3A_45 = arith.constant 0.000000e+00 : f32
    %max3A_46 = vector.broadcast %max3A_45 : f32 to vector<64x32xf32>
    %max3A_47 = arith.maximumf %add3A_44, %max3A_46 : vector<64x32xf32>
    %get3A_48 = arith.constant 0 : index
    %get3A_49 = arith.constant 0 : index
    %get3A_50 = vector.load %arg6[%get3A_48, %get3A_49] : memref<1x32xf32, #tpu.memory_space<vmem>>, vector<1x32xf32>
    %get3A_51 = arith.constant 0 : index
    %get3A_52 = arith.constant 0 : index
    %get3A_53 = vector.load %arg7[%get3A_51, %get3A_52] : memref<1x32xf32, #tpu.memory_space<vmem>>, vector<1x32xf32>
    %reduce_sum3A_54 = arith.constant dense<0.000000e+00> : vector<32xf32>
    %reduce_sum3A_55 = vector.multi_reduction <add>, %max3A_47, %reduce_sum3A_54 [0] : vector<64x32xf32> to vector<32xf32>
    %broadcast_in_dim3A_56 = vector.shape_cast %reduce_sum3A_55 : vector<32xf32> to vector<1x32xf32>
    %div3A_57 = arith.constant 6.400000e+01 : f32
    %div3A_58 = vector.broadcast %div3A_57 : f32 to vector<1x32xf32>
    %div3A_59 = arith.divf %broadcast_in_dim3A_56, %div3A_58 : vector<1x32xf32>
    %sub3A_60 = vector.broadcast %div3A_59 : vector<1x32xf32> to vector<64x32xf32>
    %sub3A_61 = arith.subf %max3A_47, %sub3A_60 : vector<64x32xf32>
    %integer_pow3A_62 = arith.mulf %sub3A_61, %sub3A_61 : vector<64x32xf32>
    %reduce_sum3A_63 = arith.constant dense<0.000000e+00> : vector<32xf32>
    %reduce_sum3A_64 = vector.multi_reduction <add>, %integer_pow3A_62, %reduce_sum3A_63 [0] : vector<64x32xf32> to vector<32xf32>
    %broadcast_in_dim3A_65 = vector.shape_cast %reduce_sum3A_64 : vector<32xf32> to vector<1x32xf32>
    %div3A_66 = arith.constant 6.400000e+01 : f32
    %div3A_67 = vector.broadcast %div3A_66 : f32 to vector<1x32xf32>
    %div3A_68 = arith.divf %broadcast_in_dim3A_65, %div3A_67 : vector<1x32xf32>
    %sub3A_69 = vector.broadcast %div3A_59 : vector<1x32xf32> to vector<64x32xf32>
    %sub3A_70 = arith.subf %max3A_47, %sub3A_69 : vector<64x32xf32>
    %add3A_71 = arith.constant 9.99999974E-6 : f32
    %add3A_72 = vector.broadcast %add3A_71 : f32 to vector<1x32xf32>
    %add3A_73 = arith.addf %div3A_68, %add3A_72 : vector<1x32xf32>
    %sqrt3A_74 = math.sqrt %add3A_73 : vector<1x32xf32>
    %div3A_75 = vector.broadcast %sqrt3A_74 : vector<1x32xf32> to vector<64x32xf32>
    %div3A_76 = arith.divf %sub3A_70, %div3A_75 : vector<64x32xf32>
    %mul3A_77 = vector.broadcast %get3A_50 : vector<1x32xf32> to vector<64x32xf32>
    %mul3A_78 = arith.mulf %div3A_76, %mul3A_77 : vector<64x32xf32>
    %add3A_79 = vector.broadcast %get3A_53 : vector<1x32xf32> to vector<64x32xf32>
    %add3A_80 = arith.addf %mul3A_78, %add3A_79 : vector<64x32xf32>
    %get3A_81 = arith.constant 0 : index
    %get3A_82 = arith.constant 0 : index
    %get3A_83 = vector.load %arg8[%get3A_81, %get3A_82] : memref<32x32xf32, #tpu.memory_space<vmem>>, vector<32x32xf32>
    %convert_element_type3A_84 = arith.truncf %add3A_80 : vector<64x32xf32> to vector<64x32xbf16>
    %convert_element_type3A_85 = arith.truncf %get3A_83 : vector<32x32xf32> to vector<32x32xbf16>
    %dot_general3A_86 = arith.constant dense<0.000000e+00> : vector<64x32xf32>
    %dot_general3A_87 = tpu.matmul %convert_element_type3A_84, %convert_element_type3A_85, %dot_general3A_86 {dimension_numbers = #tpu.dot_dimension_numbers<[1], [0], [0], [1], [0, 0, 1, 1], [], []>, transpose_lhs_hint = false} : vector<64x32xbf16>, vector<32x32xbf16>, vector<64x32xf32> -> vector<64x32xf32>
    %get3A_88 = arith.constant 0 : index
    %get3A_89 = arith.constant 0 : index
    %get3A_90 = vector.load %arg9[%get3A_88, %get3A_89] : memref<1x32xf32, #tpu.memory_space<vmem>>, vector<1x32xf32>
    %add3A_91 = vector.broadcast %get3A_90 : vector<1x32xf32> to vector<64x32xf32>
    %add3A_92 = arith.addf %dot_general3A_87, %add3A_91 : vector<64x32xf32>
    %max3A_93 = arith.constant 0.000000e+00 : f32
    %max3A_94 = vector.broadcast %max3A_93 : f32 to vector<64x32xf32>
    %max3A_95 = arith.maximumf %add3A_92, %max3A_94 : vector<64x32xf32>
    %get3A_96 = arith.constant 0 : index
    %get3A_97 = arith.constant 0 : index
    %get3A_98 = vector.load %arg10[%get3A_96, %get3A_97] : memref<1x32xf32, #tpu.memory_space<vmem>>, vector<1x32xf32>
    %get3A_99 = arith.constant 0 : index
    %get3A_100 = arith.constant 0 : index
    %get3A_101 = vector.load %arg11[%get3A_99, %get3A_100] : memref<1x32xf32, #tpu.memory_space<vmem>>, vector<1x32xf32>
    %reduce_sum3A_102 = arith.constant dense<0.000000e+00> : vector<32xf32>
    %reduce_sum3A_103 = vector.multi_reduction <add>, %max3A_95, %reduce_sum3A_102 [0] : vector<64x32xf32> to vector<32xf32>
    %broadcast_in_dim3A_104 = vector.shape_cast %reduce_sum3A_103 : vector<32xf32> to vector<1x32xf32>
    %div3A_105 = arith.constant 6.400000e+01 : f32
    %div3A_106 = vector.broadcast %div3A_105 : f32 to vector<1x32xf32>
    %div3A_107 = arith.divf %broadcast_in_dim3A_104, %div3A_106 : vector<1x32xf32>
    %sub3A_108 = vector.broadcast %div3A_107 : vector<1x32xf32> to vector<64x32xf32>
    %sub3A_109 = arith.subf %max3A_95, %sub3A_108 : vector<64x32xf32>
    %integer_pow3A_110 = arith.mulf %sub3A_109, %sub3A_109 : vector<64x32xf32>
    %reduce_sum3A_111 = arith.constant dense<0.000000e+00> : vector<32xf32>
    %reduce_sum3A_112 = vector.multi_reduction <add>, %integer_pow3A_110, %reduce_sum3A_111 [0] : vector<64x32xf32> to vector<32xf32>
    %broadcast_in_dim3A_113 = vector.shape_cast %reduce_sum3A_112 : vector<32xf32> to vector<1x32xf32>
    %div3A_114 = arith.constant 6.400000e+01 : f32
    %div3A_115 = vector.broadcast %div3A_114 : f32 to vector<1x32xf32>
    %div3A_116 = arith.divf %broadcast_in_dim3A_113, %div3A_115 : vector<1x32xf32>
    %sub3A_117 = vector.broadcast %div3A_107 : vector<1x32xf32> to vector<64x32xf32>
    %sub3A_118 = arith.subf %max3A_95, %sub3A_117 : vector<64x32xf32>
    %add3A_119 = arith.constant 9.99999974E-6 : f32
    %add3A_120 = vector.broadcast %add3A_119 : f32 to vector<1x32xf32>
    %add3A_121 = arith.addf %div3A_116, %add3A_120 : vector<1x32xf32>
    %sqrt3A_122 = math.sqrt %add3A_121 : vector<1x32xf32>
    %div3A_123 = vector.broadcast %sqrt3A_122 : vector<1x32xf32> to vector<64x32xf32>
    %div3A_124 = arith.divf %sub3A_118, %div3A_123 : vector<64x32xf32>
    %mul3A_125 = vector.broadcast %get3A_98 : vector<1x32xf32> to vector<64x32xf32>
    %mul3A_126 = arith.mulf %div3A_124, %mul3A_125 : vector<64x32xf32>
    %add3A_127 = vector.broadcast %get3A_101 : vector<1x32xf32> to vector<64x32xf32>
    %add3A_128 = arith.addf %mul3A_126, %add3A_127 : vector<64x32xf32>
    %get3A_129 = arith.constant 0 : index
    %get3A_130 = arith.constant 0 : index
    %get3A_131 = vector.load %arg12[%get3A_129, %get3A_130] : memref<32x32xf32, #tpu.memory_space<vmem>>, vector<32x32xf32>
    %convert_element_type3A_132 = arith.truncf %add3A_128 : vector<64x32xf32> to vector<64x32xbf16>
    %convert_element_type3A_133 = arith.truncf %get3A_131 : vector<32x32xf32> to vector<32x32xbf16>
    %dot_general3A_134 = arith.constant dense<0.000000e+00> : vector<64x32xf32>
    %dot_general3A_135 = tpu.matmul %convert_element_type3A_132, %convert_element_type3A_133, %dot_general3A_134 {dimension_numbers = #tpu.dot_dimension_numbers<[1], [0], [0], [1], [0, 0, 1, 1], [], []>, transpose_lhs_hint = false} : vector<64x32xbf16>, vector<32x32xbf16>, vector<64x32xf32> -> vector<64x32xf32>
    %get3A_136 = arith.constant 0 : index
    %get3A_137 = arith.constant 0 : index
    %get3A_138 = vector.load %arg13[%get3A_136, %get3A_137] : memref<1x32xf32, #tpu.memory_space<vmem>>, vector<1x32xf32>
    %add3A_139 = vector.broadcast %get3A_138 : vector<1x32xf32> to vector<64x32xf32>
    %add3A_140 = arith.addf %dot_general3A_135, %add3A_139 : vector<64x32xf32>
    %swap3A = arith.constant 0 : index
    %swap3A_141 = arith.constant 0 : index
    %swap3A_142 = vector.load %arg14[%swap3A, %swap3A_141] : memref<64x32xf32, #tpu.memory_space<vmem>>, vector<64x32xf32>
    tpu.vector_store %arg14[%swap3A, %swap3A_141], %add3A_140 {strides = array<i32>} : memref<64x32xf32, #tpu.memory_space<vmem>>, vector<64x32xf32>,
    return
  }
}

module attributes {stable_mosaic.version = 14 : i64} {
  func.func @body(%arg0: memref<64x32xf32, #tpu.memory_space<vmem>>, %arg1: memref<64x32xf32, #tpu.memory_space<vmem>>, %arg2: memref<1x48xf32, #tpu.memory_space<vmem>>, %arg3: memref<1x48xf32, #tpu.memory_space<vmem>>, %arg4: memref<48x48xf32, #tpu.memory_space<vmem>>, %arg5: memref<1x48xf32, #tpu.memory_space<vmem>>, %arg6: memref<1x48xf32, #tpu.memory_space<vmem>>, %arg7: memref<1x48xf32, #tpu.memory_space<vmem>>, %arg8: memref<48x48xf32, #tpu.memory_space<vmem>>, %arg9: memref<1x48xf32, #tpu.memory_space<vmem>>, %arg10: memref<1x48xf32, #tpu.memory_space<vmem>>, %arg11: memref<1x48xf32, #tpu.memory_space<vmem>>, %arg12: memref<48x48xf32, #tpu.memory_space<vmem>>, %arg13: memref<1x48xf32, #tpu.memory_space<vmem>>, %arg14: memref<64x48xf32, #tpu.memory_space<vmem>>) attributes {dimension_semantics = [], scalar_prefetch = 0 : i64, scratch_operands = 0 : i64, tpu.core_type = #tpu.core_type<tc>} {
    %get3A = arith.constant 0 : index
    %get3A_0 = arith.constant 0 : index
    %get3A_1 = vector.load %arg1[%get3A, %get3A_0] : memref<64x32xf32, #tpu.memory_space<vmem>>, vector<64x32xf32>
    %slice3A = vector.extract_strided_slice %get3A_1 {offsets = [0, 0], sizes = [64, 16], strides = [1, 1]} : vector<64x32xf32> to vector<64x16xf32>
    %slice3A_2 = vector.extract_strided_slice %get3A_1 {offsets = [0, 16], sizes = [64, 1], strides = [1, 1]} : vector<64x32xf32> to vector<64x1xf32>
    %max3A = arith.constant 1.000000e+00 : f32
    %max3A_3 = vector.broadcast %max3A : f32 to vector<64x1xf32>
    %max3A_4 = arith.maximumf %slice3A_2, %max3A_3 : vector<64x1xf32>
    %div3A = vector.broadcast %max3A_4 : vector<64x1xf32> to vector<64x16xf32>
    %div3A_5 = arith.divf %slice3A, %div3A : vector<64x16xf32>
    %get3A_6 = arith.constant 0 : index
    %get3A_7 = arith.constant 0 : index
    %get3A_8 = vector.load %arg0[%get3A_6, %get3A_7] : memref<64x32xf32, #tpu.memory_space<vmem>>, vector<64x32xf32>
    %concatenate3A = tpu.concatenate %get3A_8, %div3A_5 in 1 : vector<64x32xf32>, vector<64x16xf32> -> vector<64x48xf32>
    %get3A_9 = arith.constant 0 : index
    %get3A_10 = arith.constant 0 : index
    %get3A_11 = vector.load %arg2[%get3A_9, %get3A_10] : memref<1x48xf32, #tpu.memory_space<vmem>>, vector<1x48xf32>
    %get3A_12 = arith.constant 0 : index
    %get3A_13 = arith.constant 0 : index
    %get3A_14 = vector.load %arg3[%get3A_12, %get3A_13] : memref<1x48xf32, #tpu.memory_space<vmem>>, vector<1x48xf32>
    %reduce_sum3A = arith.constant dense<0.000000e+00> : vector<48xf32>
    %reduce_sum3A_15 = vector.multi_reduction <add>, %concatenate3A, %reduce_sum3A [0] : vector<64x48xf32> to vector<48xf32>
    %broadcast_in_dim3A = vector.shape_cast %reduce_sum3A_15 : vector<48xf32> to vector<1x48xf32>
    %div3A_16 = arith.constant 6.400000e+01 : f32
    %div3A_17 = vector.broadcast %div3A_16 : f32 to vector<1x48xf32>
    %div3A_18 = arith.divf %broadcast_in_dim3A, %div3A_17 : vector<1x48xf32>
    %sub3A = vector.broadcast %div3A_18 : vector<1x48xf32> to vector<64x48xf32>
    %sub3A_19 = arith.subf %concatenate3A, %sub3A : vector<64x48xf32>
    %integer_pow3A = arith.mulf %sub3A_19, %sub3A_19 : vector<64x48xf32>
    %reduce_sum3A_20 = arith.constant dense<0.000000e+00> : vector<48xf32>
    %reduce_sum3A_21 = vector.multi_reduction <add>, %integer_pow3A, %reduce_sum3A_20 [0] : vector<64x48xf32> to vector<48xf32>
    %broadcast_in_dim3A_22 = vector.shape_cast %reduce_sum3A_21 : vector<48xf32> to vector<1x48xf32>
    %div3A_23 = arith.constant 6.400000e+01 : f32
    %div3A_24 = vector.broadcast %div3A_23 : f32 to vector<1x48xf32>
    %div3A_25 = arith.divf %broadcast_in_dim3A_22, %div3A_24 : vector<1x48xf32>
    %sub3A_26 = vector.broadcast %div3A_18 : vector<1x48xf32> to vector<64x48xf32>
    %sub3A_27 = arith.subf %concatenate3A, %sub3A_26 : vector<64x48xf32>
    %add3A = arith.constant 9.99999974E-6 : f32
    %add3A_28 = vector.broadcast %add3A : f32 to vector<1x48xf32>
    %add3A_29 = arith.addf %div3A_25, %add3A_28 : vector<1x48xf32>
    %sqrt3A = math.sqrt %add3A_29 : vector<1x48xf32>
    %div3A_30 = vector.broadcast %sqrt3A : vector<1x48xf32> to vector<64x48xf32>
    %div3A_31 = arith.divf %sub3A_27, %div3A_30 : vector<64x48xf32>
    %mul3A = vector.broadcast %get3A_11 : vector<1x48xf32> to vector<64x48xf32>
    %mul3A_32 = arith.mulf %div3A_31, %mul3A : vector<64x48xf32>
    %add3A_33 = vector.broadcast %get3A_14 : vector<1x48xf32> to vector<64x48xf32>
    %add3A_34 = arith.addf %mul3A_32, %add3A_33 : vector<64x48xf32>
    %get3A_35 = arith.constant 0 : index
    %get3A_36 = arith.constant 0 : index
    %get3A_37 = vector.load %arg4[%get3A_35, %get3A_36] : memref<48x48xf32, #tpu.memory_space<vmem>>, vector<48x48xf32>
    %convert_element_type3A = arith.truncf %add3A_34 : vector<64x48xf32> to vector<64x48xbf16>
    %convert_element_type3A_38 = arith.truncf %get3A_37 : vector<48x48xf32> to vector<48x48xbf16>
    %dot_general3A = arith.constant dense<0.000000e+00> : vector<64x48xf32>
    %dot_general3A_39 = tpu.matmul %convert_element_type3A, %convert_element_type3A_38, %dot_general3A {dimension_numbers = #tpu.dot_dimension_numbers<[1], [0], [0], [1], [0, 0, 1, 1], [], []>, transpose_lhs_hint = false} : vector<64x48xbf16>, vector<48x48xbf16>, vector<64x48xf32> -> vector<64x48xf32>
    %get3A_40 = arith.constant 0 : index
    %get3A_41 = arith.constant 0 : index
    %get3A_42 = vector.load %arg5[%get3A_40, %get3A_41] : memref<1x48xf32, #tpu.memory_space<vmem>>, vector<1x48xf32>
    %add3A_43 = vector.broadcast %get3A_42 : vector<1x48xf32> to vector<64x48xf32>
    %add3A_44 = arith.addf %dot_general3A_39, %add3A_43 : vector<64x48xf32>
    %max3A_45 = arith.constant 0.000000e+00 : f32
    %max3A_46 = vector.broadcast %max3A_45 : f32 to vector<64x48xf32>
    %max3A_47 = arith.maximumf %add3A_44, %max3A_46 : vector<64x48xf32>
    %get3A_48 = arith.constant 0 : index
    %get3A_49 = arith.constant 0 : index
    %get3A_50 = vector.load %arg6[%get3A_48, %get3A_49] : memref<1x48xf32, #tpu.memory_space<vmem>>, vector<1x48xf32>
    %get3A_51 = arith.constant 0 : index
    %get3A_52 = arith.constant 0 : index
    %get3A_53 = vector.load %arg7[%get3A_51, %get3A_52] : memref<1x48xf32, #tpu.memory_space<vmem>>, vector<1x48xf32>
    %reduce_sum3A_54 = arith.constant dense<0.000000e+00> : vector<48xf32>
    %reduce_sum3A_55 = vector.multi_reduction <add>, %max3A_47, %reduce_sum3A_54 [0] : vector<64x48xf32> to vector<48xf32>
    %broadcast_in_dim3A_56 = vector.shape_cast %reduce_sum3A_55 : vector<48xf32> to vector<1x48xf32>
    %div3A_57 = arith.constant 6.400000e+01 : f32
    %div3A_58 = vector.broadcast %div3A_57 : f32 to vector<1x48xf32>
    %div3A_59 = arith.divf %broadcast_in_dim3A_56, %div3A_58 : vector<1x48xf32>
    %sub3A_60 = vector.broadcast %div3A_59 : vector<1x48xf32> to vector<64x48xf32>
    %sub3A_61 = arith.subf %max3A_47, %sub3A_60 : vector<64x48xf32>
    %integer_pow3A_62 = arith.mulf %sub3A_61, %sub3A_61 : vector<64x48xf32>
    %reduce_sum3A_63 = arith.constant dense<0.000000e+00> : vector<48xf32>
    %reduce_sum3A_64 = vector.multi_reduction <add>, %integer_pow3A_62, %reduce_sum3A_63 [0] : vector<64x48xf32> to vector<48xf32>
    %broadcast_in_dim3A_65 = vector.shape_cast %reduce_sum3A_64 : vector<48xf32> to vector<1x48xf32>
    %div3A_66 = arith.constant 6.400000e+01 : f32
    %div3A_67 = vector.broadcast %div3A_66 : f32 to vector<1x48xf32>
    %div3A_68 = arith.divf %broadcast_in_dim3A_65, %div3A_67 : vector<1x48xf32>
    %sub3A_69 = vector.broadcast %div3A_59 : vector<1x48xf32> to vector<64x48xf32>
    %sub3A_70 = arith.subf %max3A_47, %sub3A_69 : vector<64x48xf32>
    %add3A_71 = arith.constant 9.99999974E-6 : f32
    %add3A_72 = vector.broadcast %add3A_71 : f32 to vector<1x48xf32>
    %add3A_73 = arith.addf %div3A_68, %add3A_72 : vector<1x48xf32>
    %sqrt3A_74 = math.sqrt %add3A_73 : vector<1x48xf32>
    %div3A_75 = vector.broadcast %sqrt3A_74 : vector<1x48xf32> to vector<64x48xf32>
    %div3A_76 = arith.divf %sub3A_70, %div3A_75 : vector<64x48xf32>
    %mul3A_77 = vector.broadcast %get3A_50 : vector<1x48xf32> to vector<64x48xf32>
    %mul3A_78 = arith.mulf %div3A_76, %mul3A_77 : vector<64x48xf32>
    %add3A_79 = vector.broadcast %get3A_53 : vector<1x48xf32> to vector<64x48xf32>
    %add3A_80 = arith.addf %mul3A_78, %add3A_79 : vector<64x48xf32>
    %get3A_81 = arith.constant 0 : index
    %get3A_82 = arith.constant 0 : index
    %get3A_83 = vector.load %arg8[%get3A_81, %get3A_82] : memref<48x48xf32, #tpu.memory_space<vmem>>, vector<48x48xf32>
    %convert_element_type3A_84 = arith.truncf %add3A_80 : vector<64x48xf32> to vector<64x48xbf16>
    %convert_element_type3A_85 = arith.truncf %get3A_83 : vector<48x48xf32> to vector<48x48xbf16>
    %dot_general3A_86 = arith.constant dense<0.000000e+00> : vector<64x48xf32>
    %dot_general3A_87 = tpu.matmul %convert_element_type3A_84, %convert_element_type3A_85, %dot_general3A_86 {dimension_numbers = #tpu.dot_dimension_numbers<[1], [0], [0], [1], [0, 0, 1, 1], [], []>, transpose_lhs_hint = false} : vector<64x48xbf16>, vector<48x48xbf16>, vector<64x48xf32> -> vector<64x48xf32>
    %get3A_88 = arith.constant 0 : index
    %get3A_89 = arith.constant 0 : index
    %get3A_90 = vector.load %arg9[%get3A_88, %get3A_89] : memref<1x48xf32, #tpu.memory_space<vmem>>, vector<1x48xf32>
    %add3A_91 = vector.broadcast %get3A_90 : vector<1x48xf32> to vector<64x48xf32>
    %add3A_92 = arith.addf %dot_general3A_87, %add3A_91 : vector<64x48xf32>
    %max3A_93 = arith.constant 0.000000e+00 : f32
    %max3A_94 = vector.broadcast %max3A_93 : f32 to vector<64x48xf32>
    %max3A_95 = arith.maximumf %add3A_92, %max3A_94 : vector<64x48xf32>
    %get3A_96 = arith.constant 0 : index
    %get3A_97 = arith.constant 0 : index
    %get3A_98 = vector.load %arg10[%get3A_96, %get3A_97] : memref<1x48xf32, #tpu.memory_space<vmem>>, vector<1x48xf32>
    %get3A_99 = arith.constant 0 : index
    %get3A_100 = arith.constant 0 : index
    %get3A_101 = vector.load %arg11[%get3A_99, %get3A_100] : memref<1x48xf32, #tpu.memory_space<vmem>>, vector<1x48xf32>
    %reduce_sum3A_102 = arith.constant dense<0.000000e+00> : vector<48xf32>
    %reduce_sum3A_103 = vector.multi_reduction <add>, %max3A_95, %reduce_sum3A_102 [0] : vector<64x48xf32> to vector<48xf32>
    %broadcast_in_dim3A_104 = vector.shape_cast %reduce_sum3A_103 : vector<48xf32> to vector<1x48xf32>
    %div3A_105 = arith.constant 6.400000e+01 : f32
    %div3A_106 = vector.broadcast %div3A_105 : f32 to vector<1x48xf32>
    %div3A_107 = arith.divf %broadcast_in_dim3A_104, %div3A_106 : vector<1x48xf32>
    %sub3A_108 = vector.broadcast %div3A_107 : vector<1x48xf32> to vector<64x48xf32>
    %sub3A_109 = arith.subf %max3A_95, %sub3A_108 : vector<64x48xf32>
    %integer_pow3A_110 = arith.mulf %sub3A_109, %sub3A_109 : vector<64x48xf32>
    %reduce_sum3A_111 = arith.constant dense<0.000000e+00> : vector<48xf32>
    %reduce_sum3A_112 = vector.multi_reduction <add>, %integer_pow3A_110, %reduce_sum3A_111 [0] : vector<64x48xf32> to vector<48xf32>
    %broadcast_in_dim3A_113 = vector.shape_cast %reduce_sum3A_112 : vector<48xf32> to vector<1x48xf32>
    %div3A_114 = arith.constant 6.400000e+01 : f32
    %div3A_115 = vector.broadcast %div3A_114 : f32 to vector<1x48xf32>
    %div3A_116 = arith.divf %broadcast_in_dim3A_113, %div3A_115 : vector<1x48xf32>
    %sub3A_117 = vector.broadcast %div3A_107 : vector<1x48xf32> to vector<64x48xf32>
    %sub3A_118 = arith.subf %max3A_95, %sub3A_117 : vector<64x48xf32>
    %add3A_119 = arith.constant 9.99999974E-6 : f32
    %add3A_120 = vector.broadcast %add3A_119 : f32 to vector<1x48xf32>
    %add3A_121 = arith.addf %div3A_116, %add3A_120 : vector<1x48xf32>
    %sqrt3A_122 = math.sqrt %add3A_121 : vector<1x48xf32>
    %div3A_123 = vector.broadcast %sqrt3A_122 : vector<1x48xf32> to vector<64x48xf32>
    %div3A_124 = arith.divf %sub3A_118, %div3A_123 : vector<64x48xf32>
    %mul3A_125 = vector.broadcast %get3A_98 : vector<1x48xf32> to vector<64x48xf32>
    %mul3A_126 = arith.mulf %div3A_124, %mul3A_125 : vector<64x48xf32>
    %add3A_127 = vector.broadcast %get3A_101 : vector<1x48xf32> to vector<64x48xf32>
    %add3A_128 = arith.addf %mul3A_126, %add3A_127 : vector<64x48xf32>
    %get3A_129 = arith.constant 0 : index
    %get3A_130 = arith.constant 0 : index
    %get3A_131 = vector.load %arg12[%get3A_129, %get3A_130] : memref<48x48xf32, #tpu.memory_space<vmem>>, vector<48x48xf32>
    %convert_element_type3A_132 = arith.truncf %add3A_128 : vector<64x48xf32> to vector<64x48xbf16>
    %convert_element_type3A_133 = arith.truncf %get3A_131 : vector<48x48xf32> to vector<48x48xbf16>
    %dot_general3A_134 = arith.constant dense<0.000000e+00> : vector<64x48xf32>
    %dot_general3A_135 = tpu.matmul %convert_element_type3A_132, %convert_element_type3A_133, %dot_general3A_134 {dimension_numbers = #tpu.dot_dimension_numbers<[1], [0], [0], [1], [0, 0, 1, 1], [], []>, transpose_lhs_hint = false} : vector<64x48xbf16>, vector<48x48xbf16>, vector<64x48xf32> -> vector<64x48xf32>
    %get3A_136 = arith.constant 0 : index
    %get3A_137 = arith.constant 0 : index
    %get3A_138 = vector.load %arg13[%get3A_136, %get3A_137] : memref<1x48xf32, #tpu.memory_space<vmem>>, vector<1x48xf32>
    %add3A_139 = vector.broadcast %get3A_138 : vector<1x48xf32> to vector<64x48xf32>
    %add3A_140 = arith.addf %dot_general3A_135, %add3A_139 : vector<64x48xf32>
    %swap3A = arith.constant 0 : index
    %swap3A_141 = arith.constant 0 : index
    %swap3A_142 = vector.load %arg14[%swap3A, %swap3A_141] : memref<64x48xf32, #tpu.memory_space<vmem>>, vector<64x48xf32>
    tpu.vector_store %arg14[%swap3A, %swap3A_141], %add3A_140 {strides = array<i32>} : memref<64x48xf32, #tpu.memory_space<vmem>>, vector<64x48xf32>,
    return
  }
}

module attributes {stable_mosaic.version = 14 : i64} {
  func.func @body(%arg0: i32, %arg1: memref<2000x16xf32, #tpu.memory_space<vmem>>, %arg2: memref<8x16xf32, #tpu.memory_space<vmem>>, %arg3: memref<16x5xbf16, #tpu.memory_space<vmem>>, %arg4: memref<8x5xf32, #tpu.memory_space<vmem>>, %arg5: memref<2000x5xf32, #tpu.memory_space<vmem>>) attributes {dimension_semantics = [#tpu.dimension_semantics<arbitrary>], iteration_bounds = array<i64: 5>, scalar_prefetch = 0 : i64, scratch_operands = 0 : i64, tpu.core_type = #tpu.core_type<tc>, window_params = [{transform_indices = @transform_0, window_bounds = array<i64: 2000, 16>}, {pipeline_mode = #tpu.pipeline_mode<synchronous>, transform_indices = @transform_1, window_bounds = array<i64: 8, 16>}, {pipeline_mode = #tpu.pipeline_mode<synchronous>, transform_indices = @transform_2, window_bounds = array<i64: 16, 5>}, {pipeline_mode = #tpu.pipeline_mode<synchronous>, transform_indices = @transform_3, window_bounds = array<i64: 8, 5>}, {transform_indices = @transform_4, window_bounds = array<i64: 2000, 5>}]} {
    %get3A = arith.constant 0 : index
    %get3A_0 = arith.constant 0 : index
    %get3A_1 = vector.load %arg2[%get3A, %get3A_0] : memref<8x16xf32, #tpu.memory_space<vmem>>, vector<8x16xf32>
    %get3A_2 = arith.constant 0 : index
    %get3A_3 = arith.constant 0 : index
    %get3A_4 = vector.load %arg1[%get3A_2, %get3A_3] : memref<2000x16xf32, #tpu.memory_space<vmem>>, vector<2000x16xf32>
    %slice3A = vector.extract_strided_slice %get3A_1 {offsets = [0, 0], sizes = [1, 16], strides = [1, 1]} : vector<8x16xf32> to vector<1x16xf32>
    %sub3A = vector.broadcast %slice3A : vector<1x16xf32> to vector<2000x16xf32>
    %sub3A_5 = arith.subf %get3A_4, %sub3A : vector<2000x16xf32>
    %slice3A_6 = vector.extract_strided_slice %get3A_1 {offsets = [1, 0], sizes = [1, 16], strides = [1, 1]} : vector<8x16xf32> to vector<1x16xf32>
    %div3A = vector.broadcast %slice3A_6 : vector<1x16xf32> to vector<2000x16xf32>
    %div3A_7 = arith.divf %sub3A_5, %div3A : vector<2000x16xf32>
    %slice3A_8 = vector.extract_strided_slice %get3A_1 {offsets = [2, 0], sizes = [1, 16], strides = [1, 1]} : vector<8x16xf32> to vector<1x16xf32>
    %mul3A = vector.broadcast %slice3A_8 : vector<1x16xf32> to vector<2000x16xf32>
    %mul3A_9 = arith.mulf %div3A_7, %mul3A : vector<2000x16xf32>
    %slice3A_10 = vector.extract_strided_slice %get3A_1 {offsets = [3, 0], sizes = [1, 16], strides = [1, 1]} : vector<8x16xf32> to vector<1x16xf32>
    %add3A = vector.broadcast %slice3A_10 : vector<1x16xf32> to vector<2000x16xf32>
    %add3A_11 = arith.addf %mul3A_9, %add3A : vector<2000x16xf32>
    %convert_element_type3A = arith.truncf %add3A_11 : vector<2000x16xf32> to vector<2000x16xbf16>
    %get3A_12 = arith.constant 0 : index
    %get3A_13 = arith.constant 0 : index
    %get3A_14 = vector.load %arg3[%get3A_12, %get3A_13] : memref<16x5xbf16, #tpu.memory_space<vmem>>, vector<16x5xbf16>
    %dot_general3A = arith.constant dense<0.000000e+00> : vector<2000x5xf32>
    %dot_general3A_15 = tpu.matmul %convert_element_type3A, %get3A_14, %dot_general3A {dimension_numbers = #tpu.dot_dimension_numbers<[1], [0], [0], [1], [0, 0, 1, 1], [], []>, transpose_lhs_hint = false} : vector<2000x16xbf16>, vector<16x5xbf16>, vector<2000x5xf32> -> vector<2000x5xf32>
    %get3A_16 = arith.constant 0 : index
    %get3A_17 = arith.constant 0 : index
    %get3A_18 = vector.load %arg4[%get3A_16, %get3A_17] : memref<8x5xf32, #tpu.memory_space<vmem>>, vector<1x5xf32>
    %add3A_19 = vector.broadcast %get3A_18 : vector<1x5xf32> to vector<2000x5xf32>
    %add3A_20 = arith.addf %dot_general3A_15, %add3A_19 : vector<2000x5xf32>
    %swap3A = arith.constant 0 : index
    %swap3A_21 = arith.constant 0 : index
    %swap3A_22 = vector.load %arg5[%swap3A, %swap3A_21] : memref<2000x5xf32, #tpu.memory_space<vmem>>, vector<2000x5xf32>
    tpu.vector_store %arg5[%swap3A, %swap3A_21], %add3A_20 {strides = array<i32>} : memref<2000x5xf32, #tpu.memory_space<vmem>>, vector<2000x5xf32>,
    return
  }
  func.func @transform_0(%arg0: i32) -> (i32, i32) {
    %c0_i32 = arith.constant 0 : i32
    %c0_i32_0 = arith.constant 0 : i32
    return %arg0, %c0_i32 : i32, i32
  }
  func.func @transform_1(%arg0: i32) -> (i32, i32) {
    %c0_i32 = arith.constant 0 : i32
    %c0_i32_0 = arith.constant 0 : i32
    %c0_i32_1 = arith.constant 0 : i32
    return %c0_i32, %c0_i32_0 : i32, i32
  }
  func.func @transform_2(%arg0: i32) -> (i32, i32) {
    %c0_i32 = arith.constant 0 : i32
    %c0_i32_0 = arith.constant 0 : i32
    %c0_i32_1 = arith.constant 0 : i32
    return %c0_i32, %c0_i32_0 : i32, i32
  }
  func.func @transform_3(%arg0: i32) -> (i32, i32) {
    %c0_i32 = arith.constant 0 : i32
    %c0_i32_0 = arith.constant 0 : i32
    %c0_i32_1 = arith.constant 0 : i32
    return %c0_i32, %c0_i32_0 : i32, i32
  }
  func.func @transform_4(%arg0: i32) -> (i32, i32) {
    %c0_i32 = arith.constant 0 : i32
    %c0_i32_0 = arith.constant 0 : i32
    return %arg0, %c0_i32 : i32, i32
  }
}

module attributes {stable_mosaic.version = 14 : i64} {
  func.func @body(%arg0: memref<64x48xf32, #tpu.memory_space<vmem>>, %arg1: memref<64x32xf32, #tpu.memory_space<vmem>>, %arg2: memref<1x64xf32, #tpu.memory_space<vmem>>, %arg3: memref<1x64xf32, #tpu.memory_space<vmem>>, %arg4: memref<64x64xf32, #tpu.memory_space<vmem>>, %arg5: memref<1x64xf32, #tpu.memory_space<vmem>>, %arg6: memref<1x64xf32, #tpu.memory_space<vmem>>, %arg7: memref<1x64xf32, #tpu.memory_space<vmem>>, %arg8: memref<64x64xf32, #tpu.memory_space<vmem>>, %arg9: memref<1x64xf32, #tpu.memory_space<vmem>>, %arg10: memref<1x64xf32, #tpu.memory_space<vmem>>, %arg11: memref<1x64xf32, #tpu.memory_space<vmem>>, %arg12: memref<64x64xf32, #tpu.memory_space<vmem>>, %arg13: memref<1x64xf32, #tpu.memory_space<vmem>>, %arg14: memref<64x64xf32, #tpu.memory_space<vmem>>) attributes {dimension_semantics = [], scalar_prefetch = 0 : i64, scratch_operands = 0 : i64, tpu.core_type = #tpu.core_type<tc>} {
    %get3A = arith.constant 0 : index
    %get3A_0 = arith.constant 0 : index
    %get3A_1 = vector.load %arg1[%get3A, %get3A_0] : memref<64x32xf32, #tpu.memory_space<vmem>>, vector<64x32xf32>
    %slice3A = vector.extract_strided_slice %get3A_1 {offsets = [0, 0], sizes = [64, 16], strides = [1, 1]} : vector<64x32xf32> to vector<64x16xf32>
    %slice3A_2 = vector.extract_strided_slice %get3A_1 {offsets = [0, 16], sizes = [64, 1], strides = [1, 1]} : vector<64x32xf32> to vector<64x1xf32>
    %max3A = arith.constant 1.000000e+00 : f32
    %max3A_3 = vector.broadcast %max3A : f32 to vector<64x1xf32>
    %max3A_4 = arith.maximumf %slice3A_2, %max3A_3 : vector<64x1xf32>
    %div3A = vector.broadcast %max3A_4 : vector<64x1xf32> to vector<64x16xf32>
    %div3A_5 = arith.divf %slice3A, %div3A : vector<64x16xf32>
    %get3A_6 = arith.constant 0 : index
    %get3A_7 = arith.constant 0 : index
    %get3A_8 = vector.load %arg0[%get3A_6, %get3A_7] : memref<64x48xf32, #tpu.memory_space<vmem>>, vector<64x48xf32>
    %concatenate3A = tpu.concatenate %get3A_8, %div3A_5 in 1 : vector<64x48xf32>, vector<64x16xf32> -> vector<64x64xf32>
    %get3A_9 = arith.constant 0 : index
    %get3A_10 = arith.constant 0 : index
    %get3A_11 = vector.load %arg2[%get3A_9, %get3A_10] : memref<1x64xf32, #tpu.memory_space<vmem>>, vector<1x64xf32>
    %get3A_12 = arith.constant 0 : index
    %get3A_13 = arith.constant 0 : index
    %get3A_14 = vector.load %arg3[%get3A_12, %get3A_13] : memref<1x64xf32, #tpu.memory_space<vmem>>, vector<1x64xf32>
    %reduce_sum3A = arith.constant dense<0.000000e+00> : vector<64xf32>
    %reduce_sum3A_15 = vector.multi_reduction <add>, %concatenate3A, %reduce_sum3A [0] : vector<64x64xf32> to vector<64xf32>
    %broadcast_in_dim3A = vector.shape_cast %reduce_sum3A_15 : vector<64xf32> to vector<1x64xf32>
    %div3A_16 = arith.constant 6.400000e+01 : f32
    %div3A_17 = vector.broadcast %div3A_16 : f32 to vector<1x64xf32>
    %div3A_18 = arith.divf %broadcast_in_dim3A, %div3A_17 : vector<1x64xf32>
    %sub3A = vector.broadcast %div3A_18 : vector<1x64xf32> to vector<64x64xf32>
    %sub3A_19 = arith.subf %concatenate3A, %sub3A : vector<64x64xf32>
    %integer_pow3A = arith.mulf %sub3A_19, %sub3A_19 : vector<64x64xf32>
    %reduce_sum3A_20 = arith.constant dense<0.000000e+00> : vector<64xf32>
    %reduce_sum3A_21 = vector.multi_reduction <add>, %integer_pow3A, %reduce_sum3A_20 [0] : vector<64x64xf32> to vector<64xf32>
    %broadcast_in_dim3A_22 = vector.shape_cast %reduce_sum3A_21 : vector<64xf32> to vector<1x64xf32>
    %div3A_23 = arith.constant 6.400000e+01 : f32
    %div3A_24 = vector.broadcast %div3A_23 : f32 to vector<1x64xf32>
    %div3A_25 = arith.divf %broadcast_in_dim3A_22, %div3A_24 : vector<1x64xf32>
    %sub3A_26 = vector.broadcast %div3A_18 : vector<1x64xf32> to vector<64x64xf32>
    %sub3A_27 = arith.subf %concatenate3A, %sub3A_26 : vector<64x64xf32>
    %add3A = arith.constant 9.99999974E-6 : f32
    %add3A_28 = vector.broadcast %add3A : f32 to vector<1x64xf32>
    %add3A_29 = arith.addf %div3A_25, %add3A_28 : vector<1x64xf32>
    %sqrt3A = math.sqrt %add3A_29 : vector<1x64xf32>
    %div3A_30 = vector.broadcast %sqrt3A : vector<1x64xf32> to vector<64x64xf32>
    %div3A_31 = arith.divf %sub3A_27, %div3A_30 : vector<64x64xf32>
    %mul3A = vector.broadcast %get3A_11 : vector<1x64xf32> to vector<64x64xf32>
    %mul3A_32 = arith.mulf %div3A_31, %mul3A : vector<64x64xf32>
    %add3A_33 = vector.broadcast %get3A_14 : vector<1x64xf32> to vector<64x64xf32>
    %add3A_34 = arith.addf %mul3A_32, %add3A_33 : vector<64x64xf32>
    %get3A_35 = arith.constant 0 : index
    %get3A_36 = arith.constant 0 : index
    %get3A_37 = vector.load %arg4[%get3A_35, %get3A_36] : memref<64x64xf32, #tpu.memory_space<vmem>>, vector<64x64xf32>
    %convert_element_type3A = arith.truncf %add3A_34 : vector<64x64xf32> to vector<64x64xbf16>
    %convert_element_type3A_38 = arith.truncf %get3A_37 : vector<64x64xf32> to vector<64x64xbf16>
    %dot_general3A = arith.constant dense<0.000000e+00> : vector<64x64xf32>
    %dot_general3A_39 = tpu.matmul %convert_element_type3A, %convert_element_type3A_38, %dot_general3A {dimension_numbers = #tpu.dot_dimension_numbers<[1], [0], [0], [1], [0, 0, 1, 1], [], []>, transpose_lhs_hint = false} : vector<64x64xbf16>, vector<64x64xbf16>, vector<64x64xf32> -> vector<64x64xf32>
    %get3A_40 = arith.constant 0 : index
    %get3A_41 = arith.constant 0 : index
    %get3A_42 = vector.load %arg5[%get3A_40, %get3A_41] : memref<1x64xf32, #tpu.memory_space<vmem>>, vector<1x64xf32>
    %add3A_43 = vector.broadcast %get3A_42 : vector<1x64xf32> to vector<64x64xf32>
    %add3A_44 = arith.addf %dot_general3A_39, %add3A_43 : vector<64x64xf32>
    %max3A_45 = arith.constant 0.000000e+00 : f32
    %max3A_46 = vector.broadcast %max3A_45 : f32 to vector<64x64xf32>
    %max3A_47 = arith.maximumf %add3A_44, %max3A_46 : vector<64x64xf32>
    %get3A_48 = arith.constant 0 : index
    %get3A_49 = arith.constant 0 : index
    %get3A_50 = vector.load %arg6[%get3A_48, %get3A_49] : memref<1x64xf32, #tpu.memory_space<vmem>>, vector<1x64xf32>
    %get3A_51 = arith.constant 0 : index
    %get3A_52 = arith.constant 0 : index
    %get3A_53 = vector.load %arg7[%get3A_51, %get3A_52] : memref<1x64xf32, #tpu.memory_space<vmem>>, vector<1x64xf32>
    %reduce_sum3A_54 = arith.constant dense<0.000000e+00> : vector<64xf32>
    %reduce_sum3A_55 = vector.multi_reduction <add>, %max3A_47, %reduce_sum3A_54 [0] : vector<64x64xf32> to vector<64xf32>
    %broadcast_in_dim3A_56 = vector.shape_cast %reduce_sum3A_55 : vector<64xf32> to vector<1x64xf32>
    %div3A_57 = arith.constant 6.400000e+01 : f32
    %div3A_58 = vector.broadcast %div3A_57 : f32 to vector<1x64xf32>
    %div3A_59 = arith.divf %broadcast_in_dim3A_56, %div3A_58 : vector<1x64xf32>
    %sub3A_60 = vector.broadcast %div3A_59 : vector<1x64xf32> to vector<64x64xf32>
    %sub3A_61 = arith.subf %max3A_47, %sub3A_60 : vector<64x64xf32>
    %integer_pow3A_62 = arith.mulf %sub3A_61, %sub3A_61 : vector<64x64xf32>
    %reduce_sum3A_63 = arith.constant dense<0.000000e+00> : vector<64xf32>
    %reduce_sum3A_64 = vector.multi_reduction <add>, %integer_pow3A_62, %reduce_sum3A_63 [0] : vector<64x64xf32> to vector<64xf32>
    %broadcast_in_dim3A_65 = vector.shape_cast %reduce_sum3A_64 : vector<64xf32> to vector<1x64xf32>
    %div3A_66 = arith.constant 6.400000e+01 : f32
    %div3A_67 = vector.broadcast %div3A_66 : f32 to vector<1x64xf32>
    %div3A_68 = arith.divf %broadcast_in_dim3A_65, %div3A_67 : vector<1x64xf32>
    %sub3A_69 = vector.broadcast %div3A_59 : vector<1x64xf32> to vector<64x64xf32>
    %sub3A_70 = arith.subf %max3A_47, %sub3A_69 : vector<64x64xf32>
    %add3A_71 = arith.constant 9.99999974E-6 : f32
    %add3A_72 = vector.broadcast %add3A_71 : f32 to vector<1x64xf32>
    %add3A_73 = arith.addf %div3A_68, %add3A_72 : vector<1x64xf32>
    %sqrt3A_74 = math.sqrt %add3A_73 : vector<1x64xf32>
    %div3A_75 = vector.broadcast %sqrt3A_74 : vector<1x64xf32> to vector<64x64xf32>
    %div3A_76 = arith.divf %sub3A_70, %div3A_75 : vector<64x64xf32>
    %mul3A_77 = vector.broadcast %get3A_50 : vector<1x64xf32> to vector<64x64xf32>
    %mul3A_78 = arith.mulf %div3A_76, %mul3A_77 : vector<64x64xf32>
    %add3A_79 = vector.broadcast %get3A_53 : vector<1x64xf32> to vector<64x64xf32>
    %add3A_80 = arith.addf %mul3A_78, %add3A_79 : vector<64x64xf32>
    %get3A_81 = arith.constant 0 : index
    %get3A_82 = arith.constant 0 : index
    %get3A_83 = vector.load %arg8[%get3A_81, %get3A_82] : memref<64x64xf32, #tpu.memory_space<vmem>>, vector<64x64xf32>
    %convert_element_type3A_84 = arith.truncf %add3A_80 : vector<64x64xf32> to vector<64x64xbf16>
    %convert_element_type3A_85 = arith.truncf %get3A_83 : vector<64x64xf32> to vector<64x64xbf16>
    %dot_general3A_86 = arith.constant dense<0.000000e+00> : vector<64x64xf32>
    %dot_general3A_87 = tpu.matmul %convert_element_type3A_84, %convert_element_type3A_85, %dot_general3A_86 {dimension_numbers = #tpu.dot_dimension_numbers<[1], [0], [0], [1], [0, 0, 1, 1], [], []>, transpose_lhs_hint = false} : vector<64x64xbf16>, vector<64x64xbf16>, vector<64x64xf32> -> vector<64x64xf32>
    %get3A_88 = arith.constant 0 : index
    %get3A_89 = arith.constant 0 : index
    %get3A_90 = vector.load %arg9[%get3A_88, %get3A_89] : memref<1x64xf32, #tpu.memory_space<vmem>>, vector<1x64xf32>
    %add3A_91 = vector.broadcast %get3A_90 : vector<1x64xf32> to vector<64x64xf32>
    %add3A_92 = arith.addf %dot_general3A_87, %add3A_91 : vector<64x64xf32>
    %max3A_93 = arith.constant 0.000000e+00 : f32
    %max3A_94 = vector.broadcast %max3A_93 : f32 to vector<64x64xf32>
    %max3A_95 = arith.maximumf %add3A_92, %max3A_94 : vector<64x64xf32>
    %get3A_96 = arith.constant 0 : index
    %get3A_97 = arith.constant 0 : index
    %get3A_98 = vector.load %arg10[%get3A_96, %get3A_97] : memref<1x64xf32, #tpu.memory_space<vmem>>, vector<1x64xf32>
    %get3A_99 = arith.constant 0 : index
    %get3A_100 = arith.constant 0 : index
    %get3A_101 = vector.load %arg11[%get3A_99, %get3A_100] : memref<1x64xf32, #tpu.memory_space<vmem>>, vector<1x64xf32>
    %reduce_sum3A_102 = arith.constant dense<0.000000e+00> : vector<64xf32>
    %reduce_sum3A_103 = vector.multi_reduction <add>, %max3A_95, %reduce_sum3A_102 [0] : vector<64x64xf32> to vector<64xf32>
    %broadcast_in_dim3A_104 = vector.shape_cast %reduce_sum3A_103 : vector<64xf32> to vector<1x64xf32>
    %div3A_105 = arith.constant 6.400000e+01 : f32
    %div3A_106 = vector.broadcast %div3A_105 : f32 to vector<1x64xf32>
    %div3A_107 = arith.divf %broadcast_in_dim3A_104, %div3A_106 : vector<1x64xf32>
    %sub3A_108 = vector.broadcast %div3A_107 : vector<1x64xf32> to vector<64x64xf32>
    %sub3A_109 = arith.subf %max3A_95, %sub3A_108 : vector<64x64xf32>
    %integer_pow3A_110 = arith.mulf %sub3A_109, %sub3A_109 : vector<64x64xf32>
    %reduce_sum3A_111 = arith.constant dense<0.000000e+00> : vector<64xf32>
    %reduce_sum3A_112 = vector.multi_reduction <add>, %integer_pow3A_110, %reduce_sum3A_111 [0] : vector<64x64xf32> to vector<64xf32>
    %broadcast_in_dim3A_113 = vector.shape_cast %reduce_sum3A_112 : vector<64xf32> to vector<1x64xf32>
    %div3A_114 = arith.constant 6.400000e+01 : f32
    %div3A_115 = vector.broadcast %div3A_114 : f32 to vector<1x64xf32>
    %div3A_116 = arith.divf %broadcast_in_dim3A_113, %div3A_115 : vector<1x64xf32>
    %sub3A_117 = vector.broadcast %div3A_107 : vector<1x64xf32> to vector<64x64xf32>
    %sub3A_118 = arith.subf %max3A_95, %sub3A_117 : vector<64x64xf32>
    %add3A_119 = arith.constant 9.99999974E-6 : f32
    %add3A_120 = vector.broadcast %add3A_119 : f32 to vector<1x64xf32>
    %add3A_121 = arith.addf %div3A_116, %add3A_120 : vector<1x64xf32>
    %sqrt3A_122 = math.sqrt %add3A_121 : vector<1x64xf32>
    %div3A_123 = vector.broadcast %sqrt3A_122 : vector<1x64xf32> to vector<64x64xf32>
    %div3A_124 = arith.divf %sub3A_118, %div3A_123 : vector<64x64xf32>
    %mul3A_125 = vector.broadcast %get3A_98 : vector<1x64xf32> to vector<64x64xf32>
    %mul3A_126 = arith.mulf %div3A_124, %mul3A_125 : vector<64x64xf32>
    %add3A_127 = vector.broadcast %get3A_101 : vector<1x64xf32> to vector<64x64xf32>
    %add3A_128 = arith.addf %mul3A_126, %add3A_127 : vector<64x64xf32>
    %get3A_129 = arith.constant 0 : index
    %get3A_130 = arith.constant 0 : index
    %get3A_131 = vector.load %arg12[%get3A_129, %get3A_130] : memref<64x64xf32, #tpu.memory_space<vmem>>, vector<64x64xf32>
    %convert_element_type3A_132 = arith.truncf %add3A_128 : vector<64x64xf32> to vector<64x64xbf16>
    %convert_element_type3A_133 = arith.truncf %get3A_131 : vector<64x64xf32> to vector<64x64xbf16>
    %dot_general3A_134 = arith.constant dense<0.000000e+00> : vector<64x64xf32>
    %dot_general3A_135 = tpu.matmul %convert_element_type3A_132, %convert_element_type3A_133, %dot_general3A_134 {dimension_numbers = #tpu.dot_dimension_numbers<[1], [0], [0], [1], [0, 0, 1, 1], [], []>, transpose_lhs_hint = false} : vector<64x64xbf16>, vector<64x64xbf16>, vector<64x64xf32> -> vector<64x64xf32>
    %get3A_136 = arith.constant 0 : index
    %get3A_137 = arith.constant 0 : index
    %get3A_138 = vector.load %arg13[%get3A_136, %get3A_137] : memref<1x64xf32, #tpu.memory_space<vmem>>, vector<1x64xf32>
    %add3A_139 = vector.broadcast %get3A_138 : vector<1x64xf32> to vector<64x64xf32>
    %add3A_140 = arith.addf %dot_general3A_135, %add3A_139 : vector<64x64xf32>
    %swap3A = arith.constant 0 : index
    %swap3A_141 = arith.constant 0 : index
    %swap3A_142 = vector.load %arg14[%swap3A, %swap3A_141] : memref<64x64xf32, #tpu.memory_space<vmem>>, vector<64x64xf32>
    tpu.vector_store %arg14[%swap3A, %swap3A_141], %add3A_140 {strides = array<i32>} : memref<64x64xf32, #tpu.memory_space<vmem>>, vector<64x64xf32>,
    return
  }
}

module attributes {stable_mosaic.version = 14 : i64} {
  func.func @body(%arg0: i32, %arg1: memref<64x64xf32, #tpu.memory_space<vmem>>, %arg2: memref<8x64xf32, #tpu.memory_space<vmem>>, %arg3: memref<64x2xbf16, #tpu.memory_space<vmem>>, %arg4: memref<8x2xf32, #tpu.memory_space<vmem>>, %arg5: memref<64x2xf32, #tpu.memory_space<vmem>>) attributes {dimension_semantics = [#tpu.dimension_semantics<arbitrary>], iteration_bounds = array<i64: 1>, scalar_prefetch = 0 : i64, scratch_operands = 0 : i64, tpu.core_type = #tpu.core_type<tc>, window_params = [{transform_indices = @transform_0, window_bounds = array<i64: 64, 64>}, {pipeline_mode = #tpu.pipeline_mode<synchronous>, transform_indices = @transform_1, window_bounds = array<i64: 8, 64>}, {pipeline_mode = #tpu.pipeline_mode<synchronous>, transform_indices = @transform_2, window_bounds = array<i64: 64, 2>}, {pipeline_mode = #tpu.pipeline_mode<synchronous>, transform_indices = @transform_3, window_bounds = array<i64: 8, 2>}, {transform_indices = @transform_4, window_bounds = array<i64: 64, 2>}]} {
    %get3A = arith.constant 0 : index
    %get3A_0 = arith.constant 0 : index
    %get3A_1 = vector.load %arg2[%get3A, %get3A_0] : memref<8x64xf32, #tpu.memory_space<vmem>>, vector<8x64xf32>
    %get3A_2 = arith.constant 0 : index
    %get3A_3 = arith.constant 0 : index
    %get3A_4 = vector.load %arg1[%get3A_2, %get3A_3] : memref<64x64xf32, #tpu.memory_space<vmem>>, vector<64x64xf32>
    %slice3A = vector.extract_strided_slice %get3A_1 {offsets = [0, 0], sizes = [1, 64], strides = [1, 1]} : vector<8x64xf32> to vector<1x64xf32>
    %sub3A = vector.broadcast %slice3A : vector<1x64xf32> to vector<64x64xf32>
    %sub3A_5 = arith.subf %get3A_4, %sub3A : vector<64x64xf32>
    %slice3A_6 = vector.extract_strided_slice %get3A_1 {offsets = [1, 0], sizes = [1, 64], strides = [1, 1]} : vector<8x64xf32> to vector<1x64xf32>
    %div3A = vector.broadcast %slice3A_6 : vector<1x64xf32> to vector<64x64xf32>
    %div3A_7 = arith.divf %sub3A_5, %div3A : vector<64x64xf32>
    %slice3A_8 = vector.extract_strided_slice %get3A_1 {offsets = [2, 0], sizes = [1, 64], strides = [1, 1]} : vector<8x64xf32> to vector<1x64xf32>
    %mul3A = vector.broadcast %slice3A_8 : vector<1x64xf32> to vector<64x64xf32>
    %mul3A_9 = arith.mulf %div3A_7, %mul3A : vector<64x64xf32>
    %slice3A_10 = vector.extract_strided_slice %get3A_1 {offsets = [3, 0], sizes = [1, 64], strides = [1, 1]} : vector<8x64xf32> to vector<1x64xf32>
    %add3A = vector.broadcast %slice3A_10 : vector<1x64xf32> to vector<64x64xf32>
    %add3A_11 = arith.addf %mul3A_9, %add3A : vector<64x64xf32>
    %convert_element_type3A = arith.truncf %add3A_11 : vector<64x64xf32> to vector<64x64xbf16>
    %get3A_12 = arith.constant 0 : index
    %get3A_13 = arith.constant 0 : index
    %get3A_14 = vector.load %arg3[%get3A_12, %get3A_13] : memref<64x2xbf16, #tpu.memory_space<vmem>>, vector<64x2xbf16>
    %dot_general3A = arith.constant dense<0.000000e+00> : vector<64x2xf32>
    %dot_general3A_15 = tpu.matmul %convert_element_type3A, %get3A_14, %dot_general3A {dimension_numbers = #tpu.dot_dimension_numbers<[1], [0], [0], [1], [0, 0, 1, 1], [], []>, transpose_lhs_hint = false} : vector<64x64xbf16>, vector<64x2xbf16>, vector<64x2xf32> -> vector<64x2xf32>
    %get3A_16 = arith.constant 0 : index
    %get3A_17 = arith.constant 0 : index
    %get3A_18 = vector.load %arg4[%get3A_16, %get3A_17] : memref<8x2xf32, #tpu.memory_space<vmem>>, vector<1x2xf32>
    %add3A_19 = vector.broadcast %get3A_18 : vector<1x2xf32> to vector<64x2xf32>
    %add3A_20 = arith.addf %dot_general3A_15, %add3A_19 : vector<64x2xf32>
    %swap3A = arith.constant 0 : index
    %swap3A_21 = arith.constant 0 : index
    %swap3A_22 = vector.load %arg5[%swap3A, %swap3A_21] : memref<64x2xf32, #tpu.memory_space<vmem>>, vector<64x2xf32>
    tpu.vector_store %arg5[%swap3A, %swap3A_21], %add3A_20 {strides = array<i32>} : memref<64x2xf32, #tpu.memory_space<vmem>>, vector<64x2xf32>,
    return
  }
  func.func @transform_0(%arg0: i32) -> (i32, i32) {
    %c0_i32 = arith.constant 0 : i32
    %c0_i32_0 = arith.constant 0 : i32
    return %arg0, %c0_i32 : i32, i32
  }
  func.func @transform_1(%arg0: i32) -> (i32, i32) {
    %c0_i32 = arith.constant 0 : i32
    %c0_i32_0 = arith.constant 0 : i32
    %c0_i32_1 = arith.constant 0 : i32
    return %c0_i32, %c0_i32_0 : i32, i32
  }
  func.func @transform_2(%arg0: i32) -> (i32, i32) {
    %c0_i32 = arith.constant 0 : i32
    %c0_i32_0 = arith.constant 0 : i32
    %c0_i32_1 = arith.constant 0 : i32
    return %c0_i32, %c0_i32_0 : i32, i32
  }
  func.func @transform_3(%arg0: i32) -> (i32, i32) {
    %c0_i32 = arith.constant 0 : i32
    %c0_i32_0 = arith.constant 0 : i32
    %c0_i32_1 = arith.constant 0 : i32
    return %c0_i32, %c0_i32_0 : i32, i32
  }
  func.func @transform_4(%arg0: i32) -> (i32, i32) {
    %c0_i32 = arith.constant 0 : i32
    %c0_i32_0 = arith.constant 0 : i32
    return %arg0, %c0_i32 : i32, i32
  }
}

module attributes {stable_mosaic.version = 14 : i64} {
  func.func @body(%arg0: i32, %arg1: memref<2000x19xf32, #tpu.memory_space<vmem>>, %arg2: memref<8x19xf32, #tpu.memory_space<vmem>>, %arg3: memref<19x2xbf16, #tpu.memory_space<vmem>>, %arg4: memref<8x2xf32, #tpu.memory_space<vmem>>, %arg5: memref<2000x2xf32, #tpu.memory_space<vmem>>) attributes {dimension_semantics = [#tpu.dimension_semantics<arbitrary>], iteration_bounds = array<i64: 80>, scalar_prefetch = 0 : i64, scratch_operands = 0 : i64, tpu.core_type = #tpu.core_type<tc>, window_params = [{transform_indices = @transform_0, window_bounds = array<i64: 2000, 19>}, {pipeline_mode = #tpu.pipeline_mode<synchronous>, transform_indices = @transform_1, window_bounds = array<i64: 8, 19>}, {pipeline_mode = #tpu.pipeline_mode<synchronous>, transform_indices = @transform_2, window_bounds = array<i64: 19, 2>}, {pipeline_mode = #tpu.pipeline_mode<synchronous>, transform_indices = @transform_3, window_bounds = array<i64: 8, 2>}, {transform_indices = @transform_4, window_bounds = array<i64: 2000, 2>}]} {
    %get3A = arith.constant 0 : index
    %get3A_0 = arith.constant 0 : index
    %get3A_1 = vector.load %arg2[%get3A, %get3A_0] : memref<8x19xf32, #tpu.memory_space<vmem>>, vector<8x19xf32>
    %get3A_2 = arith.constant 0 : index
    %get3A_3 = arith.constant 0 : index
    %get3A_4 = vector.load %arg1[%get3A_2, %get3A_3] : memref<2000x19xf32, #tpu.memory_space<vmem>>, vector<2000x19xf32>
    %slice3A = vector.extract_strided_slice %get3A_1 {offsets = [0, 0], sizes = [1, 19], strides = [1, 1]} : vector<8x19xf32> to vector<1x19xf32>
    %sub3A = vector.broadcast %slice3A : vector<1x19xf32> to vector<2000x19xf32>
    %sub3A_5 = arith.subf %get3A_4, %sub3A : vector<2000x19xf32>
    %slice3A_6 = vector.extract_strided_slice %get3A_1 {offsets = [1, 0], sizes = [1, 19], strides = [1, 1]} : vector<8x19xf32> to vector<1x19xf32>
    %div3A = vector.broadcast %slice3A_6 : vector<1x19xf32> to vector<2000x19xf32>
    %div3A_7 = arith.divf %sub3A_5, %div3A : vector<2000x19xf32>
    %slice3A_8 = vector.extract_strided_slice %get3A_1 {offsets = [2, 0], sizes = [1, 19], strides = [1, 1]} : vector<8x19xf32> to vector<1x19xf32>
    %mul3A = vector.broadcast %slice3A_8 : vector<1x19xf32> to vector<2000x19xf32>
    %mul3A_9 = arith.mulf %div3A_7, %mul3A : vector<2000x19xf32>
    %slice3A_10 = vector.extract_strided_slice %get3A_1 {offsets = [3, 0], sizes = [1, 19], strides = [1, 1]} : vector<8x19xf32> to vector<1x19xf32>
    %add3A = vector.broadcast %slice3A_10 : vector<1x19xf32> to vector<2000x19xf32>
    %add3A_11 = arith.addf %mul3A_9, %add3A : vector<2000x19xf32>
    %convert_element_type3A = arith.truncf %add3A_11 : vector<2000x19xf32> to vector<2000x19xbf16>
    %get3A_12 = arith.constant 0 : index
    %get3A_13 = arith.constant 0 : index
    %get3A_14 = vector.load %arg3[%get3A_12, %get3A_13] : memref<19x2xbf16, #tpu.memory_space<vmem>>, vector<19x2xbf16>
    %dot_general3A = arith.constant dense<0.000000e+00> : vector<2000x2xf32>
    %dot_general3A_15 = tpu.matmul %convert_element_type3A, %get3A_14, %dot_general3A {dimension_numbers = #tpu.dot_dimension_numbers<[1], [0], [0], [1], [0, 0, 1, 1], [], []>, transpose_lhs_hint = false} : vector<2000x19xbf16>, vector<19x2xbf16>, vector<2000x2xf32> -> vector<2000x2xf32>
    %get3A_16 = arith.constant 0 : index
    %get3A_17 = arith.constant 0 : index
    %get3A_18 = vector.load %arg4[%get3A_16, %get3A_17] : memref<8x2xf32, #tpu.memory_space<vmem>>, vector<1x2xf32>
    %add3A_19 = vector.broadcast %get3A_18 : vector<1x2xf32> to vector<2000x2xf32>
    %add3A_20 = arith.addf %dot_general3A_15, %add3A_19 : vector<2000x2xf32>
    %swap3A = arith.constant 0 : index
    %swap3A_21 = arith.constant 0 : index
    %swap3A_22 = vector.load %arg5[%swap3A, %swap3A_21] : memref<2000x2xf32, #tpu.memory_space<vmem>>, vector<2000x2xf32>
    tpu.vector_store %arg5[%swap3A, %swap3A_21], %add3A_20 {strides = array<i32>} : memref<2000x2xf32, #tpu.memory_space<vmem>>, vector<2000x2xf32>,
    return
  }
  func.func @transform_0(%arg0: i32) -> (i32, i32) {
    %c0_i32 = arith.constant 0 : i32
    %c0_i32_0 = arith.constant 0 : i32
    return %arg0, %c0_i32 : i32, i32
  }
  func.func @transform_1(%arg0: i32) -> (i32, i32) {
    %c0_i32 = arith.constant 0 : i32
    %c0_i32_0 = arith.constant 0 : i32
    %c0_i32_1 = arith.constant 0 : i32
    return %c0_i32, %c0_i32_0 : i32, i32
  }
  func.func @transform_2(%arg0: i32) -> (i32, i32) {
    %c0_i32 = arith.constant 0 : i32
    %c0_i32_0 = arith.constant 0 : i32
    %c0_i32_1 = arith.constant 0 : i32
    return %c0_i32, %c0_i32_0 : i32, i32
  }
  func.func @transform_3(%arg0: i32) -> (i32, i32) {
    %c0_i32 = arith.constant 0 : i32
    %c0_i32_0 = arith.constant 0 : i32
    %c0_i32_1 = arith.constant 0 : i32
    return %c0_i32, %c0_i32_0 : i32, i32
  }
  func.func @transform_4(%arg0: i32) -> (i32, i32) {
    %c0_i32 = arith.constant 0 : i32
    %c0_i32_0 = arith.constant 0 : i32
    return %arg0, %c0_i32 : i32, i32
  }
}

module attributes {stable_mosaic.version = 14 : i64} {
  func.func @body(%arg0: i32, %arg1: memref<2000x19xf32, #tpu.memory_space<vmem>>, %arg2: memref<8x19xf32, #tpu.memory_space<vmem>>, %arg3: memref<19x19xbf16, #tpu.memory_space<vmem>>, %arg4: memref<8x19xf32, #tpu.memory_space<vmem>>, %arg5: memref<2000x19xf32, #tpu.memory_space<vmem>>, %arg6: memref<8x19xf32, #tpu.memory_space<vmem>>, %arg7: memref<8x19xf32, #tpu.memory_space<vmem>>) attributes {dimension_semantics = [#tpu.dimension_semantics<arbitrary>], iteration_bounds = array<i64: 80>, scalar_prefetch = 0 : i64, scratch_operands = 0 : i64, tpu.core_type = #tpu.core_type<tc>, window_params = [{transform_indices = @transform_0, window_bounds = array<i64: 2000, 19>}, {pipeline_mode = #tpu.pipeline_mode<synchronous>, transform_indices = @transform_1, window_bounds = array<i64: 8, 19>}, {pipeline_mode = #tpu.pipeline_mode<synchronous>, transform_indices = @transform_2, window_bounds = array<i64: 19, 19>}, {pipeline_mode = #tpu.pipeline_mode<synchronous>, transform_indices = @transform_3, window_bounds = array<i64: 8, 19>}, {transform_indices = @transform_4, window_bounds = array<i64: 2000, 19>}, {pipeline_mode = #tpu.pipeline_mode<synchronous>, transform_indices = @transform_5, window_bounds = array<i64: 8, 19>}, {pipeline_mode = #tpu.pipeline_mode<synchronous>, transform_indices = @transform_6, window_bounds = array<i64: 8, 19>}]} {
    %get3A = arith.constant 0 : index
    %get3A_0 = arith.constant 0 : index
    %get3A_1 = vector.load %arg2[%get3A, %get3A_0] : memref<8x19xf32, #tpu.memory_space<vmem>>, vector<8x19xf32>
    %get3A_2 = arith.constant 0 : index
    %get3A_3 = arith.constant 0 : index
    %get3A_4 = vector.load %arg1[%get3A_2, %get3A_3] : memref<2000x19xf32, #tpu.memory_space<vmem>>, vector<2000x19xf32>
    %slice3A = vector.extract_strided_slice %get3A_1 {offsets = [0, 0], sizes = [1, 19], strides = [1, 1]} : vector<8x19xf32> to vector<1x19xf32>
    %sub3A = vector.broadcast %slice3A : vector<1x19xf32> to vector<2000x19xf32>
    %sub3A_5 = arith.subf %get3A_4, %sub3A : vector<2000x19xf32>
    %slice3A_6 = vector.extract_strided_slice %get3A_1 {offsets = [1, 0], sizes = [1, 19], strides = [1, 1]} : vector<8x19xf32> to vector<1x19xf32>
    %div3A = vector.broadcast %slice3A_6 : vector<1x19xf32> to vector<2000x19xf32>
    %div3A_7 = arith.divf %sub3A_5, %div3A : vector<2000x19xf32>
    %slice3A_8 = vector.extract_strided_slice %get3A_1 {offsets = [2, 0], sizes = [1, 19], strides = [1, 1]} : vector<8x19xf32> to vector<1x19xf32>
    %mul3A = vector.broadcast %slice3A_8 : vector<1x19xf32> to vector<2000x19xf32>
    %mul3A_9 = arith.mulf %div3A_7, %mul3A : vector<2000x19xf32>
    %slice3A_10 = vector.extract_strided_slice %get3A_1 {offsets = [3, 0], sizes = [1, 19], strides = [1, 1]} : vector<8x19xf32> to vector<1x19xf32>
    %add3A = vector.broadcast %slice3A_10 : vector<1x19xf32> to vector<2000x19xf32>
    %add3A_11 = arith.addf %mul3A_9, %add3A : vector<2000x19xf32>
    %convert_element_type3A = arith.truncf %add3A_11 : vector<2000x19xf32> to vector<2000x19xbf16>
    %get3A_12 = arith.constant 0 : index
    %get3A_13 = arith.constant 0 : index
    %get3A_14 = vector.load %arg3[%get3A_12, %get3A_13] : memref<19x19xbf16, #tpu.memory_space<vmem>>, vector<19x19xbf16>
    %dot_general3A = arith.constant dense<0.000000e+00> : vector<2000x19xf32>
    %dot_general3A_15 = tpu.matmul %convert_element_type3A, %get3A_14, %dot_general3A {dimension_numbers = #tpu.dot_dimension_numbers<[1], [0], [0], [1], [0, 0, 1, 1], [], []>, transpose_lhs_hint = false} : vector<2000x19xbf16>, vector<19x19xbf16>, vector<2000x19xf32> -> vector<2000x19xf32>
    %get3A_16 = arith.constant 0 : index
    %get3A_17 = arith.constant 0 : index
    %get3A_18 = vector.load %arg4[%get3A_16, %get3A_17] : memref<8x19xf32, #tpu.memory_space<vmem>>, vector<1x19xf32>
    %add3A_19 = vector.broadcast %get3A_18 : vector<1x19xf32> to vector<2000x19xf32>
    %add3A_20 = arith.addf %dot_general3A_15, %add3A_19 : vector<2000x19xf32>
    %swap3A = arith.constant 0 : index
    %swap3A_21 = arith.constant 0 : index
    %swap3A_22 = vector.load %arg5[%swap3A, %swap3A_21] : memref<2000x19xf32, #tpu.memory_space<vmem>>, vector<2000x19xf32>
    tpu.vector_store %arg5[%swap3A, %swap3A_21], %add3A_20 {strides = array<i32>} : memref<2000x19xf32, #tpu.memory_space<vmem>>, vector<2000x19xf32>,
    %eq3A = arith.constant 0 : i32
    %eq3A_23 = arith.cmpi eq, %arg0, %eq3A : i32
    %convert_element_type3A_24 = arith.extui %eq3A_23 : i1 to i32
    %cond3A = arith.constant 0 : i32
    %cond3A_25 = arith.cmpi ne, %convert_element_type3A_24, %cond3A : i32
    scf.if %cond3A_25 {
      %broadcast_in_dim3A_49 = arith.constant 0.000000e+00 : f32
      %broadcast_in_dim3A_50 = vector.broadcast %broadcast_in_dim3A_49 : f32 to vector<8x19xf32>
      %swap3A_51 = arith.constant 0 : index
      %swap3A_52 = arith.constant 0 : index
      %swap3A_53 = vector.load %arg6[%swap3A_51, %swap3A_52] : memref<8x19xf32, #tpu.memory_space<vmem>>, vector<8x19xf32>
      tpu.vector_store %arg6[%swap3A_51, %swap3A_52], %broadcast_in_dim3A_50 {strides = array<i32>} : memref<8x19xf32, #tpu.memory_space<vmem>>, vector<8x19xf32>,
      %broadcast_in_dim3A_54 = arith.constant 0.000000e+00 : f32
      %broadcast_in_dim3A_55 = vector.broadcast %broadcast_in_dim3A_54 : f32 to vector<8x19xf32>
      %swap3A_56 = arith.constant 0 : index
      %swap3A_57 = arith.constant 0 : index
      %swap3A_58 = vector.load %arg7[%swap3A_56, %swap3A_57] : memref<8x19xf32, #tpu.memory_space<vmem>>, vector<8x19xf32>
      tpu.vector_store %arg7[%swap3A_56, %swap3A_57], %broadcast_in_dim3A_55 {strides = array<i32>} : memref<8x19xf32, #tpu.memory_space<vmem>>, vector<8x19xf32>,
    } else {
    }
    %get3A_26 = arith.constant 0 : index
    %get3A_27 = arith.constant 0 : index
    %get3A_28 = vector.load %arg6[%get3A_26, %get3A_27] : memref<8x19xf32, #tpu.memory_space<vmem>>, vector<8x19xf32>
    %reduce_sum3A = arith.constant dense<0.000000e+00> : vector<19xf32>
    %reduce_sum3A_29 = vector.multi_reduction <add>, %add3A_20, %reduce_sum3A [0] : vector<2000x19xf32> to vector<19xf32>
    %broadcast_in_dim3A = vector.shape_cast %reduce_sum3A_29 : vector<19xf32> to vector<1x19xf32>
    %broadcast_in_dim3A_30 = vector.shape_cast %broadcast_in_dim3A : vector<1x19xf32> to vector<1x19xf32>
    %broadcast_in_dim3A_31 = vector.broadcast %broadcast_in_dim3A_30 : vector<1x19xf32> to vector<8x19xf32>
    %add3A_32 = arith.addf %get3A_28, %broadcast_in_dim3A_31 : vector<8x19xf32>
    %swap3A_33 = arith.constant 0 : index
    %swap3A_34 = arith.constant 0 : index
    %swap3A_35 = vector.load %arg6[%swap3A_33, %swap3A_34] : memref<8x19xf32, #tpu.memory_space<vmem>>, vector<8x19xf32>
    tpu.vector_store %arg6[%swap3A_33, %swap3A_34], %add3A_32 {strides = array<i32>} : memref<8x19xf32, #tpu.memory_space<vmem>>, vector<8x19xf32>,
    %get3A_36 = arith.constant 0 : index
    %get3A_37 = arith.constant 0 : index
    %get3A_38 = vector.load %arg7[%get3A_36, %get3A_37] : memref<8x19xf32, #tpu.memory_space<vmem>>, vector<8x19xf32>
    %mul3A_39 = arith.mulf %add3A_20, %add3A_20 : vector<2000x19xf32>
    %reduce_sum3A_40 = arith.constant dense<0.000000e+00> : vector<19xf32>
    %reduce_sum3A_41 = vector.multi_reduction <add>, %mul3A_39, %reduce_sum3A_40 [0] : vector<2000x19xf32> to vector<19xf32>
    %broadcast_in_dim3A_42 = vector.shape_cast %reduce_sum3A_41 : vector<19xf32> to vector<1x19xf32>
    %broadcast_in_dim3A_43 = vector.shape_cast %broadcast_in_dim3A_42 : vector<1x19xf32> to vector<1x19xf32>
    %broadcast_in_dim3A_44 = vector.broadcast %broadcast_in_dim3A_43 : vector<1x19xf32> to vector<8x19xf32>
    %add3A_45 = arith.addf %get3A_38, %broadcast_in_dim3A_44 : vector<8x19xf32>
    %swap3A_46 = arith.constant 0 : index
    %swap3A_47 = arith.constant 0 : index
    %swap3A_48 = vector.load %arg7[%swap3A_46, %swap3A_47] : memref<8x19xf32, #tpu.memory_space<vmem>>, vector<8x19xf32>
    tpu.vector_store %arg7[%swap3A_46, %swap3A_47], %add3A_45 {strides = array<i32>} : memref<8x19xf32, #tpu.memory_space<vmem>>, vector<8x19xf32>,
    return
  }
  func.func @transform_0(%arg0: i32) -> (i32, i32) {
    %c0_i32 = arith.constant 0 : i32
    %c0_i32_0 = arith.constant 0 : i32
    return %arg0, %c0_i32 : i32, i32
  }
  func.func @transform_1(%arg0: i32) -> (i32, i32) {
    %c0_i32 = arith.constant 0 : i32
    %c0_i32_0 = arith.constant 0 : i32
    %c0_i32_1 = arith.constant 0 : i32
    return %c0_i32, %c0_i32_0 : i32, i32
  }
  func.func @transform_2(%arg0: i32) -> (i32, i32) {
    %c0_i32 = arith.constant 0 : i32
    %c0_i32_0 = arith.constant 0 : i32
    %c0_i32_1 = arith.constant 0 : i32
    return %c0_i32, %c0_i32_0 : i32, i32
  }
  func.func @transform_3(%arg0: i32) -> (i32, i32) {
    %c0_i32 = arith.constant 0 : i32
    %c0_i32_0 = arith.constant 0 : i32
    %c0_i32_1 = arith.constant 0 : i32
    return %c0_i32, %c0_i32_0 : i32, i32
  }
  func.func @transform_4(%arg0: i32) -> (i32, i32) {
    %c0_i32 = arith.constant 0 : i32
    %c0_i32_0 = arith.constant 0 : i32
    return %arg0, %c0_i32 : i32, i32
  }
  func.func @transform_5(%arg0: i32) -> (i32, i32) {
    %c0_i32 = arith.constant 0 : i32
    %c0_i32_0 = arith.constant 0 : i32
    %c0_i32_1 = arith.constant 0 : i32
    return %c0_i32, %c0_i32_0 : i32, i32
  }
  func.func @transform_6(%arg0: i32) -> (i32, i32) {
    %c0_i32 = arith.constant 0 : i32
    %c0_i32_0 = arith.constant 0 : i32
    %c0_i32_1 = arith.constant 0 : i32
    return %c0_i32, %c0_i32_0 : i32, i32
  }
}

</mosaic_0001>

<sc_bundles>
// kernel: kernel.100.cloned.1.call-start
scs
__scs_entry_jumppad:
0x0: {  	(pc) =	sbr.rel $0x88, $3  }
0x1: {  	(tag) =	ssettag $0x0;
	lr =	simm.s32 $0x1  }
0x2: {  	[smem:$0x3F1E] =	sst lr;
	_ =	strace $0xD0000000  }
0x3: {  	_ = 	snop  }
0x4: {  	_ = 	snop  }
0x5: {  	_ = 	snop  }
0x6: {  	_ = 	snop  }
0x7: {  	_ = 	snop  }
__scs_overlays_trampoline_lowered:
0x8: {  	[smem:$0x3F2D] =	sst s0  }
0x9: {  	[smem:$0x3F2E] =	sst s1  }
0xa: {  	[smem:$0x3F2F] =	sst s2  }
0xb: {  	[smem:$0x3F30] =	sst s3  }
0xc: {  	[smem:$0x3F31] =	sst s4  }
0xd: {  	[smem:$0x3F32] =	sst s5  }
0xe: {  	[smem:$0x3F33] =	sst s6  }
0xf: {  	[smem:$0x3F34] =	sst s7  }
0x10: {  	[smem:$0x3F35] =	sst s8  }
0x11: {  	[smem:$0x3F36] =	sst s9;
	s0 =	simm.s32 @!p0 $0x0  }
0x12: {  	s1 =	sld [smem:$0x3F1C];
	s0 =	simm.s32 @p0 $0x1  }
0x13: {  	[smem:$0x3F37] =	sst s0;
	s0 =	simm.s32 @!p1 $0x0  }
0x14: {  	s2 =	sld [smem:$0x3F1B];
	s0 =	simm.s32 @p1 $0x1  }
0x15: {  	[smem:$0x3F38] =	sst s0;
	s0 =	simm.s32 @!p2 $0x0  }
0x16: {  	s3 =	sld [smem:$0x3FDB];
	s0 =	simm.s32 @p2 $0x1  }
0x17: {  	s4 =	simm.s32 $0x1BF5;
	[smem:$0x3F3A] =	sst s0  }
0x18: {  	s0 =	sld [smem:$0x3F1D];
	_ =	swait.ge [sflag:s4], $0x0  }
0x19: {  	s7 =	sld [smem:$0x3F1E]  }
0x1a: {  	s8 =	sadd.s32 $0xFFFFE003, lr  }
0x1b: {  	s9 =	sadd.s32 $0xFFFFFEF7, lr;
	s5 =	simm.s32 $0xFFFFFFFF;
	p2 =	slt.u32 s8, $0xFFFFF086  }
0x1c: {  	p1 =	slt.u32 s9, $0xF7A;
	s5 =	simm.s32 @!p2 $0x0  }
0x1d: {  	s5 =	simm.s32 @p1 $0x1;
	p0 =	seq.s32 s7, s2  }
0x1e: {  	s7 =	smul.u32 @!p0 $0xF7A, s2;
	p2 =	seq.s32 @!p0 s5, $0x0  }
0x1f: {  	s9 =	smul.u32 $0xF7A, s1;
	s8 =	simm.s32 @!p0 $0x1BF5;
	p2 =	por !p2, p0  }
0x20: {  	[sflag:s8] =	ssyncset.s32 @!p0 $0xFFFFF086;
	s6 =	sadd.s32 @!p0 s3, s7;
	s7 =	simm.s32 @!p0 $0x108  }
0x21: {  	s3 =	sadd.s32 s3, s9;
	s6 =	sadd.s32 @!p0 $0x88, s6;
	s7 =	simm.s32 @p2 $0x1082  }
0x22: {  	[simem:s7], [sflag:s8] =	dma.local @!p0 [hbm:s6], $0xF7A  }
0x23: {  	s9 =	sor.u32 $0xD0000000, s2;
	s6 =	simm.s32 $0x108;
	_ =	swait.ge @!p0 [sflag:s8], $0x0  }
0x24: {  	s3 =	sadd.s32 $0x88, s3;
	s6 =	simm.s32 @!p1 $0x1082;
	[sflag:s4] =	ssyncset.s32 $0xFFFFF086  }
0x25: {  	[simem:s6], [sflag:s4] =	dma.local [hbm:s3], $0xF7A  }
0x26: {  	[smem:$0x3F1E] =	sst s1;
	(tag) =	ssettag s2;
	_ =	strace s9  }
0x27: {  	s1 =	sld [smem:$0x3F2E]  }
0x28: {  	s2 =	sld [smem:$0x3F2F]  }
0x29: {  	s4 =	sld [smem:$0x3F31]  }
0x2a: {  	p0 =	seq.s32 s5, $0x0;
	s5 =	sld [smem:$0x3F32]  }
0x2b: {  	s6 =	sld [smem:$0x3F33]  }
0x2c: {  	s7 =	sld [smem:$0x3F34]  }
0x2d: {  	s3 =	simm.s32 $0x108;
	s8 =	sld [smem:$0x3F35]  }
0x2e: {  	s3 =	simm.s32 @!p0 $0x1082;
	s9 =	sld [smem:$0x3F36]  }
0x2f: {  	lr =	sadd.s32 s0, s3;
	s0 =	sld [smem:$0x3F2D]  }
0x30: {  	s3 =	sld [smem:$0x3F30]  }
0x31: {  	[smem:$0x3F39] =	sst s10  }
0x32: {  	s10 =	sld [smem:$0x3F37];
	_ =	sdelay $0x3  }
0x33: {  	p0 =	seq.s32 s10, $0x1;
	s10 =	sld [smem:$0x3F39];
	_ =	sdelay $0x3  }
0x34: {  	[smem:$0x3F39] =	sst s10  }
0x35: {  	s10 =	sld [smem:$0x3F38];
	_ =	sdelay $0x3  }
0x36: {  	p1 =	seq.s32 s10, $0x1;
	s10 =	sld [smem:$0x3F39];
	_ =	sdelay $0x3  }
0x37: {  	[smem:$0x3F39] =	sst s10  }
0x38: {  	s10 =	sld [smem:$0x3F3A]  }
0x39: {  	_ = 	snop;
	(pc) =	sbr.ind lr, $3  }
0x3a: {  	_ = 	snop  }
0x3b: {  	_ = 	snop  }
0x3c: {  	p2 =	seq.s32 s10, $0x1;
	s10 =	sld [smem:$0x3F39]  }
0x3d: {  	_ =	shalt  }
0x3e: {  	_ =	shalt  }
0x3f: {  	_ =	shalt  }
0x40: {  	_ =	shalt  }
0x41: {  	_ =	shalt  }
0x42: {  	_ =	shalt  }
0x43: {  	_ =	shalt  }
0x44: {  	_ =	shalt  }
0x45: {  	_ =	shalt  }
0x46: {  	_ =	shalt  }
0x47: {  	_ =	shalt  }
0x48: {  	_ =	shalt  }
0x49: {  	_ =	shalt  }
0x4a: {  	_ =	shalt  }
0x4b: {  	_ =	shalt  }
0x4c: {  	_ =	shalt  }
0x4d: {  	_ =	shalt  }
0x4e: {  	_ =	shalt  }
0x4f: {  	_ =	shalt  }
0x50: {  	_ =	shalt  }
0x51: {  	_ =	shalt  }
0x52: {  	_ =	shalt  }
0x53: {  	_ =	shalt  }
0x54: {  	_ =	shalt  }
0x55: {  	_ =	shalt  }
0x56: {  	_ =	shalt  }
0x57: {  	_ =	shalt  }
0x58: {  	_ =	shalt  }
0x59: {  	_ =	shalt  }
0x5a: {  	_ =	shalt  }
0x5b: {  	_ =	shalt  }
0x5c: {  	_ =	shalt  }
0x5d: {  	_ =	shalt  }
0x5e: {  	_ =	shalt  }
0x5f: {  	_ =	shalt  }
0x60: {  	_ =	shalt  }
0x61: {  	_ =	shalt  }
0x62: {  	_ =	shalt  }
0x63: {  	_ =	shalt  }
0x64: {  	_ =	shalt  }
0x65: {  	_ =	shalt  }
0x66: {  	_ =	shalt  }
0x67: {  	_ =	shalt  }
0x68: {  	_ =	shalt  }
0x69: {  	_ =	shalt  }
0x6a: {  	_ =	shalt  }
0x6b: {  	_ =	shalt  }
0x6c: {  	_ =	shalt  }
0x6d: {  	_ =	shalt  }
0x6e: {  	_ =	shalt  }
0x6f: {  	_ =	shalt  }
0x70: {  	_ =	shalt  }
0x71: {  	_ =	shalt  }
0x72: {  	_ =	shalt  }
0x73: {  	_ =	shalt  }
0x74: {  	_ =	shalt  }
0x75: {  	_ =	shalt  }
0x76: {  	_ =	shalt  }
0x77: {  	_ =	shalt  }
0x78: {  	_ =	shalt  }
0x79: {  	_ =	shalt  }
0x7a: {  	_ =	shalt  }
0x7b: {  	_ =	shalt  }
0x7c: {  	_ =	shalt  }
0x7d: {  	_ =	shalt  }
0x7e: {  	_ =	shalt  }
0x7f: {  	_ =	shalt  }
0x80: {  	_ =	shalt  }
0x81: {  	_ =	shalt  }
0x82: {  	_ =	shalt  }
0x83: {  	_ =	shalt  }
0x84: {  	_ =	shalt  }
0x85: {  	_ =	shalt  }
0x86: {  	_ =	shalt  }
0x87: {  	_ =	shalt  }
.Lfunc_end0:
.L_simem_size_0:
called_computation.9_lowered:
.L_overlay_start_0:
0x88: {  	s2 =	sld [smem:$0x3FD9]  }
0x89: {  	s3 =	sld [smem:$0x3FFE];
	_ =	sdelay $0x1  }
0x8a: {  	s1 =	srdreg.scid  }
0x8b: {  	s0 =	sand.u32 $0x1, s1  }
0x8c: {  	s17 =	sshll.u32 s0, $0xA;
	s2 =	sadd.s32 s3, s2  }
0x8d: {  	s2 =	sadd.s32 s2, s17  }
0x8e: {  	[smem:$0x3F45] =	sst s2  }
0x8f: {  	_ = 	snop  }
0x90: {  	(tm) =	ssettm $0x1  }
0x91: {  	s18 =	sld [smem:$0x3FFB];
	_ =	sdelay $0x3  }
0x92: {  	_ =	strace s18  }
0x93: {  	s2 =	sld [smem:$0x3FFC];
	_ =	sdelay $0x3  }
0x94: {  	_ =	strace s2  }
0x95: {  	s2 =	sld [smem:$0x3FFD];
	_ =	sdelay $0x3  }
0x96: {  	_ =	strace s2  }
0x97: {  	_ =	strace $0x8FFFFFFF  }
0x98: {  	s19 =	sld [smem:$0x3FDB];
	_ =	sdelay $0x1  }
0x99: {  	s20 =	simm.s32 $_scs_section_size  }
0x9a: {  	s4 =	simm.s32 $_size__tile_overlayer_lowered;
	s5 =	simm.s32 $_tile_overlayer_lowered  }
0x9b: {  	s6 =	simm.s32 $0x1BFF;
	s21 =	sshll.u32 s5, $0x1;
	s3 =	sadd.s32 s20, s19  }
0x9c: {  	s22 =	simm.s32 $0x0;
	s4 =	sshll.u32 s4, $0x1;
	s5 =	sadd.s32 s21, s3  }
0x9d: {  	[timem:s22], [sflag:s6] =	dma.local [hbm:s5], s4  }
0x9e: {  	_ =	swait.ge [sflag:s6], s4  }
0x9f: {  	s4 =	ssub.s32 $0x0, s4;
	[sflag:s6] =	ssyncset.done $0x0  }
0xa0: {  	[sflag:s6] =	ssyncadd.s32 s4;
	_ =	sdelay $0x1  }
0xa1: {  	s23 =	simm.s32 $0x1B8B  }
0xa2: {  	_ =	swait.ge [sflag:s23], $0x1  }
0xa3: {  	[sflag:s23] =	ssyncset.done $0x0  }
0xa4: {  	[sflag:s23] =	ssyncadd.s32 $0xFFFFFFFF  }
0xa5: {  	s4 =	sld [smem:$0x0]  }
0xa6: {  	s5 =	sand.u32 $0xFFFFFFFE, s1  }
0xa7: {  	p0 =	sne.s32 s1, s5  }
0xa8: {  	s5 =	sshll.u32 @p0 s5, $0xE  }
0xa9: {  	s5 =	sadd.s32 @p0 $0x11B8D, s5;
	s6 =	sshll.u32 @p0 s4, $0x11  }
0xaa: {  	s5 =	sor.u32 @p0 s6, s5  }
0xab: {  	[sflag:s5] =	ssyncadd.remote.s32 @p0 $0x1;
	_ =	sdelay $0x1  }
0xac: {  	s5 =	simm.s32 @p0 $0x1B8D  }
0xad: {  	_ =	swait.eq @p0 [sflag:s5], $0x1  }
0xae: {  	[sflag:s5] =	ssyncadd.s32 @p0 $0xFFFFFFFF  }
0xaf: {  	s6 =	sshll.u32 @!p0 s1, $0xE  }
0xb0: {  	s6 =	sor.u32 @!p0 $0x4000, s6;
	s5 =	simm.s32 @!p0 $0x1B8D  }
0xb1: {  	s4 =	sshll.u32 @!p0 s4, $0x11;
	s6 =	sadd.s32 @!p0 $0x11B8D, s6;
	_ =	swait.eq @!p0 [sflag:s5], $0x1  }
0xb2: {  	s4 =	sor.u32 @!p0 s4, s6;
	[sflag:s5] =	ssyncadd.s32 @!p0 $0xFFFFFFFF  }
0xb3: {  	s25 =	simm.s32 $0x1B8E;
	s24 =	sld [smem:$0x3FFE];
	[sflag:s4] =	ssyncadd.remote.s32 @!p0 $0x1  }
0xb4: {  	s26 =	simm.s32 $execute0_lowered;
	[smem:$0x3FD2] =	sst s25  }
0xb5: {  	s5 =	sshll.u32 s26, $0x1;
	_ =	strace $0x80000061;
	[dreg:$0x1] =	wrdreg $0xFFFFFFFF  }
0xb6: {  	s28 =	simm.s32 $_size_execute0_lowered;
	s3 =	sadd.s32 s3, s5;
	[dreg:$0x0] =	wrdreg $0x0  }
0xb7: {  	s5 =	sshll.u32 s28, $0x1;
	[dreg:$0x2] =	wrdreg s3  }
0xb8: {  	[dreg:$0x3] =	wrdreg s5  }
0xb9: {  	[dreg:$0x4] =	wrdreg $0xC0  }
0xba: {  	_ =	task [dreg:s22], $0x5FFFF  }
0xbb: {  	[dreg:$0x1] =	wrdreg $0xFFFFFFFF  }
0xbc: {  	[dreg:$0x0] =	wrdreg $0x60  }
0xbd: {  	[dreg:$0x2] =	wrdreg s24  }
0xbe: {  	[dreg:$0x3] =	wrdreg $0xA  }
0xbf: {  	_ =	task.clear_ibuf [dreg:s22], $0x4FFFF;
	_ =	strace $0x90000061  }
0xc0: {  	s29 =	simm.s32 $0xA;
	_ =	strace $0x80000063  }
0xc1: {  	_ =	swait.ge [sflag:s29], $0x1  }
0xc2: {  	[sflag:s29] =	ssyncadd.s32 $0xFFFFFFFF  }
0xc3: {  	_ =	strace $0x90000063  }
0xc4: {  	_ =	sfence  }
0xc5: {  	s30 =	sld [smem:$0x0];
	_ =	sdelay $0x2  }
0xc6: {  	s31 =	sshll.u32 s1, $0xD;
	s1 =	sshrl.u32 s1, $0x2  }
0xc7: {  	s4 =	sand.u32 $0x4000, s31;
	s1 =	sadd.s32 s1, s30  }
0xc8: {  	s0 =	sor.u32 s4, s0;
	s1 =	sshll.u32 s1, $0x11  }
0xc9: {  	s0 =	sor.u32 s1, s0  }
0xca: {  	s0 =	sadd.s32 $0x8F2B, s0  }
0xcb: {  	[sflag:s0] =	ssyncadd.remote.s32 $0x1  }
0xcc: {  	_ =	sfence.sel $0xFFFF  }
0xcd: {  	[dreg:$0x0] =	wrdreg $0xFFFFFFFF;
	(pc) =	sbr.abs _section_cstart, $3  }
0xce: {  	[dreg:$0x1] =	wrdreg $0xFFFFFFFF  }
0xcf: {  	_ =	task.clear_ibuf [dreg:s22], $0x2FFFF;
	_ =	strace $0x9FFFFFFF  }
0xd0: {  	(tm) =	ssettm $0x7FFFFFFF  }
0xd1: {  	_ =	shalt  }
tec
execute0_lowered:
.L_overlay_start_1:
0x0: {  	(tag) =	ssettag $0x1  }
0x1: {  	s4 =	rddreg [dreg:$0x0]  }
0x2: {  	s0 =	rddreg [dreg:$0x1];
	s2 =	simm.s32 $0x0;
	s1 =	stileid.u32  }
0x3: {  	s3 =	srdreg.scid;
	s10 =	simm.s32 $0x0;
	s6 =	smul.u32 $0x2800, s1  }
0x4: {  	[smem:$0x7FF] =	sst s2;
	s5 =	sand.u32 $0x1, s3;
	s8 =	smul.u32 $0x5000, s1  }
0x5: {  	s3 =	sadd.s32 $0x317400, s4;
	s7 =	smul.u32 $0x1400, s5;
	s9 =	ssub.s32 $0x2, s5  }
0x6: {  	_ =	strace $0x80000062;
	s5 =	smul.u32 $0x2800, s5;
	s31 =	sshrl.u32 s9, $0x1  }
0x7: {  	s8 =	sadd.s32 s8, s4;
	s6 =	sadd.s32 s7, s6;
	s7 =	ssub.s32 s9, s31  }
0x8: {  	s5 =	sadd.s32 s5, s8;
	s8 =	simm.s32 $0x80;
	s6 =	sshrl.u32 s6, $0x3  }
0x9: {  	s9 =	simm.s32 $0x1;
	s5 =	sadd.s32 $0x371400, s5;
	s6 =	sadd.s32 s6, s4  }
0xa: {  	s4 =	smax.u32 s7, $0x1;
	s7 =	simm.s32 $0x2;
	s6 =	sadd.s32 $0x31C400, s6  }
.LBB2_1:
0xb: {  	s11 =	sadd.s32 $0x0, s6  }
0xc: {  	[tilespmem:s2], [sflag:$0x2] =	stream.linear.gather [hbm4b:s11+s2], $0x80, $0x38;
	[tilespmem:$0x880] =	vst v63  }
0xd: {  	_ =	swait.ge [sflag:s7], $0x80  }
0xe: {  	[sflag:s7] =	ssyncset.done $0x0  }
0xf: {  	[sflag:s7] =	ssyncadd.s32 $0xFFFFFF80  }
0x10: {  	[tilespmem:s8], [sflag:$0x1] =	stream.indirect.gather [hbm4b:s3+s8], $0x10, s2, s8, $0xb8;
	[tilespmem:$0x880] =	vst v63  }
0x11: {  	_ =	swait.ge [sflag:s9], $0x800  }
0x12: {  	[sflag:s9] =	ssyncset.done $0x0  }
0x13: {  	[sflag:s9] =	ssyncadd.s32 $0xFFFFF800  }
0x14: {  	[hbm4b:s5+s2] =	stream.linear.scatter [tilespmem:s8], [sflag:$0x2], $0x800, $0x38;
	[tilespmem:$0x880] =	vst v63  }
0x15: {  	s12 =	simm.s32 $0x10;
	_ =	swait.ge [sflag:s7], $0x800  }
0x16: {  	s13 =	simm.s32 $0x20;
	s11 =	sadd.s32 $0x100, s5;
	[sflag:s7] =	ssyncset.done $0x0  }
.LBB2_2:
0x17: {  	s14 =	sadd.s32 s12, s6  }
0x18: {  	[sflag:s7] =	ssyncadd.s32 $0xFFFFF800;
	s12 =	smov.u32 s13;
	s15 =	sadd.s32 $0x10, s13  }
0x19: {  	[tilespmem:s2], [sflag:$0x2] =	stream.linear.gather [hbm4b:s14+s2], $0x80, $0x38;
	[tilespmem:$0x880] =	vst v63  }
0x1a: {  	p0 =	sne.s32 s13, $0x270;
	_ =	swait.ge [sflag:s7], $0x80  }
0x1b: {  	[sflag:s7] =	ssyncset.done $0x0  }
0x1c: {  	[sflag:s7] =	ssyncadd.s32 $0xFFFFFF80  }
0x1d: {  	[tilespmem:s8], [sflag:$0x1] =	stream.indirect.gather [hbm4b:s3+s8], $0x10, s2, s8, $0xb8;
	[tilespmem:$0x880] =	vst v63  }
0x1e: {  	_ =	swait.ge [sflag:s9], $0x800  }
.Ltmp0:
0x1f: {  	[sflag:s9] =	ssyncset.done $0x0;
	(pc) =	sbr.rel @p0 .LBB2_2-.Ltmp0, $4  }
0x20: {  	[sflag:s9] =	ssyncadd.s32 $0xFFFFF800  }
0x21: {  	[hbm4b:s11+s2] =	stream.linear.scatter [tilespmem:s8], [sflag:$0x2], $0x800, $0x38;
	[tilespmem:$0x880] =	vst v63  }
0x22: {  	_ =	swait.ge [sflag:s7], $0x800  }
0x23: {  	s13 =	smov.u32 s15;
	s11 =	sadd.s32 $0x100, s11;
	[sflag:s7] =	ssyncset.done $0x0  }
0x24: {  	s12 =	sadd.s32 s12, s6;
	[sflag:s7] =	ssyncadd.s32 $0xFFFFF800  }
0x25: {  	[tilespmem:s2], [sflag:$0x2] =	stream.linear.gather [hbm4b:s12+s2], $0x80, $0x38;
	[tilespmem:$0x880] =	vst v63  }
0x26: {  	_ =	swait.ge [sflag:s7], $0x80  }
0x27: {  	[sflag:s7] =	ssyncset.done $0x0  }
0x28: {  	[sflag:s7] =	ssyncadd.s32 $0xFFFFFF80  }
0x29: {  	[tilespmem:s8], [sflag:$0x1] =	stream.indirect.gather [hbm4b:s3+s8], $0x10, s2, s8, $0xb8;
	[tilespmem:$0x880] =	vst v63  }
0x2a: {  	s10 =	sadd.s32 $0x1, s10;
	_ =	swait.ge [sflag:s9], $0x800  }
0x2b: {  	p0 =	sne.s32 s10, s4;
	[sflag:s9] =	ssyncset.done $0x0  }
.Ltmp1:
0x2c: {  	[sflag:s9] =	ssyncadd.s32 $0xFFFFF800;
	(pc) =	sbr.rel @p0 .LBB2_1-.Ltmp1, $4  }
0x2d: {  	[hbm4b:s11+s2] =	stream.linear.scatter [tilespmem:s8], [sflag:$0x2], $0x800, $0x38;
	[tilespmem:$0x880] =	vst v63  }
0x2e: {  	_ =	swait.ge [sflag:s7], $0x800  }
0x2f: {  	[sflag:s7] =	ssyncset.done $0x0  }
0x30: {  	[sflag:s7] =	ssyncadd.s32 $0xFFFFF800  }
0x31: {  	_ =	sfence.sel $0x180000  }
0x32: {  	[bflag:$0x0] =	sbarrier.arrive $0xFFFF  }
0x33: {  	p0 =	sne.s32 s1, $0x0;
	_ =	strace $0x90000062  }
0x34: {  	s0 =	sadd.s32 @!p0 $0x100000, s0;
	[bflag:$0x2] =	sbarrier.arrive $0xFFFF  }
0x35: {  	[sflag:s0] =	ssyncadd.tile.s32 @!p0 $0x1;
	_ =	shalt  }
.Lfunc_end2:
_tile_overlayer_lowered:
.L_overlay_start_2:
0x36: {  	(tag) =	ssettag $0x2  }
0x37: {  	s0 =	rddreg [dreg:$0x0];
	s2 =	stileid.u32  }
0x38: {  	s1 =	rddreg [dreg:$0x1];
	p0 =	sne.s32 s2, $0x0  }
0x39: {  	s3 =	rddreg [dreg:$0x2];
	[bflag:$0x3] =	sbarrier.arrive $0xFFFF;
	s2 =	simm.s32 @!p0 $0x1C02  }
0x3a: {  	[timem:s3], [sflag:s2] =	dma.local @!p0 [hbm:s0], s1  }
0x3b: {  	s0 =	simm.s32 @!p0 $0x2  }
0x3c: {  	_ =	swait.ge @!p0 [sflag:s0], s1  }
0x3d: {  	s1 =	ssub.s32 @!p0 $0x0, s1;
	[sflag:s0] =	ssyncset.done @!p0 $0x0  }
0x3e: {  	[sflag:s0] =	ssyncadd.s32 @!p0 s1  }
0x3f: {  	[bflag:$0x3] =	sbarrier.arrive $0xFFFF  }
0x40: {  	_ =	shalt  }

// kernel: kernel.73.cloned.1.call-start
scs
__scs_entry_jumppad:
0x0: {  	(pc) =	sbr.rel $0x88, $3  }
0x1: {  	(tag) =	ssettag $0x0;
	lr =	simm.s32 $0x1  }
0x2: {  	[smem:$0x3F1E] =	sst lr;
	_ =	strace $0xD0000000  }
0x3: {  	_ = 	snop  }
0x4: {  	_ = 	snop  }
0x5: {  	_ = 	snop  }
0x6: {  	_ = 	snop  }
0x7: {  	_ = 	snop  }
__scs_overlays_trampoline_lowered:
0x8: {  	[smem:$0x3F2D] =	sst s0  }
0x9: {  	[smem:$0x3F2E] =	sst s1  }
0xa: {  	[smem:$0x3F2F] =	sst s2  }
0xb: {  	[smem:$0x3F30] =	sst s3  }
0xc: {  	[smem:$0x3F31] =	sst s4  }
0xd: {  	[smem:$0x3F32] =	sst s5  }
0xe: {  	[smem:$0x3F33] =	sst s6  }
0xf: {  	[smem:$0x3F34] =	sst s7  }
0x10: {  	[smem:$0x3F35] =	sst s8  }
0x11: {  	[smem:$0x3F36] =	sst s9;
	s0 =	simm.s32 @!p0 $0x0  }
0x12: {  	s1 =	sld [smem:$0x3F1C];
	s0 =	simm.s32 @p0 $0x1  }
0x13: {  	[smem:$0x3F37] =	sst s0;
	s0 =	simm.s32 @!p1 $0x0  }
0x14: {  	s2 =	sld [smem:$0x3F1B];
	s0 =	simm.s32 @p1 $0x1  }
0x15: {  	[smem:$0x3F38] =	sst s0;
	s0 =	simm.s32 @!p2 $0x0  }
0x16: {  	s3 =	sld [smem:$0x3FDB];
	s0 =	simm.s32 @p2 $0x1  }
0x17: {  	s4 =	simm.s32 $0x1BF5;
	[smem:$0x3F3A] =	sst s0  }
0x18: {  	s0 =	sld [smem:$0x3F1D];
	_ =	swait.ge [sflag:s4], $0x0  }
0x19: {  	s7 =	sld [smem:$0x3F1E]  }
0x1a: {  	s8 =	sadd.s32 $0xFFFFE003, lr  }
0x1b: {  	s9 =	sadd.s32 $0xFFFFFEF7, lr;
	s5 =	simm.s32 $0xFFFFFFFF;
	p2 =	slt.u32 s8, $0xFFFFF086  }
0x1c: {  	p1 =	slt.u32 s9, $0xF7A;
	s5 =	simm.s32 @!p2 $0x0  }
0x1d: {  	s5 =	simm.s32 @p1 $0x1;
	p0 =	seq.s32 s7, s2  }
0x1e: {  	s7 =	smul.u32 @!p0 $0xF7A, s2;
	p2 =	seq.s32 @!p0 s5, $0x0  }
0x1f: {  	s9 =	smul.u32 $0xF7A, s1;
	s8 =	simm.s32 @!p0 $0x1BF5;
	p2 =	por !p2, p0  }
0x20: {  	[sflag:s8] =	ssyncset.s32 @!p0 $0xFFFFF086;
	s6 =	sadd.s32 @!p0 s3, s7;
	s7 =	simm.s32 @!p0 $0x108  }
0x21: {  	s3 =	sadd.s32 s3, s9;
	s6 =	sadd.s32 @!p0 $0x88, s6;
	s7 =	simm.s32 @p2 $0x1082  }
0x22: {  	[simem:s7], [sflag:s8] =	dma.local @!p0 [hbm:s6], $0xF7A  }
0x23: {  	s9 =	sor.u32 $0xD0000000, s2;
	s6 =	simm.s32 $0x108;
	_ =	swait.ge @!p0 [sflag:s8], $0x0  }
0x24: {  	s3 =	sadd.s32 $0x88, s3;
	s6 =	simm.s32 @!p1 $0x1082;
	[sflag:s4] =	ssyncset.s32 $0xFFFFF086  }
0x25: {  	[simem:s6], [sflag:s4] =	dma.local [hbm:s3], $0xF7A  }
0x26: {  	[smem:$0x3F1E] =	sst s1;
	(tag) =	ssettag s2;
	_ =	strace s9  }
0x27: {  	s1 =	sld [smem:$0x3F2E]  }
0x28: {  	s2 =	sld [smem:$0x3F2F]  }
0x29: {  	s4 =	sld [smem:$0x3F31]  }
0x2a: {  	p0 =	seq.s32 s5, $0x0;
	s5 =	sld [smem:$0x3F32]  }
0x2b: {  	s6 =	sld [smem:$0x3F33]  }
0x2c: {  	s7 =	sld [smem:$0x3F34]  }
0x2d: {  	s3 =	simm.s32 $0x108;
	s8 =	sld [smem:$0x3F35]  }
0x2e: {  	s3 =	simm.s32 @!p0 $0x1082;
	s9 =	sld [smem:$0x3F36]  }
0x2f: {  	lr =	sadd.s32 s0, s3;
	s0 =	sld [smem:$0x3F2D]  }
0x30: {  	s3 =	sld [smem:$0x3F30]  }
0x31: {  	[smem:$0x3F39] =	sst s10  }
0x32: {  	s10 =	sld [smem:$0x3F37];
	_ =	sdelay $0x3  }
0x33: {  	p0 =	seq.s32 s10, $0x1;
	s10 =	sld [smem:$0x3F39];
	_ =	sdelay $0x3  }
0x34: {  	[smem:$0x3F39] =	sst s10  }
0x35: {  	s10 =	sld [smem:$0x3F38];
	_ =	sdelay $0x3  }
0x36: {  	p1 =	seq.s32 s10, $0x1;
	s10 =	sld [smem:$0x3F39];
	_ =	sdelay $0x3  }
0x37: {  	[smem:$0x3F39] =	sst s10  }
0x38: {  	s10 =	sld [smem:$0x3F3A]  }
0x39: {  	_ = 	snop;
	(pc) =	sbr.ind lr, $3  }
0x3a: {  	_ = 	snop  }
0x3b: {  	_ = 	snop  }
0x3c: {  	p2 =	seq.s32 s10, $0x1;
	s10 =	sld [smem:$0x3F39]  }
0x3d: {  	_ =	shalt  }
0x3e: {  	_ =	shalt  }
0x3f: {  	_ =	shalt  }
0x40: {  	_ =	shalt  }
0x41: {  	_ =	shalt  }
0x42: {  	_ =	shalt  }
0x43: {  	_ =	shalt  }
0x44: {  	_ =	shalt  }
0x45: {  	_ =	shalt  }
0x46: {  	_ =	shalt  }
0x47: {  	_ =	shalt  }
0x48: {  	_ =	shalt  }
0x49: {  	_ =	shalt  }
0x4a: {  	_ =	shalt  }
0x4b: {  	_ =	shalt  }
0x4c: {  	_ =	shalt  }
0x4d: {  	_ =	shalt  }
0x4e: {  	_ =	shalt  }
0x4f: {  	_ =	shalt  }
0x50: {  	_ =	shalt  }
0x51: {  	_ =	shalt  }
0x52: {  	_ =	shalt  }
0x53: {  	_ =	shalt  }
0x54: {  	_ =	shalt  }
0x55: {  	_ =	shalt  }
0x56: {  	_ =	shalt  }
0x57: {  	_ =	shalt  }
0x58: {  	_ =	shalt  }
0x59: {  	_ =	shalt  }
0x5a: {  	_ =	shalt  }
0x5b: {  	_ =	shalt  }
0x5c: {  	_ =	shalt  }
0x5d: {  	_ =	shalt  }
0x5e: {  	_ =	shalt  }
0x5f: {  	_ =	shalt  }
0x60: {  	_ =	shalt  }
0x61: {  	_ =	shalt  }
0x62: {  	_ =	shalt  }
0x63: {  	_ =	shalt  }
0x64: {  	_ =	shalt  }
0x65: {  	_ =	shalt  }
0x66: {  	_ =	shalt  }
0x67: {  	_ =	shalt  }
0x68: {  	_ =	shalt  }
0x69: {  	_ =	shalt  }
0x6a: {  	_ =	shalt  }
0x6b: {  	_ =	shalt  }
0x6c: {  	_ =	shalt  }
0x6d: {  	_ =	shalt  }
0x6e: {  	_ =	shalt  }
0x6f: {  	_ =	shalt  }
0x70: {  	_ =	shalt  }
0x71: {  	_ =	shalt  }
0x72: {  	_ =	shalt  }
0x73: {  	_ =	shalt  }
0x74: {  	_ =	shalt  }
0x75: {  	_ =	shalt  }
0x76: {  	_ =	shalt  }
0x77: {  	_ =	shalt  }
0x78: {  	_ =	shalt  }
0x79: {  	_ =	shalt  }
0x7a: {  	_ =	shalt  }
0x7b: {  	_ =	shalt  }
0x7c: {  	_ =	shalt  }
0x7d: {  	_ =	shalt  }
0x7e: {  	_ =	shalt  }
0x7f: {  	_ =	shalt  }
0x80: {  	_ =	shalt  }
0x81: {  	_ =	shalt  }
0x82: {  	_ =	shalt  }
0x83: {  	_ =	shalt  }
0x84: {  	_ =	shalt  }
0x85: {  	_ =	shalt  }
0x86: {  	_ =	shalt  }
0x87: {  	_ =	shalt  }
.Lfunc_end0:
.L_simem_size_0:
called_computation_lowered:
.L_overlay_start_0:
0x88: {  	s2 =	sld [smem:$0x3FD9]  }
0x89: {  	s3 =	sld [smem:$0x3FFE];
	_ =	sdelay $0x1  }
0x8a: {  	s1 =	srdreg.scid  }
0x8b: {  	s0 =	sand.u32 $0x1, s1  }
0x8c: {  	s14 =	sshll.u32 s0, $0xA;
	s2 =	sadd.s32 s3, s2  }
0x8d: {  	s2 =	sadd.s32 s2, s14  }
0x8e: {  	[smem:$0x3F45] =	sst s2  }
0x8f: {  	_ = 	snop  }
0x90: {  	s2 =	sld [smem:$0x3FD0];
	_ =	sdelay $0x2  }
0x91: {  	s15 =	simm.s32 $0xB;
	s4 =	simm.s32 $0x10  }
0x92: {  	[smem:s4], [sflag:s15] =	dma.local [hbm:s2], $0x1  }
0x93: {  	_ =	swait.eq [sflag:s15], $0x1  }
0x94: {  	[sflag:s15] =	ssyncset.done $0x0  }
0x95: {  	[sflag:s15] =	ssyncadd.s32 $0xFFFFFFFF  }
0x96: {  	s16 =	sld [smem:$0x11];
	(tm) =	ssettm $0x1  }
0x97: {  	s17 =	sld [smem:$0x3FFB];
	_ =	sdelay $0x3  }
0x98: {  	_ =	strace s17  }
0x99: {  	s3 =	sld [smem:$0x3FFC];
	_ =	sdelay $0x3  }
0x9a: {  	_ =	strace s3  }
0x9b: {  	s3 =	sld [smem:$0x3FFD];
	_ =	sdelay $0x3  }
0x9c: {  	_ =	strace s3  }
0x9d: {  	_ =	strace $0x8FFFFFFF  }
0x9e: {  	s18 =	sld [smem:$0x3FDB];
	_ =	sdelay $0x1  }
0x9f: {  	s19 =	simm.s32 $_scs_section_size  }
0xa0: {  	s5 =	simm.s32 $_size__tile_overlayer_lowered;
	s6 =	simm.s32 $_tile_overlayer_lowered  }
0xa1: {  	s22 =	simm.s32 $0x1BFF;
	s21 =	sshll.u32 s6, $0x1;
	s3 =	sadd.s32 s19, s18  }
0xa2: {  	s7 =	simm.s32 $0x0;
	s20 =	sshll.u32 s5, $0x1;
	s5 =	sadd.s32 s21, s3  }
0xa3: {  	[timem:s7], [sflag:s22] =	dma.local [hbm:s5], s20  }
0xa4: {  	_ =	swait.ge [sflag:s22], s20  }
0xa5: {  	s4 =	ssub.s32 $0x0, s20;
	[sflag:s22] =	ssyncset.done $0x0  }
0xa6: {  	[sflag:s22] =	ssyncadd.s32 s4;
	_ =	sdelay $0x1  }
0xa7: {  	s23 =	simm.s32 $0x1B8B  }
0xa8: {  	_ =	swait.ge [sflag:s23], $0x1  }
0xa9: {  	[sflag:s23] =	ssyncset.done $0x0  }
0xaa: {  	s25 =	simm.s32 $0x1B8E;
	s24 =	sld [smem:$0x3FFE];
	[sflag:s23] =	ssyncadd.s32 $0xFFFFFFFF  }
0xab: {  	s26 =	simm.s32 $execute0_lowered;
	[smem:$0x3FD2] =	sst s25  }
0xac: {  	s5 =	sshll.u32 s26, $0x1;
	_ =	strace $0x80000046;
	[dreg:$0x1] =	wrdreg $0xFFFFFFFF  }
0xad: {  	s28 =	simm.s32 $_size_execute0_lowered;
	s3 =	sadd.s32 s3, s5;
	[dreg:$0x0] =	wrdreg $0x0  }
0xae: {  	s5 =	sshll.u32 s28, $0x1;
	[dreg:$0x2] =	wrdreg s3  }
0xaf: {  	[dreg:$0x3] =	wrdreg s5  }
0xb0: {  	[dreg:$0x4] =	wrdreg $0xC0  }
0xb1: {  	_ =	task [dreg:s7], $0x5FFFF  }
0xb2: {  	[dreg:$0x1] =	wrdreg $0xFFFFFFFF  }
0xb3: {  	[dreg:$0x0] =	wrdreg $0x60  }
0xb4: {  	[dreg:$0x2] =	wrdreg s24  }
0xb5: {  	[dreg:$0x3] =	wrdreg s16  }
0xb6: {  	[dreg:$0x4] =	wrdreg $0x9  }
0xb7: {  	_ =	task.clear_ibuf [dreg:s7], $0x5FFFF;
	_ =	strace $0x90000046  }
0xb8: {  	s29 =	simm.s32 $0x9;
	_ =	strace $0x80000048  }
0xb9: {  	_ =	swait.ge [sflag:s29], $0x1  }
0xba: {  	[sflag:s29] =	ssyncadd.s32 $0xFFFFFFFF  }
0xbb: {  	_ =	strace $0x90000048  }
0xbc: {  	_ =	sfence  }
0xbd: {  	s30 =	sld [smem:$0x0];
	_ =	sdelay $0x2  }
0xbe: {  	s31 =	sshll.u32 s1, $0xD;
	s1 =	sshrl.u32 s1, $0x2  }
0xbf: {  	s3 =	sand.u32 $0x4000, s31;
	s1 =	sadd.s32 s1, s30  }
0xc0: {  	s0 =	sor.u32 s3, s0;
	s1 =	sshll.u32 s1, $0x11  }
0xc1: {  	s0 =	sor.u32 s1, s0  }
0xc2: {  	s0 =	sadd.s32 $0x8F2B, s0  }
0xc3: {  	[sflag:s0] =	ssyncadd.remote.s32 $0x1  }
0xc4: {  	_ =	sfence.sel $0xFFFF  }
0xc5: {  	[dreg:$0x0] =	wrdreg $0xFFFFFFFF;
	(pc) =	sbr.abs _section_cstart, $3  }
0xc6: {  	[dreg:$0x1] =	wrdreg $0xFFFFFFFF  }
0xc7: {  	_ =	task.clear_ibuf [dreg:s7], $0x2FFFF;
	_ =	strace $0x9FFFFFFF  }
0xc8: {  	(tm) =	ssettm $0x7FFFFFFF  }
0xc9: {  	_ =	shalt  }
tec
execute0_lowered:
.L_overlay_start_1:
0x0: {  	(tag) =	ssettag $0x1  }
0x1: {  	s3 =	rddreg [dreg:$0x0]  }
0x2: {  	s6 =	rddreg [dreg:$0x1]  }
0x3: {  	s0 =	rddreg [dreg:$0x2];
	s1 =	stileid.u32  }
0x4: {  	s2 =	simm.s32 $0x0;
	s5 =	srdreg.scid;
	s4 =	smul.u32 $0x5000, s1  }
0x5: {  	[smem:$0x7FF] =	sst s2;
	s5 =	sand.u32 $0x1, s5;
	s7 =	smul.u32 $0x2800, s1  }
0x6: {  	_ =	strace $0x80000047;
	s8 =	ssub.s32 $0x2, s5;
	s9 =	smul.u32 $0x1400, s5  }
0x7: {  	s5 =	smul.u32 $0x2800, s5;
	s10 =	sadd.s32 s4, s3;
	s31 =	sshrl.u32 s8, $0x1  }
0x8: {  	s3 =	sadd.s32 $0x4C000, s3;
	s4 =	ssub.s32 s8, s31;
	s7 =	sadd.s32 s9, s7  }
0x9: {  	s5 =	sadd.s32 s5, s10;
	s8 =	simm.s32 $0x80;
	s9 =	simm.s32 $0x1  }
0xa: {  	s10 =	simm.s32 $0x0;
	s4 =	smax.u32 s4, $0x1;
	s7 =	sshrl.u32 s7, $0x3  }
0xb: {  	s5 =	sadd.s32 $0x56000, s5;
	s6 =	sadd.s32 s7, s6;
	s7 =	simm.s32 $0x2  }
.LBB2_1:
0xc: {  	s11 =	sadd.s32 $0x0, s6  }
0xd: {  	[tilespmem:s2], [sflag:$0x2] =	stream.linear.gather [hbm4b:s11+s2], $0x80, $0x38;
	[tilespmem:$0x880] =	vst v63  }
0xe: {  	_ =	swait.ge [sflag:s7], $0x80  }
0xf: {  	[sflag:s7] =	ssyncset.done $0x0  }
0x10: {  	[sflag:s7] =	ssyncadd.s32 $0xFFFFFF80  }
0x11: {  	[tilespmem:s8], [sflag:$0x1] =	stream.indirect.gather [hbm4b:s3+s8], $0x10, s2, s8, $0xb8;
	[tilespmem:$0x880] =	vst v63  }
0x12: {  	_ =	swait.ge [sflag:s9], $0x800  }
0x13: {  	[sflag:s9] =	ssyncset.done $0x0  }
0x14: {  	[sflag:s9] =	ssyncadd.s32 $0xFFFFF800  }
0x15: {  	[hbm4b:s5+s2] =	stream.linear.scatter [tilespmem:s8], [sflag:$0x2], $0x800, $0x38;
	[tilespmem:$0x880] =	vst v63  }
0x16: {  	s12 =	simm.s32 $0x10;
	_ =	swait.ge [sflag:s7], $0x800  }
0x17: {  	s13 =	simm.s32 $0x20;
	s11 =	sadd.s32 $0x100, s5;
	[sflag:s7] =	ssyncset.done $0x0  }
.LBB2_2:
0x18: {  	s14 =	sadd.s32 s12, s6  }
0x19: {  	[sflag:s7] =	ssyncadd.s32 $0xFFFFF800;
	s12 =	smov.u32 s13;
	s15 =	sadd.s32 $0x10, s13  }
0x1a: {  	[tilespmem:s2], [sflag:$0x2] =	stream.linear.gather [hbm4b:s14+s2], $0x80, $0x38;
	[tilespmem:$0x880] =	vst v63  }
0x1b: {  	p0 =	sne.s32 s13, $0x270;
	_ =	swait.ge [sflag:s7], $0x80  }
0x1c: {  	[sflag:s7] =	ssyncset.done $0x0  }
0x1d: {  	[sflag:s7] =	ssyncadd.s32 $0xFFFFFF80  }
0x1e: {  	[tilespmem:s8], [sflag:$0x1] =	stream.indirect.gather [hbm4b:s3+s8], $0x10, s2, s8, $0xb8;
	[tilespmem:$0x880] =	vst v63  }
0x1f: {  	_ =	swait.ge [sflag:s9], $0x800  }
.Ltmp0:
0x20: {  	[sflag:s9] =	ssyncset.done $0x0;
	(pc) =	sbr.rel @p0 .LBB2_2-.Ltmp0, $4  }
0x21: {  	[sflag:s9] =	ssyncadd.s32 $0xFFFFF800  }
0x22: {  	[hbm4b:s11+s2] =	stream.linear.scatter [tilespmem:s8], [sflag:$0x2], $0x800, $0x38;
	[tilespmem:$0x880] =	vst v63  }
0x23: {  	_ =	swait.ge [sflag:s7], $0x800  }
0x24: {  	s13 =	smov.u32 s15;
	s11 =	sadd.s32 $0x100, s11;
	[sflag:s7] =	ssyncset.done $0x0  }
0x25: {  	s12 =	sadd.s32 s12, s6;
	[sflag:s7] =	ssyncadd.s32 $0xFFFFF800  }
0x26: {  	[tilespmem:s2], [sflag:$0x2] =	stream.linear.gather [hbm4b:s12+s2], $0x80, $0x38;
	[tilespmem:$0x880] =	vst v63  }
0x27: {  	_ =	swait.ge [sflag:s7], $0x80  }
0x28: {  	[sflag:s7] =	ssyncset.done $0x0  }
0x29: {  	[sflag:s7] =	ssyncadd.s32 $0xFFFFFF80  }
0x2a: {  	[tilespmem:s8], [sflag:$0x1] =	stream.indirect.gather [hbm4b:s3+s8], $0x10, s2, s8, $0xb8;
	[tilespmem:$0x880] =	vst v63  }
0x2b: {  	s10 =	sadd.s32 $0x1, s10;
	_ =	swait.ge [sflag:s9], $0x800  }
0x2c: {  	p0 =	sne.s32 s10, s4;
	[sflag:s9] =	ssyncset.done $0x0  }
.Ltmp1:
0x2d: {  	[sflag:s9] =	ssyncadd.s32 $0xFFFFF800;
	(pc) =	sbr.rel @p0 .LBB2_1-.Ltmp1, $4  }
0x2e: {  	[hbm4b:s11+s2] =	stream.linear.scatter [tilespmem:s8], [sflag:$0x2], $0x800, $0x38;
	[tilespmem:$0x880] =	vst v63  }
0x2f: {  	_ =	swait.ge [sflag:s7], $0x800  }
0x30: {  	[sflag:s7] =	ssyncset.done $0x0  }
0x31: {  	[sflag:s7] =	ssyncadd.s32 $0xFFFFF800  }
0x32: {  	_ =	sfence.sel $0x180000  }
0x33: {  	[bflag:$0x0] =	sbarrier.arrive $0xFFFF  }
0x34: {  	p0 =	sne.s32 s1, $0x0;
	_ =	strace $0x90000047  }
0x35: {  	s0 =	sadd.s32 @!p0 $0x100000, s0;
	[bflag:$0x2] =	sbarrier.arrive $0xFFFF  }
0x36: {  	[sflag:s0] =	ssyncadd.tile.s32 @!p0 $0x1;
	_ =	shalt  }
.Lfunc_end2:
_tile_overlayer_lowered:
.L_overlay_start_2:
0x37: {  	(tag) =	ssettag $0x2  }
0x38: {  	s0 =	rddreg [dreg:$0x0];
	s2 =	stileid.u32  }
0x39: {  	s1 =	rddreg [dreg:$0x1];
	p0 =	sne.s32 s2, $0x0  }
0x3a: {  	s3 =	rddreg [dreg:$0x2];
	[bflag:$0x3] =	sbarrier.arrive $0xFFFF;
	s2 =	simm.s32 @!p0 $0x1C02  }
0x3b: {  	[timem:s3], [sflag:s2] =	dma.local @!p0 [hbm:s0], s1  }
0x3c: {  	s0 =	simm.s32 @!p0 $0x2  }
0x3d: {  	_ =	swait.ge @!p0 [sflag:s0], s1  }
0x3e: {  	s1 =	ssub.s32 @!p0 $0x0, s1;
	[sflag:s0] =	ssyncset.done @!p0 $0x0  }
0x3f: {  	[sflag:s0] =	ssyncadd.s32 @!p0 s1  }
0x40: {  	[bflag:$0x3] =	sbarrier.arrive $0xFFFF  }
0x41: {  	_ =	shalt  }

// kernel: kernel.76.cloned.1.call-start
scs
__scs_entry_jumppad:
0x0: {  	(pc) =	sbr.rel $0x88, $3  }
0x1: {  	(tag) =	ssettag $0x0;
	lr =	simm.s32 $0x1  }
0x2: {  	[smem:$0x3F1E] =	sst lr;
	_ =	strace $0xD0000000  }
0x3: {  	_ = 	snop  }
0x4: {  	_ = 	snop  }
0x5: {  	_ = 	snop  }
0x6: {  	_ = 	snop  }
0x7: {  	_ = 	snop  }
__scs_overlays_trampoline_lowered:
0x8: {  	[smem:$0x3F2D] =	sst s0  }
0x9: {  	[smem:$0x3F2E] =	sst s1  }
0xa: {  	[smem:$0x3F2F] =	sst s2  }
0xb: {  	[smem:$0x3F30] =	sst s3  }
0xc: {  	[smem:$0x3F31] =	sst s4  }
0xd: {  	[smem:$0x3F32] =	sst s5  }
0xe: {  	[smem:$0x3F33] =	sst s6  }
0xf: {  	[smem:$0x3F34] =	sst s7  }
0x10: {  	[smem:$0x3F35] =	sst s8  }
0x11: {  	[smem:$0x3F36] =	sst s9;
	s0 =	simm.s32 @!p0 $0x0  }
0x12: {  	s1 =	sld [smem:$0x3F1C];
	s0 =	simm.s32 @p0 $0x1  }
0x13: {  	[smem:$0x3F37] =	sst s0;
	s0 =	simm.s32 @!p1 $0x0  }
0x14: {  	s2 =	sld [smem:$0x3F1B];
	s0 =	simm.s32 @p1 $0x1  }
0x15: {  	[smem:$0x3F38] =	sst s0;
	s0 =	simm.s32 @!p2 $0x0  }
0x16: {  	s3 =	sld [smem:$0x3FDB];
	s0 =	simm.s32 @p2 $0x1  }
0x17: {  	s4 =	simm.s32 $0x1BF5;
	[smem:$0x3F3A] =	sst s0  }
0x18: {  	s0 =	sld [smem:$0x3F1D];
	_ =	swait.ge [sflag:s4], $0x0  }
0x19: {  	s7 =	sld [smem:$0x3F1E]  }
0x1a: {  	s8 =	sadd.s32 $0xFFFFE003, lr  }
0x1b: {  	s9 =	sadd.s32 $0xFFFFFEF7, lr;
	s5 =	simm.s32 $0xFFFFFFFF;
	p2 =	slt.u32 s8, $0xFFFFF086  }
0x1c: {  	p1 =	slt.u32 s9, $0xF7A;
	s5 =	simm.s32 @!p2 $0x0  }
0x1d: {  	s5 =	simm.s32 @p1 $0x1;
	p0 =	seq.s32 s7, s2  }
0x1e: {  	s7 =	smul.u32 @!p0 $0xF7A, s2;
	p2 =	seq.s32 @!p0 s5, $0x0  }
0x1f: {  	s9 =	smul.u32 $0xF7A, s1;
	s8 =	simm.s32 @!p0 $0x1BF5;
	p2 =	por !p2, p0  }
0x20: {  	[sflag:s8] =	ssyncset.s32 @!p0 $0xFFFFF086;
	s6 =	sadd.s32 @!p0 s3, s7;
	s7 =	simm.s32 @!p0 $0x108  }
0x21: {  	s3 =	sadd.s32 s3, s9;
	s6 =	sadd.s32 @!p0 $0x88, s6;
	s7 =	simm.s32 @p2 $0x1082  }
0x22: {  	[simem:s7], [sflag:s8] =	dma.local @!p0 [hbm:s6], $0xF7A  }
0x23: {  	s9 =	sor.u32 $0xD0000000, s2;
	s6 =	simm.s32 $0x108;
	_ =	swait.ge @!p0 [sflag:s8], $0x0  }
0x24: {  	s3 =	sadd.s32 $0x88, s3;
	s6 =	simm.s32 @!p1 $0x1082;
	[sflag:s4] =	ssyncset.s32 $0xFFFFF086  }
0x25: {  	[simem:s6], [sflag:s4] =	dma.local [hbm:s3], $0xF7A  }
0x26: {  	[smem:$0x3F1E] =	sst s1;
	(tag) =	ssettag s2;
	_ =	strace s9  }
0x27: {  	s1 =	sld [smem:$0x3F2E]  }
0x28: {  	s2 =	sld [smem:$0x3F2F]  }
0x29: {  	s4 =	sld [smem:$0x3F31]  }
0x2a: {  	p0 =	seq.s32 s5, $0x0;
	s5 =	sld [smem:$0x3F32]  }
0x2b: {  	s6 =	sld [smem:$0x3F33]  }
0x2c: {  	s7 =	sld [smem:$0x3F34]  }
0x2d: {  	s3 =	simm.s32 $0x108;
	s8 =	sld [smem:$0x3F35]  }
0x2e: {  	s3 =	simm.s32 @!p0 $0x1082;
	s9 =	sld [smem:$0x3F36]  }
0x2f: {  	lr =	sadd.s32 s0, s3;
	s0 =	sld [smem:$0x3F2D]  }
0x30: {  	s3 =	sld [smem:$0x3F30]  }
0x31: {  	[smem:$0x3F39] =	sst s10  }
0x32: {  	s10 =	sld [smem:$0x3F37];
	_ =	sdelay $0x3  }
0x33: {  	p0 =	seq.s32 s10, $0x1;
	s10 =	sld [smem:$0x3F39];
	_ =	sdelay $0x3  }
0x34: {  	[smem:$0x3F39] =	sst s10  }
0x35: {  	s10 =	sld [smem:$0x3F38];
	_ =	sdelay $0x3  }
0x36: {  	p1 =	seq.s32 s10, $0x1;
	s10 =	sld [smem:$0x3F39];
	_ =	sdelay $0x3  }
0x37: {  	[smem:$0x3F39] =	sst s10  }
0x38: {  	s10 =	sld [smem:$0x3F3A]  }
0x39: {  	_ = 	snop;
	(pc) =	sbr.ind lr, $3  }
0x3a: {  	_ = 	snop  }
0x3b: {  	_ = 	snop  }
0x3c: {  	p2 =	seq.s32 s10, $0x1;
	s10 =	sld [smem:$0x3F39]  }
0x3d: {  	_ =	shalt  }
0x3e: {  	_ =	shalt  }
0x3f: {  	_ =	shalt  }
0x40: {  	_ =	shalt  }
0x41: {  	_ =	shalt  }
0x42: {  	_ =	shalt  }
0x43: {  	_ =	shalt  }
0x44: {  	_ =	shalt  }
0x45: {  	_ =	shalt  }
0x46: {  	_ =	shalt  }
0x47: {  	_ =	shalt  }
0x48: {  	_ =	shalt  }
0x49: {  	_ =	shalt  }
0x4a: {  	_ =	shalt  }
0x4b: {  	_ =	shalt  }
0x4c: {  	_ =	shalt  }
0x4d: {  	_ =	shalt  }
0x4e: {  	_ =	shalt  }
0x4f: {  	_ =	shalt  }
0x50: {  	_ =	shalt  }
0x51: {  	_ =	shalt  }
0x52: {  	_ =	shalt  }
0x53: {  	_ =	shalt  }
0x54: {  	_ =	shalt  }
0x55: {  	_ =	shalt  }
0x56: {  	_ =	shalt  }
0x57: {  	_ =	shalt  }
0x58: {  	_ =	shalt  }
0x59: {  	_ =	shalt  }
0x5a: {  	_ =	shalt  }
0x5b: {  	_ =	shalt  }
0x5c: {  	_ =	shalt  }
0x5d: {  	_ =	shalt  }
0x5e: {  	_ =	shalt  }
0x5f: {  	_ =	shalt  }
0x60: {  	_ =	shalt  }
0x61: {  	_ =	shalt  }
0x62: {  	_ =	shalt  }
0x63: {  	_ =	shalt  }
0x64: {  	_ =	shalt  }
0x65: {  	_ =	shalt  }
0x66: {  	_ =	shalt  }
0x67: {  	_ =	shalt  }
0x68: {  	_ =	shalt  }
0x69: {  	_ =	shalt  }
0x6a: {  	_ =	shalt  }
0x6b: {  	_ =	shalt  }
0x6c: {  	_ =	shalt  }
0x6d: {  	_ =	shalt  }
0x6e: {  	_ =	shalt  }
0x6f: {  	_ =	shalt  }
0x70: {  	_ =	shalt  }
0x71: {  	_ =	shalt  }
0x72: {  	_ =	shalt  }
0x73: {  	_ =	shalt  }
0x74: {  	_ =	shalt  }
0x75: {  	_ =	shalt  }
0x76: {  	_ =	shalt  }
0x77: {  	_ =	shalt  }
0x78: {  	_ =	shalt  }
0x79: {  	_ =	shalt  }
0x7a: {  	_ =	shalt  }
0x7b: {  	_ =	shalt  }
0x7c: {  	_ =	shalt  }
0x7d: {  	_ =	shalt  }
0x7e: {  	_ =	shalt  }
0x7f: {  	_ =	shalt  }
0x80: {  	_ =	shalt  }
0x81: {  	_ =	shalt  }
0x82: {  	_ =	shalt  }
0x83: {  	_ =	shalt  }
0x84: {  	_ =	shalt  }
0x85: {  	_ =	shalt  }
0x86: {  	_ =	shalt  }
0x87: {  	_ =	shalt  }
.Lfunc_end0:
.L_simem_size_0:
called_computation.1_lowered:
.L_overlay_start_0:
0x88: {  	s2 =	sld [smem:$0x3FD9]  }
0x89: {  	s3 =	sld [smem:$0x3FFE];
	_ =	sdelay $0x1  }
0x8a: {  	s1 =	srdreg.scid  }
0x8b: {  	s0 =	sand.u32 $0x1, s1  }
0x8c: {  	s16 =	sshll.u32 s0, $0xA;
	s2 =	sadd.s32 s3, s2  }
0x8d: {  	s2 =	sadd.s32 s2, s16  }
0x8e: {  	[smem:$0x3F45] =	sst s2  }
0x8f: {  	_ = 	snop  }
0x90: {  	(tm) =	ssettm $0x1  }
0x91: {  	s17 =	sld [smem:$0x3FFB];
	_ =	sdelay $0x3  }
0x92: {  	_ =	strace s17  }
0x93: {  	s2 =	sld [smem:$0x3FFC];
	_ =	sdelay $0x3  }
0x94: {  	_ =	strace s2  }
0x95: {  	s2 =	sld [smem:$0x3FFD];
	_ =	sdelay $0x3  }
0x96: {  	_ =	strace s2  }
0x97: {  	_ =	strace $0x8FFFFFFF  }
0x98: {  	s18 =	sld [smem:$0x3FDB];
	_ =	sdelay $0x1  }
0x99: {  	s19 =	simm.s32 $_scs_section_size  }
0x9a: {  	s4 =	simm.s32 $_size__tile_overlayer_lowered;
	s5 =	simm.s32 $_tile_overlayer_lowered  }
0x9b: {  	s22 =	simm.s32 $0x1BFF;
	s21 =	sshll.u32 s5, $0x1;
	s2 =	sadd.s32 s19, s18  }
0x9c: {  	s6 =	simm.s32 $0x0;
	s20 =	sshll.u32 s4, $0x1;
	s4 =	sadd.s32 s21, s2  }
0x9d: {  	[timem:s6], [sflag:s22] =	dma.local [hbm:s4], s20  }
0x9e: {  	_ =	swait.ge [sflag:s22], s20  }
0x9f: {  	s3 =	ssub.s32 $0x0, s20;
	[sflag:s22] =	ssyncset.done $0x0  }
0xa0: {  	[sflag:s22] =	ssyncadd.s32 s3;
	_ =	sdelay $0x1  }
0xa1: {  	s23 =	simm.s32 $0x1B8B  }
0xa2: {  	_ =	swait.ge [sflag:s23], $0x1  }
0xa3: {  	[sflag:s23] =	ssyncset.done $0x0  }
0xa4: {  	s25 =	simm.s32 $0x1B8E;
	s24 =	sld [smem:$0x3FFE];
	[sflag:s23] =	ssyncadd.s32 $0xFFFFFFFF  }
0xa5: {  	s26 =	simm.s32 $execute0_lowered;
	[smem:$0x3FD2] =	sst s25  }
0xa6: {  	s4 =	sshll.u32 s26, $0x1;
	_ =	strace $0x80000049;
	[dreg:$0x1] =	wrdreg $0xFFFFFFFF  }
0xa7: {  	s28 =	simm.s32 $_size_execute0_lowered;
	s2 =	sadd.s32 s2, s4;
	[dreg:$0x0] =	wrdreg $0x0  }
0xa8: {  	s4 =	sshll.u32 s28, $0x1;
	[dreg:$0x2] =	wrdreg s2  }
0xa9: {  	[dreg:$0x3] =	wrdreg s4  }
0xaa: {  	[dreg:$0x4] =	wrdreg $0xC0  }
0xab: {  	_ =	task [dreg:s6], $0x5FFFF  }
0xac: {  	[dreg:$0x1] =	wrdreg $0xFFFFFFFF  }
0xad: {  	[dreg:$0x0] =	wrdreg $0x60  }
0xae: {  	[dreg:$0x2] =	wrdreg s24  }
0xaf: {  	[dreg:$0x3] =	wrdreg $0x2FA00  }
0xb0: {  	[dreg:$0x4] =	wrdreg $0x9  }
0xb1: {  	_ =	task.clear_ibuf [dreg:s6], $0x5FFFF;
	_ =	strace $0x90000049  }
0xb2: {  	s29 =	simm.s32 $0x9;
	_ =	strace $0x8000004B  }
0xb3: {  	_ =	swait.ge [sflag:s29], $0x1  }
0xb4: {  	[sflag:s29] =	ssyncadd.s32 $0xFFFFFFFF  }
0xb5: {  	_ =	strace $0x9000004B  }
0xb6: {  	_ =	sfence  }
0xb7: {  	s30 =	sld [smem:$0x0];
	_ =	sdelay $0x2  }
0xb8: {  	s31 =	sshll.u32 s1, $0xD;
	s1 =	sshrl.u32 s1, $0x2  }
0xb9: {  	s3 =	sand.u32 $0x4000, s31;
	s1 =	sadd.s32 s1, s30  }
0xba: {  	s0 =	sor.u32 s3, s0;
	s1 =	sshll.u32 s1, $0x11  }
0xbb: {  	s0 =	sor.u32 s1, s0  }
0xbc: {  	s0 =	sadd.s32 $0x8F2B, s0  }
0xbd: {  	[sflag:s0] =	ssyncadd.remote.s32 $0x1  }
0xbe: {  	_ =	sfence.sel $0xFFFF  }
0xbf: {  	[dreg:$0x0] =	wrdreg $0xFFFFFFFF;
	(pc) =	sbr.abs _section_cstart, $3  }
0xc0: {  	[dreg:$0x1] =	wrdreg $0xFFFFFFFF  }
0xc1: {  	_ =	task.clear_ibuf [dreg:s6], $0x2FFFF;
	_ =	strace $0x9FFFFFFF  }
0xc2: {  	(tm) =	ssettm $0x7FFFFFFF  }
0xc3: {  	_ =	shalt  }
tec
execute0_lowered:
.L_overlay_start_1:
0x0: {  	(tag) =	ssettag $0x1  }
0x1: {  	s0 =	stileid.u32  }
0x2: {  	s4 =	rddreg [dreg:$0x0];
	s6 =	smul.u32 $0x2800, s0  }
0x3: {  	s1 =	srdreg.scid;
	s8 =	smul.u32 $0x5000, s0  }
0x4: {  	s2 =	rddreg [dreg:$0x1];
	s5 =	sand.u32 $0x1, s1;
	s28 =	smul.u32 $0x2720, s0  }
0x5: {  	s3 =	simm.s32 $0x0;
	s1 =	rddreg [dreg:$0x2];
	s7 =	smul.u32 $0x1400, s5  }
0x6: {  	[smem:$0x7FF] =	sst s3;
	s29 =	smul.u32 $0x4E40, s5  }
0x7: {  	_ =	strace $0x8000004A;
	s10 =	ssub.s32 $0x2, s5;
	s13 =	smul.u32 $0x2800, s5  }
0x8: {  	s26 =	sadd.s32 s8, s4;
	s12 =	sshrl.u32 s28, $0x3;
	s11 =	sshrl.u32 s10, $0x1  }
0x9: {  	s5 =	sadd.s32 s28, s2;
	s6 =	sadd.s32 s7, s6;
	s30 =	sadd.s32 s12, s4  }
0xa: {  	s10 =	ssub.s32 s10, s11;
	s7 =	sadd.s32 s13, s26;
	s11 =	simm.s32 $0x80  }
0xb: {  	s13 =	simm.s32 $0x0;
	s6 =	sshrl.u32 s6, $0x3;
	s7 =	sadd.s32 $0x4C000, s7  }
0xc: {  	s9 =	sadd.s32 s6, s4;
	s6 =	sadd.s32 s29, s4;
	s4 =	sadd.s32 $0x9C000, s30  }
0xd: {  	s31 =	sadd.s32 $0x321400, s6;
	s6 =	smax.u32 s10, $0x1;
	s8 =	sadd.s32 $0x317400, s9  }
0xe: {  	s9 =	simm.s32 $0x880;
	s10 =	simm.s32 $0x1;
	s12 =	sadd.s32 s12, s31  }
.LBB2_1:
0xf: {  	[tilespmem:s9], [sflag:$0x1] =	stream.linear.gather [hbm4b:s4+s3], $0x2720, $0x38;
	[tilespmem:$0x56C0] =	vst v63  }
0x10: {  	_ =	swait.ge [sflag:s10], $0x2720  }
0x11: {  	[sflag:s10] =	ssyncset.done $0x0  }
0x12: {  	[sflag:s10] =	ssyncadd.s32 $0xFFFFD8E0  }
0x13: {  	[spmem:s5] =	stream.linear.scatter [tilespmem:s9], [sflag:$0x1], $0x2720, $0x38;
	[tilespmem:$0x56C0] =	vst v63  }
0x14: {  	_ =	swait.ge [sflag:s10], $0x2720  }
0x15: {  	[sflag:s10] =	ssyncset.done $0x0  }
0x16: {  	[sflag:s10] =	ssyncadd.s32 $0xFFFFD8E0  }
0x17: {  	s14 =	sadd.s32 $0x0, s8;
	[bflag:$0x0] =	sbarrier.arrive $0xFFFF  }
0x18: {  	[tilespmem:s3], [sflag:$0x1] =	stream.linear.gather [hbm4b:s14+s3], $0x80, $0x38;
	[tilespmem:$0x56C0] =	vst v63  }
0x19: {  	_ =	swait.ge [sflag:s10], $0x80  }
0x1a: {  	[sflag:s10] =	ssyncset.done $0x0  }
0x1b: {  	[sflag:s10] =	ssyncadd.s32 $0xFFFFFF80  }
0x1c: {  	[tilespmem:s11], [sflag:$0x1] =	stream.linear.gather [hbm4b:s7+s3], $0x800, $0x38;
	[tilespmem:$0x56C0] =	vst v63  }
0x1d: {  	_ =	swait.ge [sflag:s10], $0x800  }
0x1e: {  	[sflag:s10] =	ssyncset.done $0x0  }
0x1f: {  	[sflag:s10] =	ssyncadd.s32 $0xFFFFF800  }
0x20: {  	[spmem:s2] =	stream.indirect.scatter.add.f32 [tilespmem:s11], [sflag:$0x1], $0x10, s3, s11, $0xb8;
	[tilespmem:$0x56C0] =	vst v63  }
0x21: {  	s15 =	simm.s32 $0x10;
	_ =	swait.ge [sflag:s10], $0x800  }
0x22: {  	s16 =	simm.s32 $0x20;
	s14 =	sadd.s32 $0x100, s7;
	[sflag:s10] =	ssyncset.done $0x0  }
.LBB2_2:
0x23: {  	s17 =	sadd.s32 s15, s8  }
0x24: {  	[sflag:s10] =	ssyncadd.s32 $0xFFFFF800;
	s15 =	smov.u32 s16;
	s18 =	sadd.s32 $0x10, s16  }
0x25: {  	[tilespmem:s3], [sflag:$0x1] =	stream.linear.gather [hbm4b:s17+s3], $0x80, $0x38;
	[tilespmem:$0x56C0] =	vst v63  }
0x26: {  	p0 =	sne.s32 s16, $0x270;
	_ =	swait.ge [sflag:s10], $0x80  }
0x27: {  	[sflag:s10] =	ssyncset.done $0x0  }
0x28: {  	[sflag:s10] =	ssyncadd.s32 $0xFFFFFF80  }
0x29: {  	[tilespmem:s11], [sflag:$0x1] =	stream.linear.gather [hbm4b:s14+s3], $0x800, $0x38;
	[tilespmem:$0x56C0] =	vst v63  }
0x2a: {  	_ =	swait.ge [sflag:s10], $0x800  }
.Ltmp0:
0x2b: {  	[sflag:s10] =	ssyncset.done $0x0;
	(pc) =	sbr.rel @p0 .LBB2_2-.Ltmp0, $4  }
0x2c: {  	[sflag:s10] =	ssyncadd.s32 $0xFFFFF800  }
0x2d: {  	[spmem:s2] =	stream.indirect.scatter.add.f32 [tilespmem:s11], [sflag:$0x1], $0x10, s3, s11, $0xb8;
	[tilespmem:$0x56C0] =	vst v63  }
0x2e: {  	_ =	swait.ge [sflag:s10], $0x800  }
0x2f: {  	s16 =	smov.u32 s18;
	s14 =	sadd.s32 $0x100, s14;
	[sflag:s10] =	ssyncset.done $0x0  }
0x30: {  	s15 =	sadd.s32 s15, s8;
	[sflag:s10] =	ssyncadd.s32 $0xFFFFF800  }
0x31: {  	[tilespmem:s3], [sflag:$0x1] =	stream.linear.gather [hbm4b:s15+s3], $0x80, $0x38;
	[tilespmem:$0x56C0] =	vst v63  }
0x32: {  	_ =	swait.ge [sflag:s10], $0x80  }
0x33: {  	[sflag:s10] =	ssyncset.done $0x0  }
0x34: {  	[sflag:s10] =	ssyncadd.s32 $0xFFFFFF80  }
0x35: {  	[tilespmem:s11], [sflag:$0x1] =	stream.linear.gather [hbm4b:s14+s3], $0x800, $0x38;
	[tilespmem:$0x56C0] =	vst v63  }
0x36: {  	_ =	swait.ge [sflag:s10], $0x800  }
0x37: {  	[sflag:s10] =	ssyncset.done $0x0  }
0x38: {  	[sflag:s10] =	ssyncadd.s32 $0xFFFFF800  }
0x39: {  	[spmem:s2] =	stream.indirect.scatter.add.f32 [tilespmem:s11], [sflag:$0x1], $0x10, s3, s11, $0xb8;
	[tilespmem:$0x56C0] =	vst v63  }
0x3a: {  	_ =	swait.ge [sflag:s10], $0x800  }
0x3b: {  	[sflag:s10] =	ssyncset.done $0x0  }
0x3c: {  	[sflag:s10] =	ssyncadd.s32 $0xFFFFF800  }
0x3d: {  	[bflag:$0x0] =	sbarrier.arrive $0xFFFF  }
0x3e: {  	[tilespmem:s9], [sflag:$0x1] =	stream.linear.gather [spmem:s5], $0x2720, $0x38;
	[tilespmem:$0x56C0] =	vst v63  }
0x3f: {  	s13 =	sadd.s32 $0x1, s13;
	_ =	swait.ge [sflag:s10], $0x2720  }
0x40: {  	p0 =	sne.s32 s13, s6;
	[sflag:s10] =	ssyncset.done $0x0  }
.Ltmp1:
0x41: {  	[sflag:s10] =	ssyncadd.s32 $0xFFFFD8E0;
	(pc) =	sbr.rel @p0 .LBB2_1-.Ltmp1, $4  }
0x42: {  	[hbm4b:s12+s3] =	stream.linear.scatter [tilespmem:s9], [sflag:$0x1], $0x2720, $0x38;
	[tilespmem:$0x56C0] =	vst v63  }
0x43: {  	_ =	swait.ge [sflag:s10], $0x2720  }
0x44: {  	[sflag:s10] =	ssyncset.done $0x0  }
0x45: {  	[sflag:s10] =	ssyncadd.s32 $0xFFFFD8E0  }
0x46: {  	_ =	sfence.sel $0x180000  }
0x47: {  	[bflag:$0x0] =	sbarrier.arrive $0xFFFF  }
0x48: {  	p0 =	sne.s32 s0, $0x0;
	_ =	strace $0x9000004A  }
0x49: {  	s0 =	sadd.s32 @!p0 $0x100000, s1;
	[bflag:$0x2] =	sbarrier.arrive $0xFFFF  }
0x4a: {  	[sflag:s0] =	ssyncadd.tile.s32 @!p0 $0x1;
	_ =	shalt  }
.Lfunc_end2:
_tile_overlayer_lowered:
.L_overlay_start_2:
0x4b: {  	(tag) =	ssettag $0x2  }
0x4c: {  	s0 =	rddreg [dreg:$0x0];
	s2 =	stileid.u32  }
0x4d: {  	s1 =	rddreg [dreg:$0x1];
	p0 =	sne.s32 s2, $0x0  }
0x4e: {  	s3 =	rddreg [dreg:$0x2];
	[bflag:$0x3] =	sbarrier.arrive $0xFFFF;
	s2 =	simm.s32 @!p0 $0x1C01  }
0x4f: {  	[timem:s3], [sflag:s2] =	dma.local @!p0 [hbm:s0], s1  }
0x50: {  	s0 =	simm.s32 @!p0 $0x1  }
0x51: {  	_ =	swait.ge @!p0 [sflag:s0], s1  }
0x52: {  	s1 =	ssub.s32 @!p0 $0x0, s1;
	[sflag:s0] =	ssyncset.done @!p0 $0x0  }
0x53: {  	[sflag:s0] =	ssyncadd.s32 @!p0 s1  }
0x54: {  	[bflag:$0x3] =	sbarrier.arrive $0xFFFF  }
0x55: {  	_ =	shalt  }

// kernel: kernel.79.cloned.1.call-start
scs
__scs_entry_jumppad:
0x0: {  	(pc) =	sbr.rel $0x88, $3  }
0x1: {  	(tag) =	ssettag $0x0;
	lr =	simm.s32 $0x1  }
0x2: {  	[smem:$0x3F1E] =	sst lr;
	_ =	strace $0xD0000000  }
0x3: {  	_ = 	snop  }
0x4: {  	_ = 	snop  }
0x5: {  	_ = 	snop  }
0x6: {  	_ = 	snop  }
0x7: {  	_ = 	snop  }
__scs_overlays_trampoline_lowered:
0x8: {  	[smem:$0x3F2D] =	sst s0  }
0x9: {  	[smem:$0x3F2E] =	sst s1  }
0xa: {  	[smem:$0x3F2F] =	sst s2  }
0xb: {  	[smem:$0x3F30] =	sst s3  }
0xc: {  	[smem:$0x3F31] =	sst s4  }
0xd: {  	[smem:$0x3F32] =	sst s5  }
0xe: {  	[smem:$0x3F33] =	sst s6  }
0xf: {  	[smem:$0x3F34] =	sst s7  }
0x10: {  	[smem:$0x3F35] =	sst s8  }
0x11: {  	[smem:$0x3F36] =	sst s9;
	s0 =	simm.s32 @!p0 $0x0  }
0x12: {  	s1 =	sld [smem:$0x3F1C];
	s0 =	simm.s32 @p0 $0x1  }
0x13: {  	[smem:$0x3F37] =	sst s0;
	s0 =	simm.s32 @!p1 $0x0  }
0x14: {  	s2 =	sld [smem:$0x3F1B];
	s0 =	simm.s32 @p1 $0x1  }
0x15: {  	[smem:$0x3F38] =	sst s0;
	s0 =	simm.s32 @!p2 $0x0  }
0x16: {  	s3 =	sld [smem:$0x3FDB];
	s0 =	simm.s32 @p2 $0x1  }
0x17: {  	s4 =	simm.s32 $0x1BF5;
	[smem:$0x3F3A] =	sst s0  }
0x18: {  	s0 =	sld [smem:$0x3F1D];
	_ =	swait.ge [sflag:s4], $0x0  }
0x19: {  	s7 =	sld [smem:$0x3F1E]  }
0x1a: {  	s8 =	sadd.s32 $0xFFFFE003, lr  }
0x1b: {  	s9 =	sadd.s32 $0xFFFFFEF7, lr;
	s5 =	simm.s32 $0xFFFFFFFF;
	p2 =	slt.u32 s8, $0xFFFFF086  }
0x1c: {  	p1 =	slt.u32 s9, $0xF7A;
	s5 =	simm.s32 @!p2 $0x0  }
0x1d: {  	s5 =	simm.s32 @p1 $0x1;
	p0 =	seq.s32 s7, s2  }
0x1e: {  	s7 =	smul.u32 @!p0 $0xF7A, s2;
	p2 =	seq.s32 @!p0 s5, $0x0  }
0x1f: {  	s9 =	smul.u32 $0xF7A, s1;
	s8 =	simm.s32 @!p0 $0x1BF5;
	p2 =	por !p2, p0  }
0x20: {  	[sflag:s8] =	ssyncset.s32 @!p0 $0xFFFFF086;
	s6 =	sadd.s32 @!p0 s3, s7;
	s7 =	simm.s32 @!p0 $0x108  }
0x21: {  	s3 =	sadd.s32 s3, s9;
	s6 =	sadd.s32 @!p0 $0x88, s6;
	s7 =	simm.s32 @p2 $0x1082  }
0x22: {  	[simem:s7], [sflag:s8] =	dma.local @!p0 [hbm:s6], $0xF7A  }
0x23: {  	s9 =	sor.u32 $0xD0000000, s2;
	s6 =	simm.s32 $0x108;
	_ =	swait.ge @!p0 [sflag:s8], $0x0  }
0x24: {  	s3 =	sadd.s32 $0x88, s3;
	s6 =	simm.s32 @!p1 $0x1082;
	[sflag:s4] =	ssyncset.s32 $0xFFFFF086  }
0x25: {  	[simem:s6], [sflag:s4] =	dma.local [hbm:s3], $0xF7A  }
0x26: {  	[smem:$0x3F1E] =	sst s1;
	(tag) =	ssettag s2;
	_ =	strace s9  }
0x27: {  	s1 =	sld [smem:$0x3F2E]  }
0x28: {  	s2 =	sld [smem:$0x3F2F]  }
0x29: {  	s4 =	sld [smem:$0x3F31]  }
0x2a: {  	p0 =	seq.s32 s5, $0x0;
	s5 =	sld [smem:$0x3F32]  }
0x2b: {  	s6 =	sld [smem:$0x3F33]  }
0x2c: {  	s7 =	sld [smem:$0x3F34]  }
0x2d: {  	s3 =	simm.s32 $0x108;
	s8 =	sld [smem:$0x3F35]  }
0x2e: {  	s3 =	simm.s32 @!p0 $0x1082;
	s9 =	sld [smem:$0x3F36]  }
0x2f: {  	lr =	sadd.s32 s0, s3;
	s0 =	sld [smem:$0x3F2D]  }
0x30: {  	s3 =	sld [smem:$0x3F30]  }
0x31: {  	[smem:$0x3F39] =	sst s10  }
0x32: {  	s10 =	sld [smem:$0x3F37];
	_ =	sdelay $0x3  }
0x33: {  	p0 =	seq.s32 s10, $0x1;
	s10 =	sld [smem:$0x3F39];
	_ =	sdelay $0x3  }
0x34: {  	[smem:$0x3F39] =	sst s10  }
0x35: {  	s10 =	sld [smem:$0x3F38];
	_ =	sdelay $0x3  }
0x36: {  	p1 =	seq.s32 s10, $0x1;
	s10 =	sld [smem:$0x3F39];
	_ =	sdelay $0x3  }
0x37: {  	[smem:$0x3F39] =	sst s10  }
0x38: {  	s10 =	sld [smem:$0x3F3A]  }
0x39: {  	_ = 	snop;
	(pc) =	sbr.ind lr, $3  }
0x3a: {  	_ = 	snop  }
0x3b: {  	_ = 	snop  }
0x3c: {  	p2 =	seq.s32 s10, $0x1;
	s10 =	sld [smem:$0x3F39]  }
0x3d: {  	_ =	shalt  }
0x3e: {  	_ =	shalt  }
0x3f: {  	_ =	shalt  }
0x40: {  	_ =	shalt  }
0x41: {  	_ =	shalt  }
0x42: {  	_ =	shalt  }
0x43: {  	_ =	shalt  }
0x44: {  	_ =	shalt  }
0x45: {  	_ =	shalt  }
0x46: {  	_ =	shalt  }
0x47: {  	_ =	shalt  }
0x48: {  	_ =	shalt  }
0x49: {  	_ =	shalt  }
0x4a: {  	_ =	shalt  }
0x4b: {  	_ =	shalt  }
0x4c: {  	_ =	shalt  }
0x4d: {  	_ =	shalt  }
0x4e: {  	_ =	shalt  }
0x4f: {  	_ =	shalt  }
0x50: {  	_ =	shalt  }
0x51: {  	_ =	shalt  }
0x52: {  	_ =	shalt  }
0x53: {  	_ =	shalt  }
0x54: {  	_ =	shalt  }
0x55: {  	_ =	shalt  }
0x56: {  	_ =	shalt  }
0x57: {  	_ =	shalt  }
0x58: {  	_ =	shalt  }
0x59: {  	_ =	shalt  }
0x5a: {  	_ =	shalt  }
0x5b: {  	_ =	shalt  }
0x5c: {  	_ =	shalt  }
0x5d: {  	_ =	shalt  }
0x5e: {  	_ =	shalt  }
0x5f: {  	_ =	shalt  }
0x60: {  	_ =	shalt  }
0x61: {  	_ =	shalt  }
0x62: {  	_ =	shalt  }
0x63: {  	_ =	shalt  }
0x64: {  	_ =	shalt  }
0x65: {  	_ =	shalt  }
0x66: {  	_ =	shalt  }
0x67: {  	_ =	shalt  }
0x68: {  	_ =	shalt  }
0x69: {  	_ =	shalt  }
0x6a: {  	_ =	shalt  }
0x6b: {  	_ =	shalt  }
0x6c: {  	_ =	shalt  }
0x6d: {  	_ =	shalt  }
0x6e: {  	_ =	shalt  }
0x6f: {  	_ =	shalt  }
0x70: {  	_ =	shalt  }
0x71: {  	_ =	shalt  }
0x72: {  	_ =	shalt  }
0x73: {  	_ =	shalt  }
0x74: {  	_ =	shalt  }
0x75: {  	_ =	shalt  }
0x76: {  	_ =	shalt  }
0x77: {  	_ =	shalt  }
0x78: {  	_ =	shalt  }
0x79: {  	_ =	shalt  }
0x7a: {  	_ =	shalt  }
0x7b: {  	_ =	shalt  }
0x7c: {  	_ =	shalt  }
0x7d: {  	_ =	shalt  }
0x7e: {  	_ =	shalt  }
0x7f: {  	_ =	shalt  }
0x80: {  	_ =	shalt  }
0x81: {  	_ =	shalt  }
0x82: {  	_ =	shalt  }
0x83: {  	_ =	shalt  }
0x84: {  	_ =	shalt  }
0x85: {  	_ =	shalt  }
0x86: {  	_ =	shalt  }
0x87: {  	_ =	shalt  }
.Lfunc_end0:
.L_simem_size_0:
called_computation.2_lowered:
.L_overlay_start_0:
0x88: {  	s2 =	sld [smem:$0x3FD9]  }
0x89: {  	s3 =	sld [smem:$0x3FFE];
	_ =	sdelay $0x1  }
0x8a: {  	s1 =	srdreg.scid  }
0x8b: {  	s0 =	sand.u32 $0x1, s1  }
0x8c: {  	s14 =	sshll.u32 s0, $0xA;
	s2 =	sadd.s32 s3, s2  }
0x8d: {  	s2 =	sadd.s32 s2, s14  }
0x8e: {  	[smem:$0x3F45] =	sst s2  }
0x8f: {  	_ = 	snop  }
0x90: {  	s2 =	sld [smem:$0x3FD0];
	_ =	sdelay $0x2  }
0x91: {  	s15 =	simm.s32 $0xB;
	s4 =	simm.s32 $0x10  }
0x92: {  	[smem:s4], [sflag:s15] =	dma.local [hbm:s2], $0x1  }
0x93: {  	_ =	swait.eq [sflag:s15], $0x1  }
0x94: {  	[sflag:s15] =	ssyncset.done $0x0  }
0x95: {  	[sflag:s15] =	ssyncadd.s32 $0xFFFFFFFF  }
0x96: {  	s16 =	sld [smem:$0x11];
	(tm) =	ssettm $0x1  }
0x97: {  	s17 =	sld [smem:$0x3FFB];
	_ =	sdelay $0x3  }
0x98: {  	_ =	strace s17  }
0x99: {  	s3 =	sld [smem:$0x3FFC];
	_ =	sdelay $0x3  }
0x9a: {  	_ =	strace s3  }
0x9b: {  	s3 =	sld [smem:$0x3FFD];
	_ =	sdelay $0x3  }
0x9c: {  	_ =	strace s3  }
0x9d: {  	_ =	strace $0x8FFFFFFF  }
0x9e: {  	s18 =	sld [smem:$0x3FDB];
	_ =	sdelay $0x1  }
0x9f: {  	s19 =	simm.s32 $_scs_section_size  }
0xa0: {  	s5 =	simm.s32 $_size__tile_overlayer_lowered;
	s6 =	simm.s32 $_tile_overlayer_lowered  }
0xa1: {  	s22 =	simm.s32 $0x1BFF;
	s21 =	sshll.u32 s6, $0x1;
	s3 =	sadd.s32 s19, s18  }
0xa2: {  	s7 =	simm.s32 $0x0;
	s20 =	sshll.u32 s5, $0x1;
	s5 =	sadd.s32 s21, s3  }
0xa3: {  	[timem:s7], [sflag:s22] =	dma.local [hbm:s5], s20  }
0xa4: {  	_ =	swait.ge [sflag:s22], s20  }
0xa5: {  	s4 =	ssub.s32 $0x0, s20;
	[sflag:s22] =	ssyncset.done $0x0  }
0xa6: {  	[sflag:s22] =	ssyncadd.s32 s4;
	_ =	sdelay $0x1  }
0xa7: {  	s23 =	simm.s32 $0x1B8B  }
0xa8: {  	_ =	swait.ge [sflag:s23], $0x1  }
0xa9: {  	[sflag:s23] =	ssyncset.done $0x0  }
0xaa: {  	s25 =	simm.s32 $0x1B8E;
	s24 =	sld [smem:$0x3FFE];
	[sflag:s23] =	ssyncadd.s32 $0xFFFFFFFF  }
0xab: {  	s26 =	simm.s32 $execute0_lowered;
	[smem:$0x3FD2] =	sst s25  }
0xac: {  	s5 =	sshll.u32 s26, $0x1;
	_ =	strace $0x8000004C;
	[dreg:$0x1] =	wrdreg $0xFFFFFFFF  }
0xad: {  	s28 =	simm.s32 $_size_execute0_lowered;
	s3 =	sadd.s32 s3, s5;
	[dreg:$0x0] =	wrdreg $0x0  }
0xae: {  	s5 =	sshll.u32 s28, $0x1;
	[dreg:$0x2] =	wrdreg s3  }
0xaf: {  	[dreg:$0x3] =	wrdreg s5  }
0xb0: {  	[dreg:$0x4] =	wrdreg $0xC0  }
0xb1: {  	_ =	task [dreg:s7], $0x5FFFF  }
0xb2: {  	[dreg:$0x1] =	wrdreg $0xFFFFFFFF  }
0xb3: {  	[dreg:$0x0] =	wrdreg $0x60  }
0xb4: {  	[dreg:$0x2] =	wrdreg s24  }
0xb5: {  	[dreg:$0x3] =	wrdreg s16  }
0xb6: {  	[dreg:$0x4] =	wrdreg $0x9  }
0xb7: {  	_ =	task.clear_ibuf [dreg:s7], $0x5FFFF;
	_ =	strace $0x9000004C  }
0xb8: {  	s29 =	simm.s32 $0x9;
	_ =	strace $0x8000004E  }
0xb9: {  	_ =	swait.ge [sflag:s29], $0x1  }
0xba: {  	[sflag:s29] =	ssyncadd.s32 $0xFFFFFFFF  }
0xbb: {  	_ =	strace $0x9000004E  }
0xbc: {  	_ =	sfence  }
0xbd: {  	s30 =	sld [smem:$0x0];
	_ =	sdelay $0x2  }
0xbe: {  	s31 =	sshll.u32 s1, $0xD;
	s1 =	sshrl.u32 s1, $0x2  }
0xbf: {  	s3 =	sand.u32 $0x4000, s31;
	s1 =	sadd.s32 s1, s30  }
0xc0: {  	s0 =	sor.u32 s3, s0;
	s1 =	sshll.u32 s1, $0x11  }
0xc1: {  	s0 =	sor.u32 s1, s0  }
0xc2: {  	s0 =	sadd.s32 $0x8F2B, s0  }
0xc3: {  	[sflag:s0] =	ssyncadd.remote.s32 $0x1  }
0xc4: {  	_ =	sfence.sel $0xFFFF  }
0xc5: {  	[dreg:$0x0] =	wrdreg $0xFFFFFFFF;
	(pc) =	sbr.abs _section_cstart, $3  }
0xc6: {  	[dreg:$0x1] =	wrdreg $0xFFFFFFFF  }
0xc7: {  	_ =	task.clear_ibuf [dreg:s7], $0x2FFFF;
	_ =	strace $0x9FFFFFFF  }
0xc8: {  	(tm) =	ssettm $0x7FFFFFFF  }
0xc9: {  	_ =	shalt  }
tec
execute0_lowered:
.L_overlay_start_1:
0x0: {  	(tag) =	ssettag $0x1  }
0x1: {  	s3 =	rddreg [dreg:$0x0]  }
0x2: {  	s6 =	rddreg [dreg:$0x1]  }
0x3: {  	s0 =	rddreg [dreg:$0x2];
	s1 =	stileid.u32  }
0x4: {  	s2 =	simm.s32 $0x0;
	s5 =	srdreg.scid;
	s4 =	smul.u32 $0x5000, s1  }
0x5: {  	[smem:$0x7FF] =	sst s2;
	s5 =	sand.u32 $0x1, s5;
	s7 =	smul.u32 $0x2800, s1  }
0x6: {  	_ =	strace $0x8000004D;
	s8 =	ssub.s32 $0x2, s5;
	s9 =	smul.u32 $0x1400, s5  }
0x7: {  	s5 =	smul.u32 $0x2800, s5;
	s10 =	sadd.s32 s4, s3;
	s31 =	sshrl.u32 s8, $0x1  }
0x8: {  	s3 =	sadd.s32 $0x4C000, s3;
	s4 =	ssub.s32 s8, s31;
	s7 =	sadd.s32 s9, s7  }
0x9: {  	s5 =	sadd.s32 s5, s10;
	s8 =	simm.s32 $0x80;
	s9 =	simm.s32 $0x1  }
0xa: {  	s10 =	simm.s32 $0x0;
	s4 =	smax.u32 s4, $0x1;
	s7 =	sshrl.u32 s7, $0x3  }
0xb: {  	s5 =	sadd.s32 $0x321400, s5;
	s6 =	sadd.s32 s7, s6;
	s7 =	simm.s32 $0x2  }
.LBB2_1:
0xc: {  	s11 =	sadd.s32 $0x0, s6  }
0xd: {  	[tilespmem:s2], [sflag:$0x2] =	stream.linear.gather [hbm4b:s11+s2], $0x80, $0x38;
	[tilespmem:$0x880] =	vst v63  }
0xe: {  	_ =	swait.ge [sflag:s7], $0x80  }
0xf: {  	[sflag:s7] =	ssyncset.done $0x0  }
0x10: {  	[sflag:s7] =	ssyncadd.s32 $0xFFFFFF80  }
0x11: {  	[tilespmem:s8], [sflag:$0x1] =	stream.indirect.gather [hbm4b:s3+s8], $0x10, s2, s8, $0xb8;
	[tilespmem:$0x880] =	vst v63  }
0x12: {  	_ =	swait.ge [sflag:s9], $0x800  }
0x13: {  	[sflag:s9] =	ssyncset.done $0x0  }
0x14: {  	[sflag:s9] =	ssyncadd.s32 $0xFFFFF800  }
0x15: {  	[hbm4b:s5+s2] =	stream.linear.scatter [tilespmem:s8], [sflag:$0x2], $0x800, $0x38;
	[tilespmem:$0x880] =	vst v63  }
0x16: {  	s12 =	simm.s32 $0x10;
	_ =	swait.ge [sflag:s7], $0x800  }
0x17: {  	s13 =	simm.s32 $0x20;
	s11 =	sadd.s32 $0x100, s5;
	[sflag:s7] =	ssyncset.done $0x0  }
.LBB2_2:
0x18: {  	s14 =	sadd.s32 s12, s6  }
0x19: {  	[sflag:s7] =	ssyncadd.s32 $0xFFFFF800;
	s12 =	smov.u32 s13;
	s15 =	sadd.s32 $0x10, s13  }
0x1a: {  	[tilespmem:s2], [sflag:$0x2] =	stream.linear.gather [hbm4b:s14+s2], $0x80, $0x38;
	[tilespmem:$0x880] =	vst v63  }
0x1b: {  	p0 =	sne.s32 s13, $0x270;
	_ =	swait.ge [sflag:s7], $0x80  }
0x1c: {  	[sflag:s7] =	ssyncset.done $0x0  }
0x1d: {  	[sflag:s7] =	ssyncadd.s32 $0xFFFFFF80  }
0x1e: {  	[tilespmem:s8], [sflag:$0x1] =	stream.indirect.gather [hbm4b:s3+s8], $0x10, s2, s8, $0xb8;
	[tilespmem:$0x880] =	vst v63  }
0x1f: {  	_ =	swait.ge [sflag:s9], $0x800  }
.Ltmp0:
0x20: {  	[sflag:s9] =	ssyncset.done $0x0;
	(pc) =	sbr.rel @p0 .LBB2_2-.Ltmp0, $4  }
0x21: {  	[sflag:s9] =	ssyncadd.s32 $0xFFFFF800  }
0x22: {  	[hbm4b:s11+s2] =	stream.linear.scatter [tilespmem:s8], [sflag:$0x2], $0x800, $0x38;
	[tilespmem:$0x880] =	vst v63  }
0x23: {  	_ =	swait.ge [sflag:s7], $0x800  }
0x24: {  	s13 =	smov.u32 s15;
	s11 =	sadd.s32 $0x100, s11;
	[sflag:s7] =	ssyncset.done $0x0  }
0x25: {  	s12 =	sadd.s32 s12, s6;
	[sflag:s7] =	ssyncadd.s32 $0xFFFFF800  }
0x26: {  	[tilespmem:s2], [sflag:$0x2] =	stream.linear.gather [hbm4b:s12+s2], $0x80, $0x38;
	[tilespmem:$0x880] =	vst v63  }
0x27: {  	_ =	swait.ge [sflag:s7], $0x80  }
0x28: {  	[sflag:s7] =	ssyncset.done $0x0  }
0x29: {  	[sflag:s7] =	ssyncadd.s32 $0xFFFFFF80  }
0x2a: {  	[tilespmem:s8], [sflag:$0x1] =	stream.indirect.gather [hbm4b:s3+s8], $0x10, s2, s8, $0xb8;
	[tilespmem:$0x880] =	vst v63  }
0x2b: {  	s10 =	sadd.s32 $0x1, s10;
	_ =	swait.ge [sflag:s9], $0x800  }
0x2c: {  	p0 =	sne.s32 s10, s4;
	[sflag:s9] =	ssyncset.done $0x0  }
.Ltmp1:
0x2d: {  	[sflag:s9] =	ssyncadd.s32 $0xFFFFF800;
	(pc) =	sbr.rel @p0 .LBB2_1-.Ltmp1, $4  }
0x2e: {  	[hbm4b:s11+s2] =	stream.linear.scatter [tilespmem:s8], [sflag:$0x2], $0x800, $0x38;
	[tilespmem:$0x880] =	vst v63  }
0x2f: {  	_ =	swait.ge [sflag:s7], $0x800  }
0x30: {  	[sflag:s7] =	ssyncset.done $0x0  }
0x31: {  	[sflag:s7] =	ssyncadd.s32 $0xFFFFF800  }
0x32: {  	_ =	sfence.sel $0x180000  }
0x33: {  	[bflag:$0x0] =	sbarrier.arrive $0xFFFF  }
0x34: {  	p0 =	sne.s32 s1, $0x0;
	_ =	strace $0x9000004D  }
0x35: {  	s0 =	sadd.s32 @!p0 $0x100000, s0;
	[bflag:$0x2] =	sbarrier.arrive $0xFFFF  }
0x36: {  	[sflag:s0] =	ssyncadd.tile.s32 @!p0 $0x1;
	_ =	shalt  }
.Lfunc_end2:
_tile_overlayer_lowered:
.L_overlay_start_2:
0x37: {  	(tag) =	ssettag $0x2  }
0x38: {  	s0 =	rddreg [dreg:$0x0];
	s2 =	stileid.u32  }
0x39: {  	s1 =	rddreg [dreg:$0x1];
	p0 =	sne.s32 s2, $0x0  }
0x3a: {  	s3 =	rddreg [dreg:$0x2];
	[bflag:$0x3] =	sbarrier.arrive $0xFFFF;
	s2 =	simm.s32 @!p0 $0x1C02  }
0x3b: {  	[timem:s3], [sflag:s2] =	dma.local @!p0 [hbm:s0], s1  }
0x3c: {  	s0 =	simm.s32 @!p0 $0x2  }
0x3d: {  	_ =	swait.ge @!p0 [sflag:s0], s1  }
0x3e: {  	s1 =	ssub.s32 @!p0 $0x0, s1;
	[sflag:s0] =	ssyncset.done @!p0 $0x0  }
0x3f: {  	[sflag:s0] =	ssyncadd.s32 @!p0 s1  }
0x40: {  	[bflag:$0x3] =	sbarrier.arrive $0xFFFF  }
0x41: {  	_ =	shalt  }

// kernel: kernel.82.cloned.1.call-start
scs
__scs_entry_jumppad:
0x0: {  	(pc) =	sbr.rel $0x88, $3  }
0x1: {  	(tag) =	ssettag $0x0;
	lr =	simm.s32 $0x1  }
0x2: {  	[smem:$0x3F1E] =	sst lr;
	_ =	strace $0xD0000000  }
0x3: {  	_ = 	snop  }
0x4: {  	_ = 	snop  }
0x5: {  	_ = 	snop  }
0x6: {  	_ = 	snop  }
0x7: {  	_ = 	snop  }
__scs_overlays_trampoline_lowered:
0x8: {  	[smem:$0x3F2D] =	sst s0  }
0x9: {  	[smem:$0x3F2E] =	sst s1  }
0xa: {  	[smem:$0x3F2F] =	sst s2  }
0xb: {  	[smem:$0x3F30] =	sst s3  }
0xc: {  	[smem:$0x3F31] =	sst s4  }
0xd: {  	[smem:$0x3F32] =	sst s5  }
0xe: {  	[smem:$0x3F33] =	sst s6  }
0xf: {  	[smem:$0x3F34] =	sst s7  }
0x10: {  	[smem:$0x3F35] =	sst s8  }
0x11: {  	[smem:$0x3F36] =	sst s9;
	s0 =	simm.s32 @!p0 $0x0  }
0x12: {  	s1 =	sld [smem:$0x3F1C];
	s0 =	simm.s32 @p0 $0x1  }
0x13: {  	[smem:$0x3F37] =	sst s0;
	s0 =	simm.s32 @!p1 $0x0  }
0x14: {  	s2 =	sld [smem:$0x3F1B];
	s0 =	simm.s32 @p1 $0x1  }
0x15: {  	[smem:$0x3F38] =	sst s0;
	s0 =	simm.s32 @!p2 $0x0  }
0x16: {  	s3 =	sld [smem:$0x3FDB];
	s0 =	simm.s32 @p2 $0x1  }
0x17: {  	s4 =	simm.s32 $0x1BF5;
	[smem:$0x3F3A] =	sst s0  }
0x18: {  	s0 =	sld [smem:$0x3F1D];
	_ =	swait.ge [sflag:s4], $0x0  }
0x19: {  	s7 =	sld [smem:$0x3F1E]  }
0x1a: {  	s8 =	sadd.s32 $0xFFFFE003, lr  }
0x1b: {  	s9 =	sadd.s32 $0xFFFFFEF7, lr;
	s5 =	simm.s32 $0xFFFFFFFF;
	p2 =	slt.u32 s8, $0xFFFFF086  }
0x1c: {  	p1 =	slt.u32 s9, $0xF7A;
	s5 =	simm.s32 @!p2 $0x0  }
0x1d: {  	s5 =	simm.s32 @p1 $0x1;
	p0 =	seq.s32 s7, s2  }
0x1e: {  	s7 =	smul.u32 @!p0 $0xF7A, s2;
	p2 =	seq.s32 @!p0 s5, $0x0  }
0x1f: {  	s9 =	smul.u32 $0xF7A, s1;
	s8 =	simm.s32 @!p0 $0x1BF5;
	p2 =	por !p2, p0  }
0x20: {  	[sflag:s8] =	ssyncset.s32 @!p0 $0xFFFFF086;
	s6 =	sadd.s32 @!p0 s3, s7;
	s7 =	simm.s32 @!p0 $0x108  }
0x21: {  	s3 =	sadd.s32 s3, s9;
	s6 =	sadd.s32 @!p0 $0x88, s6;
	s7 =	simm.s32 @p2 $0x1082  }
0x22: {  	[simem:s7], [sflag:s8] =	dma.local @!p0 [hbm:s6], $0xF7A  }
0x23: {  	s9 =	sor.u32 $0xD0000000, s2;
	s6 =	simm.s32 $0x108;
	_ =	swait.ge @!p0 [sflag:s8], $0x0  }
0x24: {  	s3 =	sadd.s32 $0x88, s3;
	s6 =	simm.s32 @!p1 $0x1082;
	[sflag:s4] =	ssyncset.s32 $0xFFFFF086  }
0x25: {  	[simem:s6], [sflag:s4] =	dma.local [hbm:s3], $0xF7A  }
0x26: {  	[smem:$0x3F1E] =	sst s1;
	(tag) =	ssettag s2;
	_ =	strace s9  }
0x27: {  	s1 =	sld [smem:$0x3F2E]  }
0x28: {  	s2 =	sld [smem:$0x3F2F]  }
0x29: {  	s4 =	sld [smem:$0x3F31]  }
0x2a: {  	p0 =	seq.s32 s5, $0x0;
	s5 =	sld [smem:$0x3F32]  }
0x2b: {  	s6 =	sld [smem:$0x3F33]  }
0x2c: {  	s7 =	sld [smem:$0x3F34]  }
0x2d: {  	s3 =	simm.s32 $0x108;
	s8 =	sld [smem:$0x3F35]  }
0x2e: {  	s3 =	simm.s32 @!p0 $0x1082;
	s9 =	sld [smem:$0x3F36]  }
0x2f: {  	lr =	sadd.s32 s0, s3;
	s0 =	sld [smem:$0x3F2D]  }
0x30: {  	s3 =	sld [smem:$0x3F30]  }
0x31: {  	[smem:$0x3F39] =	sst s10  }
0x32: {  	s10 =	sld [smem:$0x3F37];
	_ =	sdelay $0x3  }
0x33: {  	p0 =	seq.s32 s10, $0x1;
	s10 =	sld [smem:$0x3F39];
	_ =	sdelay $0x3  }
0x34: {  	[smem:$0x3F39] =	sst s10  }
0x35: {  	s10 =	sld [smem:$0x3F38];
	_ =	sdelay $0x3  }
0x36: {  	p1 =	seq.s32 s10, $0x1;
	s10 =	sld [smem:$0x3F39];
	_ =	sdelay $0x3  }
0x37: {  	[smem:$0x3F39] =	sst s10  }
0x38: {  	s10 =	sld [smem:$0x3F3A]  }
0x39: {  	_ = 	snop;
	(pc) =	sbr.ind lr, $3  }
0x3a: {  	_ = 	snop  }
0x3b: {  	_ = 	snop  }
0x3c: {  	p2 =	seq.s32 s10, $0x1;
	s10 =	sld [smem:$0x3F39]  }
0x3d: {  	_ =	shalt  }
0x3e: {  	_ =	shalt  }
0x3f: {  	_ =	shalt  }
0x40: {  	_ =	shalt  }
0x41: {  	_ =	shalt  }
0x42: {  	_ =	shalt  }
0x43: {  	_ =	shalt  }
0x44: {  	_ =	shalt  }
0x45: {  	_ =	shalt  }
0x46: {  	_ =	shalt  }
0x47: {  	_ =	shalt  }
0x48: {  	_ =	shalt  }
0x49: {  	_ =	shalt  }
0x4a: {  	_ =	shalt  }
0x4b: {  	_ =	shalt  }
0x4c: {  	_ =	shalt  }
0x4d: {  	_ =	shalt  }
0x4e: {  	_ =	shalt  }
0x4f: {  	_ =	shalt  }
0x50: {  	_ =	shalt  }
0x51: {  	_ =	shalt  }
0x52: {  	_ =	shalt  }
0x53: {  	_ =	shalt  }
0x54: {  	_ =	shalt  }
0x55: {  	_ =	shalt  }
0x56: {  	_ =	shalt  }
0x57: {  	_ =	shalt  }
0x58: {  	_ =	shalt  }
0x59: {  	_ =	shalt  }
0x5a: {  	_ =	shalt  }
0x5b: {  	_ =	shalt  }
0x5c: {  	_ =	shalt  }
0x5d: {  	_ =	shalt  }
0x5e: {  	_ =	shalt  }
0x5f: {  	_ =	shalt  }
0x60: {  	_ =	shalt  }
0x61: {  	_ =	shalt  }
0x62: {  	_ =	shalt  }
0x63: {  	_ =	shalt  }
0x64: {  	_ =	shalt  }
0x65: {  	_ =	shalt  }
0x66: {  	_ =	shalt  }
0x67: {  	_ =	shalt  }
0x68: {  	_ =	shalt  }
0x69: {  	_ =	shalt  }
0x6a: {  	_ =	shalt  }
0x6b: {  	_ =	shalt  }
0x6c: {  	_ =	shalt  }
0x6d: {  	_ =	shalt  }
0x6e: {  	_ =	shalt  }
0x6f: {  	_ =	shalt  }
0x70: {  	_ =	shalt  }
0x71: {  	_ =	shalt  }
0x72: {  	_ =	shalt  }
0x73: {  	_ =	shalt  }
0x74: {  	_ =	shalt  }
0x75: {  	_ =	shalt  }
0x76: {  	_ =	shalt  }
0x77: {  	_ =	shalt  }
0x78: {  	_ =	shalt  }
0x79: {  	_ =	shalt  }
0x7a: {  	_ =	shalt  }
0x7b: {  	_ =	shalt  }
0x7c: {  	_ =	shalt  }
0x7d: {  	_ =	shalt  }
0x7e: {  	_ =	shalt  }
0x7f: {  	_ =	shalt  }
0x80: {  	_ =	shalt  }
0x81: {  	_ =	shalt  }
0x82: {  	_ =	shalt  }
0x83: {  	_ =	shalt  }
0x84: {  	_ =	shalt  }
0x85: {  	_ =	shalt  }
0x86: {  	_ =	shalt  }
0x87: {  	_ =	shalt  }
.Lfunc_end0:
.L_simem_size_0:
called_computation.3_lowered:
.L_overlay_start_0:
0x88: {  	s2 =	sld [smem:$0x3FD9]  }
0x89: {  	s3 =	sld [smem:$0x3FFE];
	_ =	sdelay $0x1  }
0x8a: {  	s1 =	srdreg.scid  }
0x8b: {  	s0 =	sand.u32 $0x1, s1  }
0x8c: {  	s17 =	sshll.u32 s0, $0xA;
	s2 =	sadd.s32 s3, s2  }
0x8d: {  	s2 =	sadd.s32 s2, s17  }
0x8e: {  	[smem:$0x3F45] =	sst s2  }
0x8f: {  	_ = 	snop  }
0x90: {  	(tm) =	ssettm $0x1  }
0x91: {  	s18 =	sld [smem:$0x3FFB];
	_ =	sdelay $0x3  }
0x92: {  	_ =	strace s18  }
0x93: {  	s2 =	sld [smem:$0x3FFC];
	_ =	sdelay $0x3  }
0x94: {  	_ =	strace s2  }
0x95: {  	s2 =	sld [smem:$0x3FFD];
	_ =	sdelay $0x3  }
0x96: {  	_ =	strace s2  }
0x97: {  	_ =	strace $0x8FFFFFFF  }
0x98: {  	s19 =	sld [smem:$0x3FDB];
	_ =	sdelay $0x1  }
0x99: {  	s20 =	simm.s32 $_scs_section_size  }
0x9a: {  	s4 =	simm.s32 $_size__tile_overlayer_lowered;
	s5 =	simm.s32 $_tile_overlayer_lowered  }
0x9b: {  	s6 =	simm.s32 $0x1BFF;
	s21 =	sshll.u32 s5, $0x1;
	s3 =	sadd.s32 s20, s19  }
0x9c: {  	s22 =	simm.s32 $0x0;
	s4 =	sshll.u32 s4, $0x1;
	s5 =	sadd.s32 s21, s3  }
0x9d: {  	[timem:s22], [sflag:s6] =	dma.local [hbm:s5], s4  }
0x9e: {  	_ =	swait.ge [sflag:s6], s4  }
0x9f: {  	s4 =	ssub.s32 $0x0, s4;
	[sflag:s6] =	ssyncset.done $0x0  }
0xa0: {  	[sflag:s6] =	ssyncadd.s32 s4;
	_ =	sdelay $0x1  }
0xa1: {  	s23 =	simm.s32 $0x1B8B  }
0xa2: {  	_ =	swait.ge [sflag:s23], $0x1  }
0xa3: {  	[sflag:s23] =	ssyncset.done $0x0  }
0xa4: {  	[sflag:s23] =	ssyncadd.s32 $0xFFFFFFFF  }
0xa5: {  	s4 =	sld [smem:$0x0]  }
0xa6: {  	s5 =	sand.u32 $0xFFFFFFFE, s1  }
0xa7: {  	p0 =	sne.s32 s1, s5  }
0xa8: {  	s5 =	sshll.u32 @p0 s5, $0xE  }
0xa9: {  	s5 =	sadd.s32 @p0 $0x11B8D, s5;
	s6 =	sshll.u32 @p0 s4, $0x11  }
0xaa: {  	s5 =	sor.u32 @p0 s6, s5  }
0xab: {  	[sflag:s5] =	ssyncadd.remote.s32 @p0 $0x1;
	_ =	sdelay $0x1  }
0xac: {  	s5 =	simm.s32 @p0 $0x1B8D  }
0xad: {  	_ =	swait.eq @p0 [sflag:s5], $0x1  }
0xae: {  	[sflag:s5] =	ssyncadd.s32 @p0 $0xFFFFFFFF  }
0xaf: {  	s6 =	sshll.u32 @!p0 s1, $0xE  }
0xb0: {  	s6 =	sor.u32 @!p0 $0x4000, s6;
	s5 =	simm.s32 @!p0 $0x1B8D  }
0xb1: {  	s4 =	sshll.u32 @!p0 s4, $0x11;
	s6 =	sadd.s32 @!p0 $0x11B8D, s6;
	_ =	swait.eq @!p0 [sflag:s5], $0x1  }
0xb2: {  	s4 =	sor.u32 @!p0 s4, s6;
	[sflag:s5] =	ssyncadd.s32 @!p0 $0xFFFFFFFF  }
0xb3: {  	s25 =	simm.s32 $0x1B8E;
	s24 =	sld [smem:$0x3FFE];
	[sflag:s4] =	ssyncadd.remote.s32 @!p0 $0x1  }
0xb4: {  	s26 =	simm.s32 $execute0_lowered;
	[smem:$0x3FD2] =	sst s25  }
0xb5: {  	s5 =	sshll.u32 s26, $0x1;
	_ =	strace $0x8000004F;
	[dreg:$0x1] =	wrdreg $0xFFFFFFFF  }
0xb6: {  	s28 =	simm.s32 $_size_execute0_lowered;
	s3 =	sadd.s32 s3, s5;
	[dreg:$0x0] =	wrdreg $0x0  }
0xb7: {  	s5 =	sshll.u32 s28, $0x1;
	[dreg:$0x2] =	wrdreg s3  }
0xb8: {  	[dreg:$0x3] =	wrdreg s5  }
0xb9: {  	[dreg:$0x4] =	wrdreg $0xC0  }
0xba: {  	_ =	task [dreg:s22], $0x5FFFF  }
0xbb: {  	[dreg:$0x1] =	wrdreg $0xFFFFFFFF  }
0xbc: {  	[dreg:$0x0] =	wrdreg $0x60  }
0xbd: {  	[dreg:$0x2] =	wrdreg s24  }
0xbe: {  	[dreg:$0x3] =	wrdreg $0xA  }
0xbf: {  	_ =	task.clear_ibuf [dreg:s22], $0x4FFFF;
	_ =	strace $0x9000004F  }
0xc0: {  	s29 =	simm.s32 $0xA;
	_ =	strace $0x80000051  }
0xc1: {  	_ =	swait.ge [sflag:s29], $0x1  }
0xc2: {  	[sflag:s29] =	ssyncadd.s32 $0xFFFFFFFF  }
0xc3: {  	_ =	strace $0x90000051  }
0xc4: {  	_ =	sfence  }
0xc5: {  	s30 =	sld [smem:$0x0];
	_ =	sdelay $0x2  }
0xc6: {  	s31 =	sshll.u32 s1, $0xD;
	s1 =	sshrl.u32 s1, $0x2  }
0xc7: {  	s4 =	sand.u32 $0x4000, s31;
	s1 =	sadd.s32 s1, s30  }
0xc8: {  	s0 =	sor.u32 s4, s0;
	s1 =	sshll.u32 s1, $0x11  }
0xc9: {  	s0 =	sor.u32 s1, s0  }
0xca: {  	s0 =	sadd.s32 $0x8F2B, s0  }
0xcb: {  	[sflag:s0] =	ssyncadd.remote.s32 $0x1  }
0xcc: {  	_ =	sfence.sel $0xFFFF  }
0xcd: {  	[dreg:$0x0] =	wrdreg $0xFFFFFFFF;
	(pc) =	sbr.abs _section_cstart, $3  }
0xce: {  	[dreg:$0x1] =	wrdreg $0xFFFFFFFF  }
0xcf: {  	_ =	task.clear_ibuf [dreg:s22], $0x2FFFF;
	_ =	strace $0x9FFFFFFF  }
0xd0: {  	(tm) =	ssettm $0x7FFFFFFF  }
0xd1: {  	_ =	shalt  }
tec
execute0_lowered:
.L_overlay_start_1:
0x0: {  	(tag) =	ssettag $0x1  }
0x1: {  	s4 =	rddreg [dreg:$0x0]  }
0x2: {  	s0 =	rddreg [dreg:$0x1];
	s2 =	simm.s32 $0x0;
	s1 =	stileid.u32  }
0x3: {  	s3 =	srdreg.scid;
	s10 =	simm.s32 $0x0;
	s6 =	smul.u32 $0x2800, s1  }
0x4: {  	[smem:$0x7FF] =	sst s2;
	s5 =	sand.u32 $0x1, s3;
	s8 =	smul.u32 $0x5000, s1  }
0x5: {  	s3 =	sadd.s32 $0x4C000, s4;
	s7 =	smul.u32 $0x1400, s5;
	s9 =	ssub.s32 $0x2, s5  }
0x6: {  	_ =	strace $0x80000050;
	s5 =	smul.u32 $0x2800, s5;
	s31 =	sshrl.u32 s9, $0x1  }
0x7: {  	s8 =	sadd.s32 s8, s4;
	s6 =	sadd.s32 s7, s6;
	s7 =	ssub.s32 s9, s31  }
0x8: {  	s5 =	sadd.s32 s5, s8;
	s8 =	simm.s32 $0x80;
	s6 =	sshrl.u32 s6, $0x3  }
0x9: {  	s9 =	simm.s32 $0x1;
	s5 =	sadd.s32 $0x371400, s5;
	s6 =	sadd.s32 s6, s4  }
0xa: {  	s4 =	smax.u32 s7, $0x1;
	s7 =	simm.s32 $0x2;
	s6 =	sadd.s32 $0x31C400, s6  }
.LBB2_1:
0xb: {  	s11 =	sadd.s32 $0x0, s6  }
0xc: {  	[tilespmem:s2], [sflag:$0x2] =	stream.linear.gather [hbm4b:s11+s2], $0x80, $0x38;
	[tilespmem:$0x880] =	vst v63  }
0xd: {  	_ =	swait.ge [sflag:s7], $0x80  }
0xe: {  	[sflag:s7] =	ssyncset.done $0x0  }
0xf: {  	[sflag:s7] =	ssyncadd.s32 $0xFFFFFF80  }
0x10: {  	[tilespmem:s8], [sflag:$0x1] =	stream.indirect.gather [hbm4b:s3+s8], $0x10, s2, s8, $0xb8;
	[tilespmem:$0x880] =	vst v63  }
0x11: {  	_ =	swait.ge [sflag:s9], $0x800  }
0x12: {  	[sflag:s9] =	ssyncset.done $0x0  }
0x13: {  	[sflag:s9] =	ssyncadd.s32 $0xFFFFF800  }
0x14: {  	[hbm4b:s5+s2] =	stream.linear.scatter [tilespmem:s8], [sflag:$0x2], $0x800, $0x38;
	[tilespmem:$0x880] =	vst v63  }
0x15: {  	s12 =	simm.s32 $0x10;
	_ =	swait.ge [sflag:s7], $0x800  }
0x16: {  	s13 =	simm.s32 $0x20;
	s11 =	sadd.s32 $0x100, s5;
	[sflag:s7] =	ssyncset.done $0x0  }
.LBB2_2:
0x17: {  	s14 =	sadd.s32 s12, s6  }
0x18: {  	[sflag:s7] =	ssyncadd.s32 $0xFFFFF800;
	s12 =	smov.u32 s13;
	s15 =	sadd.s32 $0x10, s13  }
0x19: {  	[tilespmem:s2], [sflag:$0x2] =	stream.linear.gather [hbm4b:s14+s2], $0x80, $0x38;
	[tilespmem:$0x880] =	vst v63  }
0x1a: {  	p0 =	sne.s32 s13, $0x270;
	_ =	swait.ge [sflag:s7], $0x80  }
0x1b: {  	[sflag:s7] =	ssyncset.done $0x0  }
0x1c: {  	[sflag:s7] =	ssyncadd.s32 $0xFFFFFF80  }
0x1d: {  	[tilespmem:s8], [sflag:$0x1] =	stream.indirect.gather [hbm4b:s3+s8], $0x10, s2, s8, $0xb8;
	[tilespmem:$0x880] =	vst v63  }
0x1e: {  	_ =	swait.ge [sflag:s9], $0x800  }
.Ltmp0:
0x1f: {  	[sflag:s9] =	ssyncset.done $0x0;
	(pc) =	sbr.rel @p0 .LBB2_2-.Ltmp0, $4  }
0x20: {  	[sflag:s9] =	ssyncadd.s32 $0xFFFFF800  }
0x21: {  	[hbm4b:s11+s2] =	stream.linear.scatter [tilespmem:s8], [sflag:$0x2], $0x800, $0x38;
	[tilespmem:$0x880] =	vst v63  }
0x22: {  	_ =	swait.ge [sflag:s7], $0x800  }
0x23: {  	s13 =	smov.u32 s15;
	s11 =	sadd.s32 $0x100, s11;
	[sflag:s7] =	ssyncset.done $0x0  }
0x24: {  	s12 =	sadd.s32 s12, s6;
	[sflag:s7] =	ssyncadd.s32 $0xFFFFF800  }
0x25: {  	[tilespmem:s2], [sflag:$0x2] =	stream.linear.gather [hbm4b:s12+s2], $0x80, $0x38;
	[tilespmem:$0x880] =	vst v63  }
0x26: {  	_ =	swait.ge [sflag:s7], $0x80  }
0x27: {  	[sflag:s7] =	ssyncset.done $0x0  }
0x28: {  	[sflag:s7] =	ssyncadd.s32 $0xFFFFFF80  }
0x29: {  	[tilespmem:s8], [sflag:$0x1] =	stream.indirect.gather [hbm4b:s3+s8], $0x10, s2, s8, $0xb8;
	[tilespmem:$0x880] =	vst v63  }
0x2a: {  	s10 =	sadd.s32 $0x1, s10;
	_ =	swait.ge [sflag:s9], $0x800  }
0x2b: {  	p0 =	sne.s32 s10, s4;
	[sflag:s9] =	ssyncset.done $0x0  }
.Ltmp1:
0x2c: {  	[sflag:s9] =	ssyncadd.s32 $0xFFFFF800;
	(pc) =	sbr.rel @p0 .LBB2_1-.Ltmp1, $4  }
0x2d: {  	[hbm4b:s11+s2] =	stream.linear.scatter [tilespmem:s8], [sflag:$0x2], $0x800, $0x38;
	[tilespmem:$0x880] =	vst v63  }
0x2e: {  	_ =	swait.ge [sflag:s7], $0x800  }
0x2f: {  	[sflag:s7] =	ssyncset.done $0x0  }
0x30: {  	[sflag:s7] =	ssyncadd.s32 $0xFFFFF800  }
0x31: {  	_ =	sfence.sel $0x180000  }
0x32: {  	[bflag:$0x0] =	sbarrier.arrive $0xFFFF  }
0x33: {  	p0 =	sne.s32 s1, $0x0;
	_ =	strace $0x90000050  }
0x34: {  	s0 =	sadd.s32 @!p0 $0x100000, s0;
	[bflag:$0x2] =	sbarrier.arrive $0xFFFF  }
0x35: {  	[sflag:s0] =	ssyncadd.tile.s32 @!p0 $0x1;
	_ =	shalt  }
.Lfunc_end2:
_tile_overlayer_lowered:
.L_overlay_start_2:
0x36: {  	(tag) =	ssettag $0x2  }
0x37: {  	s0 =	rddreg [dreg:$0x0];
	s2 =	stileid.u32  }
0x38: {  	s1 =	rddreg [dreg:$0x1];
	p0 =	sne.s32 s2, $0x0  }
0x39: {  	s3 =	rddreg [dreg:$0x2];
	[bflag:$0x3] =	sbarrier.arrive $0xFFFF;
	s2 =	simm.s32 @!p0 $0x1C02  }
0x3a: {  	[timem:s3], [sflag:s2] =	dma.local @!p0 [hbm:s0], s1  }
0x3b: {  	s0 =	simm.s32 @!p0 $0x2  }
0x3c: {  	_ =	swait.ge @!p0 [sflag:s0], s1  }
0x3d: {  	s1 =	ssub.s32 @!p0 $0x0, s1;
	[sflag:s0] =	ssyncset.done @!p0 $0x0  }
0x3e: {  	[sflag:s0] =	ssyncadd.s32 @!p0 s1  }
0x3f: {  	[bflag:$0x3] =	sbarrier.arrive $0xFFFF  }
0x40: {  	_ =	shalt  }

// kernel: kernel.85.cloned.1.call-start
scs
__scs_entry_jumppad:
0x0: {  	(pc) =	sbr.rel $0x88, $3  }
0x1: {  	(tag) =	ssettag $0x0;
	lr =	simm.s32 $0x1  }
0x2: {  	[smem:$0x3F1E] =	sst lr;
	_ =	strace $0xD0000000  }
0x3: {  	_ = 	snop  }
0x4: {  	_ = 	snop  }
0x5: {  	_ = 	snop  }
0x6: {  	_ = 	snop  }
0x7: {  	_ = 	snop  }
__scs_overlays_trampoline_lowered:
0x8: {  	[smem:$0x3F2D] =	sst s0  }
0x9: {  	[smem:$0x3F2E] =	sst s1  }
0xa: {  	[smem:$0x3F2F] =	sst s2  }
0xb: {  	[smem:$0x3F30] =	sst s3  }
0xc: {  	[smem:$0x3F31] =	sst s4  }
0xd: {  	[smem:$0x3F32] =	sst s5  }
0xe: {  	[smem:$0x3F33] =	sst s6  }
0xf: {  	[smem:$0x3F34] =	sst s7  }
0x10: {  	[smem:$0x3F35] =	sst s8  }
0x11: {  	[smem:$0x3F36] =	sst s9;
	s0 =	simm.s32 @!p0 $0x0  }
0x12: {  	s1 =	sld [smem:$0x3F1C];
	s0 =	simm.s32 @p0 $0x1  }
0x13: {  	[smem:$0x3F37] =	sst s0;
	s0 =	simm.s32 @!p1 $0x0  }
0x14: {  	s2 =	sld [smem:$0x3F1B];
	s0 =	simm.s32 @p1 $0x1  }
0x15: {  	[smem:$0x3F38] =	sst s0;
	s0 =	simm.s32 @!p2 $0x0  }
0x16: {  	s3 =	sld [smem:$0x3FDB];
	s0 =	simm.s32 @p2 $0x1  }
0x17: {  	s4 =	simm.s32 $0x1BF5;
	[smem:$0x3F3A] =	sst s0  }
0x18: {  	s0 =	sld [smem:$0x3F1D];
	_ =	swait.ge [sflag:s4], $0x0  }
0x19: {  	s7 =	sld [smem:$0x3F1E]  }
0x1a: {  	s8 =	sadd.s32 $0xFFFFE003, lr  }
0x1b: {  	s9 =	sadd.s32 $0xFFFFFEF7, lr;
	s5 =	simm.s32 $0xFFFFFFFF;
	p2 =	slt.u32 s8, $0xFFFFF086  }
0x1c: {  	p1 =	slt.u32 s9, $0xF7A;
	s5 =	simm.s32 @!p2 $0x0  }
0x1d: {  	s5 =	simm.s32 @p1 $0x1;
	p0 =	seq.s32 s7, s2  }
0x1e: {  	s7 =	smul.u32 @!p0 $0xF7A, s2;
	p2 =	seq.s32 @!p0 s5, $0x0  }
0x1f: {  	s9 =	smul.u32 $0xF7A, s1;
	s8 =	simm.s32 @!p0 $0x1BF5;
	p2 =	por !p2, p0  }
0x20: {  	[sflag:s8] =	ssyncset.s32 @!p0 $0xFFFFF086;
	s6 =	sadd.s32 @!p0 s3, s7;
	s7 =	simm.s32 @!p0 $0x108  }
0x21: {  	s3 =	sadd.s32 s3, s9;
	s6 =	sadd.s32 @!p0 $0x88, s6;
	s7 =	simm.s32 @p2 $0x1082  }
0x22: {  	[simem:s7], [sflag:s8] =	dma.local @!p0 [hbm:s6], $0xF7A  }
0x23: {  	s9 =	sor.u32 $0xD0000000, s2;
	s6 =	simm.s32 $0x108;
	_ =	swait.ge @!p0 [sflag:s8], $0x0  }
0x24: {  	s3 =	sadd.s32 $0x88, s3;
	s6 =	simm.s32 @!p1 $0x1082;
	[sflag:s4] =	ssyncset.s32 $0xFFFFF086  }
0x25: {  	[simem:s6], [sflag:s4] =	dma.local [hbm:s3], $0xF7A  }
0x26: {  	[smem:$0x3F1E] =	sst s1;
	(tag) =	ssettag s2;
	_ =	strace s9  }
0x27: {  	s1 =	sld [smem:$0x3F2E]  }
0x28: {  	s2 =	sld [smem:$0x3F2F]  }
0x29: {  	s4 =	sld [smem:$0x3F31]  }
0x2a: {  	p0 =	seq.s32 s5, $0x0;
	s5 =	sld [smem:$0x3F32]  }
0x2b: {  	s6 =	sld [smem:$0x3F33]  }
0x2c: {  	s7 =	sld [smem:$0x3F34]  }
0x2d: {  	s3 =	simm.s32 $0x108;
	s8 =	sld [smem:$0x3F35]  }
0x2e: {  	s3 =	simm.s32 @!p0 $0x1082;
	s9 =	sld [smem:$0x3F36]  }
0x2f: {  	lr =	sadd.s32 s0, s3;
	s0 =	sld [smem:$0x3F2D]  }
0x30: {  	s3 =	sld [smem:$0x3F30]  }
0x31: {  	[smem:$0x3F39] =	sst s10  }
0x32: {  	s10 =	sld [smem:$0x3F37];
	_ =	sdelay $0x3  }
0x33: {  	p0 =	seq.s32 s10, $0x1;
	s10 =	sld [smem:$0x3F39];
	_ =	sdelay $0x3  }
0x34: {  	[smem:$0x3F39] =	sst s10  }
0x35: {  	s10 =	sld [smem:$0x3F38];
	_ =	sdelay $0x3  }
0x36: {  	p1 =	seq.s32 s10, $0x1;
	s10 =	sld [smem:$0x3F39];
	_ =	sdelay $0x3  }
0x37: {  	[smem:$0x3F39] =	sst s10  }
0x38: {  	s10 =	sld [smem:$0x3F3A]  }
0x39: {  	_ = 	snop;
	(pc) =	sbr.ind lr, $3  }
0x3a: {  	_ = 	snop  }
0x3b: {  	_ = 	snop  }
0x3c: {  	p2 =	seq.s32 s10, $0x1;
	s10 =	sld [smem:$0x3F39]  }
0x3d: {  	_ =	shalt  }
0x3e: {  	_ =	shalt  }
0x3f: {  	_ =	shalt  }
0x40: {  	_ =	shalt  }
0x41: {  	_ =	shalt  }
0x42: {  	_ =	shalt  }
0x43: {  	_ =	shalt  }
0x44: {  	_ =	shalt  }
0x45: {  	_ =	shalt  }
0x46: {  	_ =	shalt  }
0x47: {  	_ =	shalt  }
0x48: {  	_ =	shalt  }
0x49: {  	_ =	shalt  }
0x4a: {  	_ =	shalt  }
0x4b: {  	_ =	shalt  }
0x4c: {  	_ =	shalt  }
0x4d: {  	_ =	shalt  }
0x4e: {  	_ =	shalt  }
0x4f: {  	_ =	shalt  }
0x50: {  	_ =	shalt  }
0x51: {  	_ =	shalt  }
0x52: {  	_ =	shalt  }
0x53: {  	_ =	shalt  }
0x54: {  	_ =	shalt  }
0x55: {  	_ =	shalt  }
0x56: {  	_ =	shalt  }
0x57: {  	_ =	shalt  }
0x58: {  	_ =	shalt  }
0x59: {  	_ =	shalt  }
0x5a: {  	_ =	shalt  }
0x5b: {  	_ =	shalt  }
0x5c: {  	_ =	shalt  }
0x5d: {  	_ =	shalt  }
0x5e: {  	_ =	shalt  }
0x5f: {  	_ =	shalt  }
0x60: {  	_ =	shalt  }
0x61: {  	_ =	shalt  }
0x62: {  	_ =	shalt  }
0x63: {  	_ =	shalt  }
0x64: {  	_ =	shalt  }
0x65: {  	_ =	shalt  }
0x66: {  	_ =	shalt  }
0x67: {  	_ =	shalt  }
0x68: {  	_ =	shalt  }
0x69: {  	_ =	shalt  }
0x6a: {  	_ =	shalt  }
0x6b: {  	_ =	shalt  }
0x6c: {  	_ =	shalt  }
0x6d: {  	_ =	shalt  }
0x6e: {  	_ =	shalt  }
0x6f: {  	_ =	shalt  }
0x70: {  	_ =	shalt  }
0x71: {  	_ =	shalt  }
0x72: {  	_ =	shalt  }
0x73: {  	_ =	shalt  }
0x74: {  	_ =	shalt  }
0x75: {  	_ =	shalt  }
0x76: {  	_ =	shalt  }
0x77: {  	_ =	shalt  }
0x78: {  	_ =	shalt  }
0x79: {  	_ =	shalt  }
0x7a: {  	_ =	shalt  }
0x7b: {  	_ =	shalt  }
0x7c: {  	_ =	shalt  }
0x7d: {  	_ =	shalt  }
0x7e: {  	_ =	shalt  }
0x7f: {  	_ =	shalt  }
0x80: {  	_ =	shalt  }
0x81: {  	_ =	shalt  }
0x82: {  	_ =	shalt  }
0x83: {  	_ =	shalt  }
0x84: {  	_ =	shalt  }
0x85: {  	_ =	shalt  }
0x86: {  	_ =	shalt  }
0x87: {  	_ =	shalt  }
.Lfunc_end0:
.L_simem_size_0:
called_computation.4_lowered:
.L_overlay_start_0:
0x88: {  	s2 =	sld [smem:$0x3FD9]  }
0x89: {  	s3 =	sld [smem:$0x3FFE];
	_ =	sdelay $0x1  }
0x8a: {  	s1 =	srdreg.scid  }
0x8b: {  	s0 =	sand.u32 $0x1, s1  }
0x8c: {  	s16 =	sshll.u32 s0, $0xA;
	s2 =	sadd.s32 s3, s2  }
0x8d: {  	s2 =	sadd.s32 s2, s16  }
0x8e: {  	[smem:$0x3F45] =	sst s2  }
0x8f: {  	_ = 	snop  }
0x90: {  	(tm) =	ssettm $0x1  }
0x91: {  	s17 =	sld [smem:$0x3FFB];
	_ =	sdelay $0x3  }
0x92: {  	_ =	strace s17  }
0x93: {  	s2 =	sld [smem:$0x3FFC];
	_ =	sdelay $0x3  }
0x94: {  	_ =	strace s2  }
0x95: {  	s2 =	sld [smem:$0x3FFD];
	_ =	sdelay $0x3  }
0x96: {  	_ =	strace s2  }
0x97: {  	_ =	strace $0x8FFFFFFF  }
0x98: {  	s18 =	sld [smem:$0x3FDB];
	_ =	sdelay $0x1  }
0x99: {  	s19 =	simm.s32 $_scs_section_size  }
0x9a: {  	s4 =	simm.s32 $_size__tile_overlayer_lowered;
	s5 =	simm.s32 $_tile_overlayer_lowered  }
0x9b: {  	s22 =	simm.s32 $0x1BFF;
	s21 =	sshll.u32 s5, $0x1;
	s2 =	sadd.s32 s19, s18  }
0x9c: {  	s6 =	simm.s32 $0x0;
	s20 =	sshll.u32 s4, $0x1;
	s4 =	sadd.s32 s21, s2  }
0x9d: {  	[timem:s6], [sflag:s22] =	dma.local [hbm:s4], s20  }
0x9e: {  	_ =	swait.ge [sflag:s22], s20  }
0x9f: {  	s3 =	ssub.s32 $0x0, s20;
	[sflag:s22] =	ssyncset.done $0x0  }
0xa0: {  	[sflag:s22] =	ssyncadd.s32 s3;
	_ =	sdelay $0x1  }
0xa1: {  	s23 =	simm.s32 $0x1B8B  }
0xa2: {  	_ =	swait.ge [sflag:s23], $0x1  }
0xa3: {  	[sflag:s23] =	ssyncset.done $0x0  }
0xa4: {  	s25 =	simm.s32 $0x1B8E;
	s24 =	sld [smem:$0x3FFE];
	[sflag:s23] =	ssyncadd.s32 $0xFFFFFFFF  }
0xa5: {  	s26 =	simm.s32 $execute0_lowered;
	[smem:$0x3FD2] =	sst s25  }
0xa6: {  	s4 =	sshll.u32 s26, $0x1;
	_ =	strace $0x80000052;
	[dreg:$0x1] =	wrdreg $0xFFFFFFFF  }
0xa7: {  	s28 =	simm.s32 $_size_execute0_lowered;
	s2 =	sadd.s32 s2, s4;
	[dreg:$0x0] =	wrdreg $0x0  }
0xa8: {  	s4 =	sshll.u32 s28, $0x1;
	[dreg:$0x2] =	wrdreg s2  }
0xa9: {  	[dreg:$0x3] =	wrdreg s4  }
0xaa: {  	[dreg:$0x4] =	wrdreg $0xC0  }
0xab: {  	_ =	task [dreg:s6], $0x5FFFF  }
0xac: {  	[dreg:$0x1] =	wrdreg $0xFFFFFFFF  }
0xad: {  	[dreg:$0x0] =	wrdreg $0x60  }
0xae: {  	[dreg:$0x2] =	wrdreg s24  }
0xaf: {  	[dreg:$0x3] =	wrdreg $0x2FA00  }
0xb0: {  	[dreg:$0x4] =	wrdreg $0x9  }
0xb1: {  	_ =	task.clear_ibuf [dreg:s6], $0x5FFFF;
	_ =	strace $0x90000052  }
0xb2: {  	s29 =	simm.s32 $0x9;
	_ =	strace $0x80000054  }
0xb3: {  	_ =	swait.ge [sflag:s29], $0x1  }
0xb4: {  	[sflag:s29] =	ssyncadd.s32 $0xFFFFFFFF  }
0xb5: {  	_ =	strace $0x90000054  }
0xb6: {  	_ =	sfence  }
0xb7: {  	s30 =	sld [smem:$0x0];
	_ =	sdelay $0x2  }
0xb8: {  	s31 =	sshll.u32 s1, $0xD;
	s1 =	sshrl.u32 s1, $0x2  }
0xb9: {  	s3 =	sand.u32 $0x4000, s31;
	s1 =	sadd.s32 s1, s30  }
0xba: {  	s0 =	sor.u32 s3, s0;
	s1 =	sshll.u32 s1, $0x11  }
0xbb: {  	s0 =	sor.u32 s1, s0  }
0xbc: {  	s0 =	sadd.s32 $0x8F2B, s0  }
0xbd: {  	[sflag:s0] =	ssyncadd.remote.s32 $0x1  }
0xbe: {  	_ =	sfence.sel $0xFFFF  }
0xbf: {  	[dreg:$0x0] =	wrdreg $0xFFFFFFFF;
	(pc) =	sbr.abs _section_cstart, $3  }
0xc0: {  	[dreg:$0x1] =	wrdreg $0xFFFFFFFF  }
0xc1: {  	_ =	task.clear_ibuf [dreg:s6], $0x2FFFF;
	_ =	strace $0x9FFFFFFF  }
0xc2: {  	(tm) =	ssettm $0x7FFFFFFF  }
0xc3: {  	_ =	shalt  }
tec
execute0_lowered:
.L_overlay_start_1:
0x0: {  	(tag) =	ssettag $0x1  }
0x1: {  	s0 =	stileid.u32  }
0x2: {  	s4 =	rddreg [dreg:$0x0];
	s6 =	smul.u32 $0x2800, s0  }
0x3: {  	s1 =	srdreg.scid;
	s8 =	smul.u32 $0x5000, s0  }
0x4: {  	s2 =	rddreg [dreg:$0x1];
	s5 =	sand.u32 $0x1, s1;
	s28 =	smul.u32 $0x2720, s0  }
0x5: {  	s3 =	simm.s32 $0x0;
	s1 =	rddreg [dreg:$0x2];
	s7 =	smul.u32 $0x1400, s5  }
0x6: {  	[smem:$0x7FF] =	sst s3;
	s29 =	smul.u32 $0x4E40, s5  }
0x7: {  	_ =	strace $0x80000053;
	s10 =	ssub.s32 $0x2, s5;
	s13 =	smul.u32 $0x2800, s5  }
0x8: {  	s26 =	sadd.s32 s8, s4;
	s12 =	sshrl.u32 s28, $0x3;
	s11 =	sshrl.u32 s10, $0x1  }
0x9: {  	s5 =	sadd.s32 s28, s2;
	s6 =	sadd.s32 s7, s6;
	s30 =	sadd.s32 s12, s4  }
0xa: {  	s10 =	ssub.s32 s10, s11;
	s7 =	sadd.s32 s13, s26;
	s11 =	simm.s32 $0x80  }
0xb: {  	s13 =	simm.s32 $0x0;
	s6 =	sshrl.u32 s6, $0x3;
	s7 =	sadd.s32 $0x4C000, s7  }
0xc: {  	s9 =	sadd.s32 s6, s4;
	s6 =	sadd.s32 s29, s4;
	s4 =	sadd.s32 $0x9C000, s30  }
0xd: {  	s31 =	sadd.s32 $0x321400, s6;
	s6 =	smax.u32 s10, $0x1;
	s8 =	sadd.s32 $0x317400, s9  }
0xe: {  	s9 =	simm.s32 $0x880;
	s10 =	simm.s32 $0x1;
	s12 =	sadd.s32 s12, s31  }
.LBB2_1:
0xf: {  	[tilespmem:s9], [sflag:$0x1] =	stream.linear.gather [hbm4b:s4+s3], $0x2720, $0x38;
	[tilespmem:$0x56C0] =	vst v63  }
0x10: {  	_ =	swait.ge [sflag:s10], $0x2720  }
0x11: {  	[sflag:s10] =	ssyncset.done $0x0  }
0x12: {  	[sflag:s10] =	ssyncadd.s32 $0xFFFFD8E0  }
0x13: {  	[spmem:s5] =	stream.linear.scatter [tilespmem:s9], [sflag:$0x1], $0x2720, $0x38;
	[tilespmem:$0x56C0] =	vst v63  }
0x14: {  	_ =	swait.ge [sflag:s10], $0x2720  }
0x15: {  	[sflag:s10] =	ssyncset.done $0x0  }
0x16: {  	[sflag:s10] =	ssyncadd.s32 $0xFFFFD8E0  }
0x17: {  	s14 =	sadd.s32 $0x0, s8;
	[bflag:$0x0] =	sbarrier.arrive $0xFFFF  }
0x18: {  	[tilespmem:s3], [sflag:$0x1] =	stream.linear.gather [hbm4b:s14+s3], $0x80, $0x38;
	[tilespmem:$0x56C0] =	vst v63  }
0x19: {  	_ =	swait.ge [sflag:s10], $0x80  }
0x1a: {  	[sflag:s10] =	ssyncset.done $0x0  }
0x1b: {  	[sflag:s10] =	ssyncadd.s32 $0xFFFFFF80  }
0x1c: {  	[tilespmem:s11], [sflag:$0x1] =	stream.linear.gather [hbm4b:s7+s3], $0x800, $0x38;
	[tilespmem:$0x56C0] =	vst v63  }
0x1d: {  	_ =	swait.ge [sflag:s10], $0x800  }
0x1e: {  	[sflag:s10] =	ssyncset.done $0x0  }
0x1f: {  	[sflag:s10] =	ssyncadd.s32 $0xFFFFF800  }
0x20: {  	[spmem:s2] =	stream.indirect.scatter.add.f32 [tilespmem:s11], [sflag:$0x1], $0x10, s3, s11, $0xb8;
	[tilespmem:$0x56C0] =	vst v63  }
0x21: {  	s15 =	simm.s32 $0x10;
	_ =	swait.ge [sflag:s10], $0x800  }
0x22: {  	s16 =	simm.s32 $0x20;
	s14 =	sadd.s32 $0x100, s7;
	[sflag:s10] =	ssyncset.done $0x0  }
.LBB2_2:
0x23: {  	s17 =	sadd.s32 s15, s8  }
0x24: {  	[sflag:s10] =	ssyncadd.s32 $0xFFFFF800;
	s15 =	smov.u32 s16;
	s18 =	sadd.s32 $0x10, s16  }
0x25: {  	[tilespmem:s3], [sflag:$0x1] =	stream.linear.gather [hbm4b:s17+s3], $0x80, $0x38;
	[tilespmem:$0x56C0] =	vst v63  }
0x26: {  	p0 =	sne.s32 s16, $0x270;
	_ =	swait.ge [sflag:s10], $0x80  }
0x27: {  	[sflag:s10] =	ssyncset.done $0x0  }
0x28: {  	[sflag:s10] =	ssyncadd.s32 $0xFFFFFF80  }
0x29: {  	[tilespmem:s11], [sflag:$0x1] =	stream.linear.gather [hbm4b:s14+s3], $0x800, $0x38;
	[tilespmem:$0x56C0] =	vst v63  }
0x2a: {  	_ =	swait.ge [sflag:s10], $0x800  }
.Ltmp0:
0x2b: {  	[sflag:s10] =	ssyncset.done $0x0;
	(pc) =	sbr.rel @p0 .LBB2_2-.Ltmp0, $4  }
0x2c: {  	[sflag:s10] =	ssyncadd.s32 $0xFFFFF800  }
0x2d: {  	[spmem:s2] =	stream.indirect.scatter.add.f32 [tilespmem:s11], [sflag:$0x1], $0x10, s3, s11, $0xb8;
	[tilespmem:$0x56C0] =	vst v63  }
0x2e: {  	_ =	swait.ge [sflag:s10], $0x800  }
0x2f: {  	s16 =	smov.u32 s18;
	s14 =	sadd.s32 $0x100, s14;
	[sflag:s10] =	ssyncset.done $0x0  }
0x30: {  	s15 =	sadd.s32 s15, s8;
	[sflag:s10] =	ssyncadd.s32 $0xFFFFF800  }
0x31: {  	[tilespmem:s3], [sflag:$0x1] =	stream.linear.gather [hbm4b:s15+s3], $0x80, $0x38;
	[tilespmem:$0x56C0] =	vst v63  }
0x32: {  	_ =	swait.ge [sflag:s10], $0x80  }
0x33: {  	[sflag:s10] =	ssyncset.done $0x0  }
0x34: {  	[sflag:s10] =	ssyncadd.s32 $0xFFFFFF80  }
0x35: {  	[tilespmem:s11], [sflag:$0x1] =	stream.linear.gather [hbm4b:s14+s3], $0x800, $0x38;
	[tilespmem:$0x56C0] =	vst v63  }
0x36: {  	_ =	swait.ge [sflag:s10], $0x800  }
0x37: {  	[sflag:s10] =	ssyncset.done $0x0  }
0x38: {  	[sflag:s10] =	ssyncadd.s32 $0xFFFFF800  }
0x39: {  	[spmem:s2] =	stream.indirect.scatter.add.f32 [tilespmem:s11], [sflag:$0x1], $0x10, s3, s11, $0xb8;
	[tilespmem:$0x56C0] =	vst v63  }
0x3a: {  	_ =	swait.ge [sflag:s10], $0x800  }
0x3b: {  	[sflag:s10] =	ssyncset.done $0x0  }
0x3c: {  	[sflag:s10] =	ssyncadd.s32 $0xFFFFF800  }
0x3d: {  	[bflag:$0x0] =	sbarrier.arrive $0xFFFF  }
0x3e: {  	[tilespmem:s9], [sflag:$0x1] =	stream.linear.gather [spmem:s5], $0x2720, $0x38;
	[tilespmem:$0x56C0] =	vst v63  }
0x3f: {  	s13 =	sadd.s32 $0x1, s13;
	_ =	swait.ge [sflag:s10], $0x2720  }
0x40: {  	p0 =	sne.s32 s13, s6;
	[sflag:s10] =	ssyncset.done $0x0  }
.Ltmp1:
0x41: {  	[sflag:s10] =	ssyncadd.s32 $0xFFFFD8E0;
	(pc) =	sbr.rel @p0 .LBB2_1-.Ltmp1, $4  }
0x42: {  	[hbm4b:s12+s3] =	stream.linear.scatter [tilespmem:s9], [sflag:$0x1], $0x2720, $0x38;
	[tilespmem:$0x56C0] =	vst v63  }
0x43: {  	_ =	swait.ge [sflag:s10], $0x2720  }
0x44: {  	[sflag:s10] =	ssyncset.done $0x0  }
0x45: {  	[sflag:s10] =	ssyncadd.s32 $0xFFFFD8E0  }
0x46: {  	_ =	sfence.sel $0x180000  }
0x47: {  	[bflag:$0x0] =	sbarrier.arrive $0xFFFF  }
0x48: {  	p0 =	sne.s32 s0, $0x0;
	_ =	strace $0x90000053  }
0x49: {  	s0 =	sadd.s32 @!p0 $0x100000, s1;
	[bflag:$0x2] =	sbarrier.arrive $0xFFFF  }
0x4a: {  	[sflag:s0] =	ssyncadd.tile.s32 @!p0 $0x1;
	_ =	shalt  }
.Lfunc_end2:
_tile_overlayer_lowered:
.L_overlay_start_2:
0x4b: {  	(tag) =	ssettag $0x2  }
0x4c: {  	s0 =	rddreg [dreg:$0x0];
	s2 =	stileid.u32  }
0x4d: {  	s1 =	rddreg [dreg:$0x1];
	p0 =	sne.s32 s2, $0x0  }
0x4e: {  	s3 =	rddreg [dreg:$0x2];
	[bflag:$0x3] =	sbarrier.arrive $0xFFFF;
	s2 =	simm.s32 @!p0 $0x1C01  }
0x4f: {  	[timem:s3], [sflag:s2] =	dma.local @!p0 [hbm:s0], s1  }
0x50: {  	s0 =	simm.s32 @!p0 $0x1  }
0x51: {  	_ =	swait.ge @!p0 [sflag:s0], s1  }
0x52: {  	s1 =	ssub.s32 @!p0 $0x0, s1;
	[sflag:s0] =	ssyncset.done @!p0 $0x0  }
0x53: {  	[sflag:s0] =	ssyncadd.s32 @!p0 s1  }
0x54: {  	[bflag:$0x3] =	sbarrier.arrive $0xFFFF  }
0x55: {  	_ =	shalt  }

// kernel: kernel.88.cloned.1.call-start
scs
__scs_entry_jumppad:
0x0: {  	(pc) =	sbr.rel $0x88, $3  }
0x1: {  	(tag) =	ssettag $0x0;
	lr =	simm.s32 $0x1  }
0x2: {  	[smem:$0x3F1E] =	sst lr;
	_ =	strace $0xD0000000  }
0x3: {  	_ = 	snop  }
0x4: {  	_ = 	snop  }
0x5: {  	_ = 	snop  }
0x6: {  	_ = 	snop  }
0x7: {  	_ = 	snop  }
__scs_overlays_trampoline_lowered:
0x8: {  	[smem:$0x3F2D] =	sst s0  }
0x9: {  	[smem:$0x3F2E] =	sst s1  }
0xa: {  	[smem:$0x3F2F] =	sst s2  }
0xb: {  	[smem:$0x3F30] =	sst s3  }
0xc: {  	[smem:$0x3F31] =	sst s4  }
0xd: {  	[smem:$0x3F32] =	sst s5  }
0xe: {  	[smem:$0x3F33] =	sst s6  }
0xf: {  	[smem:$0x3F34] =	sst s7  }
0x10: {  	[smem:$0x3F35] =	sst s8  }
0x11: {  	[smem:$0x3F36] =	sst s9;
	s0 =	simm.s32 @!p0 $0x0  }
0x12: {  	s1 =	sld [smem:$0x3F1C];
	s0 =	simm.s32 @p0 $0x1  }
0x13: {  	[smem:$0x3F37] =	sst s0;
	s0 =	simm.s32 @!p1 $0x0  }
0x14: {  	s2 =	sld [smem:$0x3F1B];
	s0 =	simm.s32 @p1 $0x1  }
0x15: {  	[smem:$0x3F38] =	sst s0;
	s0 =	simm.s32 @!p2 $0x0  }
0x16: {  	s3 =	sld [smem:$0x3FDB];
	s0 =	simm.s32 @p2 $0x1  }
0x17: {  	s4 =	simm.s32 $0x1BF5;
	[smem:$0x3F3A] =	sst s0  }
0x18: {  	s0 =	sld [smem:$0x3F1D];
	_ =	swait.ge [sflag:s4], $0x0  }
0x19: {  	s7 =	sld [smem:$0x3F1E]  }
0x1a: {  	s8 =	sadd.s32 $0xFFFFE003, lr  }
0x1b: {  	s9 =	sadd.s32 $0xFFFFFEF7, lr;
	s5 =	simm.s32 $0xFFFFFFFF;
	p2 =	slt.u32 s8, $0xFFFFF086  }
0x1c: {  	p1 =	slt.u32 s9, $0xF7A;
	s5 =	simm.s32 @!p2 $0x0  }
0x1d: {  	s5 =	simm.s32 @p1 $0x1;
	p0 =	seq.s32 s7, s2  }
0x1e: {  	s7 =	smul.u32 @!p0 $0xF7A, s2;
	p2 =	seq.s32 @!p0 s5, $0x0  }
0x1f: {  	s9 =	smul.u32 $0xF7A, s1;
	s8 =	simm.s32 @!p0 $0x1BF5;
	p2 =	por !p2, p0  }
0x20: {  	[sflag:s8] =	ssyncset.s32 @!p0 $0xFFFFF086;
	s6 =	sadd.s32 @!p0 s3, s7;
	s7 =	simm.s32 @!p0 $0x108  }
0x21: {  	s3 =	sadd.s32 s3, s9;
	s6 =	sadd.s32 @!p0 $0x88, s6;
	s7 =	simm.s32 @p2 $0x1082  }
0x22: {  	[simem:s7], [sflag:s8] =	dma.local @!p0 [hbm:s6], $0xF7A  }
0x23: {  	s9 =	sor.u32 $0xD0000000, s2;
	s6 =	simm.s32 $0x108;
	_ =	swait.ge @!p0 [sflag:s8], $0x0  }
0x24: {  	s3 =	sadd.s32 $0x88, s3;
	s6 =	simm.s32 @!p1 $0x1082;
	[sflag:s4] =	ssyncset.s32 $0xFFFFF086  }
0x25: {  	[simem:s6], [sflag:s4] =	dma.local [hbm:s3], $0xF7A  }
0x26: {  	[smem:$0x3F1E] =	sst s1;
	(tag) =	ssettag s2;
	_ =	strace s9  }
0x27: {  	s1 =	sld [smem:$0x3F2E]  }
0x28: {  	s2 =	sld [smem:$0x3F2F]  }
0x29: {  	s4 =	sld [smem:$0x3F31]  }
0x2a: {  	p0 =	seq.s32 s5, $0x0;
	s5 =	sld [smem:$0x3F32]  }
0x2b: {  	s6 =	sld [smem:$0x3F33]  }
0x2c: {  	s7 =	sld [smem:$0x3F34]  }
0x2d: {  	s3 =	simm.s32 $0x108;
	s8 =	sld [smem:$0x3F35]  }
0x2e: {  	s3 =	simm.s32 @!p0 $0x1082;
	s9 =	sld [smem:$0x3F36]  }
0x2f: {  	lr =	sadd.s32 s0, s3;
	s0 =	sld [smem:$0x3F2D]  }
0x30: {  	s3 =	sld [smem:$0x3F30]  }
0x31: {  	[smem:$0x3F39] =	sst s10  }
0x32: {  	s10 =	sld [smem:$0x3F37];
	_ =	sdelay $0x3  }
0x33: {  	p0 =	seq.s32 s10, $0x1;
	s10 =	sld [smem:$0x3F39];
	_ =	sdelay $0x3  }
0x34: {  	[smem:$0x3F39] =	sst s10  }
0x35: {  	s10 =	sld [smem:$0x3F38];
	_ =	sdelay $0x3  }
0x36: {  	p1 =	seq.s32 s10, $0x1;
	s10 =	sld [smem:$0x3F39];
	_ =	sdelay $0x3  }
0x37: {  	[smem:$0x3F39] =	sst s10  }
0x38: {  	s10 =	sld [smem:$0x3F3A]  }
0x39: {  	_ = 	snop;
	(pc) =	sbr.ind lr, $3  }
0x3a: {  	_ = 	snop  }
0x3b: {  	_ = 	snop  }
0x3c: {  	p2 =	seq.s32 s10, $0x1;
	s10 =	sld [smem:$0x3F39]  }
0x3d: {  	_ =	shalt  }
0x3e: {  	_ =	shalt  }
0x3f: {  	_ =	shalt  }
0x40: {  	_ =	shalt  }
0x41: {  	_ =	shalt  }
0x42: {  	_ =	shalt  }
0x43: {  	_ =	shalt  }
0x44: {  	_ =	shalt  }
0x45: {  	_ =	shalt  }
0x46: {  	_ =	shalt  }
0x47: {  	_ =	shalt  }
0x48: {  	_ =	shalt  }
0x49: {  	_ =	shalt  }
0x4a: {  	_ =	shalt  }
0x4b: {  	_ =	shalt  }
0x4c: {  	_ =	shalt  }
0x4d: {  	_ =	shalt  }
0x4e: {  	_ =	shalt  }
0x4f: {  	_ =	shalt  }
0x50: {  	_ =	shalt  }
0x51: {  	_ =	shalt  }
0x52: {  	_ =	shalt  }
0x53: {  	_ =	shalt  }
0x54: {  	_ =	shalt  }
0x55: {  	_ =	shalt  }
0x56: {  	_ =	shalt  }
0x57: {  	_ =	shalt  }
0x58: {  	_ =	shalt  }
0x59: {  	_ =	shalt  }
0x5a: {  	_ =	shalt  }
0x5b: {  	_ =	shalt  }
0x5c: {  	_ =	shalt  }
0x5d: {  	_ =	shalt  }
0x5e: {  	_ =	shalt  }
0x5f: {  	_ =	shalt  }
0x60: {  	_ =	shalt  }
0x61: {  	_ =	shalt  }
0x62: {  	_ =	shalt  }
0x63: {  	_ =	shalt  }
0x64: {  	_ =	shalt  }
0x65: {  	_ =	shalt  }
0x66: {  	_ =	shalt  }
0x67: {  	_ =	shalt  }
0x68: {  	_ =	shalt  }
0x69: {  	_ =	shalt  }
0x6a: {  	_ =	shalt  }
0x6b: {  	_ =	shalt  }
0x6c: {  	_ =	shalt  }
0x6d: {  	_ =	shalt  }
0x6e: {  	_ =	shalt  }
0x6f: {  	_ =	shalt  }
0x70: {  	_ =	shalt  }
0x71: {  	_ =	shalt  }
0x72: {  	_ =	shalt  }
0x73: {  	_ =	shalt  }
0x74: {  	_ =	shalt  }
0x75: {  	_ =	shalt  }
0x76: {  	_ =	shalt  }
0x77: {  	_ =	shalt  }
0x78: {  	_ =	shalt  }
0x79: {  	_ =	shalt  }
0x7a: {  	_ =	shalt  }
0x7b: {  	_ =	shalt  }
0x7c: {  	_ =	shalt  }
0x7d: {  	_ =	shalt  }
0x7e: {  	_ =	shalt  }
0x7f: {  	_ =	shalt  }
0x80: {  	_ =	shalt  }
0x81: {  	_ =	shalt  }
0x82: {  	_ =	shalt  }
0x83: {  	_ =	shalt  }
0x84: {  	_ =	shalt  }
0x85: {  	_ =	shalt  }
0x86: {  	_ =	shalt  }
0x87: {  	_ =	shalt  }
.Lfunc_end0:
.L_simem_size_0:
called_computation.5_lowered:
.L_overlay_start_0:
0x88: {  	s2 =	sld [smem:$0x3FD9]  }
0x89: {  	s3 =	sld [smem:$0x3FFE];
	_ =	sdelay $0x1  }
0x8a: {  	s1 =	srdreg.scid  }
0x8b: {  	s0 =	sand.u32 $0x1, s1  }
0x8c: {  	s14 =	sshll.u32 s0, $0xA;
	s2 =	sadd.s32 s3, s2  }
0x8d: {  	s2 =	sadd.s32 s2, s14  }
0x8e: {  	[smem:$0x3F45] =	sst s2  }
0x8f: {  	_ = 	snop  }
0x90: {  	s2 =	sld [smem:$0x3FD0];
	_ =	sdelay $0x2  }
0x91: {  	s15 =	simm.s32 $0xB;
	s4 =	simm.s32 $0x10  }
0x92: {  	[smem:s4], [sflag:s15] =	dma.local [hbm:s2], $0x1  }
0x93: {  	_ =	swait.eq [sflag:s15], $0x1  }
0x94: {  	[sflag:s15] =	ssyncset.done $0x0  }
0x95: {  	[sflag:s15] =	ssyncadd.s32 $0xFFFFFFFF  }
0x96: {  	s16 =	sld [smem:$0x11];
	(tm) =	ssettm $0x1  }
0x97: {  	s17 =	sld [smem:$0x3FFB];
	_ =	sdelay $0x3  }
0x98: {  	_ =	strace s17  }
0x99: {  	s3 =	sld [smem:$0x3FFC];
	_ =	sdelay $0x3  }
0x9a: {  	_ =	strace s3  }
0x9b: {  	s3 =	sld [smem:$0x3FFD];
	_ =	sdelay $0x3  }
0x9c: {  	_ =	strace s3  }
0x9d: {  	_ =	strace $0x8FFFFFFF  }
0x9e: {  	s18 =	sld [smem:$0x3FDB];
	_ =	sdelay $0x1  }
0x9f: {  	s19 =	simm.s32 $_scs_section_size  }
0xa0: {  	s5 =	simm.s32 $_size__tile_overlayer_lowered;
	s6 =	simm.s32 $_tile_overlayer_lowered  }
0xa1: {  	s22 =	simm.s32 $0x1BFF;
	s21 =	sshll.u32 s6, $0x1;
	s3 =	sadd.s32 s19, s18  }
0xa2: {  	s7 =	simm.s32 $0x0;
	s20 =	sshll.u32 s5, $0x1;
	s5 =	sadd.s32 s21, s3  }
0xa3: {  	[timem:s7], [sflag:s22] =	dma.local [hbm:s5], s20  }
0xa4: {  	_ =	swait.ge [sflag:s22], s20  }
0xa5: {  	s4 =	ssub.s32 $0x0, s20;
	[sflag:s22] =	ssyncset.done $0x0  }
0xa6: {  	[sflag:s22] =	ssyncadd.s32 s4;
	_ =	sdelay $0x1  }
0xa7: {  	s23 =	simm.s32 $0x1B8B  }
0xa8: {  	_ =	swait.ge [sflag:s23], $0x1  }
0xa9: {  	[sflag:s23] =	ssyncset.done $0x0  }
0xaa: {  	s25 =	simm.s32 $0x1B8E;
	s24 =	sld [smem:$0x3FFE];
	[sflag:s23] =	ssyncadd.s32 $0xFFFFFFFF  }
0xab: {  	s26 =	simm.s32 $execute0_lowered;
	[smem:$0x3FD2] =	sst s25  }
0xac: {  	s5 =	sshll.u32 s26, $0x1;
	_ =	strace $0x80000055;
	[dreg:$0x1] =	wrdreg $0xFFFFFFFF  }
0xad: {  	s28 =	simm.s32 $_size_execute0_lowered;
	s3 =	sadd.s32 s3, s5;
	[dreg:$0x0] =	wrdreg $0x0  }
0xae: {  	s5 =	sshll.u32 s28, $0x1;
	[dreg:$0x2] =	wrdreg s3  }
0xaf: {  	[dreg:$0x3] =	wrdreg s5  }
0xb0: {  	[dreg:$0x4] =	wrdreg $0xC0  }
0xb1: {  	_ =	task [dreg:s7], $0x5FFFF  }
0xb2: {  	[dreg:$0x1] =	wrdreg $0xFFFFFFFF  }
0xb3: {  	[dreg:$0x0] =	wrdreg $0x60  }
0xb4: {  	[dreg:$0x2] =	wrdreg s24  }
0xb5: {  	[dreg:$0x3] =	wrdreg s16  }
0xb6: {  	[dreg:$0x4] =	wrdreg $0x9  }
0xb7: {  	_ =	task.clear_ibuf [dreg:s7], $0x5FFFF;
	_ =	strace $0x90000055  }
0xb8: {  	s29 =	simm.s32 $0x9;
	_ =	strace $0x80000057  }
0xb9: {  	_ =	swait.ge [sflag:s29], $0x1  }
0xba: {  	[sflag:s29] =	ssyncadd.s32 $0xFFFFFFFF  }
0xbb: {  	_ =	strace $0x90000057  }
0xbc: {  	_ =	sfence  }
0xbd: {  	s30 =	sld [smem:$0x0];
	_ =	sdelay $0x2  }
0xbe: {  	s31 =	sshll.u32 s1, $0xD;
	s1 =	sshrl.u32 s1, $0x2  }
0xbf: {  	s3 =	sand.u32 $0x4000, s31;
	s1 =	sadd.s32 s1, s30  }
0xc0: {  	s0 =	sor.u32 s3, s0;
	s1 =	sshll.u32 s1, $0x11  }
0xc1: {  	s0 =	sor.u32 s1, s0  }
0xc2: {  	s0 =	sadd.s32 $0x8F2B, s0  }
0xc3: {  	[sflag:s0] =	ssyncadd.remote.s32 $0x1  }
0xc4: {  	_ =	sfence.sel $0xFFFF  }
0xc5: {  	[dreg:$0x0] =	wrdreg $0xFFFFFFFF;
	(pc) =	sbr.abs _section_cstart, $3  }
0xc6: {  	[dreg:$0x1] =	wrdreg $0xFFFFFFFF  }
0xc7: {  	_ =	task.clear_ibuf [dreg:s7], $0x2FFFF;
	_ =	strace $0x9FFFFFFF  }
0xc8: {  	(tm) =	ssettm $0x7FFFFFFF  }
0xc9: {  	_ =	shalt  }
tec
execute0_lowered:
.L_overlay_start_1:
0x0: {  	(tag) =	ssettag $0x1  }
0x1: {  	s3 =	rddreg [dreg:$0x0]  }
0x2: {  	s6 =	rddreg [dreg:$0x1]  }
0x3: {  	s0 =	rddreg [dreg:$0x2];
	s1 =	stileid.u32  }
0x4: {  	s2 =	simm.s32 $0x0;
	s5 =	srdreg.scid;
	s4 =	smul.u32 $0x5000, s1  }
0x5: {  	[smem:$0x7FF] =	sst s2;
	s5 =	sand.u32 $0x1, s5;
	s7 =	smul.u32 $0x2800, s1  }
0x6: {  	_ =	strace $0x80000056;
	s8 =	ssub.s32 $0x2, s5;
	s9 =	smul.u32 $0x1400, s5  }
0x7: {  	s5 =	smul.u32 $0x2800, s5;
	s10 =	sadd.s32 s4, s3;
	s31 =	sshrl.u32 s8, $0x1  }
0x8: {  	s3 =	sadd.s32 $0x4C400, s3;
	s4 =	ssub.s32 s8, s31;
	s7 =	sadd.s32 s9, s7  }
0x9: {  	s5 =	sadd.s32 s5, s10;
	s8 =	simm.s32 $0x80;
	s9 =	simm.s32 $0x1  }
0xa: {  	s10 =	simm.s32 $0x0;
	s4 =	smax.u32 s4, $0x1;
	s7 =	sshrl.u32 s7, $0x3  }
0xb: {  	s5 =	sadd.s32 $0x321400, s5;
	s6 =	sadd.s32 s7, s6;
	s7 =	simm.s32 $0x2  }
.LBB2_1:
0xc: {  	s11 =	sadd.s32 $0x0, s6  }
0xd: {  	[tilespmem:s2], [sflag:$0x2] =	stream.linear.gather [hbm4b:s11+s2], $0x80, $0x38;
	[tilespmem:$0x880] =	vst v63  }
0xe: {  	_ =	swait.ge [sflag:s7], $0x80  }
0xf: {  	[sflag:s7] =	ssyncset.done $0x0  }
0x10: {  	[sflag:s7] =	ssyncadd.s32 $0xFFFFFF80  }
0x11: {  	[tilespmem:s8], [sflag:$0x1] =	stream.indirect.gather [hbm4b:s3+s8], $0x10, s2, s8, $0xb8;
	[tilespmem:$0x880] =	vst v63  }
0x12: {  	_ =	swait.ge [sflag:s9], $0x800  }
0x13: {  	[sflag:s9] =	ssyncset.done $0x0  }
0x14: {  	[sflag:s9] =	ssyncadd.s32 $0xFFFFF800  }
0x15: {  	[hbm4b:s5+s2] =	stream.linear.scatter [tilespmem:s8], [sflag:$0x2], $0x800, $0x38;
	[tilespmem:$0x880] =	vst v63  }
0x16: {  	s12 =	simm.s32 $0x10;
	_ =	swait.ge [sflag:s7], $0x800  }
0x17: {  	s13 =	simm.s32 $0x20;
	s11 =	sadd.s32 $0x100, s5;
	[sflag:s7] =	ssyncset.done $0x0  }
.LBB2_2:
0x18: {  	s14 =	sadd.s32 s12, s6  }
0x19: {  	[sflag:s7] =	ssyncadd.s32 $0xFFFFF800;
	s12 =	smov.u32 s13;
	s15 =	sadd.s32 $0x10, s13  }
0x1a: {  	[tilespmem:s2], [sflag:$0x2] =	stream.linear.gather [hbm4b:s14+s2], $0x80, $0x38;
	[tilespmem:$0x880] =	vst v63  }
0x1b: {  	p0 =	sne.s32 s13, $0x270;
	_ =	swait.ge [sflag:s7], $0x80  }
0x1c: {  	[sflag:s7] =	ssyncset.done $0x0  }
0x1d: {  	[sflag:s7] =	ssyncadd.s32 $0xFFFFFF80  }
0x1e: {  	[tilespmem:s8], [sflag:$0x1] =	stream.indirect.gather [hbm4b:s3+s8], $0x10, s2, s8, $0xb8;
	[tilespmem:$0x880] =	vst v63  }
0x1f: {  	_ =	swait.ge [sflag:s9], $0x800  }
.Ltmp0:
0x20: {  	[sflag:s9] =	ssyncset.done $0x0;
	(pc) =	sbr.rel @p0 .LBB2_2-.Ltmp0, $4  }
0x21: {  	[sflag:s9] =	ssyncadd.s32 $0xFFFFF800  }
0x22: {  	[hbm4b:s11+s2] =	stream.linear.scatter [tilespmem:s8], [sflag:$0x2], $0x800, $0x38;
	[tilespmem:$0x880] =	vst v63  }
0x23: {  	_ =	swait.ge [sflag:s7], $0x800  }
0x24: {  	s13 =	smov.u32 s15;
	s11 =	sadd.s32 $0x100, s11;
	[sflag:s7] =	ssyncset.done $0x0  }
0x25: {  	s12 =	sadd.s32 s12, s6;
	[sflag:s7] =	ssyncadd.s32 $0xFFFFF800  }
0x26: {  	[tilespmem:s2], [sflag:$0x2] =	stream.linear.gather [hbm4b:s12+s2], $0x80, $0x38;
	[tilespmem:$0x880] =	vst v63  }
0x27: {  	_ =	swait.ge [sflag:s7], $0x80  }
0x28: {  	[sflag:s7] =	ssyncset.done $0x0  }
0x29: {  	[sflag:s7] =	ssyncadd.s32 $0xFFFFFF80  }
0x2a: {  	[tilespmem:s8], [sflag:$0x1] =	stream.indirect.gather [hbm4b:s3+s8], $0x10, s2, s8, $0xb8;
	[tilespmem:$0x880] =	vst v63  }
0x2b: {  	s10 =	sadd.s32 $0x1, s10;
	_ =	swait.ge [sflag:s9], $0x800  }
0x2c: {  	p0 =	sne.s32 s10, s4;
	[sflag:s9] =	ssyncset.done $0x0  }
.Ltmp1:
0x2d: {  	[sflag:s9] =	ssyncadd.s32 $0xFFFFF800;
	(pc) =	sbr.rel @p0 .LBB2_1-.Ltmp1, $4  }
0x2e: {  	[hbm4b:s11+s2] =	stream.linear.scatter [tilespmem:s8], [sflag:$0x2], $0x800, $0x38;
	[tilespmem:$0x880] =	vst v63  }
0x2f: {  	_ =	swait.ge [sflag:s7], $0x800  }
0x30: {  	[sflag:s7] =	ssyncset.done $0x0  }
0x31: {  	[sflag:s7] =	ssyncadd.s32 $0xFFFFF800  }
0x32: {  	_ =	sfence.sel $0x180000  }
0x33: {  	[bflag:$0x0] =	sbarrier.arrive $0xFFFF  }
0x34: {  	p0 =	sne.s32 s1, $0x0;
	_ =	strace $0x90000056  }
0x35: {  	s0 =	sadd.s32 @!p0 $0x100000, s0;
	[bflag:$0x2] =	sbarrier.arrive $0xFFFF  }
0x36: {  	[sflag:s0] =	ssyncadd.tile.s32 @!p0 $0x1;
	_ =	shalt  }
.Lfunc_end2:
_tile_overlayer_lowered:
.L_overlay_start_2:
0x37: {  	(tag) =	ssettag $0x2  }
0x38: {  	s0 =	rddreg [dreg:$0x0];
	s2 =	stileid.u32  }
0x39: {  	s1 =	rddreg [dreg:$0x1];
	p0 =	sne.s32 s2, $0x0  }
0x3a: {  	s3 =	rddreg [dreg:$0x2];
	[bflag:$0x3] =	sbarrier.arrive $0xFFFF;
	s2 =	simm.s32 @!p0 $0x1C02  }
0x3b: {  	[timem:s3], [sflag:s2] =	dma.local @!p0 [hbm:s0], s1  }
0x3c: {  	s0 =	simm.s32 @!p0 $0x2  }
0x3d: {  	_ =	swait.ge @!p0 [sflag:s0], s1  }
0x3e: {  	s1 =	ssub.s32 @!p0 $0x0, s1;
	[sflag:s0] =	ssyncset.done @!p0 $0x0  }
0x3f: {  	[sflag:s0] =	ssyncadd.s32 @!p0 s1  }
0x40: {  	[bflag:$0x3] =	sbarrier.arrive $0xFFFF  }
0x41: {  	_ =	shalt  }

// kernel: kernel.91.cloned.1.call-start
scs
__scs_entry_jumppad:
0x0: {  	(pc) =	sbr.rel $0x88, $3  }
0x1: {  	(tag) =	ssettag $0x0;
	lr =	simm.s32 $0x1  }
0x2: {  	[smem:$0x3F1E] =	sst lr;
	_ =	strace $0xD0000000  }
0x3: {  	_ = 	snop  }
0x4: {  	_ = 	snop  }
0x5: {  	_ = 	snop  }
0x6: {  	_ = 	snop  }
0x7: {  	_ = 	snop  }
__scs_overlays_trampoline_lowered:
0x8: {  	[smem:$0x3F2D] =	sst s0  }
0x9: {  	[smem:$0x3F2E] =	sst s1  }
0xa: {  	[smem:$0x3F2F] =	sst s2  }
0xb: {  	[smem:$0x3F30] =	sst s3  }
0xc: {  	[smem:$0x3F31] =	sst s4  }
0xd: {  	[smem:$0x3F32] =	sst s5  }
0xe: {  	[smem:$0x3F33] =	sst s6  }
0xf: {  	[smem:$0x3F34] =	sst s7  }
0x10: {  	[smem:$0x3F35] =	sst s8  }
0x11: {  	[smem:$0x3F36] =	sst s9;
	s0 =	simm.s32 @!p0 $0x0  }
0x12: {  	s1 =	sld [smem:$0x3F1C];
	s0 =	simm.s32 @p0 $0x1  }
0x13: {  	[smem:$0x3F37] =	sst s0;
	s0 =	simm.s32 @!p1 $0x0  }
0x14: {  	s2 =	sld [smem:$0x3F1B];
	s0 =	simm.s32 @p1 $0x1  }
0x15: {  	[smem:$0x3F38] =	sst s0;
	s0 =	simm.s32 @!p2 $0x0  }
0x16: {  	s3 =	sld [smem:$0x3FDB];
	s0 =	simm.s32 @p2 $0x1  }
0x17: {  	s4 =	simm.s32 $0x1BF5;
	[smem:$0x3F3A] =	sst s0  }
0x18: {  	s0 =	sld [smem:$0x3F1D];
	_ =	swait.ge [sflag:s4], $0x0  }
0x19: {  	s7 =	sld [smem:$0x3F1E]  }
0x1a: {  	s8 =	sadd.s32 $0xFFFFE003, lr  }
0x1b: {  	s9 =	sadd.s32 $0xFFFFFEF7, lr;
	s5 =	simm.s32 $0xFFFFFFFF;
	p2 =	slt.u32 s8, $0xFFFFF086  }
0x1c: {  	p1 =	slt.u32 s9, $0xF7A;
	s5 =	simm.s32 @!p2 $0x0  }
0x1d: {  	s5 =	simm.s32 @p1 $0x1;
	p0 =	seq.s32 s7, s2  }
0x1e: {  	s7 =	smul.u32 @!p0 $0xF7A, s2;
	p2 =	seq.s32 @!p0 s5, $0x0  }
0x1f: {  	s9 =	smul.u32 $0xF7A, s1;
	s8 =	simm.s32 @!p0 $0x1BF5;
	p2 =	por !p2, p0  }
0x20: {  	[sflag:s8] =	ssyncset.s32 @!p0 $0xFFFFF086;
	s6 =	sadd.s32 @!p0 s3, s7;
	s7 =	simm.s32 @!p0 $0x108  }
0x21: {  	s3 =	sadd.s32 s3, s9;
	s6 =	sadd.s32 @!p0 $0x88, s6;
	s7 =	simm.s32 @p2 $0x1082  }
0x22: {  	[simem:s7], [sflag:s8] =	dma.local @!p0 [hbm:s6], $0xF7A  }
0x23: {  	s9 =	sor.u32 $0xD0000000, s2;
	s6 =	simm.s32 $0x108;
	_ =	swait.ge @!p0 [sflag:s8], $0x0  }
0x24: {  	s3 =	sadd.s32 $0x88, s3;
	s6 =	simm.s32 @!p1 $0x1082;
	[sflag:s4] =	ssyncset.s32 $0xFFFFF086  }
0x25: {  	[simem:s6], [sflag:s4] =	dma.local [hbm:s3], $0xF7A  }
0x26: {  	[smem:$0x3F1E] =	sst s1;
	(tag) =	ssettag s2;
	_ =	strace s9  }
0x27: {  	s1 =	sld [smem:$0x3F2E]  }
0x28: {  	s2 =	sld [smem:$0x3F2F]  }
0x29: {  	s4 =	sld [smem:$0x3F31]  }
0x2a: {  	p0 =	seq.s32 s5, $0x0;
	s5 =	sld [smem:$0x3F32]  }
0x2b: {  	s6 =	sld [smem:$0x3F33]  }
0x2c: {  	s7 =	sld [smem:$0x3F34]  }
0x2d: {  	s3 =	simm.s32 $0x108;
	s8 =	sld [smem:$0x3F35]  }
0x2e: {  	s3 =	simm.s32 @!p0 $0x1082;
	s9 =	sld [smem:$0x3F36]  }
0x2f: {  	lr =	sadd.s32 s0, s3;
	s0 =	sld [smem:$0x3F2D]  }
0x30: {  	s3 =	sld [smem:$0x3F30]  }
0x31: {  	[smem:$0x3F39] =	sst s10  }
0x32: {  	s10 =	sld [smem:$0x3F37];
	_ =	sdelay $0x3  }
0x33: {  	p0 =	seq.s32 s10, $0x1;
	s10 =	sld [smem:$0x3F39];
	_ =	sdelay $0x3  }
0x34: {  	[smem:$0x3F39] =	sst s10  }
0x35: {  	s10 =	sld [smem:$0x3F38];
	_ =	sdelay $0x3  }
0x36: {  	p1 =	seq.s32 s10, $0x1;
	s10 =	sld [smem:$0x3F39];
	_ =	sdelay $0x3  }
0x37: {  	[smem:$0x3F39] =	sst s10  }
0x38: {  	s10 =	sld [smem:$0x3F3A]  }
0x39: {  	_ = 	snop;
	(pc) =	sbr.ind lr, $3  }
0x3a: {  	_ = 	snop  }
0x3b: {  	_ = 	snop  }
0x3c: {  	p2 =	seq.s32 s10, $0x1;
	s10 =	sld [smem:$0x3F39]  }
0x3d: {  	_ =	shalt  }
0x3e: {  	_ =	shalt  }
0x3f: {  	_ =	shalt  }
0x40: {  	_ =	shalt  }
0x41: {  	_ =	shalt  }
0x42: {  	_ =	shalt  }
0x43: {  	_ =	shalt  }
0x44: {  	_ =	shalt  }
0x45: {  	_ =	shalt  }
0x46: {  	_ =	shalt  }
0x47: {  	_ =	shalt  }
0x48: {  	_ =	shalt  }
0x49: {  	_ =	shalt  }
0x4a: {  	_ =	shalt  }
0x4b: {  	_ =	shalt  }
0x4c: {  	_ =	shalt  }
0x4d: {  	_ =	shalt  }
0x4e: {  	_ =	shalt  }
0x4f: {  	_ =	shalt  }
0x50: {  	_ =	shalt  }
0x51: {  	_ =	shalt  }
0x52: {  	_ =	shalt  }
0x53: {  	_ =	shalt  }
0x54: {  	_ =	shalt  }
0x55: {  	_ =	shalt  }
0x56: {  	_ =	shalt  }
0x57: {  	_ =	shalt  }
0x58: {  	_ =	shalt  }
0x59: {  	_ =	shalt  }
0x5a: {  	_ =	shalt  }
0x5b: {  	_ =	shalt  }
0x5c: {  	_ =	shalt  }
0x5d: {  	_ =	shalt  }
0x5e: {  	_ =	shalt  }
0x5f: {  	_ =	shalt  }
0x60: {  	_ =	shalt  }
0x61: {  	_ =	shalt  }
0x62: {  	_ =	shalt  }
0x63: {  	_ =	shalt  }
0x64: {  	_ =	shalt  }
0x65: {  	_ =	shalt  }
0x66: {  	_ =	shalt  }
0x67: {  	_ =	shalt  }
0x68: {  	_ =	shalt  }
0x69: {  	_ =	shalt  }
0x6a: {  	_ =	shalt  }
0x6b: {  	_ =	shalt  }
0x6c: {  	_ =	shalt  }
0x6d: {  	_ =	shalt  }
0x6e: {  	_ =	shalt  }
0x6f: {  	_ =	shalt  }
0x70: {  	_ =	shalt  }
0x71: {  	_ =	shalt  }
0x72: {  	_ =	shalt  }
0x73: {  	_ =	shalt  }
0x74: {  	_ =	shalt  }
0x75: {  	_ =	shalt  }
0x76: {  	_ =	shalt  }
0x77: {  	_ =	shalt  }
0x78: {  	_ =	shalt  }
0x79: {  	_ =	shalt  }
0x7a: {  	_ =	shalt  }
0x7b: {  	_ =	shalt  }
0x7c: {  	_ =	shalt  }
0x7d: {  	_ =	shalt  }
0x7e: {  	_ =	shalt  }
0x7f: {  	_ =	shalt  }
0x80: {  	_ =	shalt  }
0x81: {  	_ =	shalt  }
0x82: {  	_ =	shalt  }
0x83: {  	_ =	shalt  }
0x84: {  	_ =	shalt  }
0x85: {  	_ =	shalt  }
0x86: {  	_ =	shalt  }
0x87: {  	_ =	shalt  }
.Lfunc_end0:
.L_simem_size_0:
called_computation.6_lowered:
.L_overlay_start_0:
0x88: {  	s2 =	sld [smem:$0x3FD9]  }
0x89: {  	s3 =	sld [smem:$0x3FFE];
	_ =	sdelay $0x1  }
0x8a: {  	s1 =	srdreg.scid  }
0x8b: {  	s0 =	sand.u32 $0x1, s1  }
0x8c: {  	s17 =	sshll.u32 s0, $0xA;
	s2 =	sadd.s32 s3, s2  }
0x8d: {  	s2 =	sadd.s32 s2, s17  }
0x8e: {  	[smem:$0x3F45] =	sst s2  }
0x8f: {  	_ = 	snop  }
0x90: {  	(tm) =	ssettm $0x1  }
0x91: {  	s18 =	sld [smem:$0x3FFB];
	_ =	sdelay $0x3  }
0x92: {  	_ =	strace s18  }
0x93: {  	s2 =	sld [smem:$0x3FFC];
	_ =	sdelay $0x3  }
0x94: {  	_ =	strace s2  }
0x95: {  	s2 =	sld [smem:$0x3FFD];
	_ =	sdelay $0x3  }
0x96: {  	_ =	strace s2  }
0x97: {  	_ =	strace $0x8FFFFFFF  }
0x98: {  	s19 =	sld [smem:$0x3FDB];
	_ =	sdelay $0x1  }
0x99: {  	s20 =	simm.s32 $_scs_section_size  }
0x9a: {  	s4 =	simm.s32 $_size__tile_overlayer_lowered;
	s5 =	simm.s32 $_tile_overlayer_lowered  }
0x9b: {  	s6 =	simm.s32 $0x1BFF;
	s21 =	sshll.u32 s5, $0x1;
	s3 =	sadd.s32 s20, s19  }
0x9c: {  	s22 =	simm.s32 $0x0;
	s4 =	sshll.u32 s4, $0x1;
	s5 =	sadd.s32 s21, s3  }
0x9d: {  	[timem:s22], [sflag:s6] =	dma.local [hbm:s5], s4  }
0x9e: {  	_ =	swait.ge [sflag:s6], s4  }
0x9f: {  	s4 =	ssub.s32 $0x0, s4;
	[sflag:s6] =	ssyncset.done $0x0  }
0xa0: {  	[sflag:s6] =	ssyncadd.s32 s4;
	_ =	sdelay $0x1  }
0xa1: {  	s23 =	simm.s32 $0x1B8B  }
0xa2: {  	_ =	swait.ge [sflag:s23], $0x1  }
0xa3: {  	[sflag:s23] =	ssyncset.done $0x0  }
0xa4: {  	[sflag:s23] =	ssyncadd.s32 $0xFFFFFFFF  }
0xa5: {  	s4 =	sld [smem:$0x0]  }
0xa6: {  	s5 =	sand.u32 $0xFFFFFFFE, s1  }
0xa7: {  	p0 =	sne.s32 s1, s5  }
0xa8: {  	s5 =	sshll.u32 @p0 s5, $0xE  }
0xa9: {  	s5 =	sadd.s32 @p0 $0x11B8D, s5;
	s6 =	sshll.u32 @p0 s4, $0x11  }
0xaa: {  	s5 =	sor.u32 @p0 s6, s5  }
0xab: {  	[sflag:s5] =	ssyncadd.remote.s32 @p0 $0x1;
	_ =	sdelay $0x1  }
0xac: {  	s5 =	simm.s32 @p0 $0x1B8D  }
0xad: {  	_ =	swait.eq @p0 [sflag:s5], $0x1  }
0xae: {  	[sflag:s5] =	ssyncadd.s32 @p0 $0xFFFFFFFF  }
0xaf: {  	s6 =	sshll.u32 @!p0 s1, $0xE  }
0xb0: {  	s6 =	sor.u32 @!p0 $0x4000, s6;
	s5 =	simm.s32 @!p0 $0x1B8D  }
0xb1: {  	s4 =	sshll.u32 @!p0 s4, $0x11;
	s6 =	sadd.s32 @!p0 $0x11B8D, s6;
	_ =	swait.eq @!p0 [sflag:s5], $0x1  }
0xb2: {  	s4 =	sor.u32 @!p0 s4, s6;
	[sflag:s5] =	ssyncadd.s32 @!p0 $0xFFFFFFFF  }
0xb3: {  	s25 =	simm.s32 $0x1B8E;
	s24 =	sld [smem:$0x3FFE];
	[sflag:s4] =	ssyncadd.remote.s32 @!p0 $0x1  }
0xb4: {  	s26 =	simm.s32 $execute0_lowered;
	[smem:$0x3FD2] =	sst s25  }
0xb5: {  	s5 =	sshll.u32 s26, $0x1;
	_ =	strace $0x80000058;
	[dreg:$0x1] =	wrdreg $0xFFFFFFFF  }
0xb6: {  	s28 =	simm.s32 $_size_execute0_lowered;
	s3 =	sadd.s32 s3, s5;
	[dreg:$0x0] =	wrdreg $0x0  }
0xb7: {  	s5 =	sshll.u32 s28, $0x1;
	[dreg:$0x2] =	wrdreg s3  }
0xb8: {  	[dreg:$0x3] =	wrdreg s5  }
0xb9: {  	[dreg:$0x4] =	wrdreg $0xC0  }
0xba: {  	_ =	task [dreg:s22], $0x5FFFF  }
0xbb: {  	[dreg:$0x1] =	wrdreg $0xFFFFFFFF  }
0xbc: {  	[dreg:$0x0] =	wrdreg $0x60  }
0xbd: {  	[dreg:$0x2] =	wrdreg s24  }
0xbe: {  	[dreg:$0x3] =	wrdreg $0xA  }
0xbf: {  	_ =	task.clear_ibuf [dreg:s22], $0x4FFFF;
	_ =	strace $0x90000058  }
0xc0: {  	s29 =	simm.s32 $0xA;
	_ =	strace $0x8000005A  }
0xc1: {  	_ =	swait.ge [sflag:s29], $0x1  }
0xc2: {  	[sflag:s29] =	ssyncadd.s32 $0xFFFFFFFF  }
0xc3: {  	_ =	strace $0x9000005A  }
0xc4: {  	_ =	sfence  }
0xc5: {  	s30 =	sld [smem:$0x0];
	_ =	sdelay $0x2  }
0xc6: {  	s31 =	sshll.u32 s1, $0xD;
	s1 =	sshrl.u32 s1, $0x2  }
0xc7: {  	s4 =	sand.u32 $0x4000, s31;
	s1 =	sadd.s32 s1, s30  }
0xc8: {  	s0 =	sor.u32 s4, s0;
	s1 =	sshll.u32 s1, $0x11  }
0xc9: {  	s0 =	sor.u32 s1, s0  }
0xca: {  	s0 =	sadd.s32 $0x8F2B, s0  }
0xcb: {  	[sflag:s0] =	ssyncadd.remote.s32 $0x1  }
0xcc: {  	_ =	sfence.sel $0xFFFF  }
0xcd: {  	[dreg:$0x0] =	wrdreg $0xFFFFFFFF;
	(pc) =	sbr.abs _section_cstart, $3  }
0xce: {  	[dreg:$0x1] =	wrdreg $0xFFFFFFFF  }
0xcf: {  	_ =	task.clear_ibuf [dreg:s22], $0x2FFFF;
	_ =	strace $0x9FFFFFFF  }
0xd0: {  	(tm) =	ssettm $0x7FFFFFFF  }
0xd1: {  	_ =	shalt  }
tec
execute0_lowered:
.L_overlay_start_1:
0x0: {  	(tag) =	ssettag $0x1  }
0x1: {  	s4 =	rddreg [dreg:$0x0]  }
0x2: {  	s0 =	rddreg [dreg:$0x1];
	s2 =	simm.s32 $0x0;
	s1 =	stileid.u32  }
0x3: {  	s3 =	srdreg.scid;
	s10 =	simm.s32 $0x0;
	s6 =	smul.u32 $0x2800, s1  }
0x4: {  	[smem:$0x7FF] =	sst s2;
	s5 =	sand.u32 $0x1, s3;
	s8 =	smul.u32 $0x5000, s1  }
0x5: {  	s3 =	sadd.s32 $0x4C400, s4;
	s7 =	smul.u32 $0x1400, s5;
	s9 =	ssub.s32 $0x2, s5  }
0x6: {  	_ =	strace $0x80000059;
	s5 =	smul.u32 $0x2800, s5;
	s31 =	sshrl.u32 s9, $0x1  }
0x7: {  	s8 =	sadd.s32 s8, s4;
	s6 =	sadd.s32 s7, s6;
	s7 =	ssub.s32 s9, s31  }
0x8: {  	s5 =	sadd.s32 s5, s8;
	s8 =	simm.s32 $0x80;
	s6 =	sshrl.u32 s6, $0x3  }
0x9: {  	s9 =	simm.s32 $0x1;
	s5 =	sadd.s32 $0x371400, s5;
	s6 =	sadd.s32 s6, s4  }
0xa: {  	s4 =	smax.u32 s7, $0x1;
	s7 =	simm.s32 $0x2;
	s6 =	sadd.s32 $0x31C400, s6  }
.LBB2_1:
0xb: {  	s11 =	sadd.s32 $0x0, s6  }
0xc: {  	[tilespmem:s2], [sflag:$0x2] =	stream.linear.gather [hbm4b:s11+s2], $0x80, $0x38;
	[tilespmem:$0x880] =	vst v63  }
0xd: {  	_ =	swait.ge [sflag:s7], $0x80  }
0xe: {  	[sflag:s7] =	ssyncset.done $0x0  }
0xf: {  	[sflag:s7] =	ssyncadd.s32 $0xFFFFFF80  }
0x10: {  	[tilespmem:s8], [sflag:$0x1] =	stream.indirect.gather [hbm4b:s3+s8], $0x10, s2, s8, $0xb8;
	[tilespmem:$0x880] =	vst v63  }
0x11: {  	_ =	swait.ge [sflag:s9], $0x800  }
0x12: {  	[sflag:s9] =	ssyncset.done $0x0  }
0x13: {  	[sflag:s9] =	ssyncadd.s32 $0xFFFFF800  }
0x14: {  	[hbm4b:s5+s2] =	stream.linear.scatter [tilespmem:s8], [sflag:$0x2], $0x800, $0x38;
	[tilespmem:$0x880] =	vst v63  }
0x15: {  	s12 =	simm.s32 $0x10;
	_ =	swait.ge [sflag:s7], $0x800  }
0x16: {  	s13 =	simm.s32 $0x20;
	s11 =	sadd.s32 $0x100, s5;
	[sflag:s7] =	ssyncset.done $0x0  }
.LBB2_2:
0x17: {  	s14 =	sadd.s32 s12, s6  }
0x18: {  	[sflag:s7] =	ssyncadd.s32 $0xFFFFF800;
	s12 =	smov.u32 s13;
	s15 =	sadd.s32 $0x10, s13  }
0x19: {  	[tilespmem:s2], [sflag:$0x2] =	stream.linear.gather [hbm4b:s14+s2], $0x80, $0x38;
	[tilespmem:$0x880] =	vst v63  }
0x1a: {  	p0 =	sne.s32 s13, $0x270;
	_ =	swait.ge [sflag:s7], $0x80  }
0x1b: {  	[sflag:s7] =	ssyncset.done $0x0  }
0x1c: {  	[sflag:s7] =	ssyncadd.s32 $0xFFFFFF80  }
0x1d: {  	[tilespmem:s8], [sflag:$0x1] =	stream.indirect.gather [hbm4b:s3+s8], $0x10, s2, s8, $0xb8;
	[tilespmem:$0x880] =	vst v63  }
0x1e: {  	_ =	swait.ge [sflag:s9], $0x800  }
.Ltmp0:
0x1f: {  	[sflag:s9] =	ssyncset.done $0x0;
	(pc) =	sbr.rel @p0 .LBB2_2-.Ltmp0, $4  }
0x20: {  	[sflag:s9] =	ssyncadd.s32 $0xFFFFF800  }
0x21: {  	[hbm4b:s11+s2] =	stream.linear.scatter [tilespmem:s8], [sflag:$0x2], $0x800, $0x38;
	[tilespmem:$0x880] =	vst v63  }
0x22: {  	_ =	swait.ge [sflag:s7], $0x800  }
0x23: {  	s13 =	smov.u32 s15;
	s11 =	sadd.s32 $0x100, s11;
	[sflag:s7] =	ssyncset.done $0x0  }
0x24: {  	s12 =	sadd.s32 s12, s6;
	[sflag:s7] =	ssyncadd.s32 $0xFFFFF800  }
0x25: {  	[tilespmem:s2], [sflag:$0x2] =	stream.linear.gather [hbm4b:s12+s2], $0x80, $0x38;
	[tilespmem:$0x880] =	vst v63  }
0x26: {  	_ =	swait.ge [sflag:s7], $0x80  }
0x27: {  	[sflag:s7] =	ssyncset.done $0x0  }
0x28: {  	[sflag:s7] =	ssyncadd.s32 $0xFFFFFF80  }
0x29: {  	[tilespmem:s8], [sflag:$0x1] =	stream.indirect.gather [hbm4b:s3+s8], $0x10, s2, s8, $0xb8;
	[tilespmem:$0x880] =	vst v63  }
0x2a: {  	s10 =	sadd.s32 $0x1, s10;
	_ =	swait.ge [sflag:s9], $0x800  }
0x2b: {  	p0 =	sne.s32 s10, s4;
	[sflag:s9] =	ssyncset.done $0x0  }
.Ltmp1:
0x2c: {  	[sflag:s9] =	ssyncadd.s32 $0xFFFFF800;
	(pc) =	sbr.rel @p0 .LBB2_1-.Ltmp1, $4  }
0x2d: {  	[hbm4b:s11+s2] =	stream.linear.scatter [tilespmem:s8], [sflag:$0x2], $0x800, $0x38;
	[tilespmem:$0x880] =	vst v63  }
0x2e: {  	_ =	swait.ge [sflag:s7], $0x800  }
0x2f: {  	[sflag:s7] =	ssyncset.done $0x0  }
0x30: {  	[sflag:s7] =	ssyncadd.s32 $0xFFFFF800  }
0x31: {  	_ =	sfence.sel $0x180000  }
0x32: {  	[bflag:$0x0] =	sbarrier.arrive $0xFFFF  }
0x33: {  	p0 =	sne.s32 s1, $0x0;
	_ =	strace $0x90000059  }
0x34: {  	s0 =	sadd.s32 @!p0 $0x100000, s0;
	[bflag:$0x2] =	sbarrier.arrive $0xFFFF  }
0x35: {  	[sflag:s0] =	ssyncadd.tile.s32 @!p0 $0x1;
	_ =	shalt  }
.Lfunc_end2:
_tile_overlayer_lowered:
.L_overlay_start_2:
0x36: {  	(tag) =	ssettag $0x2  }
0x37: {  	s0 =	rddreg [dreg:$0x0];
	s2 =	stileid.u32  }
0x38: {  	s1 =	rddreg [dreg:$0x1];
	p0 =	sne.s32 s2, $0x0  }
0x39: {  	s3 =	rddreg [dreg:$0x2];
	[bflag:$0x3] =	sbarrier.arrive $0xFFFF;
	s2 =	simm.s32 @!p0 $0x1C02  }
0x3a: {  	[timem:s3], [sflag:s2] =	dma.local @!p0 [hbm:s0], s1  }
0x3b: {  	s0 =	simm.s32 @!p0 $0x2  }
0x3c: {  	_ =	swait.ge @!p0 [sflag:s0], s1  }
0x3d: {  	s1 =	ssub.s32 @!p0 $0x0, s1;
	[sflag:s0] =	ssyncset.done @!p0 $0x0  }
0x3e: {  	[sflag:s0] =	ssyncadd.s32 @!p0 s1  }
0x3f: {  	[bflag:$0x3] =	sbarrier.arrive $0xFFFF  }
0x40: {  	_ =	shalt  }

// kernel: kernel.94.cloned.1.call-start
scs
__scs_entry_jumppad:
0x0: {  	(pc) =	sbr.rel $0x88, $3  }
0x1: {  	(tag) =	ssettag $0x0;
	lr =	simm.s32 $0x1  }
0x2: {  	[smem:$0x3F1E] =	sst lr;
	_ =	strace $0xD0000000  }
0x3: {  	_ = 	snop  }
0x4: {  	_ = 	snop  }
0x5: {  	_ = 	snop  }
0x6: {  	_ = 	snop  }
0x7: {  	_ = 	snop  }
__scs_overlays_trampoline_lowered:
0x8: {  	[smem:$0x3F2D] =	sst s0  }
0x9: {  	[smem:$0x3F2E] =	sst s1  }
0xa: {  	[smem:$0x3F2F] =	sst s2  }
0xb: {  	[smem:$0x3F30] =	sst s3  }
0xc: {  	[smem:$0x3F31] =	sst s4  }
0xd: {  	[smem:$0x3F32] =	sst s5  }
0xe: {  	[smem:$0x3F33] =	sst s6  }
0xf: {  	[smem:$0x3F34] =	sst s7  }
0x10: {  	[smem:$0x3F35] =	sst s8  }
0x11: {  	[smem:$0x3F36] =	sst s9;
	s0 =	simm.s32 @!p0 $0x0  }
0x12: {  	s1 =	sld [smem:$0x3F1C];
	s0 =	simm.s32 @p0 $0x1  }
0x13: {  	[smem:$0x3F37] =	sst s0;
	s0 =	simm.s32 @!p1 $0x0  }
0x14: {  	s2 =	sld [smem:$0x3F1B];
	s0 =	simm.s32 @p1 $0x1  }
0x15: {  	[smem:$0x3F38] =	sst s0;
	s0 =	simm.s32 @!p2 $0x0  }
0x16: {  	s3 =	sld [smem:$0x3FDB];
	s0 =	simm.s32 @p2 $0x1  }
0x17: {  	s4 =	simm.s32 $0x1BF5;
	[smem:$0x3F3A] =	sst s0  }
0x18: {  	s0 =	sld [smem:$0x3F1D];
	_ =	swait.ge [sflag:s4], $0x0  }
0x19: {  	s7 =	sld [smem:$0x3F1E]  }
0x1a: {  	s8 =	sadd.s32 $0xFFFFE003, lr  }
0x1b: {  	s9 =	sadd.s32 $0xFFFFFEF7, lr;
	s5 =	simm.s32 $0xFFFFFFFF;
	p2 =	slt.u32 s8, $0xFFFFF086  }
0x1c: {  	p1 =	slt.u32 s9, $0xF7A;
	s5 =	simm.s32 @!p2 $0x0  }
0x1d: {  	s5 =	simm.s32 @p1 $0x1;
	p0 =	seq.s32 s7, s2  }
0x1e: {  	s7 =	smul.u32 @!p0 $0xF7A, s2;
	p2 =	seq.s32 @!p0 s5, $0x0  }
0x1f: {  	s9 =	smul.u32 $0xF7A, s1;
	s8 =	simm.s32 @!p0 $0x1BF5;
	p2 =	por !p2, p0  }
0x20: {  	[sflag:s8] =	ssyncset.s32 @!p0 $0xFFFFF086;
	s6 =	sadd.s32 @!p0 s3, s7;
	s7 =	simm.s32 @!p0 $0x108  }
0x21: {  	s3 =	sadd.s32 s3, s9;
	s6 =	sadd.s32 @!p0 $0x88, s6;
	s7 =	simm.s32 @p2 $0x1082  }
0x22: {  	[simem:s7], [sflag:s8] =	dma.local @!p0 [hbm:s6], $0xF7A  }
0x23: {  	s9 =	sor.u32 $0xD0000000, s2;
	s6 =	simm.s32 $0x108;
	_ =	swait.ge @!p0 [sflag:s8], $0x0  }
0x24: {  	s3 =	sadd.s32 $0x88, s3;
	s6 =	simm.s32 @!p1 $0x1082;
	[sflag:s4] =	ssyncset.s32 $0xFFFFF086  }
0x25: {  	[simem:s6], [sflag:s4] =	dma.local [hbm:s3], $0xF7A  }
0x26: {  	[smem:$0x3F1E] =	sst s1;
	(tag) =	ssettag s2;
	_ =	strace s9  }
0x27: {  	s1 =	sld [smem:$0x3F2E]  }
0x28: {  	s2 =	sld [smem:$0x3F2F]  }
0x29: {  	s4 =	sld [smem:$0x3F31]  }
0x2a: {  	p0 =	seq.s32 s5, $0x0;
	s5 =	sld [smem:$0x3F32]  }
0x2b: {  	s6 =	sld [smem:$0x3F33]  }
0x2c: {  	s7 =	sld [smem:$0x3F34]  }
0x2d: {  	s3 =	simm.s32 $0x108;
	s8 =	sld [smem:$0x3F35]  }
0x2e: {  	s3 =	simm.s32 @!p0 $0x1082;
	s9 =	sld [smem:$0x3F36]  }
0x2f: {  	lr =	sadd.s32 s0, s3;
	s0 =	sld [smem:$0x3F2D]  }
0x30: {  	s3 =	sld [smem:$0x3F30]  }
0x31: {  	[smem:$0x3F39] =	sst s10  }
0x32: {  	s10 =	sld [smem:$0x3F37];
	_ =	sdelay $0x3  }
0x33: {  	p0 =	seq.s32 s10, $0x1;
	s10 =	sld [smem:$0x3F39];
	_ =	sdelay $0x3  }
0x34: {  	[smem:$0x3F39] =	sst s10  }
0x35: {  	s10 =	sld [smem:$0x3F38];
	_ =	sdelay $0x3  }
0x36: {  	p1 =	seq.s32 s10, $0x1;
	s10 =	sld [smem:$0x3F39];
	_ =	sdelay $0x3  }
0x37: {  	[smem:$0x3F39] =	sst s10  }
0x38: {  	s10 =	sld [smem:$0x3F3A]  }
0x39: {  	_ = 	snop;
	(pc) =	sbr.ind lr, $3  }
0x3a: {  	_ = 	snop  }
0x3b: {  	_ = 	snop  }
0x3c: {  	p2 =	seq.s32 s10, $0x1;
	s10 =	sld [smem:$0x3F39]  }
0x3d: {  	_ =	shalt  }
0x3e: {  	_ =	shalt  }
0x3f: {  	_ =	shalt  }
0x40: {  	_ =	shalt  }
0x41: {  	_ =	shalt  }
0x42: {  	_ =	shalt  }
0x43: {  	_ =	shalt  }
0x44: {  	_ =	shalt  }
0x45: {  	_ =	shalt  }
0x46: {  	_ =	shalt  }
0x47: {  	_ =	shalt  }
0x48: {  	_ =	shalt  }
0x49: {  	_ =	shalt  }
0x4a: {  	_ =	shalt  }
0x4b: {  	_ =	shalt  }
0x4c: {  	_ =	shalt  }
0x4d: {  	_ =	shalt  }
0x4e: {  	_ =	shalt  }
0x4f: {  	_ =	shalt  }
0x50: {  	_ =	shalt  }
0x51: {  	_ =	shalt  }
0x52: {  	_ =	shalt  }
0x53: {  	_ =	shalt  }
0x54: {  	_ =	shalt  }
0x55: {  	_ =	shalt  }
0x56: {  	_ =	shalt  }
0x57: {  	_ =	shalt  }
0x58: {  	_ =	shalt  }
0x59: {  	_ =	shalt  }
0x5a: {  	_ =	shalt  }
0x5b: {  	_ =	shalt  }
0x5c: {  	_ =	shalt  }
0x5d: {  	_ =	shalt  }
0x5e: {  	_ =	shalt  }
0x5f: {  	_ =	shalt  }
0x60: {  	_ =	shalt  }
0x61: {  	_ =	shalt  }
0x62: {  	_ =	shalt  }
0x63: {  	_ =	shalt  }
0x64: {  	_ =	shalt  }
0x65: {  	_ =	shalt  }
0x66: {  	_ =	shalt  }
0x67: {  	_ =	shalt  }
0x68: {  	_ =	shalt  }
0x69: {  	_ =	shalt  }
0x6a: {  	_ =	shalt  }
0x6b: {  	_ =	shalt  }
0x6c: {  	_ =	shalt  }
0x6d: {  	_ =	shalt  }
0x6e: {  	_ =	shalt  }
0x6f: {  	_ =	shalt  }
0x70: {  	_ =	shalt  }
0x71: {  	_ =	shalt  }
0x72: {  	_ =	shalt  }
0x73: {  	_ =	shalt  }
0x74: {  	_ =	shalt  }
0x75: {  	_ =	shalt  }
0x76: {  	_ =	shalt  }
0x77: {  	_ =	shalt  }
0x78: {  	_ =	shalt  }
0x79: {  	_ =	shalt  }
0x7a: {  	_ =	shalt  }
0x7b: {  	_ =	shalt  }
0x7c: {  	_ =	shalt  }
0x7d: {  	_ =	shalt  }
0x7e: {  	_ =	shalt  }
0x7f: {  	_ =	shalt  }
0x80: {  	_ =	shalt  }
0x81: {  	_ =	shalt  }
0x82: {  	_ =	shalt  }
0x83: {  	_ =	shalt  }
0x84: {  	_ =	shalt  }
0x85: {  	_ =	shalt  }
0x86: {  	_ =	shalt  }
0x87: {  	_ =	shalt  }
.Lfunc_end0:
.L_simem_size_0:
called_computation.7_lowered:
.L_overlay_start_0:
0x88: {  	s2 =	sld [smem:$0x3FD9]  }
0x89: {  	s3 =	sld [smem:$0x3FFE];
	_ =	sdelay $0x1  }
0x8a: {  	s1 =	srdreg.scid  }
0x8b: {  	s0 =	sand.u32 $0x1, s1  }
0x8c: {  	s16 =	sshll.u32 s0, $0xA;
	s2 =	sadd.s32 s3, s2  }
0x8d: {  	s2 =	sadd.s32 s2, s16  }
0x8e: {  	[smem:$0x3F45] =	sst s2  }
0x8f: {  	_ = 	snop  }
0x90: {  	(tm) =	ssettm $0x1  }
0x91: {  	s17 =	sld [smem:$0x3FFB];
	_ =	sdelay $0x3  }
0x92: {  	_ =	strace s17  }
0x93: {  	s2 =	sld [smem:$0x3FFC];
	_ =	sdelay $0x3  }
0x94: {  	_ =	strace s2  }
0x95: {  	s2 =	sld [smem:$0x3FFD];
	_ =	sdelay $0x3  }
0x96: {  	_ =	strace s2  }
0x97: {  	_ =	strace $0x8FFFFFFF  }
0x98: {  	s18 =	sld [smem:$0x3FDB];
	_ =	sdelay $0x1  }
0x99: {  	s19 =	simm.s32 $_scs_section_size  }
0x9a: {  	s4 =	simm.s32 $_size__tile_overlayer_lowered;
	s5 =	simm.s32 $_tile_overlayer_lowered  }
0x9b: {  	s22 =	simm.s32 $0x1BFF;
	s21 =	sshll.u32 s5, $0x1;
	s2 =	sadd.s32 s19, s18  }
0x9c: {  	s6 =	simm.s32 $0x0;
	s20 =	sshll.u32 s4, $0x1;
	s4 =	sadd.s32 s21, s2  }
0x9d: {  	[timem:s6], [sflag:s22] =	dma.local [hbm:s4], s20  }
0x9e: {  	_ =	swait.ge [sflag:s22], s20  }
0x9f: {  	s3 =	ssub.s32 $0x0, s20;
	[sflag:s22] =	ssyncset.done $0x0  }
0xa0: {  	[sflag:s22] =	ssyncadd.s32 s3;
	_ =	sdelay $0x1  }
0xa1: {  	s23 =	simm.s32 $0x1B8B  }
0xa2: {  	_ =	swait.ge [sflag:s23], $0x1  }
0xa3: {  	[sflag:s23] =	ssyncset.done $0x0  }
0xa4: {  	s25 =	simm.s32 $0x1B8E;
	s24 =	sld [smem:$0x3FFE];
	[sflag:s23] =	ssyncadd.s32 $0xFFFFFFFF  }
0xa5: {  	s26 =	simm.s32 $execute0_lowered;
	[smem:$0x3FD2] =	sst s25  }
0xa6: {  	s4 =	sshll.u32 s26, $0x1;
	_ =	strace $0x8000005B;
	[dreg:$0x1] =	wrdreg $0xFFFFFFFF  }
0xa7: {  	s28 =	simm.s32 $_size_execute0_lowered;
	s2 =	sadd.s32 s2, s4;
	[dreg:$0x0] =	wrdreg $0x0  }
0xa8: {  	s4 =	sshll.u32 s28, $0x1;
	[dreg:$0x2] =	wrdreg s2  }
0xa9: {  	[dreg:$0x3] =	wrdreg s4  }
0xaa: {  	[dreg:$0x4] =	wrdreg $0xC0  }
0xab: {  	_ =	task [dreg:s6], $0x5FFFF  }
0xac: {  	[dreg:$0x1] =	wrdreg $0xFFFFFFFF  }
0xad: {  	[dreg:$0x0] =	wrdreg $0x60  }
0xae: {  	[dreg:$0x2] =	wrdreg s24  }
0xaf: {  	[dreg:$0x3] =	wrdreg $0x2FA00  }
0xb0: {  	[dreg:$0x4] =	wrdreg $0x9  }
0xb1: {  	_ =	task.clear_ibuf [dreg:s6], $0x5FFFF;
	_ =	strace $0x9000005B  }
0xb2: {  	s29 =	simm.s32 $0x9;
	_ =	strace $0x8000005D  }
0xb3: {  	_ =	swait.ge [sflag:s29], $0x1  }
0xb4: {  	[sflag:s29] =	ssyncadd.s32 $0xFFFFFFFF  }
0xb5: {  	_ =	strace $0x9000005D  }
0xb6: {  	_ =	sfence  }
0xb7: {  	s30 =	sld [smem:$0x0];
	_ =	sdelay $0x2  }
0xb8: {  	s31 =	sshll.u32 s1, $0xD;
	s1 =	sshrl.u32 s1, $0x2  }
0xb9: {  	s3 =	sand.u32 $0x4000, s31;
	s1 =	sadd.s32 s1, s30  }
0xba: {  	s0 =	sor.u32 s3, s0;
	s1 =	sshll.u32 s1, $0x11  }
0xbb: {  	s0 =	sor.u32 s1, s0  }
0xbc: {  	s0 =	sadd.s32 $0x8F2B, s0  }
0xbd: {  	[sflag:s0] =	ssyncadd.remote.s32 $0x1  }
0xbe: {  	_ =	sfence.sel $0xFFFF  }
0xbf: {  	[dreg:$0x0] =	wrdreg $0xFFFFFFFF;
	(pc) =	sbr.abs _section_cstart, $3  }
0xc0: {  	[dreg:$0x1] =	wrdreg $0xFFFFFFFF  }
0xc1: {  	_ =	task.clear_ibuf [dreg:s6], $0x2FFFF;
	_ =	strace $0x9FFFFFFF  }
0xc2: {  	(tm) =	ssettm $0x7FFFFFFF  }
0xc3: {  	_ =	shalt  }
tec
execute0_lowered:
.L_overlay_start_1:
0x0: {  	(tag) =	ssettag $0x1  }
0x1: {  	s0 =	stileid.u32  }
0x2: {  	s4 =	rddreg [dreg:$0x0];
	s6 =	smul.u32 $0x2800, s0  }
0x3: {  	s1 =	srdreg.scid;
	s8 =	smul.u32 $0x5000, s0  }
0x4: {  	s2 =	rddreg [dreg:$0x1];
	s5 =	sand.u32 $0x1, s1;
	s28 =	smul.u32 $0x2720, s0  }
0x5: {  	s3 =	simm.s32 $0x0;
	s1 =	rddreg [dreg:$0x2];
	s7 =	smul.u32 $0x1400, s5  }
0x6: {  	[smem:$0x7FF] =	sst s3;
	s29 =	smul.u32 $0x4E40, s5  }
0x7: {  	_ =	strace $0x8000005C;
	s10 =	ssub.s32 $0x2, s5;
	s13 =	smul.u32 $0x2800, s5  }
0x8: {  	s26 =	sadd.s32 s8, s4;
	s12 =	sshrl.u32 s28, $0x3;
	s11 =	sshrl.u32 s10, $0x1  }
0x9: {  	s5 =	sadd.s32 s28, s2;
	s6 =	sadd.s32 s7, s6;
	s30 =	sadd.s32 s12, s4  }
0xa: {  	s10 =	ssub.s32 s10, s11;
	s7 =	sadd.s32 s13, s26;
	s11 =	simm.s32 $0x80  }
0xb: {  	s13 =	simm.s32 $0x0;
	s6 =	sshrl.u32 s6, $0x3;
	s7 =	sadd.s32 $0x321400, s7  }
0xc: {  	s9 =	sadd.s32 s6, s4;
	s6 =	sadd.s32 s29, s4;
	s4 =	sadd.s32 $0x9C000, s30  }
0xd: {  	s31 =	sadd.s32 $0x52C00, s6;
	s6 =	smax.u32 s10, $0x1;
	s8 =	sadd.s32 $0x317400, s9  }
0xe: {  	s9 =	simm.s32 $0x880;
	s10 =	simm.s32 $0x1;
	s12 =	sadd.s32 s12, s31  }
.LBB2_1:
0xf: {  	[tilespmem:s9], [sflag:$0x1] =	stream.linear.gather [hbm4b:s4+s3], $0x2720, $0x38;
	[tilespmem:$0x56C0] =	vst v63  }
0x10: {  	_ =	swait.ge [sflag:s10], $0x2720  }
0x11: {  	[sflag:s10] =	ssyncset.done $0x0  }
0x12: {  	[sflag:s10] =	ssyncadd.s32 $0xFFFFD8E0  }
0x13: {  	[spmem:s5] =	stream.linear.scatter [tilespmem:s9], [sflag:$0x1], $0x2720, $0x38;
	[tilespmem:$0x56C0] =	vst v63  }
0x14: {  	_ =	swait.ge [sflag:s10], $0x2720  }
0x15: {  	[sflag:s10] =	ssyncset.done $0x0  }
0x16: {  	[sflag:s10] =	ssyncadd.s32 $0xFFFFD8E0  }
0x17: {  	s14 =	sadd.s32 $0x0, s8;
	[bflag:$0x0] =	sbarrier.arrive $0xFFFF  }
0x18: {  	[tilespmem:s3], [sflag:$0x1] =	stream.linear.gather [hbm4b:s14+s3], $0x80, $0x38;
	[tilespmem:$0x56C0] =	vst v63  }
0x19: {  	_ =	swait.ge [sflag:s10], $0x80  }
0x1a: {  	[sflag:s10] =	ssyncset.done $0x0  }
0x1b: {  	[sflag:s10] =	ssyncadd.s32 $0xFFFFFF80  }
0x1c: {  	[tilespmem:s11], [sflag:$0x1] =	stream.linear.gather [hbm4b:s7+s3], $0x800, $0x38;
	[tilespmem:$0x56C0] =	vst v63  }
0x1d: {  	_ =	swait.ge [sflag:s10], $0x800  }
0x1e: {  	[sflag:s10] =	ssyncset.done $0x0  }
0x1f: {  	[sflag:s10] =	ssyncadd.s32 $0xFFFFF800  }
0x20: {  	[spmem:s2] =	stream.indirect.scatter.add.f32 [tilespmem:s11], [sflag:$0x1], $0x10, s3, s11, $0xb8;
	[tilespmem:$0x56C0] =	vst v63  }
0x21: {  	s15 =	simm.s32 $0x10;
	_ =	swait.ge [sflag:s10], $0x800  }
0x22: {  	s16 =	simm.s32 $0x20;
	s14 =	sadd.s32 $0x100, s7;
	[sflag:s10] =	ssyncset.done $0x0  }
.LBB2_2:
0x23: {  	s17 =	sadd.s32 s15, s8  }
0x24: {  	[sflag:s10] =	ssyncadd.s32 $0xFFFFF800;
	s15 =	smov.u32 s16;
	s18 =	sadd.s32 $0x10, s16  }
0x25: {  	[tilespmem:s3], [sflag:$0x1] =	stream.linear.gather [hbm4b:s17+s3], $0x80, $0x38;
	[tilespmem:$0x56C0] =	vst v63  }
0x26: {  	p0 =	sne.s32 s16, $0x270;
	_ =	swait.ge [sflag:s10], $0x80  }
0x27: {  	[sflag:s10] =	ssyncset.done $0x0  }
0x28: {  	[sflag:s10] =	ssyncadd.s32 $0xFFFFFF80  }
0x29: {  	[tilespmem:s11], [sflag:$0x1] =	stream.linear.gather [hbm4b:s14+s3], $0x800, $0x38;
	[tilespmem:$0x56C0] =	vst v63  }
0x2a: {  	_ =	swait.ge [sflag:s10], $0x800  }
.Ltmp0:
0x2b: {  	[sflag:s10] =	ssyncset.done $0x0;
	(pc) =	sbr.rel @p0 .LBB2_2-.Ltmp0, $4  }
0x2c: {  	[sflag:s10] =	ssyncadd.s32 $0xFFFFF800  }
0x2d: {  	[spmem:s2] =	stream.indirect.scatter.add.f32 [tilespmem:s11], [sflag:$0x1], $0x10, s3, s11, $0xb8;
	[tilespmem:$0x56C0] =	vst v63  }
0x2e: {  	_ =	swait.ge [sflag:s10], $0x800  }
0x2f: {  	s16 =	smov.u32 s18;
	s14 =	sadd.s32 $0x100, s14;
	[sflag:s10] =	ssyncset.done $0x0  }
0x30: {  	s15 =	sadd.s32 s15, s8;
	[sflag:s10] =	ssyncadd.s32 $0xFFFFF800  }
0x31: {  	[tilespmem:s3], [sflag:$0x1] =	stream.linear.gather [hbm4b:s15+s3], $0x80, $0x38;
	[tilespmem:$0x56C0] =	vst v63  }
0x32: {  	_ =	swait.ge [sflag:s10], $0x80  }
0x33: {  	[sflag:s10] =	ssyncset.done $0x0  }
0x34: {  	[sflag:s10] =	ssyncadd.s32 $0xFFFFFF80  }
0x35: {  	[tilespmem:s11], [sflag:$0x1] =	stream.linear.gather [hbm4b:s14+s3], $0x800, $0x38;
	[tilespmem:$0x56C0] =	vst v63  }
0x36: {  	_ =	swait.ge [sflag:s10], $0x800  }
0x37: {  	[sflag:s10] =	ssyncset.done $0x0  }
0x38: {  	[sflag:s10] =	ssyncadd.s32 $0xFFFFF800  }
0x39: {  	[spmem:s2] =	stream.indirect.scatter.add.f32 [tilespmem:s11], [sflag:$0x1], $0x10, s3, s11, $0xb8;
	[tilespmem:$0x56C0] =	vst v63  }
0x3a: {  	_ =	swait.ge [sflag:s10], $0x800  }
0x3b: {  	[sflag:s10] =	ssyncset.done $0x0  }
0x3c: {  	[sflag:s10] =	ssyncadd.s32 $0xFFFFF800  }
0x3d: {  	[bflag:$0x0] =	sbarrier.arrive $0xFFFF  }
0x3e: {  	[tilespmem:s9], [sflag:$0x1] =	stream.linear.gather [spmem:s5], $0x2720, $0x38;
	[tilespmem:$0x56C0] =	vst v63  }
0x3f: {  	s13 =	sadd.s32 $0x1, s13;
	_ =	swait.ge [sflag:s10], $0x2720  }
0x40: {  	p0 =	sne.s32 s13, s6;
	[sflag:s10] =	ssyncset.done $0x0  }
.Ltmp1:
0x41: {  	[sflag:s10] =	ssyncadd.s32 $0xFFFFD8E0;
	(pc) =	sbr.rel @p0 .LBB2_1-.Ltmp1, $4  }
0x42: {  	[hbm4b:s12+s3] =	stream.linear.scatter [tilespmem:s9], [sflag:$0x1], $0x2720, $0x38;
	[tilespmem:$0x56C0] =	vst v63  }
0x43: {  	_ =	swait.ge [sflag:s10], $0x2720  }
0x44: {  	[sflag:s10] =	ssyncset.done $0x0  }
0x45: {  	[sflag:s10] =	ssyncadd.s32 $0xFFFFD8E0  }
0x46: {  	_ =	sfence.sel $0x180000  }
0x47: {  	[bflag:$0x0] =	sbarrier.arrive $0xFFFF  }
0x48: {  	p0 =	sne.s32 s0, $0x0;
	_ =	strace $0x9000005C  }
0x49: {  	s0 =	sadd.s32 @!p0 $0x100000, s1;
	[bflag:$0x2] =	sbarrier.arrive $0xFFFF  }
0x4a: {  	[sflag:s0] =	ssyncadd.tile.s32 @!p0 $0x1;
	_ =	shalt  }
.Lfunc_end2:
_tile_overlayer_lowered:
.L_overlay_start_2:
0x4b: {  	(tag) =	ssettag $0x2  }
0x4c: {  	s0 =	rddreg [dreg:$0x0];
	s2 =	stileid.u32  }
0x4d: {  	s1 =	rddreg [dreg:$0x1];
	p0 =	sne.s32 s2, $0x0  }
0x4e: {  	s3 =	rddreg [dreg:$0x2];
	[bflag:$0x3] =	sbarrier.arrive $0xFFFF;
	s2 =	simm.s32 @!p0 $0x1C01  }
0x4f: {  	[timem:s3], [sflag:s2] =	dma.local @!p0 [hbm:s0], s1  }
0x50: {  	s0 =	simm.s32 @!p0 $0x1  }
0x51: {  	_ =	swait.ge @!p0 [sflag:s0], s1  }
0x52: {  	s1 =	ssub.s32 @!p0 $0x0, s1;
	[sflag:s0] =	ssyncset.done @!p0 $0x0  }
0x53: {  	[sflag:s0] =	ssyncadd.s32 @!p0 s1  }
0x54: {  	[bflag:$0x3] =	sbarrier.arrive $0xFFFF  }
0x55: {  	_ =	shalt  }

// kernel: kernel.97.cloned.1.call-start
scs
__scs_entry_jumppad:
0x0: {  	(pc) =	sbr.rel $0x88, $3  }
0x1: {  	(tag) =	ssettag $0x0;
	lr =	simm.s32 $0x1  }
0x2: {  	[smem:$0x3F1E] =	sst lr;
	_ =	strace $0xD0000000  }
0x3: {  	_ = 	snop  }
0x4: {  	_ = 	snop  }
0x5: {  	_ = 	snop  }
0x6: {  	_ = 	snop  }
0x7: {  	_ = 	snop  }
__scs_overlays_trampoline_lowered:
0x8: {  	[smem:$0x3F2D] =	sst s0  }
0x9: {  	[smem:$0x3F2E] =	sst s1  }
0xa: {  	[smem:$0x3F2F] =	sst s2  }
0xb: {  	[smem:$0x3F30] =	sst s3  }
0xc: {  	[smem:$0x3F31] =	sst s4  }
0xd: {  	[smem:$0x3F32] =	sst s5  }
0xe: {  	[smem:$0x3F33] =	sst s6  }
0xf: {  	[smem:$0x3F34] =	sst s7  }
0x10: {  	[smem:$0x3F35] =	sst s8  }
0x11: {  	[smem:$0x3F36] =	sst s9;
	s0 =	simm.s32 @!p0 $0x0  }
0x12: {  	s1 =	sld [smem:$0x3F1C];
	s0 =	simm.s32 @p0 $0x1  }
0x13: {  	[smem:$0x3F37] =	sst s0;
	s0 =	simm.s32 @!p1 $0x0  }
0x14: {  	s2 =	sld [smem:$0x3F1B];
	s0 =	simm.s32 @p1 $0x1  }
0x15: {  	[smem:$0x3F38] =	sst s0;
	s0 =	simm.s32 @!p2 $0x0  }
0x16: {  	s3 =	sld [smem:$0x3FDB];
	s0 =	simm.s32 @p2 $0x1  }
0x17: {  	s4 =	simm.s32 $0x1BF5;
	[smem:$0x3F3A] =	sst s0  }
0x18: {  	s0 =	sld [smem:$0x3F1D];
	_ =	swait.ge [sflag:s4], $0x0  }
0x19: {  	s7 =	sld [smem:$0x3F1E]  }
0x1a: {  	s8 =	sadd.s32 $0xFFFFE003, lr  }
0x1b: {  	s9 =	sadd.s32 $0xFFFFFEF7, lr;
	s5 =	simm.s32 $0xFFFFFFFF;
	p2 =	slt.u32 s8, $0xFFFFF086  }
0x1c: {  	p1 =	slt.u32 s9, $0xF7A;
	s5 =	simm.s32 @!p2 $0x0  }
0x1d: {  	s5 =	simm.s32 @p1 $0x1;
	p0 =	seq.s32 s7, s2  }
0x1e: {  	s7 =	smul.u32 @!p0 $0xF7A, s2;
	p2 =	seq.s32 @!p0 s5, $0x0  }
0x1f: {  	s9 =	smul.u32 $0xF7A, s1;
	s8 =	simm.s32 @!p0 $0x1BF5;
	p2 =	por !p2, p0  }
0x20: {  	[sflag:s8] =	ssyncset.s32 @!p0 $0xFFFFF086;
	s6 =	sadd.s32 @!p0 s3, s7;
	s7 =	simm.s32 @!p0 $0x108  }
0x21: {  	s3 =	sadd.s32 s3, s9;
	s6 =	sadd.s32 @!p0 $0x88, s6;
	s7 =	simm.s32 @p2 $0x1082  }
0x22: {  	[simem:s7], [sflag:s8] =	dma.local @!p0 [hbm:s6], $0xF7A  }
0x23: {  	s9 =	sor.u32 $0xD0000000, s2;
	s6 =	simm.s32 $0x108;
	_ =	swait.ge @!p0 [sflag:s8], $0x0  }
0x24: {  	s3 =	sadd.s32 $0x88, s3;
	s6 =	simm.s32 @!p1 $0x1082;
	[sflag:s4] =	ssyncset.s32 $0xFFFFF086  }
0x25: {  	[simem:s6], [sflag:s4] =	dma.local [hbm:s3], $0xF7A  }
0x26: {  	[smem:$0x3F1E] =	sst s1;
	(tag) =	ssettag s2;
	_ =	strace s9  }
0x27: {  	s1 =	sld [smem:$0x3F2E]  }
0x28: {  	s2 =	sld [smem:$0x3F2F]  }
0x29: {  	s4 =	sld [smem:$0x3F31]  }
0x2a: {  	p0 =	seq.s32 s5, $0x0;
	s5 =	sld [smem:$0x3F32]  }
0x2b: {  	s6 =	sld [smem:$0x3F33]  }
0x2c: {  	s7 =	sld [smem:$0x3F34]  }
0x2d: {  	s3 =	simm.s32 $0x108;
	s8 =	sld [smem:$0x3F35]  }
0x2e: {  	s3 =	simm.s32 @!p0 $0x1082;
	s9 =	sld [smem:$0x3F36]  }
0x2f: {  	lr =	sadd.s32 s0, s3;
	s0 =	sld [smem:$0x3F2D]  }
0x30: {  	s3 =	sld [smem:$0x3F30]  }
0x31: {  	[smem:$0x3F39] =	sst s10  }
0x32: {  	s10 =	sld [smem:$0x3F37];
	_ =	sdelay $0x3  }
0x33: {  	p0 =	seq.s32 s10, $0x1;
	s10 =	sld [smem:$0x3F39];
	_ =	sdelay $0x3  }
0x34: {  	[smem:$0x3F39] =	sst s10  }
0x35: {  	s10 =	sld [smem:$0x3F38];
	_ =	sdelay $0x3  }
0x36: {  	p1 =	seq.s32 s10, $0x1;
	s10 =	sld [smem:$0x3F39];
	_ =	sdelay $0x3  }
0x37: {  	[smem:$0x3F39] =	sst s10  }
0x38: {  	s10 =	sld [smem:$0x3F3A]  }
0x39: {  	_ = 	snop;
	(pc) =	sbr.ind lr, $3  }
0x3a: {  	_ = 	snop  }
0x3b: {  	_ = 	snop  }
0x3c: {  	p2 =	seq.s32 s10, $0x1;
	s10 =	sld [smem:$0x3F39]  }
0x3d: {  	_ =	shalt  }
0x3e: {  	_ =	shalt  }
0x3f: {  	_ =	shalt  }
0x40: {  	_ =	shalt  }
0x41: {  	_ =	shalt  }
0x42: {  	_ =	shalt  }
0x43: {  	_ =	shalt  }
0x44: {  	_ =	shalt  }
0x45: {  	_ =	shalt  }
0x46: {  	_ =	shalt  }
0x47: {  	_ =	shalt  }
0x48: {  	_ =	shalt  }
0x49: {  	_ =	shalt  }
0x4a: {  	_ =	shalt  }
0x4b: {  	_ =	shalt  }
0x4c: {  	_ =	shalt  }
0x4d: {  	_ =	shalt  }
0x4e: {  	_ =	shalt  }
0x4f: {  	_ =	shalt  }
0x50: {  	_ =	shalt  }
0x51: {  	_ =	shalt  }
0x52: {  	_ =	shalt  }
0x53: {  	_ =	shalt  }
0x54: {  	_ =	shalt  }
0x55: {  	_ =	shalt  }
0x56: {  	_ =	shalt  }
0x57: {  	_ =	shalt  }
0x58: {  	_ =	shalt  }
0x59: {  	_ =	shalt  }
0x5a: {  	_ =	shalt  }
0x5b: {  	_ =	shalt  }
0x5c: {  	_ =	shalt  }
0x5d: {  	_ =	shalt  }
0x5e: {  	_ =	shalt  }
0x5f: {  	_ =	shalt  }
0x60: {  	_ =	shalt  }
0x61: {  	_ =	shalt  }
0x62: {  	_ =	shalt  }
0x63: {  	_ =	shalt  }
0x64: {  	_ =	shalt  }
0x65: {  	_ =	shalt  }
0x66: {  	_ =	shalt  }
0x67: {  	_ =	shalt  }
0x68: {  	_ =	shalt  }
0x69: {  	_ =	shalt  }
0x6a: {  	_ =	shalt  }
0x6b: {  	_ =	shalt  }
0x6c: {  	_ =	shalt  }
0x6d: {  	_ =	shalt  }
0x6e: {  	_ =	shalt  }
0x6f: {  	_ =	shalt  }
0x70: {  	_ =	shalt  }
0x71: {  	_ =	shalt  }
0x72: {  	_ =	shalt  }
0x73: {  	_ =	shalt  }
0x74: {  	_ =	shalt  }
0x75: {  	_ =	shalt  }
0x76: {  	_ =	shalt  }
0x77: {  	_ =	shalt  }
0x78: {  	_ =	shalt  }
0x79: {  	_ =	shalt  }
0x7a: {  	_ =	shalt  }
0x7b: {  	_ =	shalt  }
0x7c: {  	_ =	shalt  }
0x7d: {  	_ =	shalt  }
0x7e: {  	_ =	shalt  }
0x7f: {  	_ =	shalt  }
0x80: {  	_ =	shalt  }
0x81: {  	_ =	shalt  }
0x82: {  	_ =	shalt  }
0x83: {  	_ =	shalt  }
0x84: {  	_ =	shalt  }
0x85: {  	_ =	shalt  }
0x86: {  	_ =	shalt  }
0x87: {  	_ =	shalt  }
.Lfunc_end0:
.L_simem_size_0:
called_computation.8_lowered:
.L_overlay_start_0:
0x88: {  	s2 =	sld [smem:$0x3FD9]  }
0x89: {  	s3 =	sld [smem:$0x3FFE];
	_ =	sdelay $0x1  }
0x8a: {  	s1 =	srdreg.scid  }
0x8b: {  	s0 =	sand.u32 $0x1, s1  }
0x8c: {  	s14 =	sshll.u32 s0, $0xA;
	s2 =	sadd.s32 s3, s2  }
0x8d: {  	s2 =	sadd.s32 s2, s14  }
0x8e: {  	[smem:$0x3F45] =	sst s2  }
0x8f: {  	_ = 	snop  }
0x90: {  	s2 =	sld [smem:$0x3FD0];
	_ =	sdelay $0x2  }
0x91: {  	s15 =	simm.s32 $0xB;
	s4 =	simm.s32 $0x10  }
0x92: {  	[smem:s4], [sflag:s15] =	dma.local [hbm:s2], $0x1  }
0x93: {  	_ =	swait.eq [sflag:s15], $0x1  }
0x94: {  	[sflag:s15] =	ssyncset.done $0x0  }
0x95: {  	[sflag:s15] =	ssyncadd.s32 $0xFFFFFFFF  }
0x96: {  	s16 =	sld [smem:$0x11];
	(tm) =	ssettm $0x1  }
0x97: {  	s17 =	sld [smem:$0x3FFB];
	_ =	sdelay $0x3  }
0x98: {  	_ =	strace s17  }
0x99: {  	s3 =	sld [smem:$0x3FFC];
	_ =	sdelay $0x3  }
0x9a: {  	_ =	strace s3  }
0x9b: {  	s3 =	sld [smem:$0x3FFD];
	_ =	sdelay $0x3  }
0x9c: {  	_ =	strace s3  }
0x9d: {  	_ =	strace $0x8FFFFFFF  }
0x9e: {  	s18 =	sld [smem:$0x3FDB];
	_ =	sdelay $0x1  }
0x9f: {  	s19 =	simm.s32 $_scs_section_size  }
0xa0: {  	s5 =	simm.s32 $_size__tile_overlayer_lowered;
	s6 =	simm.s32 $_tile_overlayer_lowered  }
0xa1: {  	s22 =	simm.s32 $0x1BFF;
	s21 =	sshll.u32 s6, $0x1;
	s3 =	sadd.s32 s19, s18  }
0xa2: {  	s7 =	simm.s32 $0x0;
	s20 =	sshll.u32 s5, $0x1;
	s5 =	sadd.s32 s21, s3  }
0xa3: {  	[timem:s7], [sflag:s22] =	dma.local [hbm:s5], s20  }
0xa4: {  	_ =	swait.ge [sflag:s22], s20  }
0xa5: {  	s4 =	ssub.s32 $0x0, s20;
	[sflag:s22] =	ssyncset.done $0x0  }
0xa6: {  	[sflag:s22] =	ssyncadd.s32 s4;
	_ =	sdelay $0x1  }
0xa7: {  	s23 =	simm.s32 $0x1B8B  }
0xa8: {  	_ =	swait.ge [sflag:s23], $0x1  }
0xa9: {  	[sflag:s23] =	ssyncset.done $0x0  }
0xaa: {  	s25 =	simm.s32 $0x1B8E;
	s24 =	sld [smem:$0x3FFE];
	[sflag:s23] =	ssyncadd.s32 $0xFFFFFFFF  }
0xab: {  	s26 =	simm.s32 $execute0_lowered;
	[smem:$0x3FD2] =	sst s25  }
0xac: {  	s5 =	sshll.u32 s26, $0x1;
	_ =	strace $0x8000005E;
	[dreg:$0x1] =	wrdreg $0xFFFFFFFF  }
0xad: {  	s28 =	simm.s32 $_size_execute0_lowered;
	s3 =	sadd.s32 s3, s5;
	[dreg:$0x0] =	wrdreg $0x0  }
0xae: {  	s5 =	sshll.u32 s28, $0x1;
	[dreg:$0x2] =	wrdreg s3  }
0xaf: {  	[dreg:$0x3] =	wrdreg s5  }
0xb0: {  	[dreg:$0x4] =	wrdreg $0xC0  }
0xb1: {  	_ =	task [dreg:s7], $0x5FFFF  }
0xb2: {  	[dreg:$0x1] =	wrdreg $0xFFFFFFFF  }
0xb3: {  	[dreg:$0x0] =	wrdreg $0x60  }
0xb4: {  	[dreg:$0x2] =	wrdreg s24  }
0xb5: {  	[dreg:$0x3] =	wrdreg s16  }
0xb6: {  	[dreg:$0x4] =	wrdreg $0x9  }
0xb7: {  	_ =	task.clear_ibuf [dreg:s7], $0x5FFFF;
	_ =	strace $0x9000005E  }
0xb8: {  	s29 =	simm.s32 $0x9;
	_ =	strace $0x80000060  }
0xb9: {  	_ =	swait.ge [sflag:s29], $0x1  }
0xba: {  	[sflag:s29] =	ssyncadd.s32 $0xFFFFFFFF  }
0xbb: {  	_ =	strace $0x90000060  }
0xbc: {  	_ =	sfence  }
0xbd: {  	s30 =	sld [smem:$0x0];
	_ =	sdelay $0x2  }
0xbe: {  	s31 =	sshll.u32 s1, $0xD;
	s1 =	sshrl.u32 s1, $0x2  }
0xbf: {  	s3 =	sand.u32 $0x4000, s31;
	s1 =	sadd.s32 s1, s30  }
0xc0: {  	s0 =	sor.u32 s3, s0;
	s1 =	sshll.u32 s1, $0x11  }
0xc1: {  	s0 =	sor.u32 s1, s0  }
0xc2: {  	s0 =	sadd.s32 $0x8F2B, s0  }
0xc3: {  	[sflag:s0] =	ssyncadd.remote.s32 $0x1  }
0xc4: {  	_ =	sfence.sel $0xFFFF  }
0xc5: {  	[dreg:$0x0] =	wrdreg $0xFFFFFFFF;
	(pc) =	sbr.abs _section_cstart, $3  }
0xc6: {  	[dreg:$0x1] =	wrdreg $0xFFFFFFFF  }
0xc7: {  	_ =	task.clear_ibuf [dreg:s7], $0x2FFFF;
	_ =	strace $0x9FFFFFFF  }
0xc8: {  	(tm) =	ssettm $0x7FFFFFFF  }
0xc9: {  	_ =	shalt  }
tec
execute0_lowered:
.L_overlay_start_1:
0x0: {  	(tag) =	ssettag $0x1  }
0x1: {  	s3 =	rddreg [dreg:$0x0]  }
0x2: {  	s6 =	rddreg [dreg:$0x1]  }
0x3: {  	s0 =	rddreg [dreg:$0x2];
	s1 =	stileid.u32  }
0x4: {  	s2 =	simm.s32 $0x0;
	s5 =	srdreg.scid;
	s4 =	smul.u32 $0x5000, s1  }
0x5: {  	[smem:$0x7FF] =	sst s2;
	s5 =	sand.u32 $0x1, s5;
	s7 =	smul.u32 $0x2800, s1  }
0x6: {  	_ =	strace $0x8000005F;
	s8 =	ssub.s32 $0x2, s5;
	s9 =	smul.u32 $0x1400, s5  }
0x7: {  	s5 =	smul.u32 $0x2800, s5;
	s10 =	sadd.s32 s4, s3;
	s31 =	sshrl.u32 s8, $0x1  }
0x8: {  	s3 =	sadd.s32 $0x317400, s3;
	s4 =	ssub.s32 s8, s31;
	s7 =	sadd.s32 s9, s7  }
0x9: {  	s5 =	sadd.s32 s5, s10;
	s8 =	simm.s32 $0x80;
	s9 =	simm.s32 $0x1  }
0xa: {  	s10 =	simm.s32 $0x0;
	s4 =	smax.u32 s4, $0x1;
	s7 =	sshrl.u32 s7, $0x3  }
0xb: {  	s5 =	sadd.s32 $0x321400, s5;
	s6 =	sadd.s32 s7, s6;
	s7 =	simm.s32 $0x2  }
.LBB2_1:
0xc: {  	s11 =	sadd.s32 $0x0, s6  }
0xd: {  	[tilespmem:s2], [sflag:$0x2] =	stream.linear.gather [hbm4b:s11+s2], $0x80, $0x38;
	[tilespmem:$0x880] =	vst v63  }
0xe: {  	_ =	swait.ge [sflag:s7], $0x80  }
0xf: {  	[sflag:s7] =	ssyncset.done $0x0  }
0x10: {  	[sflag:s7] =	ssyncadd.s32 $0xFFFFFF80  }
0x11: {  	[tilespmem:s8], [sflag:$0x1] =	stream.indirect.gather [hbm4b:s3+s8], $0x10, s2, s8, $0xb8;
	[tilespmem:$0x880] =	vst v63  }
0x12: {  	_ =	swait.ge [sflag:s9], $0x800  }
0x13: {  	[sflag:s9] =	ssyncset.done $0x0  }
0x14: {  	[sflag:s9] =	ssyncadd.s32 $0xFFFFF800  }
0x15: {  	[hbm4b:s5+s2] =	stream.linear.scatter [tilespmem:s8], [sflag:$0x2], $0x800, $0x38;
	[tilespmem:$0x880] =	vst v63  }
0x16: {  	s12 =	simm.s32 $0x10;
	_ =	swait.ge [sflag:s7], $0x800  }
0x17: {  	s13 =	simm.s32 $0x20;
	s11 =	sadd.s32 $0x100, s5;
	[sflag:s7] =	ssyncset.done $0x0  }
.LBB2_2:
0x18: {  	s14 =	sadd.s32 s12, s6  }
0x19: {  	[sflag:s7] =	ssyncadd.s32 $0xFFFFF800;
	s12 =	smov.u32 s13;
	s15 =	sadd.s32 $0x10, s13  }
0x1a: {  	[tilespmem:s2], [sflag:$0x2] =	stream.linear.gather [hbm4b:s14+s2], $0x80, $0x38;
	[tilespmem:$0x880] =	vst v63  }
0x1b: {  	p0 =	sne.s32 s13, $0x270;
	_ =	swait.ge [sflag:s7], $0x80  }
0x1c: {  	[sflag:s7] =	ssyncset.done $0x0  }
0x1d: {  	[sflag:s7] =	ssyncadd.s32 $0xFFFFFF80  }
0x1e: {  	[tilespmem:s8], [sflag:$0x1] =	stream.indirect.gather [hbm4b:s3+s8], $0x10, s2, s8, $0xb8;
	[tilespmem:$0x880] =	vst v63  }
0x1f: {  	_ =	swait.ge [sflag:s9], $0x800  }
.Ltmp0:
0x20: {  	[sflag:s9] =	ssyncset.done $0x0;
	(pc) =	sbr.rel @p0 .LBB2_2-.Ltmp0, $4  }
0x21: {  	[sflag:s9] =	ssyncadd.s32 $0xFFFFF800  }
0x22: {  	[hbm4b:s11+s2] =	stream.linear.scatter [tilespmem:s8], [sflag:$0x2], $0x800, $0x38;
	[tilespmem:$0x880] =	vst v63  }
0x23: {  	_ =	swait.ge [sflag:s7], $0x800  }
0x24: {  	s13 =	smov.u32 s15;
	s11 =	sadd.s32 $0x100, s11;
	[sflag:s7] =	ssyncset.done $0x0  }
0x25: {  	s12 =	sadd.s32 s12, s6;
	[sflag:s7] =	ssyncadd.s32 $0xFFFFF800  }
0x26: {  	[tilespmem:s2], [sflag:$0x2] =	stream.linear.gather [hbm4b:s12+s2], $0x80, $0x38;
	[tilespmem:$0x880] =	vst v63  }
0x27: {  	_ =	swait.ge [sflag:s7], $0x80  }
0x28: {  	[sflag:s7] =	ssyncset.done $0x0  }
0x29: {  	[sflag:s7] =	ssyncadd.s32 $0xFFFFFF80  }
0x2a: {  	[tilespmem:s8], [sflag:$0x1] =	stream.indirect.gather [hbm4b:s3+s8], $0x10, s2, s8, $0xb8;
	[tilespmem:$0x880] =	vst v63  }
0x2b: {  	s10 =	sadd.s32 $0x1, s10;
	_ =	swait.ge [sflag:s9], $0x800  }
0x2c: {  	p0 =	sne.s32 s10, s4;
	[sflag:s9] =	ssyncset.done $0x0  }
.Ltmp1:
0x2d: {  	[sflag:s9] =	ssyncadd.s32 $0xFFFFF800;
	(pc) =	sbr.rel @p0 .LBB2_1-.Ltmp1, $4  }
0x2e: {  	[hbm4b:s11+s2] =	stream.linear.scatter [tilespmem:s8], [sflag:$0x2], $0x800, $0x38;
	[tilespmem:$0x880] =	vst v63  }
0x2f: {  	_ =	swait.ge [sflag:s7], $0x800  }
0x30: {  	[sflag:s7] =	ssyncset.done $0x0  }
0x31: {  	[sflag:s7] =	ssyncadd.s32 $0xFFFFF800  }
0x32: {  	_ =	sfence.sel $0x180000  }
0x33: {  	[bflag:$0x0] =	sbarrier.arrive $0xFFFF  }
0x34: {  	p0 =	sne.s32 s1, $0x0;
	_ =	strace $0x9000005F  }
0x35: {  	s0 =	sadd.s32 @!p0 $0x100000, s0;
	[bflag:$0x2] =	sbarrier.arrive $0xFFFF  }
0x36: {  	[sflag:s0] =	ssyncadd.tile.s32 @!p0 $0x1;
	_ =	shalt  }
.Lfunc_end2:
_tile_overlayer_lowered:
.L_overlay_start_2:
0x37: {  	(tag) =	ssettag $0x2  }
0x38: {  	s0 =	rddreg [dreg:$0x0];
	s2 =	stileid.u32  }
0x39: {  	s1 =	rddreg [dreg:$0x1];
	p0 =	sne.s32 s2, $0x0  }
0x3a: {  	s3 =	rddreg [dreg:$0x2];
	[bflag:$0x3] =	sbarrier.arrive $0xFFFF;
	s2 =	simm.s32 @!p0 $0x1C02  }
0x3b: {  	[timem:s3], [sflag:s2] =	dma.local @!p0 [hbm:s0], s1  }
0x3c: {  	s0 =	simm.s32 @!p0 $0x2  }
0x3d: {  	_ =	swait.ge @!p0 [sflag:s0], s1  }
0x3e: {  	s1 =	ssub.s32 @!p0 $0x0, s1;
	[sflag:s0] =	ssyncset.done @!p0 $0x0  }
0x3f: {  	[sflag:s0] =	ssyncadd.s32 @!p0 s1  }
0x40: {  	[bflag:$0x3] =	sbarrier.arrive $0xFFFF  }
0x41: {  	_ =	shalt  }

</sc_bundles>
